<compile_context>
chip_gen: v7x
topology: tpu7x:2x2x1
jax: 0.10.2.dev20260603
libtpu: 0.0.44.dev20260713+nightly
codegen_flags: <defaults>
</compile_context>

<pallas_src>
import functools

import jax
import jax.numpy as jnp
from jax import lax
from jax.experimental import pallas as pl
from jax.experimental.pallas import tpu as pltpu
from jax.experimental.pallas import tpu_sc as plsc

NC = 2
NS = 16
NW = NC * NS
LANES = 16
EPS = 1e-5
BB = 128
STRIDE = 129


def _rsqrt(v):
    i = lax.bitcast_convert_type(v, jnp.int32)
    i = jnp.int32(0x5F3759DF) - lax.shift_right_logical(i, 1)
    y = lax.bitcast_convert_type(i, jnp.float32)
    for _ in range(3):
        y = y * (1.5 - 0.5 * v * y * y)
    return y


def _make_sc_kernel(B, L, D):
    T = B * L
    n_blocks = T // BB
    bpw = n_blocks // NW
    nd2 = D // LANES
    ncol = BB // LANES
    dt_n = D // 8
    bt_n = B // BB

    mesh = plsc.VectorSubcoreMesh(core_axis_name="c", subcore_axis_name="s")

    @functools.partial(
        pl.kernel,
        out_type=jax.ShapeDtypeStruct((L, dt_n, bt_n, 8, BB), jnp.float32),
        mesh=mesh,
        compiler_params=pltpu.CompilerParams(
            needs_layout_passes=False, use_tc_tiling_on_sc=True),
        scratch_types=[
            pltpu.VMEM((16, B), jnp.int32),
            pltpu.VMEM((16, D // 8, BB), jnp.float32),
            pltpu.VMEM((2, D // 8, BB), jnp.float32),
            pltpu.VMEM((BB, 2 * D), jnp.float32),
            pltpu.VMEM((BB, 2 * D), jnp.float32),
            pltpu.VMEM((BB,), jnp.int32),
            pltpu.VMEM((BB,), jnp.int32),
            pltpu.VMEM((D * STRIDE,), jnp.float32),
            pltpu.VMEM((D, BB), jnp.float32),
            pltpu.VMEM((D, BB), jnp.float32),
            pltpu.SemaphoreType.DMA,
            pltpu.SemaphoreType.DMA,
            pltpu.SemaphoreType.DMA,
            pltpu.SemaphoreType.DMA,
        ],
    )
    def sc_kernel(ids_hbm, pos_hbm, gb_hbm, table_hbm, out_hbm,
                  ids_v, pos_v, gb_v, g0_v, g1_v, x0_v, x1_v, tt_v,
                  s0_v, s1_v, gsem0, gsem1, ssem0, ssem1):
        wid = lax.axis_index("s") * NC + lax.axis_index("c")
        g_base = wid * bpw
        t0 = (g_base // bt_n) // 8 * 8

        pltpu.sync_copy(ids_hbm.at[pl.ds(t0, 16)], ids_v)
        pltpu.sync_copy(pos_hbm.at[pl.ds(t0, 16)], pos_v)
        pltpu.sync_copy(gb_hbm, gb_v)

        lane = lax.iota(jnp.int32, LANES)
        inv_d = jnp.float32(1.0 / D)
        sc_idx = [(lane + dq * LANES) * jnp.int32(STRIDE)
                  for dq in range(nd2)]

        gbufs = [(g0_v, gsem0), (g1_v, gsem1)]
        xbufs = [x0_v, x1_v]
        sbufs = [(s0_v, ssem0), (s1_v, ssem1)]

        def block_lbt(i):
            g = g_base + i
            return g // bt_n, g % bt_n

        def gather_start(i, gbuf, gsem, xbuf):
            l, bt = block_lbt(i)
            lr = l - t0
            for c in range(ncol):
                ids16 = ids_v[lr, pl.ds(bt * BB + c * LANES, LANES)]
                xbuf[pl.ds(c * LANES, LANES)] = ids16
            return pltpu.async_copy(table_hbm.at[xbuf], gbuf, gsem)

        def out_store(i, buf, sem, do_wait):
            l, bt = block_lbt(i)
            for dt in range(dt_n):
                cp = pltpu.make_async_copy(
                    buf.at[pl.ds(dt * 8, 8)], out_hbm.at[l, dt, bt], sem)
                if do_wait:
                    cp.wait()
                else:
                    cp.start()

        def compute(i, gbuf, sbuf):
            l, bt = block_lbt(i)
            lr = l - t0

            @plsc.parallel_loop(0, BB, unroll=4)
            def _(t):
                for dq in range(nd2):
                    x = gbuf[t, dq * LANES:(dq + 1) * LANES]
                    plsc.store_scatter(tt_v, [sc_idx[dq] + t], x)

            qs = [lane + jnp.int32(c * LANES) for c in range(ncol)]

            def pos_row(d):
                return pos_v[lr, d // 8, pl.ds((d % 8) * LANES, LANES)]

            def stats(d, carry):
                s, q = carry
                base = d * jnp.int32(STRIDE)
                pv = pos_row(d)
                s2, q2 = [], []
                for c in range(ncol):
                    v = plsc.load_gather(tt_v, [qs[c] + base]) + pv
                    s2.append(s[c] + v)
                    q2.append(q[c] + v * v)
                return s2, q2

            zero = [jnp.zeros((LANES,), jnp.float32)] * ncol
            s, q = plsc.parallel_loop(0, D, carry=(zero, zero), unroll=4)(
                stats)

            mv, rv = [], []
            for c in range(ncol):
                m = s[c] * inv_d
                var = q[c] * inv_d - m * m + jnp.float32(EPS)
                mv.append(m)
                rv.append(_rsqrt(var))

            @plsc.parallel_loop(0, D, unroll=4)
            def _(d):
                base = d * jnp.int32(STRIDE)
                pv = pos_row(d)
                gd = gb_v[0, d // 8, pl.ds((d % 8) * LANES, LANES)]
                bd = gb_v[1, d // 8, pl.ds((d % 8) * LANES, LANES)]
                for c in range(ncol):
                    v = plsc.load_gather(tt_v, [qs[c] + base]) + pv
                    sbuf[d, c * LANES:(c + 1) * LANES] = (
                        (v - mv[c]) * rv[c] * gd + bd)

        gather_start(0, g0_v, gsem0, x0_v)

        def pair_body(i2, _):
            for p in range(2):
                i = i2 * 2 + p
                gbuf, gsem = gbufs[p]
                sbuf, ssem = sbufs[p]

                @pl.when(i + 1 < bpw)
                def _():
                    gather_start(i + 1, gbufs[1 - p][0], gbufs[1 - p][1],
                                 xbufs[1 - p])

                pltpu.make_async_copy(
                    table_hbm.at[xbufs[p]], gbuf, gsem).wait()

                @pl.when(i >= 2)
                def _():
                    out_store(i - 2, sbuf, ssem, do_wait=True)

                compute(i, gbuf, sbuf)
                out_store(i, sbuf, ssem, do_wait=False)
            return 0

        lax.fori_loop(0, bpw // 2, pair_body, 0)
        for p in range(2):
            sbuf, ssem = sbufs[p]
            out_store(bpw - 2 + p, sbuf, ssem, do_wait=True)

    return sc_kernel


def kernel(input_ids, emb_table, pos_table, ln_gamma, ln_beta):
    B, L = input_ids.shape
    V, D = emb_table.shape
    T = B * L
    assert T % (NW * BB) == 0 and B % BB == 0 and D % LANES == 0
    assert (T // (NW * BB)) % 2 == 0

    ids2 = jnp.pad(jnp.transpose(input_ids, (1, 0)).astype(jnp.int32),
                   ((0, 8), (0, 0)))
    table2 = jnp.pad(emb_table.astype(jnp.float32), ((0, 0), (0, D)))
    posp = jnp.pad(pos_table.astype(jnp.float32)[:L], ((0, 8), (0, 0)))
    posb = jnp.broadcast_to(
        posp[:, :, None], (L + 8, D, LANES)).reshape(L + 8, D // 8, BB)
    gb = jnp.stack([ln_gamma, ln_beta]).astype(jnp.float32)
    gbb = jnp.broadcast_to(
        gb[:, :, None], (2, D, LANES)).reshape(2, D // 8, BB)

    sc = _make_sc_kernel(B, L, D)
    out5 = sc(ids2, posb, gbb, table2)
    return out5.transpose(2, 4, 0, 1, 3).reshape(B, L, D)

# --- scband reference (transcript-rebuilt; emitter-appended) ---
"""Pipeline reference for scband-embeddings-42202348650660 (READ-ONLY COPY).

The authoritative reference and input builder live on the scoring server;
editing this copy changes nothing except your own understanding.
"""

import jax, jax.numpy as jnp
import numpy as np

VOCAB = 1000000
EMBED_DIM = 64
POS_SIZE = 512
B = 1024
L = 200
EPS = 1e-5

def setup_inputs(seed: int = 0) -> dict:
    key = jax.random.key(seed)
    k1, k2, k3 = jax.random.split(key, 3)
    input_ids = jax.random.randint(k1, (B, L), 0, VOCAB, dtype=jnp.int64) if jax.config.jax_enable_x64 else jax.random.randint(k1, (B, L), 0, VOCAB, dtype=jnp.int32)
    emb_table = jax.random.normal(k2, (VOCAB, EMBED_DIM), dtype=jnp.float32)
    pos_table = jax.random.normal(k3, (POS_SIZE, EMBED_DIM), dtype=jnp.float32)
    ln_gamma = jnp.ones((EMBED_DIM,), dtype=jnp.float32)
    ln_beta = jnp.zeros((EMBED_DIM,), dtype=jnp.float32)
    return {"input_ids": input_ids, "emb_table": emb_table, "pos_table": pos_table, "ln_gamma": ln_gamma, "ln_beta": ln_beta}

def reference(input_ids, emb_table, pos_table, ln_gamma, ln_beta):
    seq_length = input_ids.shape[1]
    position_ids = jnp.arange(seq_length)[None, :]  # [1, L]
    token_embeddings = jnp.take(emb_table, input_ids, axis=0)  # [B, L, D]
    position_embeddings = jnp.take(pos_table, position_ids, axis=0)  # [1, L, D]
    all_embeddings = token_embeddings + position_embeddings
    mean = jnp.mean(all_embeddings, axis=-1, keepdims=True)
    var = jnp.var(all_embeddings, axis=-1, keepdims=True)
    normed = (all_embeddings - mean) / jnp.sqrt(var + EPS)
    out = normed * ln_gamma + ln_beta
    # dropout is identity in eval mode
    return out

if __name__ == "__main__":
    import jax
    _d = setup_inputs()
    print(jax.jit(kernel)(*tuple(_d.values())))

</pallas_src>

<mosaic_0001>
#map = affine_map<(d0, d1) -> (0, 0)>
#map1 = affine_map<(d0, d1) -> (0, 0, 0)>
#map2 = affine_map<(d0, d1) -> (0, 0, 0, 0, 0)>
module attributes {stable_mosaic.version = 14 : i64} {
  func.func @sc_kernel(%arg0: i32, %arg1: i32, %arg2: memref<208x1024xi32, #tpu.memory_space<hbm>>, %arg3: memref<208x8x128xf32, #tpu.memory_space<hbm>>, %arg4: memref<2x8x128xf32, #tpu.memory_space<hbm>>, %arg5: memref<1000000x128xf32, #tpu.memory_space<hbm>>, %arg6: memref<200x8x8x8x128xf32, #tpu.memory_space<hbm>>, %arg7: memref<16x1024xi32, #tpu.memory_space<vmem>>, %arg8: memref<16x8x128xf32, #tpu.memory_space<vmem>>, %arg9: memref<2x8x128xf32, #tpu.memory_space<vmem>>, %arg10: memref<128x128xf32, #tpu.memory_space<vmem>>, %arg11: memref<128x128xf32, #tpu.memory_space<vmem>>, %arg12: memref<128xi32, #tpu.memory_space<vmem>>, %arg13: memref<128xi32, #tpu.memory_space<vmem>>, %arg14: memref<8256xf32, #tpu.memory_space<vmem>>, %arg15: memref<64x128xf32, #tpu.memory_space<vmem>>, %arg16: memref<64x128xf32, #tpu.memory_space<vmem>>, %arg17: memref<!tpu.dma_semaphore, #tpu.memory_space<semaphore_mem>>, %arg18: memref<!tpu.dma_semaphore, #tpu.memory_space<semaphore_mem>>, %arg19: memref<!tpu.dma_semaphore, #tpu.memory_space<semaphore_mem>>, %arg20: memref<!tpu.dma_semaphore, #tpu.memory_space<semaphore_mem>>) attributes {dimension_semantics = [#tpu.dimension_semantics<core_parallel>, #tpu.dimension_semantics<subcore_parallel>], iteration_bounds = array<i64: 2, 16>, scalar_prefetch = 0 : i64, scratch_operands = 14 : i64, tpu.core_type = #tpu.core_type<sc_vector_subcore>, window_params = [{transform_indices = #map}, {transform_indices = #map1}, {transform_indices = #map1}, {transform_indices = #map}, {transform_indices = #map2}]} {
    %mul3A = arith.constant 2 : i32
    %mul3A_0 = arith.muli %arg1, %mul3A : i32
    %add3A = arith.addi %mul3A_0, %arg0 : i32
    %mul3A_1 = arith.constant 50 : i32
    %mul3A_2 = arith.muli %add3A, %mul3A_1 : i32
    %jit3A = arith.constant 8 : i32
    %div3A = arith.divsi %mul3A_2, %jit3A : i32
    %sign3A = arith.constant 0 : i32
    %sign3A_3 = arith.cmpi sgt, %mul3A_2, %sign3A : i32
    %sign3A_4 = arith.extui %sign3A_3 : i1 to i32
    %sign3A_5 = arith.constant 0 : i32
    %sign3A_6 = arith.cmpi slt, %mul3A_2, %sign3A_5 : i32
    %sign3A_7 = arith.extui %sign3A_6 : i1 to i32
    %sign3A_8 = arith.subi %sign3A_4, %sign3A_7 : i32
    %sign3A_9 = arith.constant 0 : i32
    %sign3A_10 = arith.cmpi sgt, %jit3A, %sign3A_9 : i32
    %sign3A_11 = arith.extui %sign3A_10 : i1 to i32
    %sign3A_12 = arith.constant 0 : i32
    %sign3A_13 = arith.cmpi slt, %jit3A, %sign3A_12 : i32
    %sign3A_14 = arith.extui %sign3A_13 : i1 to i32
    %sign3A_15 = arith.subi %sign3A_11, %sign3A_14 : i32
    %ne3A = arith.cmpi ne, %sign3A_8, %sign3A_15 : i32
    %rem3A = arith.remsi %mul3A_2, %jit3A : i32
    %ne3A_16 = arith.constant 0 : i32
    %ne3A_17 = arith.cmpi ne, %rem3A, %ne3A_16 : i32
    %and3A = arith.andi %ne3A, %ne3A_17 : i1
    %sub3A = arith.constant 1 : i32
    %sub3A_18 = arith.subi %div3A, %sub3A : i32
    %select_n3A = arith.select %and3A, %sub3A_18, %div3A : i32
    %jit3A_19 = arith.constant 8 : i32
    %div3A_20 = arith.divsi %select_n3A, %jit3A_19 : i32
    %sign3A_21 = arith.constant 0 : i32
    %sign3A_22 = arith.cmpi sgt, %select_n3A, %sign3A_21 : i32
    %sign3A_23 = arith.extui %sign3A_22 : i1 to i32
    %sign3A_24 = arith.constant 0 : i32
    %sign3A_25 = arith.cmpi slt, %select_n3A, %sign3A_24 : i32
    %sign3A_26 = arith.extui %sign3A_25 : i1 to i32
    %sign3A_27 = arith.subi %sign3A_23, %sign3A_26 : i32
    %sign3A_28 = arith.constant 0 : i32
    %sign3A_29 = arith.cmpi sgt, %jit3A_19, %sign3A_28 : i32
    %sign3A_30 = arith.extui %sign3A_29 : i1 to i32
    %sign3A_31 = arith.constant 0 : i32
    %sign3A_32 = arith.cmpi slt, %jit3A_19, %sign3A_31 : i32
    %sign3A_33 = arith.extui %sign3A_32 : i1 to i32
    %sign3A_34 = arith.subi %sign3A_30, %sign3A_33 : i32
    %ne3A_35 = arith.cmpi ne, %sign3A_27, %sign3A_34 : i32
    %rem3A_36 = arith.remsi %select_n3A, %jit3A_19 : i32
    %ne3A_37 = arith.constant 0 : i32
    %ne3A_38 = arith.cmpi ne, %rem3A_36, %ne3A_37 : i32
    %and3A_39 = arith.andi %ne3A_35, %ne3A_38 : i1
    %sub3A_40 = arith.constant 1 : i32
    %sub3A_41 = arith.subi %div3A_20, %sub3A_40 : i32
    %select_n3A_42 = arith.select %and3A_39, %sub3A_41, %div3A_20 : i32
    %mul3A_43 = arith.constant 8 : i32
    %mul3A_44 = arith.muli %select_n3A_42, %mul3A_43 : i32
    "tpu.region"() ({
      %run_scoped3A = tpu.sem_alloc : memref<!tpu.dma_semaphore, #tpu.memory_space<semaphore_mem>>
      %dma_start3A_512 = arith.constant 0 : i32
      %dma_start3A_513 = tpu.memref_slice %arg2[%mul3A_44, %dma_start3A_512] : memref<208x1024xi32, #tpu.memory_space<hbm>> -> memref<16x1024xi32, #tpu.memory_space<hbm>>
      %dma_start3A_514 = arith.constant 0 : i32
      %dma_start3A_515 = tpu.memref_slice %arg2[%mul3A_44, %dma_start3A_514] : memref<208x1024xi32, #tpu.memory_space<hbm>> -> memref<16x1024xi32, #tpu.memory_space<hbm>>
      tpu.enqueue_dma source(%dma_start3A_515 : memref<16x1024xi32, #tpu.memory_space<hbm>>) target(%arg7 : memref<16x1024xi32, #tpu.memory_space<vmem>>) target_semaphore(%run_scoped3A : memref<!tpu.dma_semaphore, #tpu.memory_space<semaphore_mem>>)
      %dma_wait3A_516 = arith.constant 0 : i32
      %dma_wait3A_517 = tpu.memref_slice %arg2[%mul3A_44, %dma_wait3A_516] : memref<208x1024xi32, #tpu.memory_space<hbm>> -> memref<16x1024xi32, #tpu.memory_space<hbm>>
      %dma_wait3A_518 = arith.constant 0 : i32
      %dma_wait3A_519 = tpu.memref_slice %arg2[%mul3A_44, %dma_wait3A_518] : memref<208x1024xi32, #tpu.memory_space<hbm>> -> memref<16x1024xi32, #tpu.memory_space<hbm>>
      tpu.wait_dma2 semaphore(%run_scoped3A : memref<!tpu.dma_semaphore, #tpu.memory_space<semaphore_mem>>) src(%dma_wait3A_519 : memref<16x1024xi32, #tpu.memory_space<hbm>>) dst(%arg7 : memref<16x1024xi32, #tpu.memory_space<vmem>>)
      tpu.yield
    }) : () -> ()
    "tpu.region"() ({
      %run_scoped3A = tpu.sem_alloc : memref<!tpu.dma_semaphore, #tpu.memory_space<semaphore_mem>>
      %dma_start3A_512 = arith.constant 0 : i32
      %dma_start3A_513 = arith.constant 0 : i32
      %dma_start3A_514 = tpu.memref_slice %arg3[%mul3A_44, %dma_start3A_512, %dma_start3A_513] : memref<208x8x128xf32, #tpu.memory_space<hbm>> -> memref<16x8x128xf32, #tpu.memory_space<hbm>>
      %dma_start3A_515 = arith.constant 0 : i32
      %dma_start3A_516 = arith.constant 0 : i32
      %dma_start3A_517 = tpu.memref_slice %arg3[%mul3A_44, %dma_start3A_515, %dma_start3A_516] : memref<208x8x128xf32, #tpu.memory_space<hbm>> -> memref<16x8x128xf32, #tpu.memory_space<hbm>>
      tpu.enqueue_dma source(%dma_start3A_517 : memref<16x8x128xf32, #tpu.memory_space<hbm>>) target(%arg8 : memref<16x8x128xf32, #tpu.memory_space<vmem>>) target_semaphore(%run_scoped3A : memref<!tpu.dma_semaphore, #tpu.memory_space<semaphore_mem>>)
      %dma_wait3A_518 = arith.constant 0 : i32
      %dma_wait3A_519 = arith.constant 0 : i32
      %dma_wait3A_520 = tpu.memref_slice %arg3[%mul3A_44, %dma_wait3A_518, %dma_wait3A_519] : memref<208x8x128xf32, #tpu.memory_space<hbm>> -> memref<16x8x128xf32, #tpu.memory_space<hbm>>
      %dma_wait3A_521 = arith.constant 0 : i32
      %dma_wait3A_522 = arith.constant 0 : i32
      %dma_wait3A_523 = tpu.memref_slice %arg3[%mul3A_44, %dma_wait3A_521, %dma_wait3A_522] : memref<208x8x128xf32, #tpu.memory_space<hbm>> -> memref<16x8x128xf32, #tpu.memory_space<hbm>>
      tpu.wait_dma2 semaphore(%run_scoped3A : memref<!tpu.dma_semaphore, #tpu.memory_space<semaphore_mem>>) src(%dma_wait3A_523 : memref<16x8x128xf32, #tpu.memory_space<hbm>>) dst(%arg8 : memref<16x8x128xf32, #tpu.memory_space<vmem>>)
      tpu.yield
    }) : () -> ()
    "tpu.region"() ({
      %run_scoped3A = tpu.sem_alloc : memref<!tpu.dma_semaphore, #tpu.memory_space<semaphore_mem>>
      tpu.enqueue_dma source(%arg4 : memref<2x8x128xf32, #tpu.memory_space<hbm>>) target(%arg9 : memref<2x8x128xf32, #tpu.memory_space<vmem>>) target_semaphore(%run_scoped3A : memref<!tpu.dma_semaphore, #tpu.memory_space<semaphore_mem>>)
      tpu.wait_dma2 semaphore(%run_scoped3A : memref<!tpu.dma_semaphore, #tpu.memory_space<semaphore_mem>>) src(%arg4 : memref<2x8x128xf32, #tpu.memory_space<hbm>>) dst(%arg9 : memref<2x8x128xf32, #tpu.memory_space<vmem>>)
      tpu.yield
    }) : () -> ()
    %iota3A = tpu.iota {dimensions = array<i32: 0>} : vector<16xi32>
    %add3A_45 = arith.constant 0 : i32
    %add3A_46 = vector.broadcast %add3A_45 : i32 to vector<16xi32>
    %add3A_47 = arith.addi %iota3A, %add3A_46 : vector<16xi32>
    %mul3A_48 = arith.constant 129 : i32
    %mul3A_49 = vector.broadcast %mul3A_48 : i32 to vector<16xi32>
    %mul3A_50 = arith.muli %add3A_47, %mul3A_49 : vector<16xi32>
    %add3A_51 = arith.constant 16 : i32
    %add3A_52 = vector.broadcast %add3A_51 : i32 to vector<16xi32>
    %add3A_53 = arith.addi %iota3A, %add3A_52 : vector<16xi32>
    %mul3A_54 = arith.constant 129 : i32
    %mul3A_55 = vector.broadcast %mul3A_54 : i32 to vector<16xi32>
    %mul3A_56 = arith.muli %add3A_53, %mul3A_55 : vector<16xi32>
    %add3A_57 = arith.constant 32 : i32
    %add3A_58 = vector.broadcast %add3A_57 : i32 to vector<16xi32>
    %add3A_59 = arith.addi %iota3A, %add3A_58 : vector<16xi32>
    %mul3A_60 = arith.constant 129 : i32
    %mul3A_61 = vector.broadcast %mul3A_60 : i32 to vector<16xi32>
    %mul3A_62 = arith.muli %add3A_59, %mul3A_61 : vector<16xi32>
    %add3A_63 = arith.constant 48 : i32
    %add3A_64 = vector.broadcast %add3A_63 : i32 to vector<16xi32>
    %add3A_65 = arith.addi %iota3A, %add3A_64 : vector<16xi32>
    %mul3A_66 = arith.constant 129 : i32
    %mul3A_67 = vector.broadcast %mul3A_66 : i32 to vector<16xi32>
    %mul3A_68 = arith.muli %add3A_65, %mul3A_67 : vector<16xi32>
    %add3A_69 = arith.constant 0 : i32
    %add3A_70 = arith.addi %mul3A_2, %add3A_69 : i32
    %jit3A_71 = arith.constant 8 : i32
    %div3A_72 = arith.divsi %add3A_70, %jit3A_71 : i32
    %sign3A_73 = arith.constant 0 : i32
    %sign3A_74 = arith.cmpi sgt, %add3A_70, %sign3A_73 : i32
    %sign3A_75 = arith.extui %sign3A_74 : i1 to i32
    %sign3A_76 = arith.constant 0 : i32
    %sign3A_77 = arith.cmpi slt, %add3A_70, %sign3A_76 : i32
    %sign3A_78 = arith.extui %sign3A_77 : i1 to i32
    %sign3A_79 = arith.subi %sign3A_75, %sign3A_78 : i32
    %sign3A_80 = arith.constant 0 : i32
    %sign3A_81 = arith.cmpi sgt, %jit3A_71, %sign3A_80 : i32
    %sign3A_82 = arith.extui %sign3A_81 : i1 to i32
    %sign3A_83 = arith.constant 0 : i32
    %sign3A_84 = arith.cmpi slt, %jit3A_71, %sign3A_83 : i32
    %sign3A_85 = arith.extui %sign3A_84 : i1 to i32
    %sign3A_86 = arith.subi %sign3A_82, %sign3A_85 : i32
    %ne3A_87 = arith.cmpi ne, %sign3A_79, %sign3A_86 : i32
    %rem3A_88 = arith.remsi %add3A_70, %jit3A_71 : i32
    %ne3A_89 = arith.constant 0 : i32
    %ne3A_90 = arith.cmpi ne, %rem3A_88, %ne3A_89 : i32
    %and3A_91 = arith.andi %ne3A_87, %ne3A_90 : i1
    %sub3A_92 = arith.constant 1 : i32
    %sub3A_93 = arith.subi %div3A_72, %sub3A_92 : i32
    %select_n3A_94 = arith.select %and3A_91, %sub3A_93, %div3A_72 : i32
    %jit3A_95 = arith.constant 8 : i32
    %eq3A = arith.constant 0 : i32
    %eq3A_96 = arith.cmpi eq, %jit3A_95, %eq3A : i32
    %jit3A_97 = arith.constant 1 : i32
    %select_n3A_98 = arith.select %eq3A_96, %jit3A_97, %jit3A_95 : i32
    %rem3A_99 = arith.remsi %add3A_70, %select_n3A_98 : i32
    %ne3A_100 = arith.constant 0 : i32
    %ne3A_101 = arith.cmpi ne, %rem3A_99, %ne3A_100 : i32
    %lt3A = arith.constant 0 : i32
    %lt3A_102 = arith.cmpi slt, %rem3A_99, %lt3A : i32
    %lt3A_103 = arith.constant 0 : i32
    %lt3A_104 = arith.cmpi slt, %select_n3A_98, %lt3A_103 : i32
    %ne3A_105 = arith.xori %lt3A_102, %lt3A_104 : i1
    %and3A_106 = arith.andi %ne3A_105, %ne3A_101 : i1
    %add3A_107 = arith.addi %rem3A_99, %select_n3A_98 : i32
    %select_n3A_108 = arith.select %and3A_106, %add3A_107, %rem3A_99 : i32
    %sub3A_109 = arith.subi %select_n3A_94, %mul3A_44 : i32
    %mul3A_110 = arith.constant 128 : i32
    %mul3A_111 = arith.muli %select_n3A_108, %mul3A_110 : i32
    %add3A_112 = arith.constant 0 : i32
    %add3A_113 = arith.addi %mul3A_111, %add3A_112 : i32
    %get3A = arith.index_cast %sub3A_109 : i32 to index
    %get3A_114 = arith.index_cast %add3A_113 : i32 to index
    %get3A_115 = tpu.vector_load %arg7[%get3A, %get3A_114] {strides = array<i32>} : memref<16x1024xi32, #tpu.memory_space<vmem>>, vector<16xi32>,
    %swap3A = arith.constant 0 : index
    %swap3A_116 = tpu.vector_load %arg12[%swap3A] {strides = array<i32>} : memref<128xi32, #tpu.memory_space<vmem>>, vector<16xi32>,
    tpu.vector_store %arg12[%swap3A], %get3A_115 {strides = array<i32>} : memref<128xi32, #tpu.memory_space<vmem>>, vector<16xi32>,
    %mul3A_117 = arith.constant 128 : i32
    %mul3A_118 = arith.muli %select_n3A_108, %mul3A_117 : i32
    %add3A_119 = arith.constant 16 : i32
    %add3A_120 = arith.addi %mul3A_118, %add3A_119 : i32
    %get3A_121 = arith.index_cast %sub3A_109 : i32 to index
    %get3A_122 = arith.index_cast %add3A_120 : i32 to index
    %get3A_123 = tpu.vector_load %arg7[%get3A_121, %get3A_122] {strides = array<i32>} : memref<16x1024xi32, #tpu.memory_space<vmem>>, vector<16xi32>,
    %swap3A_124 = arith.constant 16 : index
    %swap3A_125 = tpu.vector_load %arg12[%swap3A_124] {strides = array<i32>} : memref<128xi32, #tpu.memory_space<vmem>>, vector<16xi32>,
    tpu.vector_store %arg12[%swap3A_124], %get3A_123 {strides = array<i32>} : memref<128xi32, #tpu.memory_space<vmem>>, vector<16xi32>,
    %mul3A_126 = arith.constant 128 : i32
    %mul3A_127 = arith.muli %select_n3A_108, %mul3A_126 : i32
    %add3A_128 = arith.constant 32 : i32
    %add3A_129 = arith.addi %mul3A_127, %add3A_128 : i32
    %get3A_130 = arith.index_cast %sub3A_109 : i32 to index
    %get3A_131 = arith.index_cast %add3A_129 : i32 to index
    %get3A_132 = tpu.vector_load %arg7[%get3A_130, %get3A_131] {strides = array<i32>} : memref<16x1024xi32, #tpu.memory_space<vmem>>, vector<16xi32>,
    %swap3A_133 = arith.constant 32 : index
    %swap3A_134 = tpu.vector_load %arg12[%swap3A_133] {strides = array<i32>} : memref<128xi32, #tpu.memory_space<vmem>>, vector<16xi32>,
    tpu.vector_store %arg12[%swap3A_133], %get3A_132 {strides = array<i32>} : memref<128xi32, #tpu.memory_space<vmem>>, vector<16xi32>,
    %mul3A_135 = arith.constant 128 : i32
    %mul3A_136 = arith.muli %select_n3A_108, %mul3A_135 : i32
    %add3A_137 = arith.constant 48 : i32
    %add3A_138 = arith.addi %mul3A_136, %add3A_137 : i32
    %get3A_139 = arith.index_cast %sub3A_109 : i32 to index
    %get3A_140 = arith.index_cast %add3A_138 : i32 to index
    %get3A_141 = tpu.vector_load %arg7[%get3A_139, %get3A_140] {strides = array<i32>} : memref<16x1024xi32, #tpu.memory_space<vmem>>, vector<16xi32>,
    %swap3A_142 = arith.constant 48 : index
    %swap3A_143 = tpu.vector_load %arg12[%swap3A_142] {strides = array<i32>} : memref<128xi32, #tpu.memory_space<vmem>>, vector<16xi32>,
    tpu.vector_store %arg12[%swap3A_142], %get3A_141 {strides = array<i32>} : memref<128xi32, #tpu.memory_space<vmem>>, vector<16xi32>,
    %mul3A_144 = arith.constant 128 : i32
    %mul3A_145 = arith.muli %select_n3A_108, %mul3A_144 : i32
    %add3A_146 = arith.constant 64 : i32
    %add3A_147 = arith.addi %mul3A_145, %add3A_146 : i32
    %get3A_148 = arith.index_cast %sub3A_109 : i32 to index
    %get3A_149 = arith.index_cast %add3A_147 : i32 to index
    %get3A_150 = tpu.vector_load %arg7[%get3A_148, %get3A_149] {strides = array<i32>} : memref<16x1024xi32, #tpu.memory_space<vmem>>, vector<16xi32>,
    %swap3A_151 = arith.constant 64 : index
    %swap3A_152 = tpu.vector_load %arg12[%swap3A_151] {strides = array<i32>} : memref<128xi32, #tpu.memory_space<vmem>>, vector<16xi32>,
    tpu.vector_store %arg12[%swap3A_151], %get3A_150 {strides = array<i32>} : memref<128xi32, #tpu.memory_space<vmem>>, vector<16xi32>,
    %mul3A_153 = arith.constant 128 : i32
    %mul3A_154 = arith.muli %select_n3A_108, %mul3A_153 : i32
    %add3A_155 = arith.constant 80 : i32
    %add3A_156 = arith.addi %mul3A_154, %add3A_155 : i32
    %get3A_157 = arith.index_cast %sub3A_109 : i32 to index
    %get3A_158 = arith.index_cast %add3A_156 : i32 to index
    %get3A_159 = tpu.vector_load %arg7[%get3A_157, %get3A_158] {strides = array<i32>} : memref<16x1024xi32, #tpu.memory_space<vmem>>, vector<16xi32>,
    %swap3A_160 = arith.constant 80 : index
    %swap3A_161 = tpu.vector_load %arg12[%swap3A_160] {strides = array<i32>} : memref<128xi32, #tpu.memory_space<vmem>>, vector<16xi32>,
    tpu.vector_store %arg12[%swap3A_160], %get3A_159 {strides = array<i32>} : memref<128xi32, #tpu.memory_space<vmem>>, vector<16xi32>,
    %mul3A_162 = arith.constant 128 : i32
    %mul3A_163 = arith.muli %select_n3A_108, %mul3A_162 : i32
    %add3A_164 = arith.constant 96 : i32
    %add3A_165 = arith.addi %mul3A_163, %add3A_164 : i32
    %get3A_166 = arith.index_cast %sub3A_109 : i32 to index
    %get3A_167 = arith.index_cast %add3A_165 : i32 to index
    %get3A_168 = tpu.vector_load %arg7[%get3A_166, %get3A_167] {strides = array<i32>} : memref<16x1024xi32, #tpu.memory_space<vmem>>, vector<16xi32>,
    %swap3A_169 = arith.constant 96 : index
    %swap3A_170 = tpu.vector_load %arg12[%swap3A_169] {strides = array<i32>} : memref<128xi32, #tpu.memory_space<vmem>>, vector<16xi32>,
    tpu.vector_store %arg12[%swap3A_169], %get3A_168 {strides = array<i32>} : memref<128xi32, #tpu.memory_space<vmem>>, vector<16xi32>,
    %mul3A_171 = arith.constant 128 : i32
    %mul3A_172 = arith.muli %select_n3A_108, %mul3A_171 : i32
    %add3A_173 = arith.constant 112 : i32
    %add3A_174 = arith.addi %mul3A_172, %add3A_173 : i32
    %get3A_175 = arith.index_cast %sub3A_109 : i32 to index
    %get3A_176 = arith.index_cast %add3A_174 : i32 to index
    %get3A_177 = tpu.vector_load %arg7[%get3A_175, %get3A_176] {strides = array<i32>} : memref<16x1024xi32, #tpu.memory_space<vmem>>, vector<16xi32>,
    %swap3A_178 = arith.constant 112 : index
    %swap3A_179 = tpu.vector_load %arg12[%swap3A_178] {strides = array<i32>} : memref<128xi32, #tpu.memory_space<vmem>>, vector<16xi32>,
    tpu.vector_store %arg12[%swap3A_178], %get3A_177 {strides = array<i32>} : memref<128xi32, #tpu.memory_space<vmem>>, vector<16xi32>,
    %dma_start3A = arith.constant 0 : i32
    %dma_start3A_180 = arith.constant 0 : i32
    %dma_start3A_181 = tpu.memref_slice %arg5[%dma_start3A, %dma_start3A_180] : memref<1000000x128xf32, #tpu.memory_space<hbm>> -> memref<1000000x128xf32, #tpu.memory_space<hbm>>
    tpu.enqueue_indirect_dma source(%dma_start3A_181 : memref<1000000x128xf32, #tpu.memory_space<hbm>>) target(%arg10 : memref<128x128xf32, #tpu.memory_space<vmem>>) offsets(%arg12 : memref<128xi32, #tpu.memory_space<vmem>>) semaphore(%arg17 : memref<!tpu.dma_semaphore, #tpu.memory_space<semaphore_mem>>)
    %scan3A = arith.constant 1.562500e-02 : f32
    %scan3A_182 = arith.constant 0 : i32
    %scan3A_183 = arith.constant 0 : i32
    %scan3A_184 = arith.constant 25 : i32
    %scan3A_185 = arith.addi %scan3A_183, %scan3A_184 : i32
    %scan3A_186 = arith.constant 1 : i32
    %scan3A_187 = scf.for %scan3A_512 = %scan3A_183 to %scan3A_185 step %scan3A_186 iter_args(%scan3A_513 = %scan3A_182) -> (i32)  : i32 {
      %mul3A_514 = arith.constant 2 : i32
      %mul3A_515 = arith.muli %scan3A_512, %mul3A_514 : i32
      %add3A_516 = arith.constant 0 : i32
      %add3A_517 = arith.addi %mul3A_515, %add3A_516 : i32
      %add3A_518 = arith.constant 1 : i32
      %add3A_519 = arith.addi %add3A_517, %add3A_518 : i32
      %lt3A_520 = arith.constant 50 : i32
      %lt3A_521 = arith.cmpi slt, %add3A_519, %lt3A_520 : i32
      %convert_element_type3A = arith.extui %lt3A_521 : i1 to i32
      %cond3A = arith.constant 0 : i32
      %cond3A_522 = arith.cmpi ne, %convert_element_type3A, %cond3A : i32
      scf.if %cond3A_522 {
        %add3A_1728 = arith.constant 1 : i32
        %add3A_1729 = arith.addi %add3A_517, %add3A_1728 : i32
        %add3A_1730 = arith.addi %mul3A_2, %add3A_1729 : i32
        %jit3A_1731 = arith.constant 8 : i32
        %div3A_1732 = arith.divsi %add3A_1730, %jit3A_1731 : i32
        %sign3A_1733 = arith.constant 0 : i32
        %sign3A_1734 = arith.cmpi sgt, %add3A_1730, %sign3A_1733 : i32
        %sign3A_1735 = arith.extui %sign3A_1734 : i1 to i32
        %sign3A_1736 = arith.constant 0 : i32
        %sign3A_1737 = arith.cmpi slt, %add3A_1730, %sign3A_1736 : i32
        %sign3A_1738 = arith.extui %sign3A_1737 : i1 to i32
        %sign3A_1739 = arith.subi %sign3A_1735, %sign3A_1738 : i32
        %sign3A_1740 = arith.constant 0 : i32
        %sign3A_1741 = arith.cmpi sgt, %jit3A_1731, %sign3A_1740 : i32
        %sign3A_1742 = arith.extui %sign3A_1741 : i1 to i32
        %sign3A_1743 = arith.constant 0 : i32
        %sign3A_1744 = arith.cmpi slt, %jit3A_1731, %sign3A_1743 : i32
        %sign3A_1745 = arith.extui %sign3A_1744 : i1 to i32
        %sign3A_1746 = arith.subi %sign3A_1742, %sign3A_1745 : i32
        %ne3A_1747 = arith.cmpi ne, %sign3A_1739, %sign3A_1746 : i32
        %rem3A_1748 = arith.remsi %add3A_1730, %jit3A_1731 : i32
        %ne3A_1749 = arith.constant 0 : i32
        %ne3A_1750 = arith.cmpi ne, %rem3A_1748, %ne3A_1749 : i32
        %and3A_1751 = arith.andi %ne3A_1747, %ne3A_1750 : i1
        %sub3A_1752 = arith.constant 1 : i32
        %sub3A_1753 = arith.subi %div3A_1732, %sub3A_1752 : i32
        %select_n3A_1754 = arith.select %and3A_1751, %sub3A_1753, %div3A_1732 : i32
        %jit3A_1755 = arith.constant 8 : i32
        %eq3A_1756 = arith.constant 0 : i32
        %eq3A_1757 = arith.cmpi eq, %jit3A_1755, %eq3A_1756 : i32
        %jit3A_1758 = arith.constant 1 : i32
        %select_n3A_1759 = arith.select %eq3A_1757, %jit3A_1758, %jit3A_1755 : i32
        %rem3A_1760 = arith.remsi %add3A_1730, %select_n3A_1759 : i32
        %ne3A_1761 = arith.constant 0 : i32
        %ne3A_1762 = arith.cmpi ne, %rem3A_1760, %ne3A_1761 : i32
        %lt3A_1763 = arith.constant 0 : i32
        %lt3A_1764 = arith.cmpi slt, %rem3A_1760, %lt3A_1763 : i32
        %lt3A_1765 = arith.constant 0 : i32
        %lt3A_1766 = arith.cmpi slt, %select_n3A_1759, %lt3A_1765 : i32
        %ne3A_1767 = arith.xori %lt3A_1764, %lt3A_1766 : i1
        %and3A_1768 = arith.andi %ne3A_1767, %ne3A_1762 : i1
        %add3A_1769 = arith.addi %rem3A_1760, %select_n3A_1759 : i32
        %select_n3A_1770 = arith.select %and3A_1768, %add3A_1769, %rem3A_1760 : i32
        %sub3A_1771 = arith.subi %select_n3A_1754, %mul3A_44 : i32
        %mul3A_1772 = arith.constant 128 : i32
        %mul3A_1773 = arith.muli %select_n3A_1770, %mul3A_1772 : i32
        %add3A_1774 = arith.constant 0 : i32
        %add3A_1775 = arith.addi %mul3A_1773, %add3A_1774 : i32
        %get3A_1776 = arith.index_cast %sub3A_1771 : i32 to index
        %get3A_1777 = arith.index_cast %add3A_1775 : i32 to index
        %get3A_1778 = tpu.vector_load %arg7[%get3A_1776, %get3A_1777] {strides = array<i32>} : memref<16x1024xi32, #tpu.memory_space<vmem>>, vector<16xi32>,
        %swap3A_1779 = arith.constant 0 : index
        %swap3A_1780 = tpu.vector_load %arg13[%swap3A_1779] {strides = array<i32>} : memref<128xi32, #tpu.memory_space<vmem>>, vector<16xi32>,
        tpu.vector_store %arg13[%swap3A_1779], %get3A_1778 {strides = array<i32>} : memref<128xi32, #tpu.memory_space<vmem>>, vector<16xi32>,
        %mul3A_1781 = arith.constant 128 : i32
        %mul3A_1782 = arith.muli %select_n3A_1770, %mul3A_1781 : i32
        %add3A_1783 = arith.constant 16 : i32
        %add3A_1784 = arith.addi %mul3A_1782, %add3A_1783 : i32
        %get3A_1785 = arith.index_cast %sub3A_1771 : i32 to index
        %get3A_1786 = arith.index_cast %add3A_1784 : i32 to index
        %get3A_1787 = tpu.vector_load %arg7[%get3A_1785, %get3A_1786] {strides = array<i32>} : memref<16x1024xi32, #tpu.memory_space<vmem>>, vector<16xi32>,
        %swap3A_1788 = arith.constant 16 : index
        %swap3A_1789 = tpu.vector_load %arg13[%swap3A_1788] {strides = array<i32>} : memref<128xi32, #tpu.memory_space<vmem>>, vector<16xi32>,
        tpu.vector_store %arg13[%swap3A_1788], %get3A_1787 {strides = array<i32>} : memref<128xi32, #tpu.memory_space<vmem>>, vector<16xi32>,
        %mul3A_1790 = arith.constant 128 : i32
        %mul3A_1791 = arith.muli %select_n3A_1770, %mul3A_1790 : i32
        %add3A_1792 = arith.constant 32 : i32
        %add3A_1793 = arith.addi %mul3A_1791, %add3A_1792 : i32
        %get3A_1794 = arith.index_cast %sub3A_1771 : i32 to index
        %get3A_1795 = arith.index_cast %add3A_1793 : i32 to index
        %get3A_1796 = tpu.vector_load %arg7[%get3A_1794, %get3A_1795] {strides = array<i32>} : memref<16x1024xi32, #tpu.memory_space<vmem>>, vector<16xi32>,
        %swap3A_1797 = arith.constant 32 : index
        %swap3A_1798 = tpu.vector_load %arg13[%swap3A_1797] {strides = array<i32>} : memref<128xi32, #tpu.memory_space<vmem>>, vector<16xi32>,
        tpu.vector_store %arg13[%swap3A_1797], %get3A_1796 {strides = array<i32>} : memref<128xi32, #tpu.memory_space<vmem>>, vector<16xi32>,
        %mul3A_1799 = arith.constant 128 : i32
        %mul3A_1800 = arith.muli %select_n3A_1770, %mul3A_1799 : i32
        %add3A_1801 = arith.constant 48 : i32
        %add3A_1802 = arith.addi %mul3A_1800, %add3A_1801 : i32
        %get3A_1803 = arith.index_cast %sub3A_1771 : i32 to index
        %get3A_1804 = arith.index_cast %add3A_1802 : i32 to index
        %get3A_1805 = tpu.vector_load %arg7[%get3A_1803, %get3A_1804] {strides = array<i32>} : memref<16x1024xi32, #tpu.memory_space<vmem>>, vector<16xi32>,
        %swap3A_1806 = arith.constant 48 : index
        %swap3A_1807 = tpu.vector_load %arg13[%swap3A_1806] {strides = array<i32>} : memref<128xi32, #tpu.memory_space<vmem>>, vector<16xi32>,
        tpu.vector_store %arg13[%swap3A_1806], %get3A_1805 {strides = array<i32>} : memref<128xi32, #tpu.memory_space<vmem>>, vector<16xi32>,
        %mul3A_1808 = arith.constant 128 : i32
        %mul3A_1809 = arith.muli %select_n3A_1770, %mul3A_1808 : i32
        %add3A_1810 = arith.constant 64 : i32
        %add3A_1811 = arith.addi %mul3A_1809, %add3A_1810 : i32
        %get3A_1812 = arith.index_cast %sub3A_1771 : i32 to index
        %get3A_1813 = arith.index_cast %add3A_1811 : i32 to index
        %get3A_1814 = tpu.vector_load %arg7[%get3A_1812, %get3A_1813] {strides = array<i32>} : memref<16x1024xi32, #tpu.memory_space<vmem>>, vector<16xi32>,
        %swap3A_1815 = arith.constant 64 : index
        %swap3A_1816 = tpu.vector_load %arg13[%swap3A_1815] {strides = array<i32>} : memref<128xi32, #tpu.memory_space<vmem>>, vector<16xi32>,
        tpu.vector_store %arg13[%swap3A_1815], %get3A_1814 {strides = array<i32>} : memref<128xi32, #tpu.memory_space<vmem>>, vector<16xi32>,
        %mul3A_1817 = arith.constant 128 : i32
        %mul3A_1818 = arith.muli %select_n3A_1770, %mul3A_1817 : i32
        %add3A_1819 = arith.constant 80 : i32
        %add3A_1820 = arith.addi %mul3A_1818, %add3A_1819 : i32
        %get3A_1821 = arith.index_cast %sub3A_1771 : i32 to index
        %get3A_1822 = arith.index_cast %add3A_1820 : i32 to index
        %get3A_1823 = tpu.vector_load %arg7[%get3A_1821, %get3A_1822] {strides = array<i32>} : memref<16x1024xi32, #tpu.memory_space<vmem>>, vector<16xi32>,
        %swap3A_1824 = arith.constant 80 : index
        %swap3A_1825 = tpu.vector_load %arg13[%swap3A_1824] {strides = array<i32>} : memref<128xi32, #tpu.memory_space<vmem>>, vector<16xi32>,
        tpu.vector_store %arg13[%swap3A_1824], %get3A_1823 {strides = array<i32>} : memref<128xi32, #tpu.memory_space<vmem>>, vector<16xi32>,
        %mul3A_1826 = arith.constant 128 : i32
        %mul3A_1827 = arith.muli %select_n3A_1770, %mul3A_1826 : i32
        %add3A_1828 = arith.constant 96 : i32
        %add3A_1829 = arith.addi %mul3A_1827, %add3A_1828 : i32
        %get3A_1830 = arith.index_cast %sub3A_1771 : i32 to index
        %get3A_1831 = arith.index_cast %add3A_1829 : i32 to index
        %get3A_1832 = tpu.vector_load %arg7[%get3A_1830, %get3A_1831] {strides = array<i32>} : memref<16x1024xi32, #tpu.memory_space<vmem>>, vector<16xi32>,
        %swap3A_1833 = arith.constant 96 : index
        %swap3A_1834 = tpu.vector_load %arg13[%swap3A_1833] {strides = array<i32>} : memref<128xi32, #tpu.memory_space<vmem>>, vector<16xi32>,
        tpu.vector_store %arg13[%swap3A_1833], %get3A_1832 {strides = array<i32>} : memref<128xi32, #tpu.memory_space<vmem>>, vector<16xi32>,
        %mul3A_1835 = arith.constant 128 : i32
        %mul3A_1836 = arith.muli %select_n3A_1770, %mul3A_1835 : i32
        %add3A_1837 = arith.constant 112 : i32
        %add3A_1838 = arith.addi %mul3A_1836, %add3A_1837 : i32
        %get3A_1839 = arith.index_cast %sub3A_1771 : i32 to index
        %get3A_1840 = arith.index_cast %add3A_1838 : i32 to index
        %get3A_1841 = tpu.vector_load %arg7[%get3A_1839, %get3A_1840] {strides = array<i32>} : memref<16x1024xi32, #tpu.memory_space<vmem>>, vector<16xi32>,
        %swap3A_1842 = arith.constant 112 : index
        %swap3A_1843 = tpu.vector_load %arg13[%swap3A_1842] {strides = array<i32>} : memref<128xi32, #tpu.memory_space<vmem>>, vector<16xi32>,
        tpu.vector_store %arg13[%swap3A_1842], %get3A_1841 {strides = array<i32>} : memref<128xi32, #tpu.memory_space<vmem>>, vector<16xi32>,
        %dma_start3A_1844 = arith.constant 0 : i32
        %dma_start3A_1845 = arith.constant 0 : i32
        %dma_start3A_1846 = tpu.memref_slice %arg5[%dma_start3A_1844, %dma_start3A_1845] : memref<1000000x128xf32, #tpu.memory_space<hbm>> -> memref<1000000x128xf32, #tpu.memory_space<hbm>>
        tpu.enqueue_indirect_dma source(%dma_start3A_1846 : memref<1000000x128xf32, #tpu.memory_space<hbm>>) target(%arg11 : memref<128x128xf32, #tpu.memory_space<vmem>>) offsets(%arg13 : memref<128xi32, #tpu.memory_space<vmem>>) semaphore(%arg18 : memref<!tpu.dma_semaphore, #tpu.memory_space<semaphore_mem>>)
      } else {
      }
      %dma_wait3A_523 = arith.constant 0 : i32
      %dma_wait3A_524 = arith.constant 0 : i32
      %dma_wait3A_525 = tpu.memref_slice %arg5[%dma_wait3A_523, %dma_wait3A_524] : memref<1000000x128xf32, #tpu.memory_space<hbm>> -> memref<1000000x128xf32, #tpu.memory_space<hbm>>
      tpu.wait_indirect_dma semaphore(%arg17 : memref<!tpu.dma_semaphore, #tpu.memory_space<semaphore_mem>>) src(%dma_wait3A_525 : memref<1000000x128xf32, #tpu.memory_space<hbm>>) dst(%arg10 : memref<128x128xf32, #tpu.memory_space<vmem>>)
      %ge3A = arith.constant 2 : i32
      %ge3A_526 = arith.cmpi sge, %add3A_517, %ge3A : i32
      %convert_element_type3A_527 = arith.extui %ge3A_526 : i1 to i32
      %cond3A_528 = arith.constant 0 : i32
      %cond3A_529 = arith.cmpi ne, %convert_element_type3A_527, %cond3A_528 : i32
      scf.if %cond3A_529 {
        %sub3A_1728 = arith.constant 2 : i32
        %sub3A_1729 = arith.subi %add3A_517, %sub3A_1728 : i32
        %add3A_1730 = arith.addi %mul3A_2, %sub3A_1729 : i32
        %jit3A_1731 = arith.constant 8 : i32
        %div3A_1732 = arith.divsi %add3A_1730, %jit3A_1731 : i32
        %sign3A_1733 = arith.constant 0 : i32
        %sign3A_1734 = arith.cmpi sgt, %add3A_1730, %sign3A_1733 : i32
        %sign3A_1735 = arith.extui %sign3A_1734 : i1 to i32
        %sign3A_1736 = arith.constant 0 : i32
        %sign3A_1737 = arith.cmpi slt, %add3A_1730, %sign3A_1736 : i32
        %sign3A_1738 = arith.extui %sign3A_1737 : i1 to i32
        %sign3A_1739 = arith.subi %sign3A_1735, %sign3A_1738 : i32
        %sign3A_1740 = arith.constant 0 : i32
        %sign3A_1741 = arith.cmpi sgt, %jit3A_1731, %sign3A_1740 : i32
        %sign3A_1742 = arith.extui %sign3A_1741 : i1 to i32
        %sign3A_1743 = arith.constant 0 : i32
        %sign3A_1744 = arith.cmpi slt, %jit3A_1731, %sign3A_1743 : i32
        %sign3A_1745 = arith.extui %sign3A_1744 : i1 to i32
        %sign3A_1746 = arith.subi %sign3A_1742, %sign3A_1745 : i32
        %ne3A_1747 = arith.cmpi ne, %sign3A_1739, %sign3A_1746 : i32
        %rem3A_1748 = arith.remsi %add3A_1730, %jit3A_1731 : i32
        %ne3A_1749 = arith.constant 0 : i32
        %ne3A_1750 = arith.cmpi ne, %rem3A_1748, %ne3A_1749 : i32
        %and3A_1751 = arith.andi %ne3A_1747, %ne3A_1750 : i1
        %sub3A_1752 = arith.constant 1 : i32
        %sub3A_1753 = arith.subi %div3A_1732, %sub3A_1752 : i32
        %select_n3A_1754 = arith.select %and3A_1751, %sub3A_1753, %div3A_1732 : i32
        %jit3A_1755 = arith.constant 8 : i32
        %eq3A_1756 = arith.constant 0 : i32
        %eq3A_1757 = arith.cmpi eq, %jit3A_1755, %eq3A_1756 : i32
        %jit3A_1758 = arith.constant 1 : i32
        %select_n3A_1759 = arith.select %eq3A_1757, %jit3A_1758, %jit3A_1755 : i32
        %rem3A_1760 = arith.remsi %add3A_1730, %select_n3A_1759 : i32
        %ne3A_1761 = arith.constant 0 : i32
        %ne3A_1762 = arith.cmpi ne, %rem3A_1760, %ne3A_1761 : i32
        %lt3A_1763 = arith.constant 0 : i32
        %lt3A_1764 = arith.cmpi slt, %rem3A_1760, %lt3A_1763 : i32
        %lt3A_1765 = arith.constant 0 : i32
        %lt3A_1766 = arith.cmpi slt, %select_n3A_1759, %lt3A_1765 : i32
        %ne3A_1767 = arith.xori %lt3A_1764, %lt3A_1766 : i1
        %and3A_1768 = arith.andi %ne3A_1767, %ne3A_1762 : i1
        %add3A_1769 = arith.addi %rem3A_1760, %select_n3A_1759 : i32
        %select_n3A_1770 = arith.select %and3A_1768, %add3A_1769, %rem3A_1760 : i32
        %dma_wait3A_1771 = arith.constant 0 : i32
        %dma_wait3A_1772 = arith.constant 0 : i32
        %dma_wait3A_1773 = arith.constant 0 : i32
        %dma_wait3A_1774 = tpu.memref_slice %arg15[%dma_wait3A_1772, %dma_wait3A_1773] : memref<64x128xf32, #tpu.memory_space<vmem>> -> memref<8x128xf32, #tpu.memory_space<vmem>>
        %dma_wait3A_1775 = arith.constant 0 : i32
        %dma_wait3A_1776 = arith.constant 0 : i32
        %dma_wait3A_1777 = tpu.memref_slice %arg6[%select_n3A_1754, %dma_wait3A_1771, %select_n3A_1770, %dma_wait3A_1775, %dma_wait3A_1776] : memref<200x8x8x8x128xf32, #tpu.memory_space<hbm>> -> memref<1x1x1x8x128xf32, #tpu.memory_space<hbm>>
        %dma_wait3A_1778 = tpu.memref_squeeze %dma_wait3A_1777 : memref<1x1x1x8x128xf32, #tpu.memory_space<hbm>> -> memref<8x128xf32, #tpu.memory_space<hbm>>
        %dma_wait3A_1779 = arith.constant 0 : i32
        %dma_wait3A_1780 = arith.constant 0 : i32
        %dma_wait3A_1781 = tpu.memref_slice %arg6[%select_n3A_1754, %dma_wait3A_1771, %select_n3A_1770, %dma_wait3A_1779, %dma_wait3A_1780] : memref<200x8x8x8x128xf32, #tpu.memory_space<hbm>> -> memref<1x1x1x8x128xf32, #tpu.memory_space<hbm>>
        %dma_wait3A_1782 = tpu.memref_squeeze %dma_wait3A_1781 : memref<1x1x1x8x128xf32, #tpu.memory_space<hbm>> -> memref<8x128xf32, #tpu.memory_space<hbm>>
        %dma_wait3A_1783 = arith.constant 0 : i32
        %dma_wait3A_1784 = arith.constant 0 : i32
        %dma_wait3A_1785 = tpu.memref_slice %arg15[%dma_wait3A_1783, %dma_wait3A_1784] : memref<64x128xf32, #tpu.memory_space<vmem>> -> memref<8x128xf32, #tpu.memory_space<vmem>>
        tpu.wait_dma2 semaphore(%arg19 : memref<!tpu.dma_semaphore, #tpu.memory_space<semaphore_mem>>) src(%dma_wait3A_1785 : memref<8x128xf32, #tpu.memory_space<vmem>>) dst(%dma_wait3A_1782 : memref<8x128xf32, #tpu.memory_space<hbm>>)
        %dma_wait3A_1786 = arith.constant 1 : i32
        %dma_wait3A_1787 = arith.constant 8 : i32
        %dma_wait3A_1788 = arith.constant 0 : i32
        %dma_wait3A_1789 = tpu.memref_slice %arg15[%dma_wait3A_1787, %dma_wait3A_1788] : memref<64x128xf32, #tpu.memory_space<vmem>> -> memref<8x128xf32, #tpu.memory_space<vmem>>
        %dma_wait3A_1790 = arith.constant 0 : i32
        %dma_wait3A_1791 = arith.constant 0 : i32
        %dma_wait3A_1792 = tpu.memref_slice %arg6[%select_n3A_1754, %dma_wait3A_1786, %select_n3A_1770, %dma_wait3A_1790, %dma_wait3A_1791] : memref<200x8x8x8x128xf32, #tpu.memory_space<hbm>> -> memref<1x1x1x8x128xf32, #tpu.memory_space<hbm>>
        %dma_wait3A_1793 = tpu.memref_squeeze %dma_wait3A_1792 : memref<1x1x1x8x128xf32, #tpu.memory_space<hbm>> -> memref<8x128xf32, #tpu.memory_space<hbm>>
        %dma_wait3A_1794 = arith.constant 0 : i32
        %dma_wait3A_1795 = arith.constant 0 : i32
        %dma_wait3A_1796 = tpu.memref_slice %arg6[%select_n3A_1754, %dma_wait3A_1786, %select_n3A_1770, %dma_wait3A_1794, %dma_wait3A_1795] : memref<200x8x8x8x128xf32, #tpu.memory_space<hbm>> -> memref<1x1x1x8x128xf32, #tpu.memory_space<hbm>>
        %dma_wait3A_1797 = tpu.memref_squeeze %dma_wait3A_1796 : memref<1x1x1x8x128xf32, #tpu.memory_space<hbm>> -> memref<8x128xf32, #tpu.memory_space<hbm>>
        %dma_wait3A_1798 = arith.constant 8 : i32
        %dma_wait3A_1799 = arith.constant 0 : i32
        %dma_wait3A_1800 = tpu.memref_slice %arg15[%dma_wait3A_1798, %dma_wait3A_1799] : memref<64x128xf32, #tpu.memory_space<vmem>> -> memref<8x128xf32, #tpu.memory_space<vmem>>
        tpu.wait_dma2 semaphore(%arg19 : memref<!tpu.dma_semaphore, #tpu.memory_space<semaphore_mem>>) src(%dma_wait3A_1800 : memref<8x128xf32, #tpu.memory_space<vmem>>) dst(%dma_wait3A_1797 : memref<8x128xf32, #tpu.memory_space<hbm>>)
        %dma_wait3A_1801 = arith.constant 2 : i32
        %dma_wait3A_1802 = arith.constant 16 : i32
        %dma_wait3A_1803 = arith.constant 0 : i32
        %dma_wait3A_1804 = tpu.memref_slice %arg15[%dma_wait3A_1802, %dma_wait3A_1803] : memref<64x128xf32, #tpu.memory_space<vmem>> -> memref<8x128xf32, #tpu.memory_space<vmem>>
        %dma_wait3A_1805 = arith.constant 0 : i32
        %dma_wait3A_1806 = arith.constant 0 : i32
        %dma_wait3A_1807 = tpu.memref_slice %arg6[%select_n3A_1754, %dma_wait3A_1801, %select_n3A_1770, %dma_wait3A_1805, %dma_wait3A_1806] : memref<200x8x8x8x128xf32, #tpu.memory_space<hbm>> -> memref<1x1x1x8x128xf32, #tpu.memory_space<hbm>>
        %dma_wait3A_1808 = tpu.memref_squeeze %dma_wait3A_1807 : memref<1x1x1x8x128xf32, #tpu.memory_space<hbm>> -> memref<8x128xf32, #tpu.memory_space<hbm>>
        %dma_wait3A_1809 = arith.constant 0 : i32
        %dma_wait3A_1810 = arith.constant 0 : i32
        %dma_wait3A_1811 = tpu.memref_slice %arg6[%select_n3A_1754, %dma_wait3A_1801, %select_n3A_1770, %dma_wait3A_1809, %dma_wait3A_1810] : memref<200x8x8x8x128xf32, #tpu.memory_space<hbm>> -> memref<1x1x1x8x128xf32, #tpu.memory_space<hbm>>
        %dma_wait3A_1812 = tpu.memref_squeeze %dma_wait3A_1811 : memref<1x1x1x8x128xf32, #tpu.memory_space<hbm>> -> memref<8x128xf32, #tpu.memory_space<hbm>>
        %dma_wait3A_1813 = arith.constant 16 : i32
        %dma_wait3A_1814 = arith.constant 0 : i32
        %dma_wait3A_1815 = tpu.memref_slice %arg15[%dma_wait3A_1813, %dma_wait3A_1814] : memref<64x128xf32, #tpu.memory_space<vmem>> -> memref<8x128xf32, #tpu.memory_space<vmem>>
        tpu.wait_dma2 semaphore(%arg19 : memref<!tpu.dma_semaphore, #tpu.memory_space<semaphore_mem>>) src(%dma_wait3A_1815 : memref<8x128xf32, #tpu.memory_space<vmem>>) dst(%dma_wait3A_1812 : memref<8x128xf32, #tpu.memory_space<hbm>>)
        %dma_wait3A_1816 = arith.constant 3 : i32
        %dma_wait3A_1817 = arith.constant 24 : i32
        %dma_wait3A_1818 = arith.constant 0 : i32
        %dma_wait3A_1819 = tpu.memref_slice %arg15[%dma_wait3A_1817, %dma_wait3A_1818] : memref<64x128xf32, #tpu.memory_space<vmem>> -> memref<8x128xf32, #tpu.memory_space<vmem>>
        %dma_wait3A_1820 = arith.constant 0 : i32
        %dma_wait3A_1821 = arith.constant 0 : i32
        %dma_wait3A_1822 = tpu.memref_slice %arg6[%select_n3A_1754, %dma_wait3A_1816, %select_n3A_1770, %dma_wait3A_1820, %dma_wait3A_1821] : memref<200x8x8x8x128xf32, #tpu.memory_space<hbm>> -> memref<1x1x1x8x128xf32, #tpu.memory_space<hbm>>
        %dma_wait3A_1823 = tpu.memref_squeeze %dma_wait3A_1822 : memref<1x1x1x8x128xf32, #tpu.memory_space<hbm>> -> memref<8x128xf32, #tpu.memory_space<hbm>>
        %dma_wait3A_1824 = arith.constant 0 : i32
        %dma_wait3A_1825 = arith.constant 0 : i32
        %dma_wait3A_1826 = tpu.memref_slice %arg6[%select_n3A_1754, %dma_wait3A_1816, %select_n3A_1770, %dma_wait3A_1824, %dma_wait3A_1825] : memref<200x8x8x8x128xf32, #tpu.memory_space<hbm>> -> memref<1x1x1x8x128xf32, #tpu.memory_space<hbm>>
        %dma_wait3A_1827 = tpu.memref_squeeze %dma_wait3A_1826 : memref<1x1x1x8x128xf32, #tpu.memory_space<hbm>> -> memref<8x128xf32, #tpu.memory_space<hbm>>
        %dma_wait3A_1828 = arith.constant 24 : i32
        %dma_wait3A_1829 = arith.constant 0 : i32
        %dma_wait3A_1830 = tpu.memref_slice %arg15[%dma_wait3A_1828, %dma_wait3A_1829] : memref<64x128xf32, #tpu.memory_space<vmem>> -> memref<8x128xf32, #tpu.memory_space<vmem>>
        tpu.wait_dma2 semaphore(%arg19 : memref<!tpu.dma_semaphore, #tpu.memory_space<semaphore_mem>>) src(%dma_wait3A_1830 : memref<8x128xf32, #tpu.memory_space<vmem>>) dst(%dma_wait3A_1827 : memref<8x128xf32, #tpu.memory_space<hbm>>)
        %dma_wait3A_1831 = arith.constant 4 : i32
        %dma_wait3A_1832 = arith.constant 32 : i32
        %dma_wait3A_1833 = arith.constant 0 : i32
        %dma_wait3A_1834 = tpu.memref_slice %arg15[%dma_wait3A_1832, %dma_wait3A_1833] : memref<64x128xf32, #tpu.memory_space<vmem>> -> memref<8x128xf32, #tpu.memory_space<vmem>>
        %dma_wait3A_1835 = arith.constant 0 : i32
        %dma_wait3A_1836 = arith.constant 0 : i32
        %dma_wait3A_1837 = tpu.memref_slice %arg6[%select_n3A_1754, %dma_wait3A_1831, %select_n3A_1770, %dma_wait3A_1835, %dma_wait3A_1836] : memref<200x8x8x8x128xf32, #tpu.memory_space<hbm>> -> memref<1x1x1x8x128xf32, #tpu.memory_space<hbm>>
        %dma_wait3A_1838 = tpu.memref_squeeze %dma_wait3A_1837 : memref<1x1x1x8x128xf32, #tpu.memory_space<hbm>> -> memref<8x128xf32, #tpu.memory_space<hbm>>
        %dma_wait3A_1839 = arith.constant 0 : i32
        %dma_wait3A_1840 = arith.constant 0 : i32
        %dma_wait3A_1841 = tpu.memref_slice %arg6[%select_n3A_1754, %dma_wait3A_1831, %select_n3A_1770, %dma_wait3A_1839, %dma_wait3A_1840] : memref<200x8x8x8x128xf32, #tpu.memory_space<hbm>> -> memref<1x1x1x8x128xf32, #tpu.memory_space<hbm>>
        %dma_wait3A_1842 = tpu.memref_squeeze %dma_wait3A_1841 : memref<1x1x1x8x128xf32, #tpu.memory_space<hbm>> -> memref<8x128xf32, #tpu.memory_space<hbm>>
        %dma_wait3A_1843 = arith.constant 32 : i32
        %dma_wait3A_1844 = arith.constant 0 : i32
        %dma_wait3A_1845 = tpu.memref_slice %arg15[%dma_wait3A_1843, %dma_wait3A_1844] : memref<64x128xf32, #tpu.memory_space<vmem>> -> memref<8x128xf32, #tpu.memory_space<vmem>>
        tpu.wait_dma2 semaphore(%arg19 : memref<!tpu.dma_semaphore, #tpu.memory_space<semaphore_mem>>) src(%dma_wait3A_1845 : memref<8x128xf32, #tpu.memory_space<vmem>>) dst(%dma_wait3A_1842 : memref<8x128xf32, #tpu.memory_space<hbm>>)
        %dma_wait3A_1846 = arith.constant 5 : i32
        %dma_wait3A_1847 = arith.constant 40 : i32
        %dma_wait3A_1848 = arith.constant 0 : i32
        %dma_wait3A_1849 = tpu.memref_slice %arg15[%dma_wait3A_1847, %dma_wait3A_1848] : memref<64x128xf32, #tpu.memory_space<vmem>> -> memref<8x128xf32, #tpu.memory_space<vmem>>
        %dma_wait3A_1850 = arith.constant 0 : i32
        %dma_wait3A_1851 = arith.constant 0 : i32
        %dma_wait3A_1852 = tpu.memref_slice %arg6[%select_n3A_1754, %dma_wait3A_1846, %select_n3A_1770, %dma_wait3A_1850, %dma_wait3A_1851] : memref<200x8x8x8x128xf32, #tpu.memory_space<hbm>> -> memref<1x1x1x8x128xf32, #tpu.memory_space<hbm>>
        %dma_wait3A_1853 = tpu.memref_squeeze %dma_wait3A_1852 : memref<1x1x1x8x128xf32, #tpu.memory_space<hbm>> -> memref<8x128xf32, #tpu.memory_space<hbm>>
        %dma_wait3A_1854 = arith.constant 0 : i32
        %dma_wait3A_1855 = arith.constant 0 : i32
        %dma_wait3A_1856 = tpu.memref_slice %arg6[%select_n3A_1754, %dma_wait3A_1846, %select_n3A_1770, %dma_wait3A_1854, %dma_wait3A_1855] : memref<200x8x8x8x128xf32, #tpu.memory_space<hbm>> -> memref<1x1x1x8x128xf32, #tpu.memory_space<hbm>>
        %dma_wait3A_1857 = tpu.memref_squeeze %dma_wait3A_1856 : memref<1x1x1x8x128xf32, #tpu.memory_space<hbm>> -> memref<8x128xf32, #tpu.memory_space<hbm>>
        %dma_wait3A_1858 = arith.constant 40 : i32
        %dma_wait3A_1859 = arith.constant 0 : i32
        %dma_wait3A_1860 = tpu.memref_slice %arg15[%dma_wait3A_1858, %dma_wait3A_1859] : memref<64x128xf32, #tpu.memory_space<vmem>> -> memref<8x128xf32, #tpu.memory_space<vmem>>
        tpu.wait_dma2 semaphore(%arg19 : memref<!tpu.dma_semaphore, #tpu.memory_space<semaphore_mem>>) src(%dma_wait3A_1860 : memref<8x128xf32, #tpu.memory_space<vmem>>) dst(%dma_wait3A_1857 : memref<8x128xf32, #tpu.memory_space<hbm>>)
        %dma_wait3A_1861 = arith.constant 6 : i32
        %dma_wait3A_1862 = arith.constant 48 : i32
        %dma_wait3A_1863 = arith.constant 0 : i32
        %dma_wait3A_1864 = tpu.memref_slice %arg15[%dma_wait3A_1862, %dma_wait3A_1863] : memref<64x128xf32, #tpu.memory_space<vmem>> -> memref<8x128xf32, #tpu.memory_space<vmem>>
        %dma_wait3A_1865 = arith.constant 0 : i32
        %dma_wait3A_1866 = arith.constant 0 : i32
        %dma_wait3A_1867 = tpu.memref_slice %arg6[%select_n3A_1754, %dma_wait3A_1861, %select_n3A_1770, %dma_wait3A_1865, %dma_wait3A_1866] : memref<200x8x8x8x128xf32, #tpu.memory_space<hbm>> -> memref<1x1x1x8x128xf32, #tpu.memory_space<hbm>>
        %dma_wait3A_1868 = tpu.memref_squeeze %dma_wait3A_1867 : memref<1x1x1x8x128xf32, #tpu.memory_space<hbm>> -> memref<8x128xf32, #tpu.memory_space<hbm>>
        %dma_wait3A_1869 = arith.constant 0 : i32
        %dma_wait3A_1870 = arith.constant 0 : i32
        %dma_wait3A_1871 = tpu.memref_slice %arg6[%select_n3A_1754, %dma_wait3A_1861, %select_n3A_1770, %dma_wait3A_1869, %dma_wait3A_1870] : memref<200x8x8x8x128xf32, #tpu.memory_space<hbm>> -> memref<1x1x1x8x128xf32, #tpu.memory_space<hbm>>
        %dma_wait3A_1872 = tpu.memref_squeeze %dma_wait3A_1871 : memref<1x1x1x8x128xf32, #tpu.memory_space<hbm>> -> memref<8x128xf32, #tpu.memory_space<hbm>>
        %dma_wait3A_1873 = arith.constant 48 : i32
        %dma_wait3A_1874 = arith.constant 0 : i32
        %dma_wait3A_1875 = tpu.memref_slice %arg15[%dma_wait3A_1873, %dma_wait3A_1874] : memref<64x128xf32, #tpu.memory_space<vmem>> -> memref<8x128xf32, #tpu.memory_space<vmem>>
        tpu.wait_dma2 semaphore(%arg19 : memref<!tpu.dma_semaphore, #tpu.memory_space<semaphore_mem>>) src(%dma_wait3A_1875 : memref<8x128xf32, #tpu.memory_space<vmem>>) dst(%dma_wait3A_1872 : memref<8x128xf32, #tpu.memory_space<hbm>>)
        %dma_wait3A_1876 = arith.constant 7 : i32
        %dma_wait3A_1877 = arith.constant 56 : i32
        %dma_wait3A_1878 = arith.constant 0 : i32
        %dma_wait3A_1879 = tpu.memref_slice %arg15[%dma_wait3A_1877, %dma_wait3A_1878] : memref<64x128xf32, #tpu.memory_space<vmem>> -> memref<8x128xf32, #tpu.memory_space<vmem>>
        %dma_wait3A_1880 = arith.constant 0 : i32
        %dma_wait3A_1881 = arith.constant 0 : i32
        %dma_wait3A_1882 = tpu.memref_slice %arg6[%select_n3A_1754, %dma_wait3A_1876, %select_n3A_1770, %dma_wait3A_1880, %dma_wait3A_1881] : memref<200x8x8x8x128xf32, #tpu.memory_space<hbm>> -> memref<1x1x1x8x128xf32, #tpu.memory_space<hbm>>
        %dma_wait3A_1883 = tpu.memref_squeeze %dma_wait3A_1882 : memref<1x1x1x8x128xf32, #tpu.memory_space<hbm>> -> memref<8x128xf32, #tpu.memory_space<hbm>>
        %dma_wait3A_1884 = arith.constant 0 : i32
        %dma_wait3A_1885 = arith.constant 0 : i32
        %dma_wait3A_1886 = tpu.memref_slice %arg6[%select_n3A_1754, %dma_wait3A_1876, %select_n3A_1770, %dma_wait3A_1884, %dma_wait3A_1885] : memref<200x8x8x8x128xf32, #tpu.memory_space<hbm>> -> memref<1x1x1x8x128xf32, #tpu.memory_space<hbm>>
        %dma_wait3A_1887 = tpu.memref_squeeze %dma_wait3A_1886 : memref<1x1x1x8x128xf32, #tpu.memory_space<hbm>> -> memref<8x128xf32, #tpu.memory_space<hbm>>
        %dma_wait3A_1888 = arith.constant 56 : i32
        %dma_wait3A_1889 = arith.constant 0 : i32
        %dma_wait3A_1890 = tpu.memref_slice %arg15[%dma_wait3A_1888, %dma_wait3A_1889] : memref<64x128xf32, #tpu.memory_space<vmem>> -> memref<8x128xf32, #tpu.memory_space<vmem>>
        tpu.wait_dma2 semaphore(%arg19 : memref<!tpu.dma_semaphore, #tpu.memory_space<semaphore_mem>>) src(%dma_wait3A_1890 : memref<8x128xf32, #tpu.memory_space<vmem>>) dst(%dma_wait3A_1887 : memref<8x128xf32, #tpu.memory_space<hbm>>)
      } else {
      }
      %add3A_530 = arith.addi %mul3A_2, %add3A_517 : i32
      %jit3A_531 = arith.constant 8 : i32
      %div3A_532 = arith.divsi %add3A_530, %jit3A_531 : i32
      %sign3A_533 = arith.constant 0 : i32
      %sign3A_534 = arith.cmpi sgt, %add3A_530, %sign3A_533 : i32
      %sign3A_535 = arith.extui %sign3A_534 : i1 to i32
      %sign3A_536 = arith.constant 0 : i32
      %sign3A_537 = arith.cmpi slt, %add3A_530, %sign3A_536 : i32
      %sign3A_538 = arith.extui %sign3A_537 : i1 to i32
      %sign3A_539 = arith.subi %sign3A_535, %sign3A_538 : i32
      %sign3A_540 = arith.constant 0 : i32
      %sign3A_541 = arith.cmpi sgt, %jit3A_531, %sign3A_540 : i32
      %sign3A_542 = arith.extui %sign3A_541 : i1 to i32
      %sign3A_543 = arith.constant 0 : i32
      %sign3A_544 = arith.cmpi slt, %jit3A_531, %sign3A_543 : i32
      %sign3A_545 = arith.extui %sign3A_544 : i1 to i32
      %sign3A_546 = arith.subi %sign3A_542, %sign3A_545 : i32
      %ne3A_547 = arith.cmpi ne, %sign3A_539, %sign3A_546 : i32
      %rem3A_548 = arith.remsi %add3A_530, %jit3A_531 : i32
      %ne3A_549 = arith.constant 0 : i32
      %ne3A_550 = arith.cmpi ne, %rem3A_548, %ne3A_549 : i32
      %and3A_551 = arith.andi %ne3A_547, %ne3A_550 : i1
      %sub3A_552 = arith.constant 1 : i32
      %sub3A_553 = arith.subi %div3A_532, %sub3A_552 : i32
      %select_n3A_554 = arith.select %and3A_551, %sub3A_553, %div3A_532 : i32
      %jit3A_555 = arith.constant 8 : i32
      %eq3A_556 = arith.constant 0 : i32
      %eq3A_557 = arith.cmpi eq, %jit3A_555, %eq3A_556 : i32
      %jit3A_558 = arith.constant 1 : i32
      %select_n3A_559 = arith.select %eq3A_557, %jit3A_558, %jit3A_555 : i32
      %rem3A_560 = arith.remsi %add3A_530, %select_n3A_559 : i32
      %ne3A_561 = arith.constant 0 : i32
      %ne3A_562 = arith.cmpi ne, %rem3A_560, %ne3A_561 : i32
      %lt3A_563 = arith.constant 0 : i32
      %lt3A_564 = arith.cmpi slt, %rem3A_560, %lt3A_563 : i32
      %lt3A_565 = arith.constant 0 : i32
      %lt3A_566 = arith.cmpi slt, %select_n3A_559, %lt3A_565 : i32
      %ne3A_567 = arith.xori %lt3A_564, %lt3A_566 : i1
      %and3A_568 = arith.andi %ne3A_567, %ne3A_562 : i1
      %add3A_569 = arith.addi %rem3A_560, %select_n3A_559 : i32
      %select_n3A_570 = arith.select %and3A_568, %add3A_569, %rem3A_560 : i32
      %sub3A_571 = arith.subi %select_n3A_554, %mul3A_44 : i32
      %parallel_loop3A = arith.constant 0 : i32
      %parallel_loop3A_572 = arith.constant 128 : i32
      %parallel_loop3A_573 = arith.constant 1 : i32
      scf.for %parallel_loop3A_1728 = %parallel_loop3A to %parallel_loop3A_572 step %parallel_loop3A_573  : i32 {
        %parallel_loop3A_1729 = arith.index_cast %parallel_loop3A_1728 : i32 to index
        %parallel_loop3A_1730 = arith.constant 0 : index
        %parallel_loop3A_1731 = tpu.vector_load %arg10[%parallel_loop3A_1729, %parallel_loop3A_1730] {strides = array<i32>} : memref<128x128xf32, #tpu.memory_space<vmem>>, vector<16xf32>,
        %parallel_loop3A_1732 = vector.broadcast %parallel_loop3A_1728 : i32 to vector<16xi32>
        %parallel_loop3A_1733 = arith.addi %mul3A_50, %parallel_loop3A_1732 : vector<16xi32>
        tpu.vector_store_idx %arg14[%parallel_loop3A_1733], %parallel_loop3A_1731 : memref<8256xf32, #tpu.memory_space<vmem>>[vector<16xi32>], vector<16xf32>,
        %parallel_loop3A_1734 = arith.index_cast %parallel_loop3A_1728 : i32 to index
        %parallel_loop3A_1735 = arith.constant 16 : index
        %parallel_loop3A_1736 = tpu.vector_load %arg10[%parallel_loop3A_1734, %parallel_loop3A_1735] {strides = array<i32>} : memref<128x128xf32, #tpu.memory_space<vmem>>, vector<16xf32>,
        %parallel_loop3A_1737 = vector.broadcast %parallel_loop3A_1728 : i32 to vector<16xi32>
        %parallel_loop3A_1738 = arith.addi %mul3A_56, %parallel_loop3A_1737 : vector<16xi32>
        tpu.vector_store_idx %arg14[%parallel_loop3A_1738], %parallel_loop3A_1736 : memref<8256xf32, #tpu.memory_space<vmem>>[vector<16xi32>], vector<16xf32>,
        %parallel_loop3A_1739 = arith.index_cast %parallel_loop3A_1728 : i32 to index
        %parallel_loop3A_1740 = arith.constant 32 : index
        %parallel_loop3A_1741 = tpu.vector_load %arg10[%parallel_loop3A_1739, %parallel_loop3A_1740] {strides = array<i32>} : memref<128x128xf32, #tpu.memory_space<vmem>>, vector<16xf32>,
        %parallel_loop3A_1742 = vector.broadcast %parallel_loop3A_1728 : i32 to vector<16xi32>
        %parallel_loop3A_1743 = arith.addi %mul3A_62, %parallel_loop3A_1742 : vector<16xi32>
        tpu.vector_store_idx %arg14[%parallel_loop3A_1743], %parallel_loop3A_1741 : memref<8256xf32, #tpu.memory_space<vmem>>[vector<16xi32>], vector<16xf32>,
        %parallel_loop3A_1744 = arith.index_cast %parallel_loop3A_1728 : i32 to index
        %parallel_loop3A_1745 = arith.constant 48 : index
        %parallel_loop3A_1746 = tpu.vector_load %arg10[%parallel_loop3A_1744, %parallel_loop3A_1745] {strides = array<i32>} : memref<128x128xf32, #tpu.memory_space<vmem>>, vector<16xf32>,
        %parallel_loop3A_1747 = vector.broadcast %parallel_loop3A_1728 : i32 to vector<16xi32>
        %parallel_loop3A_1748 = arith.addi %mul3A_68, %parallel_loop3A_1747 : vector<16xi32>
        tpu.vector_store_idx %arg14[%parallel_loop3A_1748], %parallel_loop3A_1746 : memref<8256xf32, #tpu.memory_space<vmem>>[vector<16xi32>], vector<16xf32>,
      } {sc.loop_unroll_factor = 4 : i64, sc.parallel_access}
      %add3A_574 = arith.constant 0 : i32
      %add3A_575 = vector.broadcast %add3A_574 : i32 to vector<16xi32>
      %add3A_576 = arith.addi %iota3A, %add3A_575 : vector<16xi32>
      %add3A_577 = arith.constant 16 : i32
      %add3A_578 = vector.broadcast %add3A_577 : i32 to vector<16xi32>
      %add3A_579 = arith.addi %iota3A, %add3A_578 : vector<16xi32>
      %add3A_580 = arith.constant 32 : i32
      %add3A_581 = vector.broadcast %add3A_580 : i32 to vector<16xi32>
      %add3A_582 = arith.addi %iota3A, %add3A_581 : vector<16xi32>
      %add3A_583 = arith.constant 48 : i32
      %add3A_584 = vector.broadcast %add3A_583 : i32 to vector<16xi32>
      %add3A_585 = arith.addi %iota3A, %add3A_584 : vector<16xi32>
      %add3A_586 = arith.constant 64 : i32
      %add3A_587 = vector.broadcast %add3A_586 : i32 to vector<16xi32>
      %add3A_588 = arith.addi %iota3A, %add3A_587 : vector<16xi32>
      %add3A_589 = arith.constant 80 : i32
      %add3A_590 = vector.broadcast %add3A_589 : i32 to vector<16xi32>
      %add3A_591 = arith.addi %iota3A, %add3A_590 : vector<16xi32>
      %add3A_592 = arith.constant 96 : i32
      %add3A_593 = vector.broadcast %add3A_592 : i32 to vector<16xi32>
      %add3A_594 = arith.addi %iota3A, %add3A_593 : vector<16xi32>
      %add3A_595 = arith.constant 112 : i32
      %add3A_596 = vector.broadcast %add3A_595 : i32 to vector<16xi32>
      %add3A_597 = arith.addi %iota3A, %add3A_596 : vector<16xi32>
      %broadcast_in_dim3A = arith.constant 0.000000e+00 : f32
      %broadcast_in_dim3A_598 = vector.broadcast %broadcast_in_dim3A : f32 to vector<16xf32>
      %parallel_loop3A_599 = arith.constant 0 : i32
      %parallel_loop3A_600 = arith.constant 64 : i32
      %parallel_loop3A_601 = arith.constant 1 : i32
      %parallel_loop3A_602:16 = scf.for %parallel_loop3A_1728 = %parallel_loop3A_599 to %parallel_loop3A_600 step %parallel_loop3A_601 iter_args(%parallel_loop3A_1729 = %broadcast_in_dim3A_598, %parallel_loop3A_1730 = %broadcast_in_dim3A_598, %parallel_loop3A_1731 = %broadcast_in_dim3A_598, %parallel_loop3A_1732 = %broadcast_in_dim3A_598, %parallel_loop3A_1733 = %broadcast_in_dim3A_598, %parallel_loop3A_1734 = %broadcast_in_dim3A_598, %parallel_loop3A_1735 = %broadcast_in_dim3A_598, %parallel_loop3A_1736 = %broadcast_in_dim3A_598, %parallel_loop3A_1737 = %broadcast_in_dim3A_598, %parallel_loop3A_1738 = %broadcast_in_dim3A_598, %parallel_loop3A_1739 = %broadcast_in_dim3A_598, %parallel_loop3A_1740 = %broadcast_in_dim3A_598, %parallel_loop3A_1741 = %broadcast_in_dim3A_598, %parallel_loop3A_1742 = %broadcast_in_dim3A_598, %parallel_loop3A_1743 = %broadcast_in_dim3A_598, %parallel_loop3A_1744 = %broadcast_in_dim3A_598) -> (vector<16xf32>, vector<16xf32>, vector<16xf32>, vector<16xf32>, vector<16xf32>, vector<16xf32>, vector<16xf32>, vector<16xf32>, vector<16xf32>, vector<16xf32>, vector<16xf32>, vector<16xf32>, vector<16xf32>, vector<16xf32>, vector<16xf32>, vector<16xf32>)  : i32 {
        %parallel_loop3A_1745 = arith.constant 129 : i32
        %parallel_loop3A_1746 = arith.muli %parallel_loop3A_1728, %parallel_loop3A_1745 : i32
        %parallel_loop3A_1747 = arith.constant 8 : i32
        %parallel_loop3A_1748 = arith.divsi %parallel_loop3A_1728, %parallel_loop3A_1747 : i32
        %parallel_loop3A_1749 = arith.constant 0 : i32
        %parallel_loop3A_1750 = arith.cmpi sgt, %parallel_loop3A_1728, %parallel_loop3A_1749 : i32
        %parallel_loop3A_1751 = arith.extui %parallel_loop3A_1750 : i1 to i32
        %parallel_loop3A_1752 = arith.constant 0 : i32
        %parallel_loop3A_1753 = arith.cmpi slt, %parallel_loop3A_1728, %parallel_loop3A_1752 : i32
        %parallel_loop3A_1754 = arith.extui %parallel_loop3A_1753 : i1 to i32
        %parallel_loop3A_1755 = arith.subi %parallel_loop3A_1751, %parallel_loop3A_1754 : i32
        %parallel_loop3A_1756 = arith.constant 0 : i32
        %parallel_loop3A_1757 = arith.cmpi sgt, %parallel_loop3A_1747, %parallel_loop3A_1756 : i32
        %parallel_loop3A_1758 = arith.extui %parallel_loop3A_1757 : i1 to i32
        %parallel_loop3A_1759 = arith.constant 0 : i32
        %parallel_loop3A_1760 = arith.cmpi slt, %parallel_loop3A_1747, %parallel_loop3A_1759 : i32
        %parallel_loop3A_1761 = arith.extui %parallel_loop3A_1760 : i1 to i32
        %parallel_loop3A_1762 = arith.subi %parallel_loop3A_1758, %parallel_loop3A_1761 : i32
        %parallel_loop3A_1763 = arith.cmpi ne, %parallel_loop3A_1755, %parallel_loop3A_1762 : i32
        %parallel_loop3A_1764 = arith.remsi %parallel_loop3A_1728, %parallel_loop3A_1747 : i32
        %parallel_loop3A_1765 = arith.constant 0 : i32
        %parallel_loop3A_1766 = arith.cmpi ne, %parallel_loop3A_1764, %parallel_loop3A_1765 : i32
        %parallel_loop3A_1767 = arith.andi %parallel_loop3A_1763, %parallel_loop3A_1766 : i1
        %parallel_loop3A_1768 = arith.constant 1 : i32
        %parallel_loop3A_1769 = arith.subi %parallel_loop3A_1748, %parallel_loop3A_1768 : i32
        %parallel_loop3A_1770 = arith.select %parallel_loop3A_1767, %parallel_loop3A_1769, %parallel_loop3A_1748 : i32
        %parallel_loop3A_1771 = arith.constant 8 : i32
        %parallel_loop3A_1772 = arith.constant 0 : i32
        %parallel_loop3A_1773 = arith.cmpi eq, %parallel_loop3A_1771, %parallel_loop3A_1772 : i32
        %parallel_loop3A_1774 = arith.constant 1 : i32
        %parallel_loop3A_1775 = arith.select %parallel_loop3A_1773, %parallel_loop3A_1774, %parallel_loop3A_1771 : i32
        %parallel_loop3A_1776 = arith.remsi %parallel_loop3A_1728, %parallel_loop3A_1775 : i32
        %parallel_loop3A_1777 = arith.constant 0 : i32
        %parallel_loop3A_1778 = arith.cmpi ne, %parallel_loop3A_1776, %parallel_loop3A_1777 : i32
        %parallel_loop3A_1779 = arith.constant 0 : i32
        %parallel_loop3A_1780 = arith.cmpi slt, %parallel_loop3A_1776, %parallel_loop3A_1779 : i32
        %parallel_loop3A_1781 = arith.constant 0 : i32
        %parallel_loop3A_1782 = arith.cmpi slt, %parallel_loop3A_1775, %parallel_loop3A_1781 : i32
        %parallel_loop3A_1783 = arith.xori %parallel_loop3A_1780, %parallel_loop3A_1782 : i1
        %parallel_loop3A_1784 = arith.andi %parallel_loop3A_1783, %parallel_loop3A_1778 : i1
        %parallel_loop3A_1785 = arith.addi %parallel_loop3A_1776, %parallel_loop3A_1775 : i32
        %parallel_loop3A_1786 = arith.select %parallel_loop3A_1784, %parallel_loop3A_1785, %parallel_loop3A_1776 : i32
        %parallel_loop3A_1787 = arith.constant 16 : i32
        %parallel_loop3A_1788 = arith.muli %parallel_loop3A_1786, %parallel_loop3A_1787 : i32
        %parallel_loop3A_1789 = arith.index_cast %sub3A_571 : i32 to index
        %parallel_loop3A_1790 = arith.index_cast %parallel_loop3A_1770 : i32 to index
        %parallel_loop3A_1791 = arith.index_cast %parallel_loop3A_1788 : i32 to index
        %parallel_loop3A_1792 = tpu.vector_load %arg8[%parallel_loop3A_1789, %parallel_loop3A_1790, %parallel_loop3A_1791] {strides = array<i32>} : memref<16x8x128xf32, #tpu.memory_space<vmem>>, vector<16xf32>,
        %parallel_loop3A_1793 = vector.broadcast %parallel_loop3A_1746 : i32 to vector<16xi32>
        %parallel_loop3A_1794 = arith.addi %add3A_576, %parallel_loop3A_1793 : vector<16xi32>
        %parallel_loop3A_1795 = tpu.vector_load_idx %arg14[%parallel_loop3A_1794] : memref<8256xf32, #tpu.memory_space<vmem>>[vector<16xi32>], vector<16xf32>,
        %parallel_loop3A_1796 = arith.addf %parallel_loop3A_1795, %parallel_loop3A_1792 : vector<16xf32>
        %parallel_loop3A_1797 = arith.addf %parallel_loop3A_1729, %parallel_loop3A_1796 : vector<16xf32>
        %parallel_loop3A_1798 = arith.mulf %parallel_loop3A_1796, %parallel_loop3A_1796 : vector<16xf32>
        %parallel_loop3A_1799 = arith.addf %parallel_loop3A_1737, %parallel_loop3A_1798 : vector<16xf32>
        %parallel_loop3A_1800 = vector.broadcast %parallel_loop3A_1746 : i32 to vector<16xi32>
        %parallel_loop3A_1801 = arith.addi %add3A_579, %parallel_loop3A_1800 : vector<16xi32>
        %parallel_loop3A_1802 = tpu.vector_load_idx %arg14[%parallel_loop3A_1801] : memref<8256xf32, #tpu.memory_space<vmem>>[vector<16xi32>], vector<16xf32>,
        %parallel_loop3A_1803 = arith.addf %parallel_loop3A_1802, %parallel_loop3A_1792 : vector<16xf32>
        %parallel_loop3A_1804 = arith.addf %parallel_loop3A_1730, %parallel_loop3A_1803 : vector<16xf32>
        %parallel_loop3A_1805 = arith.mulf %parallel_loop3A_1803, %parallel_loop3A_1803 : vector<16xf32>
        %parallel_loop3A_1806 = arith.addf %parallel_loop3A_1738, %parallel_loop3A_1805 : vector<16xf32>
        %parallel_loop3A_1807 = vector.broadcast %parallel_loop3A_1746 : i32 to vector<16xi32>
        %parallel_loop3A_1808 = arith.addi %add3A_582, %parallel_loop3A_1807 : vector<16xi32>
        %parallel_loop3A_1809 = tpu.vector_load_idx %arg14[%parallel_loop3A_1808] : memref<8256xf32, #tpu.memory_space<vmem>>[vector<16xi32>], vector<16xf32>,
        %parallel_loop3A_1810 = arith.addf %parallel_loop3A_1809, %parallel_loop3A_1792 : vector<16xf32>
        %parallel_loop3A_1811 = arith.addf %parallel_loop3A_1731, %parallel_loop3A_1810 : vector<16xf32>
        %parallel_loop3A_1812 = arith.mulf %parallel_loop3A_1810, %parallel_loop3A_1810 : vector<16xf32>
        %parallel_loop3A_1813 = arith.addf %parallel_loop3A_1739, %parallel_loop3A_1812 : vector<16xf32>
        %parallel_loop3A_1814 = vector.broadcast %parallel_loop3A_1746 : i32 to vector<16xi32>
        %parallel_loop3A_1815 = arith.addi %add3A_585, %parallel_loop3A_1814 : vector<16xi32>
        %parallel_loop3A_1816 = tpu.vector_load_idx %arg14[%parallel_loop3A_1815] : memref<8256xf32, #tpu.memory_space<vmem>>[vector<16xi32>], vector<16xf32>,
        %parallel_loop3A_1817 = arith.addf %parallel_loop3A_1816, %parallel_loop3A_1792 : vector<16xf32>
        %parallel_loop3A_1818 = arith.addf %parallel_loop3A_1732, %parallel_loop3A_1817 : vector<16xf32>
        %parallel_loop3A_1819 = arith.mulf %parallel_loop3A_1817, %parallel_loop3A_1817 : vector<16xf32>
        %parallel_loop3A_1820 = arith.addf %parallel_loop3A_1740, %parallel_loop3A_1819 : vector<16xf32>
        %parallel_loop3A_1821 = vector.broadcast %parallel_loop3A_1746 : i32 to vector<16xi32>
        %parallel_loop3A_1822 = arith.addi %add3A_588, %parallel_loop3A_1821 : vector<16xi32>
        %parallel_loop3A_1823 = tpu.vector_load_idx %arg14[%parallel_loop3A_1822] : memref<8256xf32, #tpu.memory_space<vmem>>[vector<16xi32>], vector<16xf32>,
        %parallel_loop3A_1824 = arith.addf %parallel_loop3A_1823, %parallel_loop3A_1792 : vector<16xf32>
        %parallel_loop3A_1825 = arith.addf %parallel_loop3A_1733, %parallel_loop3A_1824 : vector<16xf32>
        %parallel_loop3A_1826 = arith.mulf %parallel_loop3A_1824, %parallel_loop3A_1824 : vector<16xf32>
        %parallel_loop3A_1827 = arith.addf %parallel_loop3A_1741, %parallel_loop3A_1826 : vector<16xf32>
        %parallel_loop3A_1828 = vector.broadcast %parallel_loop3A_1746 : i32 to vector<16xi32>
        %parallel_loop3A_1829 = arith.addi %add3A_591, %parallel_loop3A_1828 : vector<16xi32>
        %parallel_loop3A_1830 = tpu.vector_load_idx %arg14[%parallel_loop3A_1829] : memref<8256xf32, #tpu.memory_space<vmem>>[vector<16xi32>], vector<16xf32>,
        %parallel_loop3A_1831 = arith.addf %parallel_loop3A_1830, %parallel_loop3A_1792 : vector<16xf32>
        %parallel_loop3A_1832 = arith.addf %parallel_loop3A_1734, %parallel_loop3A_1831 : vector<16xf32>
        %parallel_loop3A_1833 = arith.mulf %parallel_loop3A_1831, %parallel_loop3A_1831 : vector<16xf32>
        %parallel_loop3A_1834 = arith.addf %parallel_loop3A_1742, %parallel_loop3A_1833 : vector<16xf32>
        %parallel_loop3A_1835 = vector.broadcast %parallel_loop3A_1746 : i32 to vector<16xi32>
        %parallel_loop3A_1836 = arith.addi %add3A_594, %parallel_loop3A_1835 : vector<16xi32>
        %parallel_loop3A_1837 = tpu.vector_load_idx %arg14[%parallel_loop3A_1836] : memref<8256xf32, #tpu.memory_space<vmem>>[vector<16xi32>], vector<16xf32>,
        %parallel_loop3A_1838 = arith.addf %parallel_loop3A_1837, %parallel_loop3A_1792 : vector<16xf32>
        %parallel_loop3A_1839 = arith.addf %parallel_loop3A_1735, %parallel_loop3A_1838 : vector<16xf32>
        %parallel_loop3A_1840 = arith.mulf %parallel_loop3A_1838, %parallel_loop3A_1838 : vector<16xf32>
        %parallel_loop3A_1841 = arith.addf %parallel_loop3A_1743, %parallel_loop3A_1840 : vector<16xf32>
        %parallel_loop3A_1842 = vector.broadcast %parallel_loop3A_1746 : i32 to vector<16xi32>
        %parallel_loop3A_1843 = arith.addi %add3A_597, %parallel_loop3A_1842 : vector<16xi32>
        %parallel_loop3A_1844 = tpu.vector_load_idx %arg14[%parallel_loop3A_1843] : memref<8256xf32, #tpu.memory_space<vmem>>[vector<16xi32>], vector<16xf32>,
        %parallel_loop3A_1845 = arith.addf %parallel_loop3A_1844, %parallel_loop3A_1792 : vector<16xf32>
        %parallel_loop3A_1846 = arith.addf %parallel_loop3A_1736, %parallel_loop3A_1845 : vector<16xf32>
        %parallel_loop3A_1847 = arith.mulf %parallel_loop3A_1845, %parallel_loop3A_1845 : vector<16xf32>
        %parallel_loop3A_1848 = arith.addf %parallel_loop3A_1744, %parallel_loop3A_1847 : vector<16xf32>
        scf.yield %parallel_loop3A_1797, %parallel_loop3A_1804, %parallel_loop3A_1811, %parallel_loop3A_1818, %parallel_loop3A_1825, %parallel_loop3A_1832, %parallel_loop3A_1839, %parallel_loop3A_1846, %parallel_loop3A_1799, %parallel_loop3A_1806, %parallel_loop3A_1813, %parallel_loop3A_1820, %parallel_loop3A_1827, %parallel_loop3A_1834, %parallel_loop3A_1841, %parallel_loop3A_1848 : vector<16xf32>, vector<16xf32>, vector<16xf32>, vector<16xf32>, vector<16xf32>, vector<16xf32>, vector<16xf32>, vector<16xf32>, vector<16xf32>, vector<16xf32>, vector<16xf32>, vector<16xf32>, vector<16xf32>, vector<16xf32>, vector<16xf32>, vector<16xf32>
      } {sc.loop_unroll_factor = 4 : i64, sc.parallel_access}
      %mul3A_603 = vector.broadcast %scan3A : f32 to vector<16xf32>
      %mul3A_604 = arith.mulf %parallel_loop3A_602#0, %mul3A_603 : vector<16xf32>
      %mul3A_605 = vector.broadcast %scan3A : f32 to vector<16xf32>
      %mul3A_606 = arith.mulf %parallel_loop3A_602#8, %mul3A_605 : vector<16xf32>
      %mul3A_607 = arith.mulf %mul3A_604, %mul3A_604 : vector<16xf32>
      %sub3A_608 = arith.subf %mul3A_606, %mul3A_607 : vector<16xf32>
      %add3A_609 = arith.constant 9.99999974E-6 : f32
      %add3A_610 = vector.broadcast %add3A_609 : f32 to vector<16xf32>
      %add3A_611 = arith.addf %sub3A_608, %add3A_610 : vector<16xf32>
      %bitcast_convert_type3A = tpu.bitcast %add3A_611 : vector<16xf32> -> vector<16xi32>
      %shift_right_logical3A = arith.constant 1 : i32
      %shift_right_logical3A_612 = vector.broadcast %shift_right_logical3A : i32 to vector<16xi32>
      %shift_right_logical3A_613 = arith.shrui %bitcast_convert_type3A, %shift_right_logical3A_612 : vector<16xi32>
      %sub3A_614 = arith.constant 1597463007 : i32
      %sub3A_615 = vector.broadcast %sub3A_614 : i32 to vector<16xi32>
      %sub3A_616 = arith.subi %sub3A_615, %shift_right_logical3A_613 : vector<16xi32>
      %bitcast_convert_type3A_617 = tpu.bitcast %sub3A_616 : vector<16xi32> -> vector<16xf32>
      %mul3A_618 = arith.constant 5.000000e-01 : f32
      %mul3A_619 = vector.broadcast %mul3A_618 : f32 to vector<16xf32>
      %mul3A_620 = arith.mulf %mul3A_619, %add3A_611 : vector<16xf32>
      %mul3A_621 = arith.mulf %mul3A_620, %bitcast_convert_type3A_617 : vector<16xf32>
      %mul3A_622 = arith.mulf %mul3A_621, %bitcast_convert_type3A_617 : vector<16xf32>
      %sub3A_623 = arith.constant 1.500000e+00 : f32
      %sub3A_624 = vector.broadcast %sub3A_623 : f32 to vector<16xf32>
      %sub3A_625 = arith.subf %sub3A_624, %mul3A_622 : vector<16xf32>
      %mul3A_626 = arith.mulf %bitcast_convert_type3A_617, %sub3A_625 : vector<16xf32>
      %mul3A_627 = arith.constant 5.000000e-01 : f32
      %mul3A_628 = vector.broadcast %mul3A_627 : f32 to vector<16xf32>
      %mul3A_629 = arith.mulf %mul3A_628, %add3A_611 : vector<16xf32>
      %mul3A_630 = arith.mulf %mul3A_629, %mul3A_626 : vector<16xf32>
      %mul3A_631 = arith.mulf %mul3A_630, %mul3A_626 : vector<16xf32>
      %sub3A_632 = arith.constant 1.500000e+00 : f32
      %sub3A_633 = vector.broadcast %sub3A_632 : f32 to vector<16xf32>
      %sub3A_634 = arith.subf %sub3A_633, %mul3A_631 : vector<16xf32>
      %mul3A_635 = arith.mulf %mul3A_626, %sub3A_634 : vector<16xf32>
      %mul3A_636 = arith.constant 5.000000e-01 : f32
      %mul3A_637 = vector.broadcast %mul3A_636 : f32 to vector<16xf32>
      %mul3A_638 = arith.mulf %mul3A_637, %add3A_611 : vector<16xf32>
      %mul3A_639 = arith.mulf %mul3A_638, %mul3A_635 : vector<16xf32>
      %mul3A_640 = arith.mulf %mul3A_639, %mul3A_635 : vector<16xf32>
      %sub3A_641 = arith.constant 1.500000e+00 : f32
      %sub3A_642 = vector.broadcast %sub3A_641 : f32 to vector<16xf32>
      %sub3A_643 = arith.subf %sub3A_642, %mul3A_640 : vector<16xf32>
      %mul3A_644 = arith.mulf %mul3A_635, %sub3A_643 : vector<16xf32>
      %mul3A_645 = vector.broadcast %scan3A : f32 to vector<16xf32>
      %mul3A_646 = arith.mulf %parallel_loop3A_602#1, %mul3A_645 : vector<16xf32>
      %mul3A_647 = vector.broadcast %scan3A : f32 to vector<16xf32>
      %mul3A_648 = arith.mulf %parallel_loop3A_602#9, %mul3A_647 : vector<16xf32>
      %mul3A_649 = arith.mulf %mul3A_646, %mul3A_646 : vector<16xf32>
      %sub3A_650 = arith.subf %mul3A_648, %mul3A_649 : vector<16xf32>
      %add3A_651 = arith.constant 9.99999974E-6 : f32
      %add3A_652 = vector.broadcast %add3A_651 : f32 to vector<16xf32>
      %add3A_653 = arith.addf %sub3A_650, %add3A_652 : vector<16xf32>
      %bitcast_convert_type3A_654 = tpu.bitcast %add3A_653 : vector<16xf32> -> vector<16xi32>
      %shift_right_logical3A_655 = arith.constant 1 : i32
      %shift_right_logical3A_656 = vector.broadcast %shift_right_logical3A_655 : i32 to vector<16xi32>
      %shift_right_logical3A_657 = arith.shrui %bitcast_convert_type3A_654, %shift_right_logical3A_656 : vector<16xi32>
      %sub3A_658 = arith.constant 1597463007 : i32
      %sub3A_659 = vector.broadcast %sub3A_658 : i32 to vector<16xi32>
      %sub3A_660 = arith.subi %sub3A_659, %shift_right_logical3A_657 : vector<16xi32>
      %bitcast_convert_type3A_661 = tpu.bitcast %sub3A_660 : vector<16xi32> -> vector<16xf32>
      %mul3A_662 = arith.constant 5.000000e-01 : f32
      %mul3A_663 = vector.broadcast %mul3A_662 : f32 to vector<16xf32>
      %mul3A_664 = arith.mulf %mul3A_663, %add3A_653 : vector<16xf32>
      %mul3A_665 = arith.mulf %mul3A_664, %bitcast_convert_type3A_661 : vector<16xf32>
      %mul3A_666 = arith.mulf %mul3A_665, %bitcast_convert_type3A_661 : vector<16xf32>
      %sub3A_667 = arith.constant 1.500000e+00 : f32
      %sub3A_668 = vector.broadcast %sub3A_667 : f32 to vector<16xf32>
      %sub3A_669 = arith.subf %sub3A_668, %mul3A_666 : vector<16xf32>
      %mul3A_670 = arith.mulf %bitcast_convert_type3A_661, %sub3A_669 : vector<16xf32>
      %mul3A_671 = arith.constant 5.000000e-01 : f32
      %mul3A_672 = vector.broadcast %mul3A_671 : f32 to vector<16xf32>
      %mul3A_673 = arith.mulf %mul3A_672, %add3A_653 : vector<16xf32>
      %mul3A_674 = arith.mulf %mul3A_673, %mul3A_670 : vector<16xf32>
      %mul3A_675 = arith.mulf %mul3A_674, %mul3A_670 : vector<16xf32>
      %sub3A_676 = arith.constant 1.500000e+00 : f32
      %sub3A_677 = vector.broadcast %sub3A_676 : f32 to vector<16xf32>
      %sub3A_678 = arith.subf %sub3A_677, %mul3A_675 : vector<16xf32>
      %mul3A_679 = arith.mulf %mul3A_670, %sub3A_678 : vector<16xf32>
      %mul3A_680 = arith.constant 5.000000e-01 : f32
      %mul3A_681 = vector.broadcast %mul3A_680 : f32 to vector<16xf32>
      %mul3A_682 = arith.mulf %mul3A_681, %add3A_653 : vector<16xf32>
      %mul3A_683 = arith.mulf %mul3A_682, %mul3A_679 : vector<16xf32>
      %mul3A_684 = arith.mulf %mul3A_683, %mul3A_679 : vector<16xf32>
      %sub3A_685 = arith.constant 1.500000e+00 : f32
      %sub3A_686 = vector.broadcast %sub3A_685 : f32 to vector<16xf32>
      %sub3A_687 = arith.subf %sub3A_686, %mul3A_684 : vector<16xf32>
      %mul3A_688 = arith.mulf %mul3A_679, %sub3A_687 : vector<16xf32>
      %mul3A_689 = vector.broadcast %scan3A : f32 to vector<16xf32>
      %mul3A_690 = arith.mulf %parallel_loop3A_602#2, %mul3A_689 : vector<16xf32>
      %mul3A_691 = vector.broadcast %scan3A : f32 to vector<16xf32>
      %mul3A_692 = arith.mulf %parallel_loop3A_602#10, %mul3A_691 : vector<16xf32>
      %mul3A_693 = arith.mulf %mul3A_690, %mul3A_690 : vector<16xf32>
      %sub3A_694 = arith.subf %mul3A_692, %mul3A_693 : vector<16xf32>
      %add3A_695 = arith.constant 9.99999974E-6 : f32
      %add3A_696 = vector.broadcast %add3A_695 : f32 to vector<16xf32>
      %add3A_697 = arith.addf %sub3A_694, %add3A_696 : vector<16xf32>
      %bitcast_convert_type3A_698 = tpu.bitcast %add3A_697 : vector<16xf32> -> vector<16xi32>
      %shift_right_logical3A_699 = arith.constant 1 : i32
      %shift_right_logical3A_700 = vector.broadcast %shift_right_logical3A_699 : i32 to vector<16xi32>
      %shift_right_logical3A_701 = arith.shrui %bitcast_convert_type3A_698, %shift_right_logical3A_700 : vector<16xi32>
      %sub3A_702 = arith.constant 1597463007 : i32
      %sub3A_703 = vector.broadcast %sub3A_702 : i32 to vector<16xi32>
      %sub3A_704 = arith.subi %sub3A_703, %shift_right_logical3A_701 : vector<16xi32>
      %bitcast_convert_type3A_705 = tpu.bitcast %sub3A_704 : vector<16xi32> -> vector<16xf32>
      %mul3A_706 = arith.constant 5.000000e-01 : f32
      %mul3A_707 = vector.broadcast %mul3A_706 : f32 to vector<16xf32>
      %mul3A_708 = arith.mulf %mul3A_707, %add3A_697 : vector<16xf32>
      %mul3A_709 = arith.mulf %mul3A_708, %bitcast_convert_type3A_705 : vector<16xf32>
      %mul3A_710 = arith.mulf %mul3A_709, %bitcast_convert_type3A_705 : vector<16xf32>
      %sub3A_711 = arith.constant 1.500000e+00 : f32
      %sub3A_712 = vector.broadcast %sub3A_711 : f32 to vector<16xf32>
      %sub3A_713 = arith.subf %sub3A_712, %mul3A_710 : vector<16xf32>
      %mul3A_714 = arith.mulf %bitcast_convert_type3A_705, %sub3A_713 : vector<16xf32>
      %mul3A_715 = arith.constant 5.000000e-01 : f32
      %mul3A_716 = vector.broadcast %mul3A_715 : f32 to vector<16xf32>
      %mul3A_717 = arith.mulf %mul3A_716, %add3A_697 : vector<16xf32>
      %mul3A_718 = arith.mulf %mul3A_717, %mul3A_714 : vector<16xf32>
      %mul3A_719 = arith.mulf %mul3A_718, %mul3A_714 : vector<16xf32>
      %sub3A_720 = arith.constant 1.500000e+00 : f32
      %sub3A_721 = vector.broadcast %sub3A_720 : f32 to vector<16xf32>
      %sub3A_722 = arith.subf %sub3A_721, %mul3A_719 : vector<16xf32>
      %mul3A_723 = arith.mulf %mul3A_714, %sub3A_722 : vector<16xf32>
      %mul3A_724 = arith.constant 5.000000e-01 : f32
      %mul3A_725 = vector.broadcast %mul3A_724 : f32 to vector<16xf32>
      %mul3A_726 = arith.mulf %mul3A_725, %add3A_697 : vector<16xf32>
      %mul3A_727 = arith.mulf %mul3A_726, %mul3A_723 : vector<16xf32>
      %mul3A_728 = arith.mulf %mul3A_727, %mul3A_723 : vector<16xf32>
      %sub3A_729 = arith.constant 1.500000e+00 : f32
      %sub3A_730 = vector.broadcast %sub3A_729 : f32 to vector<16xf32>
      %sub3A_731 = arith.subf %sub3A_730, %mul3A_728 : vector<16xf32>
      %mul3A_732 = arith.mulf %mul3A_723, %sub3A_731 : vector<16xf32>
      %mul3A_733 = vector.broadcast %scan3A : f32 to vector<16xf32>
      %mul3A_734 = arith.mulf %parallel_loop3A_602#3, %mul3A_733 : vector<16xf32>
      %mul3A_735 = vector.broadcast %scan3A : f32 to vector<16xf32>
      %mul3A_736 = arith.mulf %parallel_loop3A_602#11, %mul3A_735 : vector<16xf32>
      %mul3A_737 = arith.mulf %mul3A_734, %mul3A_734 : vector<16xf32>
      %sub3A_738 = arith.subf %mul3A_736, %mul3A_737 : vector<16xf32>
      %add3A_739 = arith.constant 9.99999974E-6 : f32
      %add3A_740 = vector.broadcast %add3A_739 : f32 to vector<16xf32>
      %add3A_741 = arith.addf %sub3A_738, %add3A_740 : vector<16xf32>
      %bitcast_convert_type3A_742 = tpu.bitcast %add3A_741 : vector<16xf32> -> vector<16xi32>
      %shift_right_logical3A_743 = arith.constant 1 : i32
      %shift_right_logical3A_744 = vector.broadcast %shift_right_logical3A_743 : i32 to vector<16xi32>
      %shift_right_logical3A_745 = arith.shrui %bitcast_convert_type3A_742, %shift_right_logical3A_744 : vector<16xi32>
      %sub3A_746 = arith.constant 1597463007 : i32
      %sub3A_747 = vector.broadcast %sub3A_746 : i32 to vector<16xi32>
      %sub3A_748 = arith.subi %sub3A_747, %shift_right_logical3A_745 : vector<16xi32>
      %bitcast_convert_type3A_749 = tpu.bitcast %sub3A_748 : vector<16xi32> -> vector<16xf32>
      %mul3A_750 = arith.constant 5.000000e-01 : f32
      %mul3A_751 = vector.broadcast %mul3A_750 : f32 to vector<16xf32>
      %mul3A_752 = arith.mulf %mul3A_751, %add3A_741 : vector<16xf32>
      %mul3A_753 = arith.mulf %mul3A_752, %bitcast_convert_type3A_749 : vector<16xf32>
      %mul3A_754 = arith.mulf %mul3A_753, %bitcast_convert_type3A_749 : vector<16xf32>
      %sub3A_755 = arith.constant 1.500000e+00 : f32
      %sub3A_756 = vector.broadcast %sub3A_755 : f32 to vector<16xf32>
      %sub3A_757 = arith.subf %sub3A_756, %mul3A_754 : vector<16xf32>
      %mul3A_758 = arith.mulf %bitcast_convert_type3A_749, %sub3A_757 : vector<16xf32>
      %mul3A_759 = arith.constant 5.000000e-01 : f32
      %mul3A_760 = vector.broadcast %mul3A_759 : f32 to vector<16xf32>
      %mul3A_761 = arith.mulf %mul3A_760, %add3A_741 : vector<16xf32>
      %mul3A_762 = arith.mulf %mul3A_761, %mul3A_758 : vector<16xf32>
      %mul3A_763 = arith.mulf %mul3A_762, %mul3A_758 : vector<16xf32>
      %sub3A_764 = arith.constant 1.500000e+00 : f32
      %sub3A_765 = vector.broadcast %sub3A_764 : f32 to vector<16xf32>
      %sub3A_766 = arith.subf %sub3A_765, %mul3A_763 : vector<16xf32>
      %mul3A_767 = arith.mulf %mul3A_758, %sub3A_766 : vector<16xf32>
      %mul3A_768 = arith.constant 5.000000e-01 : f32
      %mul3A_769 = vector.broadcast %mul3A_768 : f32 to vector<16xf32>
      %mul3A_770 = arith.mulf %mul3A_769, %add3A_741 : vector<16xf32>
      %mul3A_771 = arith.mulf %mul3A_770, %mul3A_767 : vector<16xf32>
      %mul3A_772 = arith.mulf %mul3A_771, %mul3A_767 : vector<16xf32>
      %sub3A_773 = arith.constant 1.500000e+00 : f32
      %sub3A_774 = vector.broadcast %sub3A_773 : f32 to vector<16xf32>
      %sub3A_775 = arith.subf %sub3A_774, %mul3A_772 : vector<16xf32>
      %mul3A_776 = arith.mulf %mul3A_767, %sub3A_775 : vector<16xf32>
      %mul3A_777 = vector.broadcast %scan3A : f32 to vector<16xf32>
      %mul3A_778 = arith.mulf %parallel_loop3A_602#4, %mul3A_777 : vector<16xf32>
      %mul3A_779 = vector.broadcast %scan3A : f32 to vector<16xf32>
      %mul3A_780 = arith.mulf %parallel_loop3A_602#12, %mul3A_779 : vector<16xf32>
      %mul3A_781 = arith.mulf %mul3A_778, %mul3A_778 : vector<16xf32>
      %sub3A_782 = arith.subf %mul3A_780, %mul3A_781 : vector<16xf32>
      %add3A_783 = arith.constant 9.99999974E-6 : f32
      %add3A_784 = vector.broadcast %add3A_783 : f32 to vector<16xf32>
      %add3A_785 = arith.addf %sub3A_782, %add3A_784 : vector<16xf32>
      %bitcast_convert_type3A_786 = tpu.bitcast %add3A_785 : vector<16xf32> -> vector<16xi32>
      %shift_right_logical3A_787 = arith.constant 1 : i32
      %shift_right_logical3A_788 = vector.broadcast %shift_right_logical3A_787 : i32 to vector<16xi32>
      %shift_right_logical3A_789 = arith.shrui %bitcast_convert_type3A_786, %shift_right_logical3A_788 : vector<16xi32>
      %sub3A_790 = arith.constant 1597463007 : i32
      %sub3A_791 = vector.broadcast %sub3A_790 : i32 to vector<16xi32>
      %sub3A_792 = arith.subi %sub3A_791, %shift_right_logical3A_789 : vector<16xi32>
      %bitcast_convert_type3A_793 = tpu.bitcast %sub3A_792 : vector<16xi32> -> vector<16xf32>
      %mul3A_794 = arith.constant 5.000000e-01 : f32
      %mul3A_795 = vector.broadcast %mul3A_794 : f32 to vector<16xf32>
      %mul3A_796 = arith.mulf %mul3A_795, %add3A_785 : vector<16xf32>
      %mul3A_797 = arith.mulf %mul3A_796, %bitcast_convert_type3A_793 : vector<16xf32>
      %mul3A_798 = arith.mulf %mul3A_797, %bitcast_convert_type3A_793 : vector<16xf32>
      %sub3A_799 = arith.constant 1.500000e+00 : f32
      %sub3A_800 = vector.broadcast %sub3A_799 : f32 to vector<16xf32>
      %sub3A_801 = arith.subf %sub3A_800, %mul3A_798 : vector<16xf32>
      %mul3A_802 = arith.mulf %bitcast_convert_type3A_793, %sub3A_801 : vector<16xf32>
      %mul3A_803 = arith.constant 5.000000e-01 : f32
      %mul3A_804 = vector.broadcast %mul3A_803 : f32 to vector<16xf32>
      %mul3A_805 = arith.mulf %mul3A_804, %add3A_785 : vector<16xf32>
      %mul3A_806 = arith.mulf %mul3A_805, %mul3A_802 : vector<16xf32>
      %mul3A_807 = arith.mulf %mul3A_806, %mul3A_802 : vector<16xf32>
      %sub3A_808 = arith.constant 1.500000e+00 : f32
      %sub3A_809 = vector.broadcast %sub3A_808 : f32 to vector<16xf32>
      %sub3A_810 = arith.subf %sub3A_809, %mul3A_807 : vector<16xf32>
      %mul3A_811 = arith.mulf %mul3A_802, %sub3A_810 : vector<16xf32>
      %mul3A_812 = arith.constant 5.000000e-01 : f32
      %mul3A_813 = vector.broadcast %mul3A_812 : f32 to vector<16xf32>
      %mul3A_814 = arith.mulf %mul3A_813, %add3A_785 : vector<16xf32>
      %mul3A_815 = arith.mulf %mul3A_814, %mul3A_811 : vector<16xf32>
      %mul3A_816 = arith.mulf %mul3A_815, %mul3A_811 : vector<16xf32>
      %sub3A_817 = arith.constant 1.500000e+00 : f32
      %sub3A_818 = vector.broadcast %sub3A_817 : f32 to vector<16xf32>
      %sub3A_819 = arith.subf %sub3A_818, %mul3A_816 : vector<16xf32>
      %mul3A_820 = arith.mulf %mul3A_811, %sub3A_819 : vector<16xf32>
      %mul3A_821 = vector.broadcast %scan3A : f32 to vector<16xf32>
      %mul3A_822 = arith.mulf %parallel_loop3A_602#5, %mul3A_821 : vector<16xf32>
      %mul3A_823 = vector.broadcast %scan3A : f32 to vector<16xf32>
      %mul3A_824 = arith.mulf %parallel_loop3A_602#13, %mul3A_823 : vector<16xf32>
      %mul3A_825 = arith.mulf %mul3A_822, %mul3A_822 : vector<16xf32>
      %sub3A_826 = arith.subf %mul3A_824, %mul3A_825 : vector<16xf32>
      %add3A_827 = arith.constant 9.99999974E-6 : f32
      %add3A_828 = vector.broadcast %add3A_827 : f32 to vector<16xf32>
      %add3A_829 = arith.addf %sub3A_826, %add3A_828 : vector<16xf32>
      %bitcast_convert_type3A_830 = tpu.bitcast %add3A_829 : vector<16xf32> -> vector<16xi32>
      %shift_right_logical3A_831 = arith.constant 1 : i32
      %shift_right_logical3A_832 = vector.broadcast %shift_right_logical3A_831 : i32 to vector<16xi32>
      %shift_right_logical3A_833 = arith.shrui %bitcast_convert_type3A_830, %shift_right_logical3A_832 : vector<16xi32>
      %sub3A_834 = arith.constant 1597463007 : i32
      %sub3A_835 = vector.broadcast %sub3A_834 : i32 to vector<16xi32>
      %sub3A_836 = arith.subi %sub3A_835, %shift_right_logical3A_833 : vector<16xi32>
      %bitcast_convert_type3A_837 = tpu.bitcast %sub3A_836 : vector<16xi32> -> vector<16xf32>
      %mul3A_838 = arith.constant 5.000000e-01 : f32
      %mul3A_839 = vector.broadcast %mul3A_838 : f32 to vector<16xf32>
      %mul3A_840 = arith.mulf %mul3A_839, %add3A_829 : vector<16xf32>
      %mul3A_841 = arith.mulf %mul3A_840, %bitcast_convert_type3A_837 : vector<16xf32>
      %mul3A_842 = arith.mulf %mul3A_841, %bitcast_convert_type3A_837 : vector<16xf32>
      %sub3A_843 = arith.constant 1.500000e+00 : f32
      %sub3A_844 = vector.broadcast %sub3A_843 : f32 to vector<16xf32>
      %sub3A_845 = arith.subf %sub3A_844, %mul3A_842 : vector<16xf32>
      %mul3A_846 = arith.mulf %bitcast_convert_type3A_837, %sub3A_845 : vector<16xf32>
      %mul3A_847 = arith.constant 5.000000e-01 : f32
      %mul3A_848 = vector.broadcast %mul3A_847 : f32 to vector<16xf32>
      %mul3A_849 = arith.mulf %mul3A_848, %add3A_829 : vector<16xf32>
      %mul3A_850 = arith.mulf %mul3A_849, %mul3A_846 : vector<16xf32>
      %mul3A_851 = arith.mulf %mul3A_850, %mul3A_846 : vector<16xf32>
      %sub3A_852 = arith.constant 1.500000e+00 : f32
      %sub3A_853 = vector.broadcast %sub3A_852 : f32 to vector<16xf32>
      %sub3A_854 = arith.subf %sub3A_853, %mul3A_851 : vector<16xf32>
      %mul3A_855 = arith.mulf %mul3A_846, %sub3A_854 : vector<16xf32>
      %mul3A_856 = arith.constant 5.000000e-01 : f32
      %mul3A_857 = vector.broadcast %mul3A_856 : f32 to vector<16xf32>
      %mul3A_858 = arith.mulf %mul3A_857, %add3A_829 : vector<16xf32>
      %mul3A_859 = arith.mulf %mul3A_858, %mul3A_855 : vector<16xf32>
      %mul3A_860 = arith.mulf %mul3A_859, %mul3A_855 : vector<16xf32>
      %sub3A_861 = arith.constant 1.500000e+00 : f32
      %sub3A_862 = vector.broadcast %sub3A_861 : f32 to vector<16xf32>
      %sub3A_863 = arith.subf %sub3A_862, %mul3A_860 : vector<16xf32>
      %mul3A_864 = arith.mulf %mul3A_855, %sub3A_863 : vector<16xf32>
      %mul3A_865 = vector.broadcast %scan3A : f32 to vector<16xf32>
      %mul3A_866 = arith.mulf %parallel_loop3A_602#6, %mul3A_865 : vector<16xf32>
      %mul3A_867 = vector.broadcast %scan3A : f32 to vector<16xf32>
      %mul3A_868 = arith.mulf %parallel_loop3A_602#14, %mul3A_867 : vector<16xf32>
      %mul3A_869 = arith.mulf %mul3A_866, %mul3A_866 : vector<16xf32>
      %sub3A_870 = arith.subf %mul3A_868, %mul3A_869 : vector<16xf32>
      %add3A_871 = arith.constant 9.99999974E-6 : f32
      %add3A_872 = vector.broadcast %add3A_871 : f32 to vector<16xf32>
      %add3A_873 = arith.addf %sub3A_870, %add3A_872 : vector<16xf32>
      %bitcast_convert_type3A_874 = tpu.bitcast %add3A_873 : vector<16xf32> -> vector<16xi32>
      %shift_right_logical3A_875 = arith.constant 1 : i32
      %shift_right_logical3A_876 = vector.broadcast %shift_right_logical3A_875 : i32 to vector<16xi32>
      %shift_right_logical3A_877 = arith.shrui %bitcast_convert_type3A_874, %shift_right_logical3A_876 : vector<16xi32>
      %sub3A_878 = arith.constant 1597463007 : i32
      %sub3A_879 = vector.broadcast %sub3A_878 : i32 to vector<16xi32>
      %sub3A_880 = arith.subi %sub3A_879, %shift_right_logical3A_877 : vector<16xi32>
      %bitcast_convert_type3A_881 = tpu.bitcast %sub3A_880 : vector<16xi32> -> vector<16xf32>
      %mul3A_882 = arith.constant 5.000000e-01 : f32
      %mul3A_883 = vector.broadcast %mul3A_882 : f32 to vector<16xf32>
      %mul3A_884 = arith.mulf %mul3A_883, %add3A_873 : vector<16xf32>
      %mul3A_885 = arith.mulf %mul3A_884, %bitcast_convert_type3A_881 : vector<16xf32>
      %mul3A_886 = arith.mulf %mul3A_885, %bitcast_convert_type3A_881 : vector<16xf32>
      %sub3A_887 = arith.constant 1.500000e+00 : f32
      %sub3A_888 = vector.broadcast %sub3A_887 : f32 to vector<16xf32>
      %sub3A_889 = arith.subf %sub3A_888, %mul3A_886 : vector<16xf32>
      %mul3A_890 = arith.mulf %bitcast_convert_type3A_881, %sub3A_889 : vector<16xf32>
      %mul3A_891 = arith.constant 5.000000e-01 : f32
      %mul3A_892 = vector.broadcast %mul3A_891 : f32 to vector<16xf32>
      %mul3A_893 = arith.mulf %mul3A_892, %add3A_873 : vector<16xf32>
      %mul3A_894 = arith.mulf %mul3A_893, %mul3A_890 : vector<16xf32>
      %mul3A_895 = arith.mulf %mul3A_894, %mul3A_890 : vector<16xf32>
      %sub3A_896 = arith.constant 1.500000e+00 : f32
      %sub3A_897 = vector.broadcast %sub3A_896 : f32 to vector<16xf32>
      %sub3A_898 = arith.subf %sub3A_897, %mul3A_895 : vector<16xf32>
      %mul3A_899 = arith.mulf %mul3A_890, %sub3A_898 : vector<16xf32>
      %mul3A_900 = arith.constant 5.000000e-01 : f32
      %mul3A_901 = vector.broadcast %mul3A_900 : f32 to vector<16xf32>
      %mul3A_902 = arith.mulf %mul3A_901, %add3A_873 : vector<16xf32>
      %mul3A_903 = arith.mulf %mul3A_902, %mul3A_899 : vector<16xf32>
      %mul3A_904 = arith.mulf %mul3A_903, %mul3A_899 : vector<16xf32>
      %sub3A_905 = arith.constant 1.500000e+00 : f32
      %sub3A_906 = vector.broadcast %sub3A_905 : f32 to vector<16xf32>
      %sub3A_907 = arith.subf %sub3A_906, %mul3A_904 : vector<16xf32>
      %mul3A_908 = arith.mulf %mul3A_899, %sub3A_907 : vector<16xf32>
      %mul3A_909 = vector.broadcast %scan3A : f32 to vector<16xf32>
      %mul3A_910 = arith.mulf %parallel_loop3A_602#7, %mul3A_909 : vector<16xf32>
      %mul3A_911 = vector.broadcast %scan3A : f32 to vector<16xf32>
      %mul3A_912 = arith.mulf %parallel_loop3A_602#15, %mul3A_911 : vector<16xf32>
      %mul3A_913 = arith.mulf %mul3A_910, %mul3A_910 : vector<16xf32>
      %sub3A_914 = arith.subf %mul3A_912, %mul3A_913 : vector<16xf32>
      %add3A_915 = arith.constant 9.99999974E-6 : f32
      %add3A_916 = vector.broadcast %add3A_915 : f32 to vector<16xf32>
      %add3A_917 = arith.addf %sub3A_914, %add3A_916 : vector<16xf32>
      %bitcast_convert_type3A_918 = tpu.bitcast %add3A_917 : vector<16xf32> -> vector<16xi32>
      %shift_right_logical3A_919 = arith.constant 1 : i32
      %shift_right_logical3A_920 = vector.broadcast %shift_right_logical3A_919 : i32 to vector<16xi32>
      %shift_right_logical3A_921 = arith.shrui %bitcast_convert_type3A_918, %shift_right_logical3A_920 : vector<16xi32>
      %sub3A_922 = arith.constant 1597463007 : i32
      %sub3A_923 = vector.broadcast %sub3A_922 : i32 to vector<16xi32>
      %sub3A_924 = arith.subi %sub3A_923, %shift_right_logical3A_921 : vector<16xi32>
      %bitcast_convert_type3A_925 = tpu.bitcast %sub3A_924 : vector<16xi32> -> vector<16xf32>
      %mul3A_926 = arith.constant 5.000000e-01 : f32
      %mul3A_927 = vector.broadcast %mul3A_926 : f32 to vector<16xf32>
      %mul3A_928 = arith.mulf %mul3A_927, %add3A_917 : vector<16xf32>
      %mul3A_929 = arith.mulf %mul3A_928, %bitcast_convert_type3A_925 : vector<16xf32>
      %mul3A_930 = arith.mulf %mul3A_929, %bitcast_convert_type3A_925 : vector<16xf32>
      %sub3A_931 = arith.constant 1.500000e+00 : f32
      %sub3A_932 = vector.broadcast %sub3A_931 : f32 to vector<16xf32>
      %sub3A_933 = arith.subf %sub3A_932, %mul3A_930 : vector<16xf32>
      %mul3A_934 = arith.mulf %bitcast_convert_type3A_925, %sub3A_933 : vector<16xf32>
      %mul3A_935 = arith.constant 5.000000e-01 : f32
      %mul3A_936 = vector.broadcast %mul3A_935 : f32 to vector<16xf32>
      %mul3A_937 = arith.mulf %mul3A_936, %add3A_917 : vector<16xf32>
      %mul3A_938 = arith.mulf %mul3A_937, %mul3A_934 : vector<16xf32>
      %mul3A_939 = arith.mulf %mul3A_938, %mul3A_934 : vector<16xf32>
      %sub3A_940 = arith.constant 1.500000e+00 : f32
      %sub3A_941 = vector.broadcast %sub3A_940 : f32 to vector<16xf32>
      %sub3A_942 = arith.subf %sub3A_941, %mul3A_939 : vector<16xf32>
      %mul3A_943 = arith.mulf %mul3A_934, %sub3A_942 : vector<16xf32>
      %mul3A_944 = arith.constant 5.000000e-01 : f32
      %mul3A_945 = vector.broadcast %mul3A_944 : f32 to vector<16xf32>
      %mul3A_946 = arith.mulf %mul3A_945, %add3A_917 : vector<16xf32>
      %mul3A_947 = arith.mulf %mul3A_946, %mul3A_943 : vector<16xf32>
      %mul3A_948 = arith.mulf %mul3A_947, %mul3A_943 : vector<16xf32>
      %sub3A_949 = arith.constant 1.500000e+00 : f32
      %sub3A_950 = vector.broadcast %sub3A_949 : f32 to vector<16xf32>
      %sub3A_951 = arith.subf %sub3A_950, %mul3A_948 : vector<16xf32>
      %mul3A_952 = arith.mulf %mul3A_943, %sub3A_951 : vector<16xf32>
      %parallel_loop3A_953 = arith.constant 0 : i32
      %parallel_loop3A_954 = arith.constant 64 : i32
      %parallel_loop3A_955 = arith.constant 1 : i32
      scf.for %parallel_loop3A_1728 = %parallel_loop3A_953 to %parallel_loop3A_954 step %parallel_loop3A_955  : i32 {
        %parallel_loop3A_1729 = arith.constant 129 : i32
        %parallel_loop3A_1730 = arith.muli %parallel_loop3A_1728, %parallel_loop3A_1729 : i32
        %parallel_loop3A_1731 = arith.constant 8 : i32
        %parallel_loop3A_1732 = arith.divsi %parallel_loop3A_1728, %parallel_loop3A_1731 : i32
        %parallel_loop3A_1733 = arith.constant 0 : i32
        %parallel_loop3A_1734 = arith.cmpi sgt, %parallel_loop3A_1728, %parallel_loop3A_1733 : i32
        %parallel_loop3A_1735 = arith.extui %parallel_loop3A_1734 : i1 to i32
        %parallel_loop3A_1736 = arith.constant 0 : i32
        %parallel_loop3A_1737 = arith.cmpi slt, %parallel_loop3A_1728, %parallel_loop3A_1736 : i32
        %parallel_loop3A_1738 = arith.extui %parallel_loop3A_1737 : i1 to i32
        %parallel_loop3A_1739 = arith.subi %parallel_loop3A_1735, %parallel_loop3A_1738 : i32
        %parallel_loop3A_1740 = arith.constant 0 : i32
        %parallel_loop3A_1741 = arith.cmpi sgt, %parallel_loop3A_1731, %parallel_loop3A_1740 : i32
        %parallel_loop3A_1742 = arith.extui %parallel_loop3A_1741 : i1 to i32
        %parallel_loop3A_1743 = arith.constant 0 : i32
        %parallel_loop3A_1744 = arith.cmpi slt, %parallel_loop3A_1731, %parallel_loop3A_1743 : i32
        %parallel_loop3A_1745 = arith.extui %parallel_loop3A_1744 : i1 to i32
        %parallel_loop3A_1746 = arith.subi %parallel_loop3A_1742, %parallel_loop3A_1745 : i32
        %parallel_loop3A_1747 = arith.cmpi ne, %parallel_loop3A_1739, %parallel_loop3A_1746 : i32
        %parallel_loop3A_1748 = arith.remsi %parallel_loop3A_1728, %parallel_loop3A_1731 : i32
        %parallel_loop3A_1749 = arith.constant 0 : i32
        %parallel_loop3A_1750 = arith.cmpi ne, %parallel_loop3A_1748, %parallel_loop3A_1749 : i32
        %parallel_loop3A_1751 = arith.andi %parallel_loop3A_1747, %parallel_loop3A_1750 : i1
        %parallel_loop3A_1752 = arith.constant 1 : i32
        %parallel_loop3A_1753 = arith.subi %parallel_loop3A_1732, %parallel_loop3A_1752 : i32
        %parallel_loop3A_1754 = arith.select %parallel_loop3A_1751, %parallel_loop3A_1753, %parallel_loop3A_1732 : i32
        %parallel_loop3A_1755 = arith.constant 8 : i32
        %parallel_loop3A_1756 = arith.constant 0 : i32
        %parallel_loop3A_1757 = arith.cmpi eq, %parallel_loop3A_1755, %parallel_loop3A_1756 : i32
        %parallel_loop3A_1758 = arith.constant 1 : i32
        %parallel_loop3A_1759 = arith.select %parallel_loop3A_1757, %parallel_loop3A_1758, %parallel_loop3A_1755 : i32
        %parallel_loop3A_1760 = arith.remsi %parallel_loop3A_1728, %parallel_loop3A_1759 : i32
        %parallel_loop3A_1761 = arith.constant 0 : i32
        %parallel_loop3A_1762 = arith.cmpi ne, %parallel_loop3A_1760, %parallel_loop3A_1761 : i32
        %parallel_loop3A_1763 = arith.constant 0 : i32
        %parallel_loop3A_1764 = arith.cmpi slt, %parallel_loop3A_1760, %parallel_loop3A_1763 : i32
        %parallel_loop3A_1765 = arith.constant 0 : i32
        %parallel_loop3A_1766 = arith.cmpi slt, %parallel_loop3A_1759, %parallel_loop3A_1765 : i32
        %parallel_loop3A_1767 = arith.xori %parallel_loop3A_1764, %parallel_loop3A_1766 : i1
        %parallel_loop3A_1768 = arith.andi %parallel_loop3A_1767, %parallel_loop3A_1762 : i1
        %parallel_loop3A_1769 = arith.addi %parallel_loop3A_1760, %parallel_loop3A_1759 : i32
        %parallel_loop3A_1770 = arith.select %parallel_loop3A_1768, %parallel_loop3A_1769, %parallel_loop3A_1760 : i32
        %parallel_loop3A_1771 = arith.constant 16 : i32
        %parallel_loop3A_1772 = arith.muli %parallel_loop3A_1770, %parallel_loop3A_1771 : i32
        %parallel_loop3A_1773 = arith.index_cast %sub3A_571 : i32 to index
        %parallel_loop3A_1774 = arith.index_cast %parallel_loop3A_1754 : i32 to index
        %parallel_loop3A_1775 = arith.index_cast %parallel_loop3A_1772 : i32 to index
        %parallel_loop3A_1776 = tpu.vector_load %arg8[%parallel_loop3A_1773, %parallel_loop3A_1774, %parallel_loop3A_1775] {strides = array<i32>} : memref<16x8x128xf32, #tpu.memory_space<vmem>>, vector<16xf32>,
        %parallel_loop3A_1777 = arith.constant 8 : i32
        %parallel_loop3A_1778 = arith.divsi %parallel_loop3A_1728, %parallel_loop3A_1777 : i32
        %parallel_loop3A_1779 = arith.constant 0 : i32
        %parallel_loop3A_1780 = arith.cmpi sgt, %parallel_loop3A_1728, %parallel_loop3A_1779 : i32
        %parallel_loop3A_1781 = arith.extui %parallel_loop3A_1780 : i1 to i32
        %parallel_loop3A_1782 = arith.constant 0 : i32
        %parallel_loop3A_1783 = arith.cmpi slt, %parallel_loop3A_1728, %parallel_loop3A_1782 : i32
        %parallel_loop3A_1784 = arith.extui %parallel_loop3A_1783 : i1 to i32
        %parallel_loop3A_1785 = arith.subi %parallel_loop3A_1781, %parallel_loop3A_1784 : i32
        %parallel_loop3A_1786 = arith.constant 0 : i32
        %parallel_loop3A_1787 = arith.cmpi sgt, %parallel_loop3A_1777, %parallel_loop3A_1786 : i32
        %parallel_loop3A_1788 = arith.extui %parallel_loop3A_1787 : i1 to i32
        %parallel_loop3A_1789 = arith.constant 0 : i32
        %parallel_loop3A_1790 = arith.cmpi slt, %parallel_loop3A_1777, %parallel_loop3A_1789 : i32
        %parallel_loop3A_1791 = arith.extui %parallel_loop3A_1790 : i1 to i32
        %parallel_loop3A_1792 = arith.subi %parallel_loop3A_1788, %parallel_loop3A_1791 : i32
        %parallel_loop3A_1793 = arith.cmpi ne, %parallel_loop3A_1785, %parallel_loop3A_1792 : i32
        %parallel_loop3A_1794 = arith.remsi %parallel_loop3A_1728, %parallel_loop3A_1777 : i32
        %parallel_loop3A_1795 = arith.constant 0 : i32
        %parallel_loop3A_1796 = arith.cmpi ne, %parallel_loop3A_1794, %parallel_loop3A_1795 : i32
        %parallel_loop3A_1797 = arith.andi %parallel_loop3A_1793, %parallel_loop3A_1796 : i1
        %parallel_loop3A_1798 = arith.constant 1 : i32
        %parallel_loop3A_1799 = arith.subi %parallel_loop3A_1778, %parallel_loop3A_1798 : i32
        %parallel_loop3A_1800 = arith.select %parallel_loop3A_1797, %parallel_loop3A_1799, %parallel_loop3A_1778 : i32
        %parallel_loop3A_1801 = arith.constant 8 : i32
        %parallel_loop3A_1802 = arith.constant 0 : i32
        %parallel_loop3A_1803 = arith.cmpi eq, %parallel_loop3A_1801, %parallel_loop3A_1802 : i32
        %parallel_loop3A_1804 = arith.constant 1 : i32
        %parallel_loop3A_1805 = arith.select %parallel_loop3A_1803, %parallel_loop3A_1804, %parallel_loop3A_1801 : i32
        %parallel_loop3A_1806 = arith.remsi %parallel_loop3A_1728, %parallel_loop3A_1805 : i32
        %parallel_loop3A_1807 = arith.constant 0 : i32
        %parallel_loop3A_1808 = arith.cmpi ne, %parallel_loop3A_1806, %parallel_loop3A_1807 : i32
        %parallel_loop3A_1809 = arith.constant 0 : i32
        %parallel_loop3A_1810 = arith.cmpi slt, %parallel_loop3A_1806, %parallel_loop3A_1809 : i32
        %parallel_loop3A_1811 = arith.constant 0 : i32
        %parallel_loop3A_1812 = arith.cmpi slt, %parallel_loop3A_1805, %parallel_loop3A_1811 : i32
        %parallel_loop3A_1813 = arith.xori %parallel_loop3A_1810, %parallel_loop3A_1812 : i1
        %parallel_loop3A_1814 = arith.andi %parallel_loop3A_1813, %parallel_loop3A_1808 : i1
        %parallel_loop3A_1815 = arith.addi %parallel_loop3A_1806, %parallel_loop3A_1805 : i32
        %parallel_loop3A_1816 = arith.select %parallel_loop3A_1814, %parallel_loop3A_1815, %parallel_loop3A_1806 : i32
        %parallel_loop3A_1817 = arith.constant 16 : i32
        %parallel_loop3A_1818 = arith.muli %parallel_loop3A_1816, %parallel_loop3A_1817 : i32
        %parallel_loop3A_1819 = arith.constant 0 : i32
        %parallel_loop3A_1820 = arith.index_cast %parallel_loop3A_1819 : i32 to index
        %parallel_loop3A_1821 = arith.index_cast %parallel_loop3A_1800 : i32 to index
        %parallel_loop3A_1822 = arith.index_cast %parallel_loop3A_1818 : i32 to index
        %parallel_loop3A_1823 = tpu.vector_load %arg9[%parallel_loop3A_1820, %parallel_loop3A_1821, %parallel_loop3A_1822] {strides = array<i32>} : memref<2x8x128xf32, #tpu.memory_space<vmem>>, vector<16xf32>,
        %parallel_loop3A_1824 = arith.constant 8 : i32
        %parallel_loop3A_1825 = arith.divsi %parallel_loop3A_1728, %parallel_loop3A_1824 : i32
        %parallel_loop3A_1826 = arith.constant 0 : i32
        %parallel_loop3A_1827 = arith.cmpi sgt, %parallel_loop3A_1728, %parallel_loop3A_1826 : i32
        %parallel_loop3A_1828 = arith.extui %parallel_loop3A_1827 : i1 to i32
        %parallel_loop3A_1829 = arith.constant 0 : i32
        %parallel_loop3A_1830 = arith.cmpi slt, %parallel_loop3A_1728, %parallel_loop3A_1829 : i32
        %parallel_loop3A_1831 = arith.extui %parallel_loop3A_1830 : i1 to i32
        %parallel_loop3A_1832 = arith.subi %parallel_loop3A_1828, %parallel_loop3A_1831 : i32
        %parallel_loop3A_1833 = arith.constant 0 : i32
        %parallel_loop3A_1834 = arith.cmpi sgt, %parallel_loop3A_1824, %parallel_loop3A_1833 : i32
        %parallel_loop3A_1835 = arith.extui %parallel_loop3A_1834 : i1 to i32
        %parallel_loop3A_1836 = arith.constant 0 : i32
        %parallel_loop3A_1837 = arith.cmpi slt, %parallel_loop3A_1824, %parallel_loop3A_1836 : i32
        %parallel_loop3A_1838 = arith.extui %parallel_loop3A_1837 : i1 to i32
        %parallel_loop3A_1839 = arith.subi %parallel_loop3A_1835, %parallel_loop3A_1838 : i32
        %parallel_loop3A_1840 = arith.cmpi ne, %parallel_loop3A_1832, %parallel_loop3A_1839 : i32
        %parallel_loop3A_1841 = arith.remsi %parallel_loop3A_1728, %parallel_loop3A_1824 : i32
        %parallel_loop3A_1842 = arith.constant 0 : i32
        %parallel_loop3A_1843 = arith.cmpi ne, %parallel_loop3A_1841, %parallel_loop3A_1842 : i32
        %parallel_loop3A_1844 = arith.andi %parallel_loop3A_1840, %parallel_loop3A_1843 : i1
        %parallel_loop3A_1845 = arith.constant 1 : i32
        %parallel_loop3A_1846 = arith.subi %parallel_loop3A_1825, %parallel_loop3A_1845 : i32
        %parallel_loop3A_1847 = arith.select %parallel_loop3A_1844, %parallel_loop3A_1846, %parallel_loop3A_1825 : i32
        %parallel_loop3A_1848 = arith.constant 8 : i32
        %parallel_loop3A_1849 = arith.constant 0 : i32
        %parallel_loop3A_1850 = arith.cmpi eq, %parallel_loop3A_1848, %parallel_loop3A_1849 : i32
        %parallel_loop3A_1851 = arith.constant 1 : i32
        %parallel_loop3A_1852 = arith.select %parallel_loop3A_1850, %parallel_loop3A_1851, %parallel_loop3A_1848 : i32
        %parallel_loop3A_1853 = arith.remsi %parallel_loop3A_1728, %parallel_loop3A_1852 : i32
        %parallel_loop3A_1854 = arith.constant 0 : i32
        %parallel_loop3A_1855 = arith.cmpi ne, %parallel_loop3A_1853, %parallel_loop3A_1854 : i32
        %parallel_loop3A_1856 = arith.constant 0 : i32
        %parallel_loop3A_1857 = arith.cmpi slt, %parallel_loop3A_1853, %parallel_loop3A_1856 : i32
        %parallel_loop3A_1858 = arith.constant 0 : i32
        %parallel_loop3A_1859 = arith.cmpi slt, %parallel_loop3A_1852, %parallel_loop3A_1858 : i32
        %parallel_loop3A_1860 = arith.xori %parallel_loop3A_1857, %parallel_loop3A_1859 : i1
        %parallel_loop3A_1861 = arith.andi %parallel_loop3A_1860, %parallel_loop3A_1855 : i1
        %parallel_loop3A_1862 = arith.addi %parallel_loop3A_1853, %parallel_loop3A_1852 : i32
        %parallel_loop3A_1863 = arith.select %parallel_loop3A_1861, %parallel_loop3A_1862, %parallel_loop3A_1853 : i32
        %parallel_loop3A_1864 = arith.constant 16 : i32
        %parallel_loop3A_1865 = arith.muli %parallel_loop3A_1863, %parallel_loop3A_1864 : i32
        %parallel_loop3A_1866 = arith.constant 1 : i32
        %parallel_loop3A_1867 = arith.index_cast %parallel_loop3A_1866 : i32 to index
        %parallel_loop3A_1868 = arith.index_cast %parallel_loop3A_1847 : i32 to index
        %parallel_loop3A_1869 = arith.index_cast %parallel_loop3A_1865 : i32 to index
        %parallel_loop3A_1870 = tpu.vector_load %arg9[%parallel_loop3A_1867, %parallel_loop3A_1868, %parallel_loop3A_1869] {strides = array<i32>} : memref<2x8x128xf32, #tpu.memory_space<vmem>>, vector<16xf32>,
        %parallel_loop3A_1871 = vector.broadcast %parallel_loop3A_1730 : i32 to vector<16xi32>
        %parallel_loop3A_1872 = arith.addi %add3A_576, %parallel_loop3A_1871 : vector<16xi32>
        %parallel_loop3A_1873 = tpu.vector_load_idx %arg14[%parallel_loop3A_1872] : memref<8256xf32, #tpu.memory_space<vmem>>[vector<16xi32>], vector<16xf32>,
        %parallel_loop3A_1874 = arith.addf %parallel_loop3A_1873, %parallel_loop3A_1776 : vector<16xf32>
        %parallel_loop3A_1875 = arith.subf %parallel_loop3A_1874, %mul3A_604 : vector<16xf32>
        %parallel_loop3A_1876 = arith.mulf %parallel_loop3A_1875, %mul3A_644 : vector<16xf32>
        %parallel_loop3A_1877 = arith.mulf %parallel_loop3A_1876, %parallel_loop3A_1823 : vector<16xf32>
        %parallel_loop3A_1878 = arith.addf %parallel_loop3A_1877, %parallel_loop3A_1870 : vector<16xf32>
        %parallel_loop3A_1879 = arith.index_cast %parallel_loop3A_1728 : i32 to index
        %parallel_loop3A_1880 = arith.constant 0 : index
        %parallel_loop3A_1881 = tpu.vector_load %arg15[%parallel_loop3A_1879, %parallel_loop3A_1880] {strides = array<i32>} : memref<64x128xf32, #tpu.memory_space<vmem>>, vector<16xf32>,
        tpu.vector_store %arg15[%parallel_loop3A_1879, %parallel_loop3A_1880], %parallel_loop3A_1878 {strides = array<i32>} : memref<64x128xf32, #tpu.memory_space<vmem>>, vector<16xf32>,
        %parallel_loop3A_1882 = vector.broadcast %parallel_loop3A_1730 : i32 to vector<16xi32>
        %parallel_loop3A_1883 = arith.addi %add3A_579, %parallel_loop3A_1882 : vector<16xi32>
        %parallel_loop3A_1884 = tpu.vector_load_idx %arg14[%parallel_loop3A_1883] : memref<8256xf32, #tpu.memory_space<vmem>>[vector<16xi32>], vector<16xf32>,
        %parallel_loop3A_1885 = arith.addf %parallel_loop3A_1884, %parallel_loop3A_1776 : vector<16xf32>
        %parallel_loop3A_1886 = arith.subf %parallel_loop3A_1885, %mul3A_646 : vector<16xf32>
        %parallel_loop3A_1887 = arith.mulf %parallel_loop3A_1886, %mul3A_688 : vector<16xf32>
        %parallel_loop3A_1888 = arith.mulf %parallel_loop3A_1887, %parallel_loop3A_1823 : vector<16xf32>
        %parallel_loop3A_1889 = arith.addf %parallel_loop3A_1888, %parallel_loop3A_1870 : vector<16xf32>
        %parallel_loop3A_1890 = arith.index_cast %parallel_loop3A_1728 : i32 to index
        %parallel_loop3A_1891 = arith.constant 16 : index
        %parallel_loop3A_1892 = tpu.vector_load %arg15[%parallel_loop3A_1890, %parallel_loop3A_1891] {strides = array<i32>} : memref<64x128xf32, #tpu.memory_space<vmem>>, vector<16xf32>,
        tpu.vector_store %arg15[%parallel_loop3A_1890, %parallel_loop3A_1891], %parallel_loop3A_1889 {strides = array<i32>} : memref<64x128xf32, #tpu.memory_space<vmem>>, vector<16xf32>,
        %parallel_loop3A_1893 = vector.broadcast %parallel_loop3A_1730 : i32 to vector<16xi32>
        %parallel_loop3A_1894 = arith.addi %add3A_582, %parallel_loop3A_1893 : vector<16xi32>
        %parallel_loop3A_1895 = tpu.vector_load_idx %arg14[%parallel_loop3A_1894] : memref<8256xf32, #tpu.memory_space<vmem>>[vector<16xi32>], vector<16xf32>,
        %parallel_loop3A_1896 = arith.addf %parallel_loop3A_1895, %parallel_loop3A_1776 : vector<16xf32>
        %parallel_loop3A_1897 = arith.subf %parallel_loop3A_1896, %mul3A_690 : vector<16xf32>
        %parallel_loop3A_1898 = arith.mulf %parallel_loop3A_1897, %mul3A_732 : vector<16xf32>
        %parallel_loop3A_1899 = arith.mulf %parallel_loop3A_1898, %parallel_loop3A_1823 : vector<16xf32>
        %parallel_loop3A_1900 = arith.addf %parallel_loop3A_1899, %parallel_loop3A_1870 : vector<16xf32>
        %parallel_loop3A_1901 = arith.index_cast %parallel_loop3A_1728 : i32 to index
        %parallel_loop3A_1902 = arith.constant 32 : index
        %parallel_loop3A_1903 = tpu.vector_load %arg15[%parallel_loop3A_1901, %parallel_loop3A_1902] {strides = array<i32>} : memref<64x128xf32, #tpu.memory_space<vmem>>, vector<16xf32>,
        tpu.vector_store %arg15[%parallel_loop3A_1901, %parallel_loop3A_1902], %parallel_loop3A_1900 {strides = array<i32>} : memref<64x128xf32, #tpu.memory_space<vmem>>, vector<16xf32>,
        %parallel_loop3A_1904 = vector.broadcast %parallel_loop3A_1730 : i32 to vector<16xi32>
        %parallel_loop3A_1905 = arith.addi %add3A_585, %parallel_loop3A_1904 : vector<16xi32>
        %parallel_loop3A_1906 = tpu.vector_load_idx %arg14[%parallel_loop3A_1905] : memref<8256xf32, #tpu.memory_space<vmem>>[vector<16xi32>], vector<16xf32>,
        %parallel_loop3A_1907 = arith.addf %parallel_loop3A_1906, %parallel_loop3A_1776 : vector<16xf32>
        %parallel_loop3A_1908 = arith.subf %parallel_loop3A_1907, %mul3A_734 : vector<16xf32>
        %parallel_loop3A_1909 = arith.mulf %parallel_loop3A_1908, %mul3A_776 : vector<16xf32>
        %parallel_loop3A_1910 = arith.mulf %parallel_loop3A_1909, %parallel_loop3A_1823 : vector<16xf32>
        %parallel_loop3A_1911 = arith.addf %parallel_loop3A_1910, %parallel_loop3A_1870 : vector<16xf32>
        %parallel_loop3A_1912 = arith.index_cast %parallel_loop3A_1728 : i32 to index
        %parallel_loop3A_1913 = arith.constant 48 : index
        %parallel_loop3A_1914 = tpu.vector_load %arg15[%parallel_loop3A_1912, %parallel_loop3A_1913] {strides = array<i32>} : memref<64x128xf32, #tpu.memory_space<vmem>>, vector<16xf32>,
        tpu.vector_store %arg15[%parallel_loop3A_1912, %parallel_loop3A_1913], %parallel_loop3A_1911 {strides = array<i32>} : memref<64x128xf32, #tpu.memory_space<vmem>>, vector<16xf32>,
        %parallel_loop3A_1915 = vector.broadcast %parallel_loop3A_1730 : i32 to vector<16xi32>
        %parallel_loop3A_1916 = arith.addi %add3A_588, %parallel_loop3A_1915 : vector<16xi32>
        %parallel_loop3A_1917 = tpu.vector_load_idx %arg14[%parallel_loop3A_1916] : memref<8256xf32, #tpu.memory_space<vmem>>[vector<16xi32>], vector<16xf32>,
        %parallel_loop3A_1918 = arith.addf %parallel_loop3A_1917, %parallel_loop3A_1776 : vector<16xf32>
        %parallel_loop3A_1919 = arith.subf %parallel_loop3A_1918, %mul3A_778 : vector<16xf32>
        %parallel_loop3A_1920 = arith.mulf %parallel_loop3A_1919, %mul3A_820 : vector<16xf32>
        %parallel_loop3A_1921 = arith.mulf %parallel_loop3A_1920, %parallel_loop3A_1823 : vector<16xf32>
        %parallel_loop3A_1922 = arith.addf %parallel_loop3A_1921, %parallel_loop3A_1870 : vector<16xf32>
        %parallel_loop3A_1923 = arith.index_cast %parallel_loop3A_1728 : i32 to index
        %parallel_loop3A_1924 = arith.constant 64 : index
        %parallel_loop3A_1925 = tpu.vector_load %arg15[%parallel_loop3A_1923, %parallel_loop3A_1924] {strides = array<i32>} : memref<64x128xf32, #tpu.memory_space<vmem>>, vector<16xf32>,
        tpu.vector_store %arg15[%parallel_loop3A_1923, %parallel_loop3A_1924], %parallel_loop3A_1922 {strides = array<i32>} : memref<64x128xf32, #tpu.memory_space<vmem>>, vector<16xf32>,
        %parallel_loop3A_1926 = vector.broadcast %parallel_loop3A_1730 : i32 to vector<16xi32>
        %parallel_loop3A_1927 = arith.addi %add3A_591, %parallel_loop3A_1926 : vector<16xi32>
        %parallel_loop3A_1928 = tpu.vector_load_idx %arg14[%parallel_loop3A_1927] : memref<8256xf32, #tpu.memory_space<vmem>>[vector<16xi32>], vector<16xf32>,
        %parallel_loop3A_1929 = arith.addf %parallel_loop3A_1928, %parallel_loop3A_1776 : vector<16xf32>
        %parallel_loop3A_1930 = arith.subf %parallel_loop3A_1929, %mul3A_822 : vector<16xf32>
        %parallel_loop3A_1931 = arith.mulf %parallel_loop3A_1930, %mul3A_864 : vector<16xf32>
        %parallel_loop3A_1932 = arith.mulf %parallel_loop3A_1931, %parallel_loop3A_1823 : vector<16xf32>
        %parallel_loop3A_1933 = arith.addf %parallel_loop3A_1932, %parallel_loop3A_1870 : vector<16xf32>
        %parallel_loop3A_1934 = arith.index_cast %parallel_loop3A_1728 : i32 to index
        %parallel_loop3A_1935 = arith.constant 80 : index
        %parallel_loop3A_1936 = tpu.vector_load %arg15[%parallel_loop3A_1934, %parallel_loop3A_1935] {strides = array<i32>} : memref<64x128xf32, #tpu.memory_space<vmem>>, vector<16xf32>,
        tpu.vector_store %arg15[%parallel_loop3A_1934, %parallel_loop3A_1935], %parallel_loop3A_1933 {strides = array<i32>} : memref<64x128xf32, #tpu.memory_space<vmem>>, vector<16xf32>,
        %parallel_loop3A_1937 = vector.broadcast %parallel_loop3A_1730 : i32 to vector<16xi32>
        %parallel_loop3A_1938 = arith.addi %add3A_594, %parallel_loop3A_1937 : vector<16xi32>
        %parallel_loop3A_1939 = tpu.vector_load_idx %arg14[%parallel_loop3A_1938] : memref<8256xf32, #tpu.memory_space<vmem>>[vector<16xi32>], vector<16xf32>,
        %parallel_loop3A_1940 = arith.addf %parallel_loop3A_1939, %parallel_loop3A_1776 : vector<16xf32>
        %parallel_loop3A_1941 = arith.subf %parallel_loop3A_1940, %mul3A_866 : vector<16xf32>
        %parallel_loop3A_1942 = arith.mulf %parallel_loop3A_1941, %mul3A_908 : vector<16xf32>
        %parallel_loop3A_1943 = arith.mulf %parallel_loop3A_1942, %parallel_loop3A_1823 : vector<16xf32>
        %parallel_loop3A_1944 = arith.addf %parallel_loop3A_1943, %parallel_loop3A_1870 : vector<16xf32>
        %parallel_loop3A_1945 = arith.index_cast %parallel_loop3A_1728 : i32 to index
        %parallel_loop3A_1946 = arith.constant 96 : index
        %parallel_loop3A_1947 = tpu.vector_load %arg15[%parallel_loop3A_1945, %parallel_loop3A_1946] {strides = array<i32>} : memref<64x128xf32, #tpu.memory_space<vmem>>, vector<16xf32>,
        tpu.vector_store %arg15[%parallel_loop3A_1945, %parallel_loop3A_1946], %parallel_loop3A_1944 {strides = array<i32>} : memref<64x128xf32, #tpu.memory_space<vmem>>, vector<16xf32>,
        %parallel_loop3A_1948 = vector.broadcast %parallel_loop3A_1730 : i32 to vector<16xi32>
        %parallel_loop3A_1949 = arith.addi %add3A_597, %parallel_loop3A_1948 : vector<16xi32>
        %parallel_loop3A_1950 = tpu.vector_load_idx %arg14[%parallel_loop3A_1949] : memref<8256xf32, #tpu.memory_space<vmem>>[vector<16xi32>], vector<16xf32>,
        %parallel_loop3A_1951 = arith.addf %parallel_loop3A_1950, %parallel_loop3A_1776 : vector<16xf32>
        %parallel_loop3A_1952 = arith.subf %parallel_loop3A_1951, %mul3A_910 : vector<16xf32>
        %parallel_loop3A_1953 = arith.mulf %parallel_loop3A_1952, %mul3A_952 : vector<16xf32>
        %parallel_loop3A_1954 = arith.mulf %parallel_loop3A_1953, %parallel_loop3A_1823 : vector<16xf32>
        %parallel_loop3A_1955 = arith.addf %parallel_loop3A_1954, %parallel_loop3A_1870 : vector<16xf32>
        %parallel_loop3A_1956 = arith.index_cast %parallel_loop3A_1728 : i32 to index
        %parallel_loop3A_1957 = arith.constant 112 : index
        %parallel_loop3A_1958 = tpu.vector_load %arg15[%parallel_loop3A_1956, %parallel_loop3A_1957] {strides = array<i32>} : memref<64x128xf32, #tpu.memory_space<vmem>>, vector<16xf32>,
        tpu.vector_store %arg15[%parallel_loop3A_1956, %parallel_loop3A_1957], %parallel_loop3A_1955 {strides = array<i32>} : memref<64x128xf32, #tpu.memory_space<vmem>>, vector<16xf32>,
      } {sc.loop_unroll_factor = 4 : i64, sc.parallel_access}
      %add3A_956 = arith.addi %mul3A_2, %add3A_517 : i32
      %jit3A_957 = arith.constant 8 : i32
      %div3A_958 = arith.divsi %add3A_956, %jit3A_957 : i32
      %sign3A_959 = arith.constant 0 : i32
      %sign3A_960 = arith.cmpi sgt, %add3A_956, %sign3A_959 : i32
      %sign3A_961 = arith.extui %sign3A_960 : i1 to i32
      %sign3A_962 = arith.constant 0 : i32
      %sign3A_963 = arith.cmpi slt, %add3A_956, %sign3A_962 : i32
      %sign3A_964 = arith.extui %sign3A_963 : i1 to i32
      %sign3A_965 = arith.subi %sign3A_961, %sign3A_964 : i32
      %sign3A_966 = arith.constant 0 : i32
      %sign3A_967 = arith.cmpi sgt, %jit3A_957, %sign3A_966 : i32
      %sign3A_968 = arith.extui %sign3A_967 : i1 to i32
      %sign3A_969 = arith.constant 0 : i32
      %sign3A_970 = arith.cmpi slt, %jit3A_957, %sign3A_969 : i32
      %sign3A_971 = arith.extui %sign3A_970 : i1 to i32
      %sign3A_972 = arith.subi %sign3A_968, %sign3A_971 : i32
      %ne3A_973 = arith.cmpi ne, %sign3A_965, %sign3A_972 : i32
      %rem3A_974 = arith.remsi %add3A_956, %jit3A_957 : i32
      %ne3A_975 = arith.constant 0 : i32
      %ne3A_976 = arith.cmpi ne, %rem3A_974, %ne3A_975 : i32
      %and3A_977 = arith.andi %ne3A_973, %ne3A_976 : i1
      %sub3A_978 = arith.constant 1 : i32
      %sub3A_979 = arith.subi %div3A_958, %sub3A_978 : i32
      %select_n3A_980 = arith.select %and3A_977, %sub3A_979, %div3A_958 : i32
      %jit3A_981 = arith.constant 8 : i32
      %eq3A_982 = arith.constant 0 : i32
      %eq3A_983 = arith.cmpi eq, %jit3A_981, %eq3A_982 : i32
      %jit3A_984 = arith.constant 1 : i32
      %select_n3A_985 = arith.select %eq3A_983, %jit3A_984, %jit3A_981 : i32
      %rem3A_986 = arith.remsi %add3A_956, %select_n3A_985 : i32
      %ne3A_987 = arith.constant 0 : i32
      %ne3A_988 = arith.cmpi ne, %rem3A_986, %ne3A_987 : i32
      %lt3A_989 = arith.constant 0 : i32
      %lt3A_990 = arith.cmpi slt, %rem3A_986, %lt3A_989 : i32
      %lt3A_991 = arith.constant 0 : i32
      %lt3A_992 = arith.cmpi slt, %select_n3A_985, %lt3A_991 : i32
      %ne3A_993 = arith.xori %lt3A_990, %lt3A_992 : i1
      %and3A_994 = arith.andi %ne3A_993, %ne3A_988 : i1
      %add3A_995 = arith.addi %rem3A_986, %select_n3A_985 : i32
      %select_n3A_996 = arith.select %and3A_994, %add3A_995, %rem3A_986 : i32
      %dma_start3A_997 = arith.constant 0 : i32
      %dma_start3A_998 = arith.constant 0 : i32
      %dma_start3A_999 = arith.constant 0 : i32
      %dma_start3A_1000 = tpu.memref_slice %arg15[%dma_start3A_998, %dma_start3A_999] : memref<64x128xf32, #tpu.memory_space<vmem>> -> memref<8x128xf32, #tpu.memory_space<vmem>>
      %dma_start3A_1001 = arith.constant 0 : i32
      %dma_start3A_1002 = arith.constant 0 : i32
      %dma_start3A_1003 = tpu.memref_slice %arg6[%select_n3A_980, %dma_start3A_997, %select_n3A_996, %dma_start3A_1001, %dma_start3A_1002] : memref<200x8x8x8x128xf32, #tpu.memory_space<hbm>> -> memref<1x1x1x8x128xf32, #tpu.memory_space<hbm>>
      %dma_start3A_1004 = tpu.memref_squeeze %dma_start3A_1003 : memref<1x1x1x8x128xf32, #tpu.memory_space<hbm>> -> memref<8x128xf32, #tpu.memory_space<hbm>>
      %dma_start3A_1005 = arith.constant 0 : i32
      %dma_start3A_1006 = arith.constant 0 : i32
      %dma_start3A_1007 = tpu.memref_slice %arg6[%select_n3A_980, %dma_start3A_997, %select_n3A_996, %dma_start3A_1005, %dma_start3A_1006] : memref<200x8x8x8x128xf32, #tpu.memory_space<hbm>> -> memref<1x1x1x8x128xf32, #tpu.memory_space<hbm>>
      %dma_start3A_1008 = tpu.memref_squeeze %dma_start3A_1007 : memref<1x1x1x8x128xf32, #tpu.memory_space<hbm>> -> memref<8x128xf32, #tpu.memory_space<hbm>>
      %dma_start3A_1009 = arith.constant 0 : i32
      %dma_start3A_1010 = arith.constant 0 : i32
      %dma_start3A_1011 = tpu.memref_slice %arg15[%dma_start3A_1009, %dma_start3A_1010] : memref<64x128xf32, #tpu.memory_space<vmem>> -> memref<8x128xf32, #tpu.memory_space<vmem>>
      tpu.enqueue_dma source(%dma_start3A_1011 : memref<8x128xf32, #tpu.memory_space<vmem>>) target(%dma_start3A_1008 : memref<8x128xf32, #tpu.memory_space<hbm>>) target_semaphore(%arg19 : memref<!tpu.dma_semaphore, #tpu.memory_space<semaphore_mem>>)
      %dma_start3A_1012 = arith.constant 1 : i32
      %dma_start3A_1013 = arith.constant 8 : i32
      %dma_start3A_1014 = arith.constant 0 : i32
      %dma_start3A_1015 = tpu.memref_slice %arg15[%dma_start3A_1013, %dma_start3A_1014] : memref<64x128xf32, #tpu.memory_space<vmem>> -> memref<8x128xf32, #tpu.memory_space<vmem>>
      %dma_start3A_1016 = arith.constant 0 : i32
      %dma_start3A_1017 = arith.constant 0 : i32
      %dma_start3A_1018 = tpu.memref_slice %arg6[%select_n3A_980, %dma_start3A_1012, %select_n3A_996, %dma_start3A_1016, %dma_start3A_1017] : memref<200x8x8x8x128xf32, #tpu.memory_space<hbm>> -> memref<1x1x1x8x128xf32, #tpu.memory_space<hbm>>
      %dma_start3A_1019 = tpu.memref_squeeze %dma_start3A_1018 : memref<1x1x1x8x128xf32, #tpu.memory_space<hbm>> -> memref<8x128xf32, #tpu.memory_space<hbm>>
      %dma_start3A_1020 = arith.constant 0 : i32
      %dma_start3A_1021 = arith.constant 0 : i32
      %dma_start3A_1022 = tpu.memref_slice %arg6[%select_n3A_980, %dma_start3A_1012, %select_n3A_996, %dma_start3A_1020, %dma_start3A_1021] : memref<200x8x8x8x128xf32, #tpu.memory_space<hbm>> -> memref<1x1x1x8x128xf32, #tpu.memory_space<hbm>>
      %dma_start3A_1023 = tpu.memref_squeeze %dma_start3A_1022 : memref<1x1x1x8x128xf32, #tpu.memory_space<hbm>> -> memref<8x128xf32, #tpu.memory_space<hbm>>
      %dma_start3A_1024 = arith.constant 8 : i32
      %dma_start3A_1025 = arith.constant 0 : i32
      %dma_start3A_1026 = tpu.memref_slice %arg15[%dma_start3A_1024, %dma_start3A_1025] : memref<64x128xf32, #tpu.memory_space<vmem>> -> memref<8x128xf32, #tpu.memory_space<vmem>>
      tpu.enqueue_dma source(%dma_start3A_1026 : memref<8x128xf32, #tpu.memory_space<vmem>>) target(%dma_start3A_1023 : memref<8x128xf32, #tpu.memory_space<hbm>>) target_semaphore(%arg19 : memref<!tpu.dma_semaphore, #tpu.memory_space<semaphore_mem>>)
      %dma_start3A_1027 = arith.constant 2 : i32
      %dma_start3A_1028 = arith.constant 16 : i32
      %dma_start3A_1029 = arith.constant 0 : i32
      %dma_start3A_1030 = tpu.memref_slice %arg15[%dma_start3A_1028, %dma_start3A_1029] : memref<64x128xf32, #tpu.memory_space<vmem>> -> memref<8x128xf32, #tpu.memory_space<vmem>>
      %dma_start3A_1031 = arith.constant 0 : i32
      %dma_start3A_1032 = arith.constant 0 : i32
      %dma_start3A_1033 = tpu.memref_slice %arg6[%select_n3A_980, %dma_start3A_1027, %select_n3A_996, %dma_start3A_1031, %dma_start3A_1032] : memref<200x8x8x8x128xf32, #tpu.memory_space<hbm>> -> memref<1x1x1x8x128xf32, #tpu.memory_space<hbm>>
      %dma_start3A_1034 = tpu.memref_squeeze %dma_start3A_1033 : memref<1x1x1x8x128xf32, #tpu.memory_space<hbm>> -> memref<8x128xf32, #tpu.memory_space<hbm>>
      %dma_start3A_1035 = arith.constant 0 : i32
      %dma_start3A_1036 = arith.constant 0 : i32
      %dma_start3A_1037 = tpu.memref_slice %arg6[%select_n3A_980, %dma_start3A_1027, %select_n3A_996, %dma_start3A_1035, %dma_start3A_1036] : memref<200x8x8x8x128xf32, #tpu.memory_space<hbm>> -> memref<1x1x1x8x128xf32, #tpu.memory_space<hbm>>
      %dma_start3A_1038 = tpu.memref_squeeze %dma_start3A_1037 : memref<1x1x1x8x128xf32, #tpu.memory_space<hbm>> -> memref<8x128xf32, #tpu.memory_space<hbm>>
      %dma_start3A_1039 = arith.constant 16 : i32
      %dma_start3A_1040 = arith.constant 0 : i32
      %dma_start3A_1041 = tpu.memref_slice %arg15[%dma_start3A_1039, %dma_start3A_1040] : memref<64x128xf32, #tpu.memory_space<vmem>> -> memref<8x128xf32, #tpu.memory_space<vmem>>
      tpu.enqueue_dma source(%dma_start3A_1041 : memref<8x128xf32, #tpu.memory_space<vmem>>) target(%dma_start3A_1038 : memref<8x128xf32, #tpu.memory_space<hbm>>) target_semaphore(%arg19 : memref<!tpu.dma_semaphore, #tpu.memory_space<semaphore_mem>>)
      %dma_start3A_1042 = arith.constant 3 : i32
      %dma_start3A_1043 = arith.constant 24 : i32
      %dma_start3A_1044 = arith.constant 0 : i32
      %dma_start3A_1045 = tpu.memref_slice %arg15[%dma_start3A_1043, %dma_start3A_1044] : memref<64x128xf32, #tpu.memory_space<vmem>> -> memref<8x128xf32, #tpu.memory_space<vmem>>
      %dma_start3A_1046 = arith.constant 0 : i32
      %dma_start3A_1047 = arith.constant 0 : i32
      %dma_start3A_1048 = tpu.memref_slice %arg6[%select_n3A_980, %dma_start3A_1042, %select_n3A_996, %dma_start3A_1046, %dma_start3A_1047] : memref<200x8x8x8x128xf32, #tpu.memory_space<hbm>> -> memref<1x1x1x8x128xf32, #tpu.memory_space<hbm>>
      %dma_start3A_1049 = tpu.memref_squeeze %dma_start3A_1048 : memref<1x1x1x8x128xf32, #tpu.memory_space<hbm>> -> memref<8x128xf32, #tpu.memory_space<hbm>>
      %dma_start3A_1050 = arith.constant 0 : i32
      %dma_start3A_1051 = arith.constant 0 : i32
      %dma_start3A_1052 = tpu.memref_slice %arg6[%select_n3A_980, %dma_start3A_1042, %select_n3A_996, %dma_start3A_1050, %dma_start3A_1051] : memref<200x8x8x8x128xf32, #tpu.memory_space<hbm>> -> memref<1x1x1x8x128xf32, #tpu.memory_space<hbm>>
      %dma_start3A_1053 = tpu.memref_squeeze %dma_start3A_1052 : memref<1x1x1x8x128xf32, #tpu.memory_space<hbm>> -> memref<8x128xf32, #tpu.memory_space<hbm>>
      %dma_start3A_1054 = arith.constant 24 : i32
      %dma_start3A_1055 = arith.constant 0 : i32
      %dma_start3A_1056 = tpu.memref_slice %arg15[%dma_start3A_1054, %dma_start3A_1055] : memref<64x128xf32, #tpu.memory_space<vmem>> -> memref<8x128xf32, #tpu.memory_space<vmem>>
      tpu.enqueue_dma source(%dma_start3A_1056 : memref<8x128xf32, #tpu.memory_space<vmem>>) target(%dma_start3A_1053 : memref<8x128xf32, #tpu.memory_space<hbm>>) target_semaphore(%arg19 : memref<!tpu.dma_semaphore, #tpu.memory_space<semaphore_mem>>)
      %dma_start3A_1057 = arith.constant 4 : i32
      %dma_start3A_1058 = arith.constant 32 : i32
      %dma_start3A_1059 = arith.constant 0 : i32
      %dma_start3A_1060 = tpu.memref_slice %arg15[%dma_start3A_1058, %dma_start3A_1059] : memref<64x128xf32, #tpu.memory_space<vmem>> -> memref<8x128xf32, #tpu.memory_space<vmem>>
      %dma_start3A_1061 = arith.constant 0 : i32
      %dma_start3A_1062 = arith.constant 0 : i32
      %dma_start3A_1063 = tpu.memref_slice %arg6[%select_n3A_980, %dma_start3A_1057, %select_n3A_996, %dma_start3A_1061, %dma_start3A_1062] : memref<200x8x8x8x128xf32, #tpu.memory_space<hbm>> -> memref<1x1x1x8x128xf32, #tpu.memory_space<hbm>>
      %dma_start3A_1064 = tpu.memref_squeeze %dma_start3A_1063 : memref<1x1x1x8x128xf32, #tpu.memory_space<hbm>> -> memref<8x128xf32, #tpu.memory_space<hbm>>
      %dma_start3A_1065 = arith.constant 0 : i32
      %dma_start3A_1066 = arith.constant 0 : i32
      %dma_start3A_1067 = tpu.memref_slice %arg6[%select_n3A_980, %dma_start3A_1057, %select_n3A_996, %dma_start3A_1065, %dma_start3A_1066] : memref<200x8x8x8x128xf32, #tpu.memory_space<hbm>> -> memref<1x1x1x8x128xf32, #tpu.memory_space<hbm>>
      %dma_start3A_1068 = tpu.memref_squeeze %dma_start3A_1067 : memref<1x1x1x8x128xf32, #tpu.memory_space<hbm>> -> memref<8x128xf32, #tpu.memory_space<hbm>>
      %dma_start3A_1069 = arith.constant 32 : i32
      %dma_start3A_1070 = arith.constant 0 : i32
      %dma_start3A_1071 = tpu.memref_slice %arg15[%dma_start3A_1069, %dma_start3A_1070] : memref<64x128xf32, #tpu.memory_space<vmem>> -> memref<8x128xf32, #tpu.memory_space<vmem>>
      tpu.enqueue_dma source(%dma_start3A_1071 : memref<8x128xf32, #tpu.memory_space<vmem>>) target(%dma_start3A_1068 : memref<8x128xf32, #tpu.memory_space<hbm>>) target_semaphore(%arg19 : memref<!tpu.dma_semaphore, #tpu.memory_space<semaphore_mem>>)
      %dma_start3A_1072 = arith.constant 5 : i32
      %dma_start3A_1073 = arith.constant 40 : i32
      %dma_start3A_1074 = arith.constant 0 : i32
      %dma_start3A_1075 = tpu.memref_slice %arg15[%dma_start3A_1073, %dma_start3A_1074] : memref<64x128xf32, #tpu.memory_space<vmem>> -> memref<8x128xf32, #tpu.memory_space<vmem>>
      %dma_start3A_1076 = arith.constant 0 : i32
      %dma_start3A_1077 = arith.constant 0 : i32
      %dma_start3A_1078 = tpu.memref_slice %arg6[%select_n3A_980, %dma_start3A_1072, %select_n3A_996, %dma_start3A_1076, %dma_start3A_1077] : memref<200x8x8x8x128xf32, #tpu.memory_space<hbm>> -> memref<1x1x1x8x128xf32, #tpu.memory_space<hbm>>
      %dma_start3A_1079 = tpu.memref_squeeze %dma_start3A_1078 : memref<1x1x1x8x128xf32, #tpu.memory_space<hbm>> -> memref<8x128xf32, #tpu.memory_space<hbm>>
      %dma_start3A_1080 = arith.constant 0 : i32
      %dma_start3A_1081 = arith.constant 0 : i32
      %dma_start3A_1082 = tpu.memref_slice %arg6[%select_n3A_980, %dma_start3A_1072, %select_n3A_996, %dma_start3A_1080, %dma_start3A_1081] : memref<200x8x8x8x128xf32, #tpu.memory_space<hbm>> -> memref<1x1x1x8x128xf32, #tpu.memory_space<hbm>>
      %dma_start3A_1083 = tpu.memref_squeeze %dma_start3A_1082 : memref<1x1x1x8x128xf32, #tpu.memory_space<hbm>> -> memref<8x128xf32, #tpu.memory_space<hbm>>
      %dma_start3A_1084 = arith.constant 40 : i32
      %dma_start3A_1085 = arith.constant 0 : i32
      %dma_start3A_1086 = tpu.memref_slice %arg15[%dma_start3A_1084, %dma_start3A_1085] : memref<64x128xf32, #tpu.memory_space<vmem>> -> memref<8x128xf32, #tpu.memory_space<vmem>>
      tpu.enqueue_dma source(%dma_start3A_1086 : memref<8x128xf32, #tpu.memory_space<vmem>>) target(%dma_start3A_1083 : memref<8x128xf32, #tpu.memory_space<hbm>>) target_semaphore(%arg19 : memref<!tpu.dma_semaphore, #tpu.memory_space<semaphore_mem>>)
      %dma_start3A_1087 = arith.constant 6 : i32
      %dma_start3A_1088 = arith.constant 48 : i32
      %dma_start3A_1089 = arith.constant 0 : i32
      %dma_start3A_1090 = tpu.memref_slice %arg15[%dma_start3A_1088, %dma_start3A_1089] : memref<64x128xf32, #tpu.memory_space<vmem>> -> memref<8x128xf32, #tpu.memory_space<vmem>>
      %dma_start3A_1091 = arith.constant 0 : i32
      %dma_start3A_1092 = arith.constant 0 : i32
      %dma_start3A_1093 = tpu.memref_slice %arg6[%select_n3A_980, %dma_start3A_1087, %select_n3A_996, %dma_start3A_1091, %dma_start3A_1092] : memref<200x8x8x8x128xf32, #tpu.memory_space<hbm>> -> memref<1x1x1x8x128xf32, #tpu.memory_space<hbm>>
      %dma_start3A_1094 = tpu.memref_squeeze %dma_start3A_1093 : memref<1x1x1x8x128xf32, #tpu.memory_space<hbm>> -> memref<8x128xf32, #tpu.memory_space<hbm>>
      %dma_start3A_1095 = arith.constant 0 : i32
      %dma_start3A_1096 = arith.constant 0 : i32
      %dma_start3A_1097 = tpu.memref_slice %arg6[%select_n3A_980, %dma_start3A_1087, %select_n3A_996, %dma_start3A_1095, %dma_start3A_1096] : memref<200x8x8x8x128xf32, #tpu.memory_space<hbm>> -> memref<1x1x1x8x128xf32, #tpu.memory_space<hbm>>
      %dma_start3A_1098 = tpu.memref_squeeze %dma_start3A_1097 : memref<1x1x1x8x128xf32, #tpu.memory_space<hbm>> -> memref<8x128xf32, #tpu.memory_space<hbm>>
      %dma_start3A_1099 = arith.constant 48 : i32
      %dma_start3A_1100 = arith.constant 0 : i32
      %dma_start3A_1101 = tpu.memref_slice %arg15[%dma_start3A_1099, %dma_start3A_1100] : memref<64x128xf32, #tpu.memory_space<vmem>> -> memref<8x128xf32, #tpu.memory_space<vmem>>
      tpu.enqueue_dma source(%dma_start3A_1101 : memref<8x128xf32, #tpu.memory_space<vmem>>) target(%dma_start3A_1098 : memref<8x128xf32, #tpu.memory_space<hbm>>) target_semaphore(%arg19 : memref<!tpu.dma_semaphore, #tpu.memory_space<semaphore_mem>>)
      %dma_start3A_1102 = arith.constant 7 : i32
      %dma_start3A_1103 = arith.constant 56 : i32
      %dma_start3A_1104 = arith.constant 0 : i32
      %dma_start3A_1105 = tpu.memref_slice %arg15[%dma_start3A_1103, %dma_start3A_1104] : memref<64x128xf32, #tpu.memory_space<vmem>> -> memref<8x128xf32, #tpu.memory_space<vmem>>
      %dma_start3A_1106 = arith.constant 0 : i32
      %dma_start3A_1107 = arith.constant 0 : i32
      %dma_start3A_1108 = tpu.memref_slice %arg6[%select_n3A_980, %dma_start3A_1102, %select_n3A_996, %dma_start3A_1106, %dma_start3A_1107] : memref<200x8x8x8x128xf32, #tpu.memory_space<hbm>> -> memref<1x1x1x8x128xf32, #tpu.memory_space<hbm>>
      %dma_start3A_1109 = tpu.memref_squeeze %dma_start3A_1108 : memref<1x1x1x8x128xf32, #tpu.memory_space<hbm>> -> memref<8x128xf32, #tpu.memory_space<hbm>>
      %dma_start3A_1110 = arith.constant 0 : i32
      %dma_start3A_1111 = arith.constant 0 : i32
      %dma_start3A_1112 = tpu.memref_slice %arg6[%select_n3A_980, %dma_start3A_1102, %select_n3A_996, %dma_start3A_1110, %dma_start3A_1111] : memref<200x8x8x8x128xf32, #tpu.memory_space<hbm>> -> memref<1x1x1x8x128xf32, #tpu.memory_space<hbm>>
      %dma_start3A_1113 = tpu.memref_squeeze %dma_start3A_1112 : memref<1x1x1x8x128xf32, #tpu.memory_space<hbm>> -> memref<8x128xf32, #tpu.memory_space<hbm>>
      %dma_start3A_1114 = arith.constant 56 : i32
      %dma_start3A_1115 = arith.constant 0 : i32
      %dma_start3A_1116 = tpu.memref_slice %arg15[%dma_start3A_1114, %dma_start3A_1115] : memref<64x128xf32, #tpu.memory_space<vmem>> -> memref<8x128xf32, #tpu.memory_space<vmem>>
      tpu.enqueue_dma source(%dma_start3A_1116 : memref<8x128xf32, #tpu.memory_space<vmem>>) target(%dma_start3A_1113 : memref<8x128xf32, #tpu.memory_space<hbm>>) target_semaphore(%arg19 : memref<!tpu.dma_semaphore, #tpu.memory_space<semaphore_mem>>)
      %mul3A_1117 = arith.constant 2 : i32
      %mul3A_1118 = arith.muli %scan3A_512, %mul3A_1117 : i32
      %add3A_1119 = arith.constant 1 : i32
      %add3A_1120 = arith.addi %mul3A_1118, %add3A_1119 : i32
      %add3A_1121 = arith.constant 1 : i32
      %add3A_1122 = arith.addi %add3A_1120, %add3A_1121 : i32
      %lt3A_1123 = arith.constant 50 : i32
      %lt3A_1124 = arith.cmpi slt, %add3A_1122, %lt3A_1123 : i32
      %convert_element_type3A_1125 = arith.extui %lt3A_1124 : i1 to i32
      %cond3A_1126 = arith.constant 0 : i32
      %cond3A_1127 = arith.cmpi ne, %convert_element_type3A_1125, %cond3A_1126 : i32
      scf.if %cond3A_1127 {
        %add3A_1728 = arith.constant 1 : i32
        %add3A_1729 = arith.addi %add3A_1120, %add3A_1728 : i32
        %add3A_1730 = arith.addi %mul3A_2, %add3A_1729 : i32
        %jit3A_1731 = arith.constant 8 : i32
        %div3A_1732 = arith.divsi %add3A_1730, %jit3A_1731 : i32
        %sign3A_1733 = arith.constant 0 : i32
        %sign3A_1734 = arith.cmpi sgt, %add3A_1730, %sign3A_1733 : i32
        %sign3A_1735 = arith.extui %sign3A_1734 : i1 to i32
        %sign3A_1736 = arith.constant 0 : i32
        %sign3A_1737 = arith.cmpi slt, %add3A_1730, %sign3A_1736 : i32
        %sign3A_1738 = arith.extui %sign3A_1737 : i1 to i32
        %sign3A_1739 = arith.subi %sign3A_1735, %sign3A_1738 : i32
        %sign3A_1740 = arith.constant 0 : i32
        %sign3A_1741 = arith.cmpi sgt, %jit3A_1731, %sign3A_1740 : i32
        %sign3A_1742 = arith.extui %sign3A_1741 : i1 to i32
        %sign3A_1743 = arith.constant 0 : i32
        %sign3A_1744 = arith.cmpi slt, %jit3A_1731, %sign3A_1743 : i32
        %sign3A_1745 = arith.extui %sign3A_1744 : i1 to i32
        %sign3A_1746 = arith.subi %sign3A_1742, %sign3A_1745 : i32
        %ne3A_1747 = arith.cmpi ne, %sign3A_1739, %sign3A_1746 : i32
        %rem3A_1748 = arith.remsi %add3A_1730, %jit3A_1731 : i32
        %ne3A_1749 = arith.constant 0 : i32
        %ne3A_1750 = arith.cmpi ne, %rem3A_1748, %ne3A_1749 : i32
        %and3A_1751 = arith.andi %ne3A_1747, %ne3A_1750 : i1
        %sub3A_1752 = arith.constant 1 : i32
        %sub3A_1753 = arith.subi %div3A_1732, %sub3A_1752 : i32
        %select_n3A_1754 = arith.select %and3A_1751, %sub3A_1753, %div3A_1732 : i32
        %jit3A_1755 = arith.constant 8 : i32
        %eq3A_1756 = arith.constant 0 : i32
        %eq3A_1757 = arith.cmpi eq, %jit3A_1755, %eq3A_1756 : i32
        %jit3A_1758 = arith.constant 1 : i32
        %select_n3A_1759 = arith.select %eq3A_1757, %jit3A_1758, %jit3A_1755 : i32
        %rem3A_1760 = arith.remsi %add3A_1730, %select_n3A_1759 : i32
        %ne3A_1761 = arith.constant 0 : i32
        %ne3A_1762 = arith.cmpi ne, %rem3A_1760, %ne3A_1761 : i32
        %lt3A_1763 = arith.constant 0 : i32
        %lt3A_1764 = arith.cmpi slt, %rem3A_1760, %lt3A_1763 : i32
        %lt3A_1765 = arith.constant 0 : i32
        %lt3A_1766 = arith.cmpi slt, %select_n3A_1759, %lt3A_1765 : i32
        %ne3A_1767 = arith.xori %lt3A_1764, %lt3A_1766 : i1
        %and3A_1768 = arith.andi %ne3A_1767, %ne3A_1762 : i1
        %add3A_1769 = arith.addi %rem3A_1760, %select_n3A_1759 : i32
        %select_n3A_1770 = arith.select %and3A_1768, %add3A_1769, %rem3A_1760 : i32
        %sub3A_1771 = arith.subi %select_n3A_1754, %mul3A_44 : i32
        %mul3A_1772 = arith.constant 128 : i32
        %mul3A_1773 = arith.muli %select_n3A_1770, %mul3A_1772 : i32
        %add3A_1774 = arith.constant 0 : i32
        %add3A_1775 = arith.addi %mul3A_1773, %add3A_1774 : i32
        %get3A_1776 = arith.index_cast %sub3A_1771 : i32 to index
        %get3A_1777 = arith.index_cast %add3A_1775 : i32 to index
        %get3A_1778 = tpu.vector_load %arg7[%get3A_1776, %get3A_1777] {strides = array<i32>} : memref<16x1024xi32, #tpu.memory_space<vmem>>, vector<16xi32>,
        %swap3A_1779 = arith.constant 0 : index
        %swap3A_1780 = tpu.vector_load %arg12[%swap3A_1779] {strides = array<i32>} : memref<128xi32, #tpu.memory_space<vmem>>, vector<16xi32>,
        tpu.vector_store %arg12[%swap3A_1779], %get3A_1778 {strides = array<i32>} : memref<128xi32, #tpu.memory_space<vmem>>, vector<16xi32>,
        %mul3A_1781 = arith.constant 128 : i32
        %mul3A_1782 = arith.muli %select_n3A_1770, %mul3A_1781 : i32
        %add3A_1783 = arith.constant 16 : i32
        %add3A_1784 = arith.addi %mul3A_1782, %add3A_1783 : i32
        %get3A_1785 = arith.index_cast %sub3A_1771 : i32 to index
        %get3A_1786 = arith.index_cast %add3A_1784 : i32 to index
        %get3A_1787 = tpu.vector_load %arg7[%get3A_1785, %get3A_1786] {strides = array<i32>} : memref<16x1024xi32, #tpu.memory_space<vmem>>, vector<16xi32>,
        %swap3A_1788 = arith.constant 16 : index
        %swap3A_1789 = tpu.vector_load %arg12[%swap3A_1788] {strides = array<i32>} : memref<128xi32, #tpu.memory_space<vmem>>, vector<16xi32>,
        tpu.vector_store %arg12[%swap3A_1788], %get3A_1787 {strides = array<i32>} : memref<128xi32, #tpu.memory_space<vmem>>, vector<16xi32>,
        %mul3A_1790 = arith.constant 128 : i32
        %mul3A_1791 = arith.muli %select_n3A_1770, %mul3A_1790 : i32
        %add3A_1792 = arith.constant 32 : i32
        %add3A_1793 = arith.addi %mul3A_1791, %add3A_1792 : i32
        %get3A_1794 = arith.index_cast %sub3A_1771 : i32 to index
        %get3A_1795 = arith.index_cast %add3A_1793 : i32 to index
        %get3A_1796 = tpu.vector_load %arg7[%get3A_1794, %get3A_1795] {strides = array<i32>} : memref<16x1024xi32, #tpu.memory_space<vmem>>, vector<16xi32>,
        %swap3A_1797 = arith.constant 32 : index
        %swap3A_1798 = tpu.vector_load %arg12[%swap3A_1797] {strides = array<i32>} : memref<128xi32, #tpu.memory_space<vmem>>, vector<16xi32>,
        tpu.vector_store %arg12[%swap3A_1797], %get3A_1796 {strides = array<i32>} : memref<128xi32, #tpu.memory_space<vmem>>, vector<16xi32>,
        %mul3A_1799 = arith.constant 128 : i32
        %mul3A_1800 = arith.muli %select_n3A_1770, %mul3A_1799 : i32
        %add3A_1801 = arith.constant 48 : i32
        %add3A_1802 = arith.addi %mul3A_1800, %add3A_1801 : i32
        %get3A_1803 = arith.index_cast %sub3A_1771 : i32 to index
        %get3A_1804 = arith.index_cast %add3A_1802 : i32 to index
        %get3A_1805 = tpu.vector_load %arg7[%get3A_1803, %get3A_1804] {strides = array<i32>} : memref<16x1024xi32, #tpu.memory_space<vmem>>, vector<16xi32>,
        %swap3A_1806 = arith.constant 48 : index
        %swap3A_1807 = tpu.vector_load %arg12[%swap3A_1806] {strides = array<i32>} : memref<128xi32, #tpu.memory_space<vmem>>, vector<16xi32>,
        tpu.vector_store %arg12[%swap3A_1806], %get3A_1805 {strides = array<i32>} : memref<128xi32, #tpu.memory_space<vmem>>, vector<16xi32>,
        %mul3A_1808 = arith.constant 128 : i32
        %mul3A_1809 = arith.muli %select_n3A_1770, %mul3A_1808 : i32
        %add3A_1810 = arith.constant 64 : i32
        %add3A_1811 = arith.addi %mul3A_1809, %add3A_1810 : i32
        %get3A_1812 = arith.index_cast %sub3A_1771 : i32 to index
        %get3A_1813 = arith.index_cast %add3A_1811 : i32 to index
        %get3A_1814 = tpu.vector_load %arg7[%get3A_1812, %get3A_1813] {strides = array<i32>} : memref<16x1024xi32, #tpu.memory_space<vmem>>, vector<16xi32>,
        %swap3A_1815 = arith.constant 64 : index
        %swap3A_1816 = tpu.vector_load %arg12[%swap3A_1815] {strides = array<i32>} : memref<128xi32, #tpu.memory_space<vmem>>, vector<16xi32>,
        tpu.vector_store %arg12[%swap3A_1815], %get3A_1814 {strides = array<i32>} : memref<128xi32, #tpu.memory_space<vmem>>, vector<16xi32>,
        %mul3A_1817 = arith.constant 128 : i32
        %mul3A_1818 = arith.muli %select_n3A_1770, %mul3A_1817 : i32
        %add3A_1819 = arith.constant 80 : i32
        %add3A_1820 = arith.addi %mul3A_1818, %add3A_1819 : i32
        %get3A_1821 = arith.index_cast %sub3A_1771 : i32 to index
        %get3A_1822 = arith.index_cast %add3A_1820 : i32 to index
        %get3A_1823 = tpu.vector_load %arg7[%get3A_1821, %get3A_1822] {strides = array<i32>} : memref<16x1024xi32, #tpu.memory_space<vmem>>, vector<16xi32>,
        %swap3A_1824 = arith.constant 80 : index
        %swap3A_1825 = tpu.vector_load %arg12[%swap3A_1824] {strides = array<i32>} : memref<128xi32, #tpu.memory_space<vmem>>, vector<16xi32>,
        tpu.vector_store %arg12[%swap3A_1824], %get3A_1823 {strides = array<i32>} : memref<128xi32, #tpu.memory_space<vmem>>, vector<16xi32>,
        %mul3A_1826 = arith.constant 128 : i32
        %mul3A_1827 = arith.muli %select_n3A_1770, %mul3A_1826 : i32
        %add3A_1828 = arith.constant 96 : i32
        %add3A_1829 = arith.addi %mul3A_1827, %add3A_1828 : i32
        %get3A_1830 = arith.index_cast %sub3A_1771 : i32 to index
        %get3A_1831 = arith.index_cast %add3A_1829 : i32 to index
        %get3A_1832 = tpu.vector_load %arg7[%get3A_1830, %get3A_1831] {strides = array<i32>} : memref<16x1024xi32, #tpu.memory_space<vmem>>, vector<16xi32>,
        %swap3A_1833 = arith.constant 96 : index
        %swap3A_1834 = tpu.vector_load %arg12[%swap3A_1833] {strides = array<i32>} : memref<128xi32, #tpu.memory_space<vmem>>, vector<16xi32>,
        tpu.vector_store %arg12[%swap3A_1833], %get3A_1832 {strides = array<i32>} : memref<128xi32, #tpu.memory_space<vmem>>, vector<16xi32>,
        %mul3A_1835 = arith.constant 128 : i32
        %mul3A_1836 = arith.muli %select_n3A_1770, %mul3A_1835 : i32
        %add3A_1837 = arith.constant 112 : i32
        %add3A_1838 = arith.addi %mul3A_1836, %add3A_1837 : i32
        %get3A_1839 = arith.index_cast %sub3A_1771 : i32 to index
        %get3A_1840 = arith.index_cast %add3A_1838 : i32 to index
        %get3A_1841 = tpu.vector_load %arg7[%get3A_1839, %get3A_1840] {strides = array<i32>} : memref<16x1024xi32, #tpu.memory_space<vmem>>, vector<16xi32>,
        %swap3A_1842 = arith.constant 112 : index
        %swap3A_1843 = tpu.vector_load %arg12[%swap3A_1842] {strides = array<i32>} : memref<128xi32, #tpu.memory_space<vmem>>, vector<16xi32>,
        tpu.vector_store %arg12[%swap3A_1842], %get3A_1841 {strides = array<i32>} : memref<128xi32, #tpu.memory_space<vmem>>, vector<16xi32>,
        %dma_start3A_1844 = arith.constant 0 : i32
        %dma_start3A_1845 = arith.constant 0 : i32
        %dma_start3A_1846 = tpu.memref_slice %arg5[%dma_start3A_1844, %dma_start3A_1845] : memref<1000000x128xf32, #tpu.memory_space<hbm>> -> memref<1000000x128xf32, #tpu.memory_space<hbm>>
        tpu.enqueue_indirect_dma source(%dma_start3A_1846 : memref<1000000x128xf32, #tpu.memory_space<hbm>>) target(%arg10 : memref<128x128xf32, #tpu.memory_space<vmem>>) offsets(%arg12 : memref<128xi32, #tpu.memory_space<vmem>>) semaphore(%arg17 : memref<!tpu.dma_semaphore, #tpu.memory_space<semaphore_mem>>)
      } else {
      }
      %dma_wait3A_1128 = arith.constant 0 : i32
      %dma_wait3A_1129 = arith.constant 0 : i32
      %dma_wait3A_1130 = tpu.memref_slice %arg5[%dma_wait3A_1128, %dma_wait3A_1129] : memref<1000000x128xf32, #tpu.memory_space<hbm>> -> memref<1000000x128xf32, #tpu.memory_space<hbm>>
      tpu.wait_indirect_dma semaphore(%arg18 : memref<!tpu.dma_semaphore, #tpu.memory_space<semaphore_mem>>) src(%dma_wait3A_1130 : memref<1000000x128xf32, #tpu.memory_space<hbm>>) dst(%arg11 : memref<128x128xf32, #tpu.memory_space<vmem>>)
      %ge3A_1131 = arith.constant 2 : i32
      %ge3A_1132 = arith.cmpi sge, %add3A_1120, %ge3A_1131 : i32
      %convert_element_type3A_1133 = arith.extui %ge3A_1132 : i1 to i32
      %cond3A_1134 = arith.constant 0 : i32
      %cond3A_1135 = arith.cmpi ne, %convert_element_type3A_1133, %cond3A_1134 : i32
      scf.if %cond3A_1135 {
        %sub3A_1728 = arith.constant 2 : i32
        %sub3A_1729 = arith.subi %add3A_1120, %sub3A_1728 : i32
        %add3A_1730 = arith.addi %mul3A_2, %sub3A_1729 : i32
        %jit3A_1731 = arith.constant 8 : i32
        %div3A_1732 = arith.divsi %add3A_1730, %jit3A_1731 : i32
        %sign3A_1733 = arith.constant 0 : i32
        %sign3A_1734 = arith.cmpi sgt, %add3A_1730, %sign3A_1733 : i32
        %sign3A_1735 = arith.extui %sign3A_1734 : i1 to i32
        %sign3A_1736 = arith.constant 0 : i32
        %sign3A_1737 = arith.cmpi slt, %add3A_1730, %sign3A_1736 : i32
        %sign3A_1738 = arith.extui %sign3A_1737 : i1 to i32
        %sign3A_1739 = arith.subi %sign3A_1735, %sign3A_1738 : i32
        %sign3A_1740 = arith.constant 0 : i32
        %sign3A_1741 = arith.cmpi sgt, %jit3A_1731, %sign3A_1740 : i32
        %sign3A_1742 = arith.extui %sign3A_1741 : i1 to i32
        %sign3A_1743 = arith.constant 0 : i32
        %sign3A_1744 = arith.cmpi slt, %jit3A_1731, %sign3A_1743 : i32
        %sign3A_1745 = arith.extui %sign3A_1744 : i1 to i32
        %sign3A_1746 = arith.subi %sign3A_1742, %sign3A_1745 : i32
        %ne3A_1747 = arith.cmpi ne, %sign3A_1739, %sign3A_1746 : i32
        %rem3A_1748 = arith.remsi %add3A_1730, %jit3A_1731 : i32
        %ne3A_1749 = arith.constant 0 : i32
        %ne3A_1750 = arith.cmpi ne, %rem3A_1748, %ne3A_1749 : i32
        %and3A_1751 = arith.andi %ne3A_1747, %ne3A_1750 : i1
        %sub3A_1752 = arith.constant 1 : i32
        %sub3A_1753 = arith.subi %div3A_1732, %sub3A_1752 : i32
        %select_n3A_1754 = arith.select %and3A_1751, %sub3A_1753, %div3A_1732 : i32
        %jit3A_1755 = arith.constant 8 : i32
        %eq3A_1756 = arith.constant 0 : i32
        %eq3A_1757 = arith.cmpi eq, %jit3A_1755, %eq3A_1756 : i32
        %jit3A_1758 = arith.constant 1 : i32
        %select_n3A_1759 = arith.select %eq3A_1757, %jit3A_1758, %jit3A_1755 : i32
        %rem3A_1760 = arith.remsi %add3A_1730, %select_n3A_1759 : i32
        %ne3A_1761 = arith.constant 0 : i32
        %ne3A_1762 = arith.cmpi ne, %rem3A_1760, %ne3A_1761 : i32
        %lt3A_1763 = arith.constant 0 : i32
        %lt3A_1764 = arith.cmpi slt, %rem3A_1760, %lt3A_1763 : i32
        %lt3A_1765 = arith.constant 0 : i32
        %lt3A_1766 = arith.cmpi slt, %select_n3A_1759, %lt3A_1765 : i32
        %ne3A_1767 = arith.xori %lt3A_1764, %lt3A_1766 : i1
        %and3A_1768 = arith.andi %ne3A_1767, %ne3A_1762 : i1
        %add3A_1769 = arith.addi %rem3A_1760, %select_n3A_1759 : i32
        %select_n3A_1770 = arith.select %and3A_1768, %add3A_1769, %rem3A_1760 : i32
        %dma_wait3A_1771 = arith.constant 0 : i32
        %dma_wait3A_1772 = arith.constant 0 : i32
        %dma_wait3A_1773 = arith.constant 0 : i32
        %dma_wait3A_1774 = tpu.memref_slice %arg16[%dma_wait3A_1772, %dma_wait3A_1773] : memref<64x128xf32, #tpu.memory_space<vmem>> -> memref<8x128xf32, #tpu.memory_space<vmem>>
        %dma_wait3A_1775 = arith.constant 0 : i32
        %dma_wait3A_1776 = arith.constant 0 : i32
        %dma_wait3A_1777 = tpu.memref_slice %arg6[%select_n3A_1754, %dma_wait3A_1771, %select_n3A_1770, %dma_wait3A_1775, %dma_wait3A_1776] : memref<200x8x8x8x128xf32, #tpu.memory_space<hbm>> -> memref<1x1x1x8x128xf32, #tpu.memory_space<hbm>>
        %dma_wait3A_1778 = tpu.memref_squeeze %dma_wait3A_1777 : memref<1x1x1x8x128xf32, #tpu.memory_space<hbm>> -> memref<8x128xf32, #tpu.memory_space<hbm>>
        %dma_wait3A_1779 = arith.constant 0 : i32
        %dma_wait3A_1780 = arith.constant 0 : i32
        %dma_wait3A_1781 = tpu.memref_slice %arg6[%select_n3A_1754, %dma_wait3A_1771, %select_n3A_1770, %dma_wait3A_1779, %dma_wait3A_1780] : memref<200x8x8x8x128xf32, #tpu.memory_space<hbm>> -> memref<1x1x1x8x128xf32, #tpu.memory_space<hbm>>
        %dma_wait3A_1782 = tpu.memref_squeeze %dma_wait3A_1781 : memref<1x1x1x8x128xf32, #tpu.memory_space<hbm>> -> memref<8x128xf32, #tpu.memory_space<hbm>>
        %dma_wait3A_1783 = arith.constant 0 : i32
        %dma_wait3A_1784 = arith.constant 0 : i32
        %dma_wait3A_1785 = tpu.memref_slice %arg16[%dma_wait3A_1783, %dma_wait3A_1784] : memref<64x128xf32, #tpu.memory_space<vmem>> -> memref<8x128xf32, #tpu.memory_space<vmem>>
        tpu.wait_dma2 semaphore(%arg20 : memref<!tpu.dma_semaphore, #tpu.memory_space<semaphore_mem>>) src(%dma_wait3A_1785 : memref<8x128xf32, #tpu.memory_space<vmem>>) dst(%dma_wait3A_1782 : memref<8x128xf32, #tpu.memory_space<hbm>>)
        %dma_wait3A_1786 = arith.constant 1 : i32
        %dma_wait3A_1787 = arith.constant 8 : i32
        %dma_wait3A_1788 = arith.constant 0 : i32
        %dma_wait3A_1789 = tpu.memref_slice %arg16[%dma_wait3A_1787, %dma_wait3A_1788] : memref<64x128xf32, #tpu.memory_space<vmem>> -> memref<8x128xf32, #tpu.memory_space<vmem>>
        %dma_wait3A_1790 = arith.constant 0 : i32
        %dma_wait3A_1791 = arith.constant 0 : i32
        %dma_wait3A_1792 = tpu.memref_slice %arg6[%select_n3A_1754, %dma_wait3A_1786, %select_n3A_1770, %dma_wait3A_1790, %dma_wait3A_1791] : memref<200x8x8x8x128xf32, #tpu.memory_space<hbm>> -> memref<1x1x1x8x128xf32, #tpu.memory_space<hbm>>
        %dma_wait3A_1793 = tpu.memref_squeeze %dma_wait3A_1792 : memref<1x1x1x8x128xf32, #tpu.memory_space<hbm>> -> memref<8x128xf32, #tpu.memory_space<hbm>>
        %dma_wait3A_1794 = arith.constant 0 : i32
        %dma_wait3A_1795 = arith.constant 0 : i32
        %dma_wait3A_1796 = tpu.memref_slice %arg6[%select_n3A_1754, %dma_wait3A_1786, %select_n3A_1770, %dma_wait3A_1794, %dma_wait3A_1795] : memref<200x8x8x8x128xf32, #tpu.memory_space<hbm>> -> memref<1x1x1x8x128xf32, #tpu.memory_space<hbm>>
        %dma_wait3A_1797 = tpu.memref_squeeze %dma_wait3A_1796 : memref<1x1x1x8x128xf32, #tpu.memory_space<hbm>> -> memref<8x128xf32, #tpu.memory_space<hbm>>
        %dma_wait3A_1798 = arith.constant 8 : i32
        %dma_wait3A_1799 = arith.constant 0 : i32
        %dma_wait3A_1800 = tpu.memref_slice %arg16[%dma_wait3A_1798, %dma_wait3A_1799] : memref<64x128xf32, #tpu.memory_space<vmem>> -> memref<8x128xf32, #tpu.memory_space<vmem>>
        tpu.wait_dma2 semaphore(%arg20 : memref<!tpu.dma_semaphore, #tpu.memory_space<semaphore_mem>>) src(%dma_wait3A_1800 : memref<8x128xf32, #tpu.memory_space<vmem>>) dst(%dma_wait3A_1797 : memref<8x128xf32, #tpu.memory_space<hbm>>)
        %dma_wait3A_1801 = arith.constant 2 : i32
        %dma_wait3A_1802 = arith.constant 16 : i32
        %dma_wait3A_1803 = arith.constant 0 : i32
        %dma_wait3A_1804 = tpu.memref_slice %arg16[%dma_wait3A_1802, %dma_wait3A_1803] : memref<64x128xf32, #tpu.memory_space<vmem>> -> memref<8x128xf32, #tpu.memory_space<vmem>>
        %dma_wait3A_1805 = arith.constant 0 : i32
        %dma_wait3A_1806 = arith.constant 0 : i32
        %dma_wait3A_1807 = tpu.memref_slice %arg6[%select_n3A_1754, %dma_wait3A_1801, %select_n3A_1770, %dma_wait3A_1805, %dma_wait3A_1806] : memref<200x8x8x8x128xf32, #tpu.memory_space<hbm>> -> memref<1x1x1x8x128xf32, #tpu.memory_space<hbm>>
        %dma_wait3A_1808 = tpu.memref_squeeze %dma_wait3A_1807 : memref<1x1x1x8x128xf32, #tpu.memory_space<hbm>> -> memref<8x128xf32, #tpu.memory_space<hbm>>
        %dma_wait3A_1809 = arith.constant 0 : i32
        %dma_wait3A_1810 = arith.constant 0 : i32
        %dma_wait3A_1811 = tpu.memref_slice %arg6[%select_n3A_1754, %dma_wait3A_1801, %select_n3A_1770, %dma_wait3A_1809, %dma_wait3A_1810] : memref<200x8x8x8x128xf32, #tpu.memory_space<hbm>> -> memref<1x1x1x8x128xf32, #tpu.memory_space<hbm>>
        %dma_wait3A_1812 = tpu.memref_squeeze %dma_wait3A_1811 : memref<1x1x1x8x128xf32, #tpu.memory_space<hbm>> -> memref<8x128xf32, #tpu.memory_space<hbm>>
        %dma_wait3A_1813 = arith.constant 16 : i32
        %dma_wait3A_1814 = arith.constant 0 : i32
        %dma_wait3A_1815 = tpu.memref_slice %arg16[%dma_wait3A_1813, %dma_wait3A_1814] : memref<64x128xf32, #tpu.memory_space<vmem>> -> memref<8x128xf32, #tpu.memory_space<vmem>>
        tpu.wait_dma2 semaphore(%arg20 : memref<!tpu.dma_semaphore, #tpu.memory_space<semaphore_mem>>) src(%dma_wait3A_1815 : memref<8x128xf32, #tpu.memory_space<vmem>>) dst(%dma_wait3A_1812 : memref<8x128xf32, #tpu.memory_space<hbm>>)
        %dma_wait3A_1816 = arith.constant 3 : i32
        %dma_wait3A_1817 = arith.constant 24 : i32
        %dma_wait3A_1818 = arith.constant 0 : i32
        %dma_wait3A_1819 = tpu.memref_slice %arg16[%dma_wait3A_1817, %dma_wait3A_1818] : memref<64x128xf32, #tpu.memory_space<vmem>> -> memref<8x128xf32, #tpu.memory_space<vmem>>
        %dma_wait3A_1820 = arith.constant 0 : i32
        %dma_wait3A_1821 = arith.constant 0 : i32
        %dma_wait3A_1822 = tpu.memref_slice %arg6[%select_n3A_1754, %dma_wait3A_1816, %select_n3A_1770, %dma_wait3A_1820, %dma_wait3A_1821] : memref<200x8x8x8x128xf32, #tpu.memory_space<hbm>> -> memref<1x1x1x8x128xf32, #tpu.memory_space<hbm>>
        %dma_wait3A_1823 = tpu.memref_squeeze %dma_wait3A_1822 : memref<1x1x1x8x128xf32, #tpu.memory_space<hbm>> -> memref<8x128xf32, #tpu.memory_space<hbm>>
        %dma_wait3A_1824 = arith.constant 0 : i32
        %dma_wait3A_1825 = arith.constant 0 : i32
        %dma_wait3A_1826 = tpu.memref_slice %arg6[%select_n3A_1754, %dma_wait3A_1816, %select_n3A_1770, %dma_wait3A_1824, %dma_wait3A_1825] : memref<200x8x8x8x128xf32, #tpu.memory_space<hbm>> -> memref<1x1x1x8x128xf32, #tpu.memory_space<hbm>>
        %dma_wait3A_1827 = tpu.memref_squeeze %dma_wait3A_1826 : memref<1x1x1x8x128xf32, #tpu.memory_space<hbm>> -> memref<8x128xf32, #tpu.memory_space<hbm>>
        %dma_wait3A_1828 = arith.constant 24 : i32
        %dma_wait3A_1829 = arith.constant 0 : i32
        %dma_wait3A_1830 = tpu.memref_slice %arg16[%dma_wait3A_1828, %dma_wait3A_1829] : memref<64x128xf32, #tpu.memory_space<vmem>> -> memref<8x128xf32, #tpu.memory_space<vmem>>
        tpu.wait_dma2 semaphore(%arg20 : memref<!tpu.dma_semaphore, #tpu.memory_space<semaphore_mem>>) src(%dma_wait3A_1830 : memref<8x128xf32, #tpu.memory_space<vmem>>) dst(%dma_wait3A_1827 : memref<8x128xf32, #tpu.memory_space<hbm>>)
        %dma_wait3A_1831 = arith.constant 4 : i32
        %dma_wait3A_1832 = arith.constant 32 : i32
        %dma_wait3A_1833 = arith.constant 0 : i32
        %dma_wait3A_1834 = tpu.memref_slice %arg16[%dma_wait3A_1832, %dma_wait3A_1833] : memref<64x128xf32, #tpu.memory_space<vmem>> -> memref<8x128xf32, #tpu.memory_space<vmem>>
        %dma_wait3A_1835 = arith.constant 0 : i32
        %dma_wait3A_1836 = arith.constant 0 : i32
        %dma_wait3A_1837 = tpu.memref_slice %arg6[%select_n3A_1754, %dma_wait3A_1831, %select_n3A_1770, %dma_wait3A_1835, %dma_wait3A_1836] : memref<200x8x8x8x128xf32, #tpu.memory_space<hbm>> -> memref<1x1x1x8x128xf32, #tpu.memory_space<hbm>>
        %dma_wait3A_1838 = tpu.memref_squeeze %dma_wait3A_1837 : memref<1x1x1x8x128xf32, #tpu.memory_space<hbm>> -> memref<8x128xf32, #tpu.memory_space<hbm>>
        %dma_wait3A_1839 = arith.constant 0 : i32
        %dma_wait3A_1840 = arith.constant 0 : i32
        %dma_wait3A_1841 = tpu.memref_slice %arg6[%select_n3A_1754, %dma_wait3A_1831, %select_n3A_1770, %dma_wait3A_1839, %dma_wait3A_1840] : memref<200x8x8x8x128xf32, #tpu.memory_space<hbm>> -> memref<1x1x1x8x128xf32, #tpu.memory_space<hbm>>
        %dma_wait3A_1842 = tpu.memref_squeeze %dma_wait3A_1841 : memref<1x1x1x8x128xf32, #tpu.memory_space<hbm>> -> memref<8x128xf32, #tpu.memory_space<hbm>>
        %dma_wait3A_1843 = arith.constant 32 : i32
        %dma_wait3A_1844 = arith.constant 0 : i32
        %dma_wait3A_1845 = tpu.memref_slice %arg16[%dma_wait3A_1843, %dma_wait3A_1844] : memref<64x128xf32, #tpu.memory_space<vmem>> -> memref<8x128xf32, #tpu.memory_space<vmem>>
        tpu.wait_dma2 semaphore(%arg20 : memref<!tpu.dma_semaphore, #tpu.memory_space<semaphore_mem>>) src(%dma_wait3A_1845 : memref<8x128xf32, #tpu.memory_space<vmem>>) dst(%dma_wait3A_1842 : memref<8x128xf32, #tpu.memory_space<hbm>>)
        %dma_wait3A_1846 = arith.constant 5 : i32
        %dma_wait3A_1847 = arith.constant 40 : i32
        %dma_wait3A_1848 = arith.constant 0 : i32
        %dma_wait3A_1849 = tpu.memref_slice %arg16[%dma_wait3A_1847, %dma_wait3A_1848] : memref<64x128xf32, #tpu.memory_space<vmem>> -> memref<8x128xf32, #tpu.memory_space<vmem>>
        %dma_wait3A_1850 = arith.constant 0 : i32
        %dma_wait3A_1851 = arith.constant 0 : i32
        %dma_wait3A_1852 = tpu.memref_slice %arg6[%select_n3A_1754, %dma_wait3A_1846, %select_n3A_1770, %dma_wait3A_1850, %dma_wait3A_1851] : memref<200x8x8x8x128xf32, #tpu.memory_space<hbm>> -> memref<1x1x1x8x128xf32, #tpu.memory_space<hbm>>
        %dma_wait3A_1853 = tpu.memref_squeeze %dma_wait3A_1852 : memref<1x1x1x8x128xf32, #tpu.memory_space<hbm>> -> memref<8x128xf32, #tpu.memory_space<hbm>>
        %dma_wait3A_1854 = arith.constant 0 : i32
        %dma_wait3A_1855 = arith.constant 0 : i32
        %dma_wait3A_1856 = tpu.memref_slice %arg6[%select_n3A_1754, %dma_wait3A_1846, %select_n3A_1770, %dma_wait3A_1854, %dma_wait3A_1855] : memref<200x8x8x8x128xf32, #tpu.memory_space<hbm>> -> memref<1x1x1x8x128xf32, #tpu.memory_space<hbm>>
        %dma_wait3A_1857 = tpu.memref_squeeze %dma_wait3A_1856 : memref<1x1x1x8x128xf32, #tpu.memory_space<hbm>> -> memref<8x128xf32, #tpu.memory_space<hbm>>
        %dma_wait3A_1858 = arith.constant 40 : i32
        %dma_wait3A_1859 = arith.constant 0 : i32
        %dma_wait3A_1860 = tpu.memref_slice %arg16[%dma_wait3A_1858, %dma_wait3A_1859] : memref<64x128xf32, #tpu.memory_space<vmem>> -> memref<8x128xf32, #tpu.memory_space<vmem>>
        tpu.wait_dma2 semaphore(%arg20 : memref<!tpu.dma_semaphore, #tpu.memory_space<semaphore_mem>>) src(%dma_wait3A_1860 : memref<8x128xf32, #tpu.memory_space<vmem>>) dst(%dma_wait3A_1857 : memref<8x128xf32, #tpu.memory_space<hbm>>)
        %dma_wait3A_1861 = arith.constant 6 : i32
        %dma_wait3A_1862 = arith.constant 48 : i32
        %dma_wait3A_1863 = arith.constant 0 : i32
        %dma_wait3A_1864 = tpu.memref_slice %arg16[%dma_wait3A_1862, %dma_wait3A_1863] : memref<64x128xf32, #tpu.memory_space<vmem>> -> memref<8x128xf32, #tpu.memory_space<vmem>>
        %dma_wait3A_1865 = arith.constant 0 : i32
        %dma_wait3A_1866 = arith.constant 0 : i32
        %dma_wait3A_1867 = tpu.memref_slice %arg6[%select_n3A_1754, %dma_wait3A_1861, %select_n3A_1770, %dma_wait3A_1865, %dma_wait3A_1866] : memref<200x8x8x8x128xf32, #tpu.memory_space<hbm>> -> memref<1x1x1x8x128xf32, #tpu.memory_space<hbm>>
        %dma_wait3A_1868 = tpu.memref_squeeze %dma_wait3A_1867 : memref<1x1x1x8x128xf32, #tpu.memory_space<hbm>> -> memref<8x128xf32, #tpu.memory_space<hbm>>
        %dma_wait3A_1869 = arith.constant 0 : i32
        %dma_wait3A_1870 = arith.constant 0 : i32
        %dma_wait3A_1871 = tpu.memref_slice %arg6[%select_n3A_1754, %dma_wait3A_1861, %select_n3A_1770, %dma_wait3A_1869, %dma_wait3A_1870] : memref<200x8x8x8x128xf32, #tpu.memory_space<hbm>> -> memref<1x1x1x8x128xf32, #tpu.memory_space<hbm>>
        %dma_wait3A_1872 = tpu.memref_squeeze %dma_wait3A_1871 : memref<1x1x1x8x128xf32, #tpu.memory_space<hbm>> -> memref<8x128xf32, #tpu.memory_space<hbm>>
        %dma_wait3A_1873 = arith.constant 48 : i32
        %dma_wait3A_1874 = arith.constant 0 : i32
        %dma_wait3A_1875 = tpu.memref_slice %arg16[%dma_wait3A_1873, %dma_wait3A_1874] : memref<64x128xf32, #tpu.memory_space<vmem>> -> memref<8x128xf32, #tpu.memory_space<vmem>>
        tpu.wait_dma2 semaphore(%arg20 : memref<!tpu.dma_semaphore, #tpu.memory_space<semaphore_mem>>) src(%dma_wait3A_1875 : memref<8x128xf32, #tpu.memory_space<vmem>>) dst(%dma_wait3A_1872 : memref<8x128xf32, #tpu.memory_space<hbm>>)
        %dma_wait3A_1876 = arith.constant 7 : i32
        %dma_wait3A_1877 = arith.constant 56 : i32
        %dma_wait3A_1878 = arith.constant 0 : i32
        %dma_wait3A_1879 = tpu.memref_slice %arg16[%dma_wait3A_1877, %dma_wait3A_1878] : memref<64x128xf32, #tpu.memory_space<vmem>> -> memref<8x128xf32, #tpu.memory_space<vmem>>
        %dma_wait3A_1880 = arith.constant 0 : i32
        %dma_wait3A_1881 = arith.constant 0 : i32
        %dma_wait3A_1882 = tpu.memref_slice %arg6[%select_n3A_1754, %dma_wait3A_1876, %select_n3A_1770, %dma_wait3A_1880, %dma_wait3A_1881] : memref<200x8x8x8x128xf32, #tpu.memory_space<hbm>> -> memref<1x1x1x8x128xf32, #tpu.memory_space<hbm>>
        %dma_wait3A_1883 = tpu.memref_squeeze %dma_wait3A_1882 : memref<1x1x1x8x128xf32, #tpu.memory_space<hbm>> -> memref<8x128xf32, #tpu.memory_space<hbm>>
        %dma_wait3A_1884 = arith.constant 0 : i32
        %dma_wait3A_1885 = arith.constant 0 : i32
        %dma_wait3A_1886 = tpu.memref_slice %arg6[%select_n3A_1754, %dma_wait3A_1876, %select_n3A_1770, %dma_wait3A_1884, %dma_wait3A_1885] : memref<200x8x8x8x128xf32, #tpu.memory_space<hbm>> -> memref<1x1x1x8x128xf32, #tpu.memory_space<hbm>>
        %dma_wait3A_1887 = tpu.memref_squeeze %dma_wait3A_1886 : memref<1x1x1x8x128xf32, #tpu.memory_space<hbm>> -> memref<8x128xf32, #tpu.memory_space<hbm>>
        %dma_wait3A_1888 = arith.constant 56 : i32
        %dma_wait3A_1889 = arith.constant 0 : i32
        %dma_wait3A_1890 = tpu.memref_slice %arg16[%dma_wait3A_1888, %dma_wait3A_1889] : memref<64x128xf32, #tpu.memory_space<vmem>> -> memref<8x128xf32, #tpu.memory_space<vmem>>
        tpu.wait_dma2 semaphore(%arg20 : memref<!tpu.dma_semaphore, #tpu.memory_space<semaphore_mem>>) src(%dma_wait3A_1890 : memref<8x128xf32, #tpu.memory_space<vmem>>) dst(%dma_wait3A_1887 : memref<8x128xf32, #tpu.memory_space<hbm>>)
      } else {
      }
      %add3A_1136 = arith.addi %mul3A_2, %add3A_1120 : i32
      %jit3A_1137 = arith.constant 8 : i32
      %div3A_1138 = arith.divsi %add3A_1136, %jit3A_1137 : i32
      %sign3A_1139 = arith.constant 0 : i32
      %sign3A_1140 = arith.cmpi sgt, %add3A_1136, %sign3A_1139 : i32
      %sign3A_1141 = arith.extui %sign3A_1140 : i1 to i32
      %sign3A_1142 = arith.constant 0 : i32
      %sign3A_1143 = arith.cmpi slt, %add3A_1136, %sign3A_1142 : i32
      %sign3A_1144 = arith.extui %sign3A_1143 : i1 to i32
      %sign3A_1145 = arith.subi %sign3A_1141, %sign3A_1144 : i32
      %sign3A_1146 = arith.constant 0 : i32
      %sign3A_1147 = arith.cmpi sgt, %jit3A_1137, %sign3A_1146 : i32
      %sign3A_1148 = arith.extui %sign3A_1147 : i1 to i32
      %sign3A_1149 = arith.constant 0 : i32
      %sign3A_1150 = arith.cmpi slt, %jit3A_1137, %sign3A_1149 : i32
      %sign3A_1151 = arith.extui %sign3A_1150 : i1 to i32
      %sign3A_1152 = arith.subi %sign3A_1148, %sign3A_1151 : i32
      %ne3A_1153 = arith.cmpi ne, %sign3A_1145, %sign3A_1152 : i32
      %rem3A_1154 = arith.remsi %add3A_1136, %jit3A_1137 : i32
      %ne3A_1155 = arith.constant 0 : i32
      %ne3A_1156 = arith.cmpi ne, %rem3A_1154, %ne3A_1155 : i32
      %and3A_1157 = arith.andi %ne3A_1153, %ne3A_1156 : i1
      %sub3A_1158 = arith.constant 1 : i32
      %sub3A_1159 = arith.subi %div3A_1138, %sub3A_1158 : i32
      %select_n3A_1160 = arith.select %and3A_1157, %sub3A_1159, %div3A_1138 : i32
      %jit3A_1161 = arith.constant 8 : i32
      %eq3A_1162 = arith.constant 0 : i32
      %eq3A_1163 = arith.cmpi eq, %jit3A_1161, %eq3A_1162 : i32
      %jit3A_1164 = arith.constant 1 : i32
      %select_n3A_1165 = arith.select %eq3A_1163, %jit3A_1164, %jit3A_1161 : i32
      %rem3A_1166 = arith.remsi %add3A_1136, %select_n3A_1165 : i32
      %ne3A_1167 = arith.constant 0 : i32
      %ne3A_1168 = arith.cmpi ne, %rem3A_1166, %ne3A_1167 : i32
      %lt3A_1169 = arith.constant 0 : i32
      %lt3A_1170 = arith.cmpi slt, %rem3A_1166, %lt3A_1169 : i32
      %lt3A_1171 = arith.constant 0 : i32
      %lt3A_1172 = arith.cmpi slt, %select_n3A_1165, %lt3A_1171 : i32
      %ne3A_1173 = arith.xori %lt3A_1170, %lt3A_1172 : i1
      %and3A_1174 = arith.andi %ne3A_1173, %ne3A_1168 : i1
      %add3A_1175 = arith.addi %rem3A_1166, %select_n3A_1165 : i32
      %select_n3A_1176 = arith.select %and3A_1174, %add3A_1175, %rem3A_1166 : i32
      %sub3A_1177 = arith.subi %select_n3A_1160, %mul3A_44 : i32
      %parallel_loop3A_1178 = arith.constant 0 : i32
      %parallel_loop3A_1179 = arith.constant 128 : i32
      %parallel_loop3A_1180 = arith.constant 1 : i32
      scf.for %parallel_loop3A_1728 = %parallel_loop3A_1178 to %parallel_loop3A_1179 step %parallel_loop3A_1180  : i32 {
        %parallel_loop3A_1729 = arith.index_cast %parallel_loop3A_1728 : i32 to index
        %parallel_loop3A_1730 = arith.constant 0 : index
        %parallel_loop3A_1731 = tpu.vector_load %arg11[%parallel_loop3A_1729, %parallel_loop3A_1730] {strides = array<i32>} : memref<128x128xf32, #tpu.memory_space<vmem>>, vector<16xf32>,
        %parallel_loop3A_1732 = vector.broadcast %parallel_loop3A_1728 : i32 to vector<16xi32>
        %parallel_loop3A_1733 = arith.addi %mul3A_50, %parallel_loop3A_1732 : vector<16xi32>
        tpu.vector_store_idx %arg14[%parallel_loop3A_1733], %parallel_loop3A_1731 : memref<8256xf32, #tpu.memory_space<vmem>>[vector<16xi32>], vector<16xf32>,
        %parallel_loop3A_1734 = arith.index_cast %parallel_loop3A_1728 : i32 to index
        %parallel_loop3A_1735 = arith.constant 16 : index
        %parallel_loop3A_1736 = tpu.vector_load %arg11[%parallel_loop3A_1734, %parallel_loop3A_1735] {strides = array<i32>} : memref<128x128xf32, #tpu.memory_space<vmem>>, vector<16xf32>,
        %parallel_loop3A_1737 = vector.broadcast %parallel_loop3A_1728 : i32 to vector<16xi32>
        %parallel_loop3A_1738 = arith.addi %mul3A_56, %parallel_loop3A_1737 : vector<16xi32>
        tpu.vector_store_idx %arg14[%parallel_loop3A_1738], %parallel_loop3A_1736 : memref<8256xf32, #tpu.memory_space<vmem>>[vector<16xi32>], vector<16xf32>,
        %parallel_loop3A_1739 = arith.index_cast %parallel_loop3A_1728 : i32 to index
        %parallel_loop3A_1740 = arith.constant 32 : index
        %parallel_loop3A_1741 = tpu.vector_load %arg11[%parallel_loop3A_1739, %parallel_loop3A_1740] {strides = array<i32>} : memref<128x128xf32, #tpu.memory_space<vmem>>, vector<16xf32>,
        %parallel_loop3A_1742 = vector.broadcast %parallel_loop3A_1728 : i32 to vector<16xi32>
        %parallel_loop3A_1743 = arith.addi %mul3A_62, %parallel_loop3A_1742 : vector<16xi32>
        tpu.vector_store_idx %arg14[%parallel_loop3A_1743], %parallel_loop3A_1741 : memref<8256xf32, #tpu.memory_space<vmem>>[vector<16xi32>], vector<16xf32>,
        %parallel_loop3A_1744 = arith.index_cast %parallel_loop3A_1728 : i32 to index
        %parallel_loop3A_1745 = arith.constant 48 : index
        %parallel_loop3A_1746 = tpu.vector_load %arg11[%parallel_loop3A_1744, %parallel_loop3A_1745] {strides = array<i32>} : memref<128x128xf32, #tpu.memory_space<vmem>>, vector<16xf32>,
        %parallel_loop3A_1747 = vector.broadcast %parallel_loop3A_1728 : i32 to vector<16xi32>
        %parallel_loop3A_1748 = arith.addi %mul3A_68, %parallel_loop3A_1747 : vector<16xi32>
        tpu.vector_store_idx %arg14[%parallel_loop3A_1748], %parallel_loop3A_1746 : memref<8256xf32, #tpu.memory_space<vmem>>[vector<16xi32>], vector<16xf32>,
      } {sc.loop_unroll_factor = 4 : i64, sc.parallel_access}
      %add3A_1181 = arith.constant 0 : i32
      %add3A_1182 = vector.broadcast %add3A_1181 : i32 to vector<16xi32>
      %add3A_1183 = arith.addi %iota3A, %add3A_1182 : vector<16xi32>
      %add3A_1184 = arith.constant 16 : i32
      %add3A_1185 = vector.broadcast %add3A_1184 : i32 to vector<16xi32>
      %add3A_1186 = arith.addi %iota3A, %add3A_1185 : vector<16xi32>
      %add3A_1187 = arith.constant 32 : i32
      %add3A_1188 = vector.broadcast %add3A_1187 : i32 to vector<16xi32>
      %add3A_1189 = arith.addi %iota3A, %add3A_1188 : vector<16xi32>
      %add3A_1190 = arith.constant 48 : i32
      %add3A_1191 = vector.broadcast %add3A_1190 : i32 to vector<16xi32>
      %add3A_1192 = arith.addi %iota3A, %add3A_1191 : vector<16xi32>
      %add3A_1193 = arith.constant 64 : i32
      %add3A_1194 = vector.broadcast %add3A_1193 : i32 to vector<16xi32>
      %add3A_1195 = arith.addi %iota3A, %add3A_1194 : vector<16xi32>
      %add3A_1196 = arith.constant 80 : i32
      %add3A_1197 = vector.broadcast %add3A_1196 : i32 to vector<16xi32>
      %add3A_1198 = arith.addi %iota3A, %add3A_1197 : vector<16xi32>
      %add3A_1199 = arith.constant 96 : i32
      %add3A_1200 = vector.broadcast %add3A_1199 : i32 to vector<16xi32>
      %add3A_1201 = arith.addi %iota3A, %add3A_1200 : vector<16xi32>
      %add3A_1202 = arith.constant 112 : i32
      %add3A_1203 = vector.broadcast %add3A_1202 : i32 to vector<16xi32>
      %add3A_1204 = arith.addi %iota3A, %add3A_1203 : vector<16xi32>
      %broadcast_in_dim3A_1205 = arith.constant 0.000000e+00 : f32
      %broadcast_in_dim3A_1206 = vector.broadcast %broadcast_in_dim3A_1205 : f32 to vector<16xf32>
      %parallel_loop3A_1207 = arith.constant 0 : i32
      %parallel_loop3A_1208 = arith.constant 64 : i32
      %parallel_loop3A_1209 = arith.constant 1 : i32
      %parallel_loop3A_1210:16 = scf.for %parallel_loop3A_1728 = %parallel_loop3A_1207 to %parallel_loop3A_1208 step %parallel_loop3A_1209 iter_args(%parallel_loop3A_1729 = %broadcast_in_dim3A_1206, %parallel_loop3A_1730 = %broadcast_in_dim3A_1206, %parallel_loop3A_1731 = %broadcast_in_dim3A_1206, %parallel_loop3A_1732 = %broadcast_in_dim3A_1206, %parallel_loop3A_1733 = %broadcast_in_dim3A_1206, %parallel_loop3A_1734 = %broadcast_in_dim3A_1206, %parallel_loop3A_1735 = %broadcast_in_dim3A_1206, %parallel_loop3A_1736 = %broadcast_in_dim3A_1206, %parallel_loop3A_1737 = %broadcast_in_dim3A_1206, %parallel_loop3A_1738 = %broadcast_in_dim3A_1206, %parallel_loop3A_1739 = %broadcast_in_dim3A_1206, %parallel_loop3A_1740 = %broadcast_in_dim3A_1206, %parallel_loop3A_1741 = %broadcast_in_dim3A_1206, %parallel_loop3A_1742 = %broadcast_in_dim3A_1206, %parallel_loop3A_1743 = %broadcast_in_dim3A_1206, %parallel_loop3A_1744 = %broadcast_in_dim3A_1206) -> (vector<16xf32>, vector<16xf32>, vector<16xf32>, vector<16xf32>, vector<16xf32>, vector<16xf32>, vector<16xf32>, vector<16xf32>, vector<16xf32>, vector<16xf32>, vector<16xf32>, vector<16xf32>, vector<16xf32>, vector<16xf32>, vector<16xf32>, vector<16xf32>)  : i32 {
        %parallel_loop3A_1745 = arith.constant 129 : i32
        %parallel_loop3A_1746 = arith.muli %parallel_loop3A_1728, %parallel_loop3A_1745 : i32
        %parallel_loop3A_1747 = arith.constant 8 : i32
        %parallel_loop3A_1748 = arith.divsi %parallel_loop3A_1728, %parallel_loop3A_1747 : i32
        %parallel_loop3A_1749 = arith.constant 0 : i32
        %parallel_loop3A_1750 = arith.cmpi sgt, %parallel_loop3A_1728, %parallel_loop3A_1749 : i32
        %parallel_loop3A_1751 = arith.extui %parallel_loop3A_1750 : i1 to i32
        %parallel_loop3A_1752 = arith.constant 0 : i32
        %parallel_loop3A_1753 = arith.cmpi slt, %parallel_loop3A_1728, %parallel_loop3A_1752 : i32
        %parallel_loop3A_1754 = arith.extui %parallel_loop3A_1753 : i1 to i32
        %parallel_loop3A_1755 = arith.subi %parallel_loop3A_1751, %parallel_loop3A_1754 : i32
        %parallel_loop3A_1756 = arith.constant 0 : i32
        %parallel_loop3A_1757 = arith.cmpi sgt, %parallel_loop3A_1747, %parallel_loop3A_1756 : i32
        %parallel_loop3A_1758 = arith.extui %parallel_loop3A_1757 : i1 to i32
        %parallel_loop3A_1759 = arith.constant 0 : i32
        %parallel_loop3A_1760 = arith.cmpi slt, %parallel_loop3A_1747, %parallel_loop3A_1759 : i32
        %parallel_loop3A_1761 = arith.extui %parallel_loop3A_1760 : i1 to i32
        %parallel_loop3A_1762 = arith.subi %parallel_loop3A_1758, %parallel_loop3A_1761 : i32
        %parallel_loop3A_1763 = arith.cmpi ne, %parallel_loop3A_1755, %parallel_loop3A_1762 : i32
        %parallel_loop3A_1764 = arith.remsi %parallel_loop3A_1728, %parallel_loop3A_1747 : i32
        %parallel_loop3A_1765 = arith.constant 0 : i32
        %parallel_loop3A_1766 = arith.cmpi ne, %parallel_loop3A_1764, %parallel_loop3A_1765 : i32
        %parallel_loop3A_1767 = arith.andi %parallel_loop3A_1763, %parallel_loop3A_1766 : i1
        %parallel_loop3A_1768 = arith.constant 1 : i32
        %parallel_loop3A_1769 = arith.subi %parallel_loop3A_1748, %parallel_loop3A_1768 : i32
        %parallel_loop3A_1770 = arith.select %parallel_loop3A_1767, %parallel_loop3A_1769, %parallel_loop3A_1748 : i32
        %parallel_loop3A_1771 = arith.constant 8 : i32
        %parallel_loop3A_1772 = arith.constant 0 : i32
        %parallel_loop3A_1773 = arith.cmpi eq, %parallel_loop3A_1771, %parallel_loop3A_1772 : i32
        %parallel_loop3A_1774 = arith.constant 1 : i32
        %parallel_loop3A_1775 = arith.select %parallel_loop3A_1773, %parallel_loop3A_1774, %parallel_loop3A_1771 : i32
        %parallel_loop3A_1776 = arith.remsi %parallel_loop3A_1728, %parallel_loop3A_1775 : i32
        %parallel_loop3A_1777 = arith.constant 0 : i32
        %parallel_loop3A_1778 = arith.cmpi ne, %parallel_loop3A_1776, %parallel_loop3A_1777 : i32
        %parallel_loop3A_1779 = arith.constant 0 : i32
        %parallel_loop3A_1780 = arith.cmpi slt, %parallel_loop3A_1776, %parallel_loop3A_1779 : i32
        %parallel_loop3A_1781 = arith.constant 0 : i32
        %parallel_loop3A_1782 = arith.cmpi slt, %parallel_loop3A_1775, %parallel_loop3A_1781 : i32
        %parallel_loop3A_1783 = arith.xori %parallel_loop3A_1780, %parallel_loop3A_1782 : i1
        %parallel_loop3A_1784 = arith.andi %parallel_loop3A_1783, %parallel_loop3A_1778 : i1
        %parallel_loop3A_1785 = arith.addi %parallel_loop3A_1776, %parallel_loop3A_1775 : i32
        %parallel_loop3A_1786 = arith.select %parallel_loop3A_1784, %parallel_loop3A_1785, %parallel_loop3A_1776 : i32
        %parallel_loop3A_1787 = arith.constant 16 : i32
        %parallel_loop3A_1788 = arith.muli %parallel_loop3A_1786, %parallel_loop3A_1787 : i32
        %parallel_loop3A_1789 = arith.index_cast %sub3A_1177 : i32 to index
        %parallel_loop3A_1790 = arith.index_cast %parallel_loop3A_1770 : i32 to index
        %parallel_loop3A_1791 = arith.index_cast %parallel_loop3A_1788 : i32 to index
        %parallel_loop3A_1792 = tpu.vector_load %arg8[%parallel_loop3A_1789, %parallel_loop3A_1790, %parallel_loop3A_1791] {strides = array<i32>} : memref<16x8x128xf32, #tpu.memory_space<vmem>>, vector<16xf32>,
        %parallel_loop3A_1793 = vector.broadcast %parallel_loop3A_1746 : i32 to vector<16xi32>
        %parallel_loop3A_1794 = arith.addi %add3A_1183, %parallel_loop3A_1793 : vector<16xi32>
        %parallel_loop3A_1795 = tpu.vector_load_idx %arg14[%parallel_loop3A_1794] : memref<8256xf32, #tpu.memory_space<vmem>>[vector<16xi32>], vector<16xf32>,
        %parallel_loop3A_1796 = arith.addf %parallel_loop3A_1795, %parallel_loop3A_1792 : vector<16xf32>
        %parallel_loop3A_1797 = arith.addf %parallel_loop3A_1729, %parallel_loop3A_1796 : vector<16xf32>
        %parallel_loop3A_1798 = arith.mulf %parallel_loop3A_1796, %parallel_loop3A_1796 : vector<16xf32>
        %parallel_loop3A_1799 = arith.addf %parallel_loop3A_1737, %parallel_loop3A_1798 : vector<16xf32>
        %parallel_loop3A_1800 = vector.broadcast %parallel_loop3A_1746 : i32 to vector<16xi32>
        %parallel_loop3A_1801 = arith.addi %add3A_1186, %parallel_loop3A_1800 : vector<16xi32>
        %parallel_loop3A_1802 = tpu.vector_load_idx %arg14[%parallel_loop3A_1801] : memref<8256xf32, #tpu.memory_space<vmem>>[vector<16xi32>], vector<16xf32>,
        %parallel_loop3A_1803 = arith.addf %parallel_loop3A_1802, %parallel_loop3A_1792 : vector<16xf32>
        %parallel_loop3A_1804 = arith.addf %parallel_loop3A_1730, %parallel_loop3A_1803 : vector<16xf32>
        %parallel_loop3A_1805 = arith.mulf %parallel_loop3A_1803, %parallel_loop3A_1803 : vector<16xf32>
        %parallel_loop3A_1806 = arith.addf %parallel_loop3A_1738, %parallel_loop3A_1805 : vector<16xf32>
        %parallel_loop3A_1807 = vector.broadcast %parallel_loop3A_1746 : i32 to vector<16xi32>
        %parallel_loop3A_1808 = arith.addi %add3A_1189, %parallel_loop3A_1807 : vector<16xi32>
        %parallel_loop3A_1809 = tpu.vector_load_idx %arg14[%parallel_loop3A_1808] : memref<8256xf32, #tpu.memory_space<vmem>>[vector<16xi32>], vector<16xf32>,
        %parallel_loop3A_1810 = arith.addf %parallel_loop3A_1809, %parallel_loop3A_1792 : vector<16xf32>
        %parallel_loop3A_1811 = arith.addf %parallel_loop3A_1731, %parallel_loop3A_1810 : vector<16xf32>
        %parallel_loop3A_1812 = arith.mulf %parallel_loop3A_1810, %parallel_loop3A_1810 : vector<16xf32>
        %parallel_loop3A_1813 = arith.addf %parallel_loop3A_1739, %parallel_loop3A_1812 : vector<16xf32>
        %parallel_loop3A_1814 = vector.broadcast %parallel_loop3A_1746 : i32 to vector<16xi32>
        %parallel_loop3A_1815 = arith.addi %add3A_1192, %parallel_loop3A_1814 : vector<16xi32>
        %parallel_loop3A_1816 = tpu.vector_load_idx %arg14[%parallel_loop3A_1815] : memref<8256xf32, #tpu.memory_space<vmem>>[vector<16xi32>], vector<16xf32>,
        %parallel_loop3A_1817 = arith.addf %parallel_loop3A_1816, %parallel_loop3A_1792 : vector<16xf32>
        %parallel_loop3A_1818 = arith.addf %parallel_loop3A_1732, %parallel_loop3A_1817 : vector<16xf32>
        %parallel_loop3A_1819 = arith.mulf %parallel_loop3A_1817, %parallel_loop3A_1817 : vector<16xf32>
        %parallel_loop3A_1820 = arith.addf %parallel_loop3A_1740, %parallel_loop3A_1819 : vector<16xf32>
        %parallel_loop3A_1821 = vector.broadcast %parallel_loop3A_1746 : i32 to vector<16xi32>
        %parallel_loop3A_1822 = arith.addi %add3A_1195, %parallel_loop3A_1821 : vector<16xi32>
        %parallel_loop3A_1823 = tpu.vector_load_idx %arg14[%parallel_loop3A_1822] : memref<8256xf32, #tpu.memory_space<vmem>>[vector<16xi32>], vector<16xf32>,
        %parallel_loop3A_1824 = arith.addf %parallel_loop3A_1823, %parallel_loop3A_1792 : vector<16xf32>
        %parallel_loop3A_1825 = arith.addf %parallel_loop3A_1733, %parallel_loop3A_1824 : vector<16xf32>
        %parallel_loop3A_1826 = arith.mulf %parallel_loop3A_1824, %parallel_loop3A_1824 : vector<16xf32>
        %parallel_loop3A_1827 = arith.addf %parallel_loop3A_1741, %parallel_loop3A_1826 : vector<16xf32>
        %parallel_loop3A_1828 = vector.broadcast %parallel_loop3A_1746 : i32 to vector<16xi32>
        %parallel_loop3A_1829 = arith.addi %add3A_1198, %parallel_loop3A_1828 : vector<16xi32>
        %parallel_loop3A_1830 = tpu.vector_load_idx %arg14[%parallel_loop3A_1829] : memref<8256xf32, #tpu.memory_space<vmem>>[vector<16xi32>], vector<16xf32>,
        %parallel_loop3A_1831 = arith.addf %parallel_loop3A_1830, %parallel_loop3A_1792 : vector<16xf32>
        %parallel_loop3A_1832 = arith.addf %parallel_loop3A_1734, %parallel_loop3A_1831 : vector<16xf32>
        %parallel_loop3A_1833 = arith.mulf %parallel_loop3A_1831, %parallel_loop3A_1831 : vector<16xf32>
        %parallel_loop3A_1834 = arith.addf %parallel_loop3A_1742, %parallel_loop3A_1833 : vector<16xf32>
        %parallel_loop3A_1835 = vector.broadcast %parallel_loop3A_1746 : i32 to vector<16xi32>
        %parallel_loop3A_1836 = arith.addi %add3A_1201, %parallel_loop3A_1835 : vector<16xi32>
        %parallel_loop3A_1837 = tpu.vector_load_idx %arg14[%parallel_loop3A_1836] : memref<8256xf32, #tpu.memory_space<vmem>>[vector<16xi32>], vector<16xf32>,
        %parallel_loop3A_1838 = arith.addf %parallel_loop3A_1837, %parallel_loop3A_1792 : vector<16xf32>
        %parallel_loop3A_1839 = arith.addf %parallel_loop3A_1735, %parallel_loop3A_1838 : vector<16xf32>
        %parallel_loop3A_1840 = arith.mulf %parallel_loop3A_1838, %parallel_loop3A_1838 : vector<16xf32>
        %parallel_loop3A_1841 = arith.addf %parallel_loop3A_1743, %parallel_loop3A_1840 : vector<16xf32>
        %parallel_loop3A_1842 = vector.broadcast %parallel_loop3A_1746 : i32 to vector<16xi32>
        %parallel_loop3A_1843 = arith.addi %add3A_1204, %parallel_loop3A_1842 : vector<16xi32>
        %parallel_loop3A_1844 = tpu.vector_load_idx %arg14[%parallel_loop3A_1843] : memref<8256xf32, #tpu.memory_space<vmem>>[vector<16xi32>], vector<16xf32>,
        %parallel_loop3A_1845 = arith.addf %parallel_loop3A_1844, %parallel_loop3A_1792 : vector<16xf32>
        %parallel_loop3A_1846 = arith.addf %parallel_loop3A_1736, %parallel_loop3A_1845 : vector<16xf32>
        %parallel_loop3A_1847 = arith.mulf %parallel_loop3A_1845, %parallel_loop3A_1845 : vector<16xf32>
        %parallel_loop3A_1848 = arith.addf %parallel_loop3A_1744, %parallel_loop3A_1847 : vector<16xf32>
        scf.yield %parallel_loop3A_1797, %parallel_loop3A_1804, %parallel_loop3A_1811, %parallel_loop3A_1818, %parallel_loop3A_1825, %parallel_loop3A_1832, %parallel_loop3A_1839, %parallel_loop3A_1846, %parallel_loop3A_1799, %parallel_loop3A_1806, %parallel_loop3A_1813, %parallel_loop3A_1820, %parallel_loop3A_1827, %parallel_loop3A_1834, %parallel_loop3A_1841, %parallel_loop3A_1848 : vector<16xf32>, vector<16xf32>, vector<16xf32>, vector<16xf32>, vector<16xf32>, vector<16xf32>, vector<16xf32>, vector<16xf32>, vector<16xf32>, vector<16xf32>, vector<16xf32>, vector<16xf32>, vector<16xf32>, vector<16xf32>, vector<16xf32>, vector<16xf32>
      } {sc.loop_unroll_factor = 4 : i64, sc.parallel_access}
      %mul3A_1211 = vector.broadcast %scan3A : f32 to vector<16xf32>
      %mul3A_1212 = arith.mulf %parallel_loop3A_1210#0, %mul3A_1211 : vector<16xf32>
      %mul3A_1213 = vector.broadcast %scan3A : f32 to vector<16xf32>
      %mul3A_1214 = arith.mulf %parallel_loop3A_1210#8, %mul3A_1213 : vector<16xf32>
      %mul3A_1215 = arith.mulf %mul3A_1212, %mul3A_1212 : vector<16xf32>
      %sub3A_1216 = arith.subf %mul3A_1214, %mul3A_1215 : vector<16xf32>
      %add3A_1217 = arith.constant 9.99999974E-6 : f32
      %add3A_1218 = vector.broadcast %add3A_1217 : f32 to vector<16xf32>
      %add3A_1219 = arith.addf %sub3A_1216, %add3A_1218 : vector<16xf32>
      %bitcast_convert_type3A_1220 = tpu.bitcast %add3A_1219 : vector<16xf32> -> vector<16xi32>
      %shift_right_logical3A_1221 = arith.constant 1 : i32
      %shift_right_logical3A_1222 = vector.broadcast %shift_right_logical3A_1221 : i32 to vector<16xi32>
      %shift_right_logical3A_1223 = arith.shrui %bitcast_convert_type3A_1220, %shift_right_logical3A_1222 : vector<16xi32>
      %sub3A_1224 = arith.constant 1597463007 : i32
      %sub3A_1225 = vector.broadcast %sub3A_1224 : i32 to vector<16xi32>
      %sub3A_1226 = arith.subi %sub3A_1225, %shift_right_logical3A_1223 : vector<16xi32>
      %bitcast_convert_type3A_1227 = tpu.bitcast %sub3A_1226 : vector<16xi32> -> vector<16xf32>
      %mul3A_1228 = arith.constant 5.000000e-01 : f32
      %mul3A_1229 = vector.broadcast %mul3A_1228 : f32 to vector<16xf32>
      %mul3A_1230 = arith.mulf %mul3A_1229, %add3A_1219 : vector<16xf32>
      %mul3A_1231 = arith.mulf %mul3A_1230, %bitcast_convert_type3A_1227 : vector<16xf32>
      %mul3A_1232 = arith.mulf %mul3A_1231, %bitcast_convert_type3A_1227 : vector<16xf32>
      %sub3A_1233 = arith.constant 1.500000e+00 : f32
      %sub3A_1234 = vector.broadcast %sub3A_1233 : f32 to vector<16xf32>
      %sub3A_1235 = arith.subf %sub3A_1234, %mul3A_1232 : vector<16xf32>
      %mul3A_1236 = arith.mulf %bitcast_convert_type3A_1227, %sub3A_1235 : vector<16xf32>
      %mul3A_1237 = arith.constant 5.000000e-01 : f32
      %mul3A_1238 = vector.broadcast %mul3A_1237 : f32 to vector<16xf32>
      %mul3A_1239 = arith.mulf %mul3A_1238, %add3A_1219 : vector<16xf32>
      %mul3A_1240 = arith.mulf %mul3A_1239, %mul3A_1236 : vector<16xf32>
      %mul3A_1241 = arith.mulf %mul3A_1240, %mul3A_1236 : vector<16xf32>
      %sub3A_1242 = arith.constant 1.500000e+00 : f32
      %sub3A_1243 = vector.broadcast %sub3A_1242 : f32 to vector<16xf32>
      %sub3A_1244 = arith.subf %sub3A_1243, %mul3A_1241 : vector<16xf32>
      %mul3A_1245 = arith.mulf %mul3A_1236, %sub3A_1244 : vector<16xf32>
      %mul3A_1246 = arith.constant 5.000000e-01 : f32
      %mul3A_1247 = vector.broadcast %mul3A_1246 : f32 to vector<16xf32>
      %mul3A_1248 = arith.mulf %mul3A_1247, %add3A_1219 : vector<16xf32>
      %mul3A_1249 = arith.mulf %mul3A_1248, %mul3A_1245 : vector<16xf32>
      %mul3A_1250 = arith.mulf %mul3A_1249, %mul3A_1245 : vector<16xf32>
      %sub3A_1251 = arith.constant 1.500000e+00 : f32
      %sub3A_1252 = vector.broadcast %sub3A_1251 : f32 to vector<16xf32>
      %sub3A_1253 = arith.subf %sub3A_1252, %mul3A_1250 : vector<16xf32>
      %mul3A_1254 = arith.mulf %mul3A_1245, %sub3A_1253 : vector<16xf32>
      %mul3A_1255 = vector.broadcast %scan3A : f32 to vector<16xf32>
      %mul3A_1256 = arith.mulf %parallel_loop3A_1210#1, %mul3A_1255 : vector<16xf32>
      %mul3A_1257 = vector.broadcast %scan3A : f32 to vector<16xf32>
      %mul3A_1258 = arith.mulf %parallel_loop3A_1210#9, %mul3A_1257 : vector<16xf32>
      %mul3A_1259 = arith.mulf %mul3A_1256, %mul3A_1256 : vector<16xf32>
      %sub3A_1260 = arith.subf %mul3A_1258, %mul3A_1259 : vector<16xf32>
      %add3A_1261 = arith.constant 9.99999974E-6 : f32
      %add3A_1262 = vector.broadcast %add3A_1261 : f32 to vector<16xf32>
      %add3A_1263 = arith.addf %sub3A_1260, %add3A_1262 : vector<16xf32>
      %bitcast_convert_type3A_1264 = tpu.bitcast %add3A_1263 : vector<16xf32> -> vector<16xi32>
      %shift_right_logical3A_1265 = arith.constant 1 : i32
      %shift_right_logical3A_1266 = vector.broadcast %shift_right_logical3A_1265 : i32 to vector<16xi32>
      %shift_right_logical3A_1267 = arith.shrui %bitcast_convert_type3A_1264, %shift_right_logical3A_1266 : vector<16xi32>
      %sub3A_1268 = arith.constant 1597463007 : i32
      %sub3A_1269 = vector.broadcast %sub3A_1268 : i32 to vector<16xi32>
      %sub3A_1270 = arith.subi %sub3A_1269, %shift_right_logical3A_1267 : vector<16xi32>
      %bitcast_convert_type3A_1271 = tpu.bitcast %sub3A_1270 : vector<16xi32> -> vector<16xf32>
      %mul3A_1272 = arith.constant 5.000000e-01 : f32
      %mul3A_1273 = vector.broadcast %mul3A_1272 : f32 to vector<16xf32>
      %mul3A_1274 = arith.mulf %mul3A_1273, %add3A_1263 : vector<16xf32>
      %mul3A_1275 = arith.mulf %mul3A_1274, %bitcast_convert_type3A_1271 : vector<16xf32>
      %mul3A_1276 = arith.mulf %mul3A_1275, %bitcast_convert_type3A_1271 : vector<16xf32>
      %sub3A_1277 = arith.constant 1.500000e+00 : f32
      %sub3A_1278 = vector.broadcast %sub3A_1277 : f32 to vector<16xf32>
      %sub3A_1279 = arith.subf %sub3A_1278, %mul3A_1276 : vector<16xf32>
      %mul3A_1280 = arith.mulf %bitcast_convert_type3A_1271, %sub3A_1279 : vector<16xf32>
      %mul3A_1281 = arith.constant 5.000000e-01 : f32
      %mul3A_1282 = vector.broadcast %mul3A_1281 : f32 to vector<16xf32>
      %mul3A_1283 = arith.mulf %mul3A_1282, %add3A_1263 : vector<16xf32>
      %mul3A_1284 = arith.mulf %mul3A_1283, %mul3A_1280 : vector<16xf32>
      %mul3A_1285 = arith.mulf %mul3A_1284, %mul3A_1280 : vector<16xf32>
      %sub3A_1286 = arith.constant 1.500000e+00 : f32
      %sub3A_1287 = vector.broadcast %sub3A_1286 : f32 to vector<16xf32>
      %sub3A_1288 = arith.subf %sub3A_1287, %mul3A_1285 : vector<16xf32>
      %mul3A_1289 = arith.mulf %mul3A_1280, %sub3A_1288 : vector<16xf32>
      %mul3A_1290 = arith.constant 5.000000e-01 : f32
      %mul3A_1291 = vector.broadcast %mul3A_1290 : f32 to vector<16xf32>
      %mul3A_1292 = arith.mulf %mul3A_1291, %add3A_1263 : vector<16xf32>
      %mul3A_1293 = arith.mulf %mul3A_1292, %mul3A_1289 : vector<16xf32>
      %mul3A_1294 = arith.mulf %mul3A_1293, %mul3A_1289 : vector<16xf32>
      %sub3A_1295 = arith.constant 1.500000e+00 : f32
      %sub3A_1296 = vector.broadcast %sub3A_1295 : f32 to vector<16xf32>
      %sub3A_1297 = arith.subf %sub3A_1296, %mul3A_1294 : vector<16xf32>
      %mul3A_1298 = arith.mulf %mul3A_1289, %sub3A_1297 : vector<16xf32>
      %mul3A_1299 = vector.broadcast %scan3A : f32 to vector<16xf32>
      %mul3A_1300 = arith.mulf %parallel_loop3A_1210#2, %mul3A_1299 : vector<16xf32>
      %mul3A_1301 = vector.broadcast %scan3A : f32 to vector<16xf32>
      %mul3A_1302 = arith.mulf %parallel_loop3A_1210#10, %mul3A_1301 : vector<16xf32>
      %mul3A_1303 = arith.mulf %mul3A_1300, %mul3A_1300 : vector<16xf32>
      %sub3A_1304 = arith.subf %mul3A_1302, %mul3A_1303 : vector<16xf32>
      %add3A_1305 = arith.constant 9.99999974E-6 : f32
      %add3A_1306 = vector.broadcast %add3A_1305 : f32 to vector<16xf32>
      %add3A_1307 = arith.addf %sub3A_1304, %add3A_1306 : vector<16xf32>
      %bitcast_convert_type3A_1308 = tpu.bitcast %add3A_1307 : vector<16xf32> -> vector<16xi32>
      %shift_right_logical3A_1309 = arith.constant 1 : i32
      %shift_right_logical3A_1310 = vector.broadcast %shift_right_logical3A_1309 : i32 to vector<16xi32>
      %shift_right_logical3A_1311 = arith.shrui %bitcast_convert_type3A_1308, %shift_right_logical3A_1310 : vector<16xi32>
      %sub3A_1312 = arith.constant 1597463007 : i32
      %sub3A_1313 = vector.broadcast %sub3A_1312 : i32 to vector<16xi32>
      %sub3A_1314 = arith.subi %sub3A_1313, %shift_right_logical3A_1311 : vector<16xi32>
      %bitcast_convert_type3A_1315 = tpu.bitcast %sub3A_1314 : vector<16xi32> -> vector<16xf32>
      %mul3A_1316 = arith.constant 5.000000e-01 : f32
      %mul3A_1317 = vector.broadcast %mul3A_1316 : f32 to vector<16xf32>
      %mul3A_1318 = arith.mulf %mul3A_1317, %add3A_1307 : vector<16xf32>
      %mul3A_1319 = arith.mulf %mul3A_1318, %bitcast_convert_type3A_1315 : vector<16xf32>
      %mul3A_1320 = arith.mulf %mul3A_1319, %bitcast_convert_type3A_1315 : vector<16xf32>
      %sub3A_1321 = arith.constant 1.500000e+00 : f32
      %sub3A_1322 = vector.broadcast %sub3A_1321 : f32 to vector<16xf32>
      %sub3A_1323 = arith.subf %sub3A_1322, %mul3A_1320 : vector<16xf32>
      %mul3A_1324 = arith.mulf %bitcast_convert_type3A_1315, %sub3A_1323 : vector<16xf32>
      %mul3A_1325 = arith.constant 5.000000e-01 : f32
      %mul3A_1326 = vector.broadcast %mul3A_1325 : f32 to vector<16xf32>
      %mul3A_1327 = arith.mulf %mul3A_1326, %add3A_1307 : vector<16xf32>
      %mul3A_1328 = arith.mulf %mul3A_1327, %mul3A_1324 : vector<16xf32>
      %mul3A_1329 = arith.mulf %mul3A_1328, %mul3A_1324 : vector<16xf32>
      %sub3A_1330 = arith.constant 1.500000e+00 : f32
      %sub3A_1331 = vector.broadcast %sub3A_1330 : f32 to vector<16xf32>
      %sub3A_1332 = arith.subf %sub3A_1331, %mul3A_1329 : vector<16xf32>
      %mul3A_1333 = arith.mulf %mul3A_1324, %sub3A_1332 : vector<16xf32>
      %mul3A_1334 = arith.constant 5.000000e-01 : f32
      %mul3A_1335 = vector.broadcast %mul3A_1334 : f32 to vector<16xf32>
      %mul3A_1336 = arith.mulf %mul3A_1335, %add3A_1307 : vector<16xf32>
      %mul3A_1337 = arith.mulf %mul3A_1336, %mul3A_1333 : vector<16xf32>
      %mul3A_1338 = arith.mulf %mul3A_1337, %mul3A_1333 : vector<16xf32>
      %sub3A_1339 = arith.constant 1.500000e+00 : f32
      %sub3A_1340 = vector.broadcast %sub3A_1339 : f32 to vector<16xf32>
      %sub3A_1341 = arith.subf %sub3A_1340, %mul3A_1338 : vector<16xf32>
      %mul3A_1342 = arith.mulf %mul3A_1333, %sub3A_1341 : vector<16xf32>
      %mul3A_1343 = vector.broadcast %scan3A : f32 to vector<16xf32>
      %mul3A_1344 = arith.mulf %parallel_loop3A_1210#3, %mul3A_1343 : vector<16xf32>
      %mul3A_1345 = vector.broadcast %scan3A : f32 to vector<16xf32>
      %mul3A_1346 = arith.mulf %parallel_loop3A_1210#11, %mul3A_1345 : vector<16xf32>
      %mul3A_1347 = arith.mulf %mul3A_1344, %mul3A_1344 : vector<16xf32>
      %sub3A_1348 = arith.subf %mul3A_1346, %mul3A_1347 : vector<16xf32>
      %add3A_1349 = arith.constant 9.99999974E-6 : f32
      %add3A_1350 = vector.broadcast %add3A_1349 : f32 to vector<16xf32>
      %add3A_1351 = arith.addf %sub3A_1348, %add3A_1350 : vector<16xf32>
      %bitcast_convert_type3A_1352 = tpu.bitcast %add3A_1351 : vector<16xf32> -> vector<16xi32>
      %shift_right_logical3A_1353 = arith.constant 1 : i32
      %shift_right_logical3A_1354 = vector.broadcast %shift_right_logical3A_1353 : i32 to vector<16xi32>
      %shift_right_logical3A_1355 = arith.shrui %bitcast_convert_type3A_1352, %shift_right_logical3A_1354 : vector<16xi32>
      %sub3A_1356 = arith.constant 1597463007 : i32
      %sub3A_1357 = vector.broadcast %sub3A_1356 : i32 to vector<16xi32>
      %sub3A_1358 = arith.subi %sub3A_1357, %shift_right_logical3A_1355 : vector<16xi32>
      %bitcast_convert_type3A_1359 = tpu.bitcast %sub3A_1358 : vector<16xi32> -> vector<16xf32>
      %mul3A_1360 = arith.constant 5.000000e-01 : f32
      %mul3A_1361 = vector.broadcast %mul3A_1360 : f32 to vector<16xf32>
      %mul3A_1362 = arith.mulf %mul3A_1361, %add3A_1351 : vector<16xf32>
      %mul3A_1363 = arith.mulf %mul3A_1362, %bitcast_convert_type3A_1359 : vector<16xf32>
      %mul3A_1364 = arith.mulf %mul3A_1363, %bitcast_convert_type3A_1359 : vector<16xf32>
      %sub3A_1365 = arith.constant 1.500000e+00 : f32
      %sub3A_1366 = vector.broadcast %sub3A_1365 : f32 to vector<16xf32>
      %sub3A_1367 = arith.subf %sub3A_1366, %mul3A_1364 : vector<16xf32>
      %mul3A_1368 = arith.mulf %bitcast_convert_type3A_1359, %sub3A_1367 : vector<16xf32>
      %mul3A_1369 = arith.constant 5.000000e-01 : f32
      %mul3A_1370 = vector.broadcast %mul3A_1369 : f32 to vector<16xf32>
      %mul3A_1371 = arith.mulf %mul3A_1370, %add3A_1351 : vector<16xf32>
      %mul3A_1372 = arith.mulf %mul3A_1371, %mul3A_1368 : vector<16xf32>
      %mul3A_1373 = arith.mulf %mul3A_1372, %mul3A_1368 : vector<16xf32>
      %sub3A_1374 = arith.constant 1.500000e+00 : f32
      %sub3A_1375 = vector.broadcast %sub3A_1374 : f32 to vector<16xf32>
      %sub3A_1376 = arith.subf %sub3A_1375, %mul3A_1373 : vector<16xf32>
      %mul3A_1377 = arith.mulf %mul3A_1368, %sub3A_1376 : vector<16xf32>
      %mul3A_1378 = arith.constant 5.000000e-01 : f32
      %mul3A_1379 = vector.broadcast %mul3A_1378 : f32 to vector<16xf32>
      %mul3A_1380 = arith.mulf %mul3A_1379, %add3A_1351 : vector<16xf32>
      %mul3A_1381 = arith.mulf %mul3A_1380, %mul3A_1377 : vector<16xf32>
      %mul3A_1382 = arith.mulf %mul3A_1381, %mul3A_1377 : vector<16xf32>
      %sub3A_1383 = arith.constant 1.500000e+00 : f32
      %sub3A_1384 = vector.broadcast %sub3A_1383 : f32 to vector<16xf32>
      %sub3A_1385 = arith.subf %sub3A_1384, %mul3A_1382 : vector<16xf32>
      %mul3A_1386 = arith.mulf %mul3A_1377, %sub3A_1385 : vector<16xf32>
      %mul3A_1387 = vector.broadcast %scan3A : f32 to vector<16xf32>
      %mul3A_1388 = arith.mulf %parallel_loop3A_1210#4, %mul3A_1387 : vector<16xf32>
      %mul3A_1389 = vector.broadcast %scan3A : f32 to vector<16xf32>
      %mul3A_1390 = arith.mulf %parallel_loop3A_1210#12, %mul3A_1389 : vector<16xf32>
      %mul3A_1391 = arith.mulf %mul3A_1388, %mul3A_1388 : vector<16xf32>
      %sub3A_1392 = arith.subf %mul3A_1390, %mul3A_1391 : vector<16xf32>
      %add3A_1393 = arith.constant 9.99999974E-6 : f32
      %add3A_1394 = vector.broadcast %add3A_1393 : f32 to vector<16xf32>
      %add3A_1395 = arith.addf %sub3A_1392, %add3A_1394 : vector<16xf32>
      %bitcast_convert_type3A_1396 = tpu.bitcast %add3A_1395 : vector<16xf32> -> vector<16xi32>
      %shift_right_logical3A_1397 = arith.constant 1 : i32
      %shift_right_logical3A_1398 = vector.broadcast %shift_right_logical3A_1397 : i32 to vector<16xi32>
      %shift_right_logical3A_1399 = arith.shrui %bitcast_convert_type3A_1396, %shift_right_logical3A_1398 : vector<16xi32>
      %sub3A_1400 = arith.constant 1597463007 : i32
      %sub3A_1401 = vector.broadcast %sub3A_1400 : i32 to vector<16xi32>
      %sub3A_1402 = arith.subi %sub3A_1401, %shift_right_logical3A_1399 : vector<16xi32>
      %bitcast_convert_type3A_1403 = tpu.bitcast %sub3A_1402 : vector<16xi32> -> vector<16xf32>
      %mul3A_1404 = arith.constant 5.000000e-01 : f32
      %mul3A_1405 = vector.broadcast %mul3A_1404 : f32 to vector<16xf32>
      %mul3A_1406 = arith.mulf %mul3A_1405, %add3A_1395 : vector<16xf32>
      %mul3A_1407 = arith.mulf %mul3A_1406, %bitcast_convert_type3A_1403 : vector<16xf32>
      %mul3A_1408 = arith.mulf %mul3A_1407, %bitcast_convert_type3A_1403 : vector<16xf32>
      %sub3A_1409 = arith.constant 1.500000e+00 : f32
      %sub3A_1410 = vector.broadcast %sub3A_1409 : f32 to vector<16xf32>
      %sub3A_1411 = arith.subf %sub3A_1410, %mul3A_1408 : vector<16xf32>
      %mul3A_1412 = arith.mulf %bitcast_convert_type3A_1403, %sub3A_1411 : vector<16xf32>
      %mul3A_1413 = arith.constant 5.000000e-01 : f32
      %mul3A_1414 = vector.broadcast %mul3A_1413 : f32 to vector<16xf32>
      %mul3A_1415 = arith.mulf %mul3A_1414, %add3A_1395 : vector<16xf32>
      %mul3A_1416 = arith.mulf %mul3A_1415, %mul3A_1412 : vector<16xf32>
      %mul3A_1417 = arith.mulf %mul3A_1416, %mul3A_1412 : vector<16xf32>
      %sub3A_1418 = arith.constant 1.500000e+00 : f32
      %sub3A_1419 = vector.broadcast %sub3A_1418 : f32 to vector<16xf32>
      %sub3A_1420 = arith.subf %sub3A_1419, %mul3A_1417 : vector<16xf32>
      %mul3A_1421 = arith.mulf %mul3A_1412, %sub3A_1420 : vector<16xf32>
      %mul3A_1422 = arith.constant 5.000000e-01 : f32
      %mul3A_1423 = vector.broadcast %mul3A_1422 : f32 to vector<16xf32>
      %mul3A_1424 = arith.mulf %mul3A_1423, %add3A_1395 : vector<16xf32>
      %mul3A_1425 = arith.mulf %mul3A_1424, %mul3A_1421 : vector<16xf32>
      %mul3A_1426 = arith.mulf %mul3A_1425, %mul3A_1421 : vector<16xf32>
      %sub3A_1427 = arith.constant 1.500000e+00 : f32
      %sub3A_1428 = vector.broadcast %sub3A_1427 : f32 to vector<16xf32>
      %sub3A_1429 = arith.subf %sub3A_1428, %mul3A_1426 : vector<16xf32>
      %mul3A_1430 = arith.mulf %mul3A_1421, %sub3A_1429 : vector<16xf32>
      %mul3A_1431 = vector.broadcast %scan3A : f32 to vector<16xf32>
      %mul3A_1432 = arith.mulf %parallel_loop3A_1210#5, %mul3A_1431 : vector<16xf32>
      %mul3A_1433 = vector.broadcast %scan3A : f32 to vector<16xf32>
      %mul3A_1434 = arith.mulf %parallel_loop3A_1210#13, %mul3A_1433 : vector<16xf32>
      %mul3A_1435 = arith.mulf %mul3A_1432, %mul3A_1432 : vector<16xf32>
      %sub3A_1436 = arith.subf %mul3A_1434, %mul3A_1435 : vector<16xf32>
      %add3A_1437 = arith.constant 9.99999974E-6 : f32
      %add3A_1438 = vector.broadcast %add3A_1437 : f32 to vector<16xf32>
      %add3A_1439 = arith.addf %sub3A_1436, %add3A_1438 : vector<16xf32>
      %bitcast_convert_type3A_1440 = tpu.bitcast %add3A_1439 : vector<16xf32> -> vector<16xi32>
      %shift_right_logical3A_1441 = arith.constant 1 : i32
      %shift_right_logical3A_1442 = vector.broadcast %shift_right_logical3A_1441 : i32 to vector<16xi32>
      %shift_right_logical3A_1443 = arith.shrui %bitcast_convert_type3A_1440, %shift_right_logical3A_1442 : vector<16xi32>
      %sub3A_1444 = arith.constant 1597463007 : i32
      %sub3A_1445 = vector.broadcast %sub3A_1444 : i32 to vector<16xi32>
      %sub3A_1446 = arith.subi %sub3A_1445, %shift_right_logical3A_1443 : vector<16xi32>
      %bitcast_convert_type3A_1447 = tpu.bitcast %sub3A_1446 : vector<16xi32> -> vector<16xf32>
      %mul3A_1448 = arith.constant 5.000000e-01 : f32
      %mul3A_1449 = vector.broadcast %mul3A_1448 : f32 to vector<16xf32>
      %mul3A_1450 = arith.mulf %mul3A_1449, %add3A_1439 : vector<16xf32>
      %mul3A_1451 = arith.mulf %mul3A_1450, %bitcast_convert_type3A_1447 : vector<16xf32>
      %mul3A_1452 = arith.mulf %mul3A_1451, %bitcast_convert_type3A_1447 : vector<16xf32>
      %sub3A_1453 = arith.constant 1.500000e+00 : f32
      %sub3A_1454 = vector.broadcast %sub3A_1453 : f32 to vector<16xf32>
      %sub3A_1455 = arith.subf %sub3A_1454, %mul3A_1452 : vector<16xf32>
      %mul3A_1456 = arith.mulf %bitcast_convert_type3A_1447, %sub3A_1455 : vector<16xf32>
      %mul3A_1457 = arith.constant 5.000000e-01 : f32
      %mul3A_1458 = vector.broadcast %mul3A_1457 : f32 to vector<16xf32>
      %mul3A_1459 = arith.mulf %mul3A_1458, %add3A_1439 : vector<16xf32>
      %mul3A_1460 = arith.mulf %mul3A_1459, %mul3A_1456 : vector<16xf32>
      %mul3A_1461 = arith.mulf %mul3A_1460, %mul3A_1456 : vector<16xf32>
      %sub3A_1462 = arith.constant 1.500000e+00 : f32
      %sub3A_1463 = vector.broadcast %sub3A_1462 : f32 to vector<16xf32>
      %sub3A_1464 = arith.subf %sub3A_1463, %mul3A_1461 : vector<16xf32>
      %mul3A_1465 = arith.mulf %mul3A_1456, %sub3A_1464 : vector<16xf32>
      %mul3A_1466 = arith.constant 5.000000e-01 : f32
      %mul3A_1467 = vector.broadcast %mul3A_1466 : f32 to vector<16xf32>
      %mul3A_1468 = arith.mulf %mul3A_1467, %add3A_1439 : vector<16xf32>
      %mul3A_1469 = arith.mulf %mul3A_1468, %mul3A_1465 : vector<16xf32>
      %mul3A_1470 = arith.mulf %mul3A_1469, %mul3A_1465 : vector<16xf32>
      %sub3A_1471 = arith.constant 1.500000e+00 : f32
      %sub3A_1472 = vector.broadcast %sub3A_1471 : f32 to vector<16xf32>
      %sub3A_1473 = arith.subf %sub3A_1472, %mul3A_1470 : vector<16xf32>
      %mul3A_1474 = arith.mulf %mul3A_1465, %sub3A_1473 : vector<16xf32>
      %mul3A_1475 = vector.broadcast %scan3A : f32 to vector<16xf32>
      %mul3A_1476 = arith.mulf %parallel_loop3A_1210#6, %mul3A_1475 : vector<16xf32>
      %mul3A_1477 = vector.broadcast %scan3A : f32 to vector<16xf32>
      %mul3A_1478 = arith.mulf %parallel_loop3A_1210#14, %mul3A_1477 : vector<16xf32>
      %mul3A_1479 = arith.mulf %mul3A_1476, %mul3A_1476 : vector<16xf32>
      %sub3A_1480 = arith.subf %mul3A_1478, %mul3A_1479 : vector<16xf32>
      %add3A_1481 = arith.constant 9.99999974E-6 : f32
      %add3A_1482 = vector.broadcast %add3A_1481 : f32 to vector<16xf32>
      %add3A_1483 = arith.addf %sub3A_1480, %add3A_1482 : vector<16xf32>
      %bitcast_convert_type3A_1484 = tpu.bitcast %add3A_1483 : vector<16xf32> -> vector<16xi32>
      %shift_right_logical3A_1485 = arith.constant 1 : i32
      %shift_right_logical3A_1486 = vector.broadcast %shift_right_logical3A_1485 : i32 to vector<16xi32>
      %shift_right_logical3A_1487 = arith.shrui %bitcast_convert_type3A_1484, %shift_right_logical3A_1486 : vector<16xi32>
      %sub3A_1488 = arith.constant 1597463007 : i32
      %sub3A_1489 = vector.broadcast %sub3A_1488 : i32 to vector<16xi32>
      %sub3A_1490 = arith.subi %sub3A_1489, %shift_right_logical3A_1487 : vector<16xi32>
      %bitcast_convert_type3A_1491 = tpu.bitcast %sub3A_1490 : vector<16xi32> -> vector<16xf32>
      %mul3A_1492 = arith.constant 5.000000e-01 : f32
      %mul3A_1493 = vector.broadcast %mul3A_1492 : f32 to vector<16xf32>
      %mul3A_1494 = arith.mulf %mul3A_1493, %add3A_1483 : vector<16xf32>
      %mul3A_1495 = arith.mulf %mul3A_1494, %bitcast_convert_type3A_1491 : vector<16xf32>
      %mul3A_1496 = arith.mulf %mul3A_1495, %bitcast_convert_type3A_1491 : vector<16xf32>
      %sub3A_1497 = arith.constant 1.500000e+00 : f32
      %sub3A_1498 = vector.broadcast %sub3A_1497 : f32 to vector<16xf32>
      %sub3A_1499 = arith.subf %sub3A_1498, %mul3A_1496 : vector<16xf32>
      %mul3A_1500 = arith.mulf %bitcast_convert_type3A_1491, %sub3A_1499 : vector<16xf32>
      %mul3A_1501 = arith.constant 5.000000e-01 : f32
      %mul3A_1502 = vector.broadcast %mul3A_1501 : f32 to vector<16xf32>
      %mul3A_1503 = arith.mulf %mul3A_1502, %add3A_1483 : vector<16xf32>
      %mul3A_1504 = arith.mulf %mul3A_1503, %mul3A_1500 : vector<16xf32>
      %mul3A_1505 = arith.mulf %mul3A_1504, %mul3A_1500 : vector<16xf32>
      %sub3A_1506 = arith.constant 1.500000e+00 : f32
      %sub3A_1507 = vector.broadcast %sub3A_1506 : f32 to vector<16xf32>
      %sub3A_1508 = arith.subf %sub3A_1507, %mul3A_1505 : vector<16xf32>
      %mul3A_1509 = arith.mulf %mul3A_1500, %sub3A_1508 : vector<16xf32>
      %mul3A_1510 = arith.constant 5.000000e-01 : f32
      %mul3A_1511 = vector.broadcast %mul3A_1510 : f32 to vector<16xf32>
      %mul3A_1512 = arith.mulf %mul3A_1511, %add3A_1483 : vector<16xf32>
      %mul3A_1513 = arith.mulf %mul3A_1512, %mul3A_1509 : vector<16xf32>
      %mul3A_1514 = arith.mulf %mul3A_1513, %mul3A_1509 : vector<16xf32>
      %sub3A_1515 = arith.constant 1.500000e+00 : f32
      %sub3A_1516 = vector.broadcast %sub3A_1515 : f32 to vector<16xf32>
      %sub3A_1517 = arith.subf %sub3A_1516, %mul3A_1514 : vector<16xf32>
      %mul3A_1518 = arith.mulf %mul3A_1509, %sub3A_1517 : vector<16xf32>
      %mul3A_1519 = vector.broadcast %scan3A : f32 to vector<16xf32>
      %mul3A_1520 = arith.mulf %parallel_loop3A_1210#7, %mul3A_1519 : vector<16xf32>
      %mul3A_1521 = vector.broadcast %scan3A : f32 to vector<16xf32>
      %mul3A_1522 = arith.mulf %parallel_loop3A_1210#15, %mul3A_1521 : vector<16xf32>
      %mul3A_1523 = arith.mulf %mul3A_1520, %mul3A_1520 : vector<16xf32>
      %sub3A_1524 = arith.subf %mul3A_1522, %mul3A_1523 : vector<16xf32>
      %add3A_1525 = arith.constant 9.99999974E-6 : f32
      %add3A_1526 = vector.broadcast %add3A_1525 : f32 to vector<16xf32>
      %add3A_1527 = arith.addf %sub3A_1524, %add3A_1526 : vector<16xf32>
      %bitcast_convert_type3A_1528 = tpu.bitcast %add3A_1527 : vector<16xf32> -> vector<16xi32>
      %shift_right_logical3A_1529 = arith.constant 1 : i32
      %shift_right_logical3A_1530 = vector.broadcast %shift_right_logical3A_1529 : i32 to vector<16xi32>
      %shift_right_logical3A_1531 = arith.shrui %bitcast_convert_type3A_1528, %shift_right_logical3A_1530 : vector<16xi32>
      %sub3A_1532 = arith.constant 1597463007 : i32
      %sub3A_1533 = vector.broadcast %sub3A_1532 : i32 to vector<16xi32>
      %sub3A_1534 = arith.subi %sub3A_1533, %shift_right_logical3A_1531 : vector<16xi32>
      %bitcast_convert_type3A_1535 = tpu.bitcast %sub3A_1534 : vector<16xi32> -> vector<16xf32>
      %mul3A_1536 = arith.constant 5.000000e-01 : f32
      %mul3A_1537 = vector.broadcast %mul3A_1536 : f32 to vector<16xf32>
      %mul3A_1538 = arith.mulf %mul3A_1537, %add3A_1527 : vector<16xf32>
      %mul3A_1539 = arith.mulf %mul3A_1538, %bitcast_convert_type3A_1535 : vector<16xf32>
      %mul3A_1540 = arith.mulf %mul3A_1539, %bitcast_convert_type3A_1535 : vector<16xf32>
      %sub3A_1541 = arith.constant 1.500000e+00 : f32
      %sub3A_1542 = vector.broadcast %sub3A_1541 : f32 to vector<16xf32>
      %sub3A_1543 = arith.subf %sub3A_1542, %mul3A_1540 : vector<16xf32>
      %mul3A_1544 = arith.mulf %bitcast_convert_type3A_1535, %sub3A_1543 : vector<16xf32>
      %mul3A_1545 = arith.constant 5.000000e-01 : f32
      %mul3A_1546 = vector.broadcast %mul3A_1545 : f32 to vector<16xf32>
      %mul3A_1547 = arith.mulf %mul3A_1546, %add3A_1527 : vector<16xf32>
      %mul3A_1548 = arith.mulf %mul3A_1547, %mul3A_1544 : vector<16xf32>
      %mul3A_1549 = arith.mulf %mul3A_1548, %mul3A_1544 : vector<16xf32>
      %sub3A_1550 = arith.constant 1.500000e+00 : f32
      %sub3A_1551 = vector.broadcast %sub3A_1550 : f32 to vector<16xf32>
      %sub3A_1552 = arith.subf %sub3A_1551, %mul3A_1549 : vector<16xf32>
      %mul3A_1553 = arith.mulf %mul3A_1544, %sub3A_1552 : vector<16xf32>
      %mul3A_1554 = arith.constant 5.000000e-01 : f32
      %mul3A_1555 = vector.broadcast %mul3A_1554 : f32 to vector<16xf32>
      %mul3A_1556 = arith.mulf %mul3A_1555, %add3A_1527 : vector<16xf32>
      %mul3A_1557 = arith.mulf %mul3A_1556, %mul3A_1553 : vector<16xf32>
      %mul3A_1558 = arith.mulf %mul3A_1557, %mul3A_1553 : vector<16xf32>
      %sub3A_1559 = arith.constant 1.500000e+00 : f32
      %sub3A_1560 = vector.broadcast %sub3A_1559 : f32 to vector<16xf32>
      %sub3A_1561 = arith.subf %sub3A_1560, %mul3A_1558 : vector<16xf32>
      %mul3A_1562 = arith.mulf %mul3A_1553, %sub3A_1561 : vector<16xf32>
      %parallel_loop3A_1563 = arith.constant 0 : i32
      %parallel_loop3A_1564 = arith.constant 64 : i32
      %parallel_loop3A_1565 = arith.constant 1 : i32
      scf.for %parallel_loop3A_1728 = %parallel_loop3A_1563 to %parallel_loop3A_1564 step %parallel_loop3A_1565  : i32 {
        %parallel_loop3A_1729 = arith.constant 129 : i32
        %parallel_loop3A_1730 = arith.muli %parallel_loop3A_1728, %parallel_loop3A_1729 : i32
        %parallel_loop3A_1731 = arith.constant 8 : i32
        %parallel_loop3A_1732 = arith.divsi %parallel_loop3A_1728, %parallel_loop3A_1731 : i32
        %parallel_loop3A_1733 = arith.constant 0 : i32
        %parallel_loop3A_1734 = arith.cmpi sgt, %parallel_loop3A_1728, %parallel_loop3A_1733 : i32
        %parallel_loop3A_1735 = arith.extui %parallel_loop3A_1734 : i1 to i32
        %parallel_loop3A_1736 = arith.constant 0 : i32
        %parallel_loop3A_1737 = arith.cmpi slt, %parallel_loop3A_1728, %parallel_loop3A_1736 : i32
        %parallel_loop3A_1738 = arith.extui %parallel_loop3A_1737 : i1 to i32
        %parallel_loop3A_1739 = arith.subi %parallel_loop3A_1735, %parallel_loop3A_1738 : i32
        %parallel_loop3A_1740 = arith.constant 0 : i32
        %parallel_loop3A_1741 = arith.cmpi sgt, %parallel_loop3A_1731, %parallel_loop3A_1740 : i32
        %parallel_loop3A_1742 = arith.extui %parallel_loop3A_1741 : i1 to i32
        %parallel_loop3A_1743 = arith.constant 0 : i32
        %parallel_loop3A_1744 = arith.cmpi slt, %parallel_loop3A_1731, %parallel_loop3A_1743 : i32
        %parallel_loop3A_1745 = arith.extui %parallel_loop3A_1744 : i1 to i32
        %parallel_loop3A_1746 = arith.subi %parallel_loop3A_1742, %parallel_loop3A_1745 : i32
        %parallel_loop3A_1747 = arith.cmpi ne, %parallel_loop3A_1739, %parallel_loop3A_1746 : i32
        %parallel_loop3A_1748 = arith.remsi %parallel_loop3A_1728, %parallel_loop3A_1731 : i32
        %parallel_loop3A_1749 = arith.constant 0 : i32
        %parallel_loop3A_1750 = arith.cmpi ne, %parallel_loop3A_1748, %parallel_loop3A_1749 : i32
        %parallel_loop3A_1751 = arith.andi %parallel_loop3A_1747, %parallel_loop3A_1750 : i1
        %parallel_loop3A_1752 = arith.constant 1 : i32
        %parallel_loop3A_1753 = arith.subi %parallel_loop3A_1732, %parallel_loop3A_1752 : i32
        %parallel_loop3A_1754 = arith.select %parallel_loop3A_1751, %parallel_loop3A_1753, %parallel_loop3A_1732 : i32
        %parallel_loop3A_1755 = arith.constant 8 : i32
        %parallel_loop3A_1756 = arith.constant 0 : i32
        %parallel_loop3A_1757 = arith.cmpi eq, %parallel_loop3A_1755, %parallel_loop3A_1756 : i32
        %parallel_loop3A_1758 = arith.constant 1 : i32
        %parallel_loop3A_1759 = arith.select %parallel_loop3A_1757, %parallel_loop3A_1758, %parallel_loop3A_1755 : i32
        %parallel_loop3A_1760 = arith.remsi %parallel_loop3A_1728, %parallel_loop3A_1759 : i32
        %parallel_loop3A_1761 = arith.constant 0 : i32
        %parallel_loop3A_1762 = arith.cmpi ne, %parallel_loop3A_1760, %parallel_loop3A_1761 : i32
        %parallel_loop3A_1763 = arith.constant 0 : i32
        %parallel_loop3A_1764 = arith.cmpi slt, %parallel_loop3A_1760, %parallel_loop3A_1763 : i32
        %parallel_loop3A_1765 = arith.constant 0 : i32
        %parallel_loop3A_1766 = arith.cmpi slt, %parallel_loop3A_1759, %parallel_loop3A_1765 : i32
        %parallel_loop3A_1767 = arith.xori %parallel_loop3A_1764, %parallel_loop3A_1766 : i1
        %parallel_loop3A_1768 = arith.andi %parallel_loop3A_1767, %parallel_loop3A_1762 : i1
        %parallel_loop3A_1769 = arith.addi %parallel_loop3A_1760, %parallel_loop3A_1759 : i32
        %parallel_loop3A_1770 = arith.select %parallel_loop3A_1768, %parallel_loop3A_1769, %parallel_loop3A_1760 : i32
        %parallel_loop3A_1771 = arith.constant 16 : i32
        %parallel_loop3A_1772 = arith.muli %parallel_loop3A_1770, %parallel_loop3A_1771 : i32
        %parallel_loop3A_1773 = arith.index_cast %sub3A_1177 : i32 to index
        %parallel_loop3A_1774 = arith.index_cast %parallel_loop3A_1754 : i32 to index
        %parallel_loop3A_1775 = arith.index_cast %parallel_loop3A_1772 : i32 to index
        %parallel_loop3A_1776 = tpu.vector_load %arg8[%parallel_loop3A_1773, %parallel_loop3A_1774, %parallel_loop3A_1775] {strides = array<i32>} : memref<16x8x128xf32, #tpu.memory_space<vmem>>, vector<16xf32>,
        %parallel_loop3A_1777 = arith.constant 8 : i32
        %parallel_loop3A_1778 = arith.divsi %parallel_loop3A_1728, %parallel_loop3A_1777 : i32
        %parallel_loop3A_1779 = arith.constant 0 : i32
        %parallel_loop3A_1780 = arith.cmpi sgt, %parallel_loop3A_1728, %parallel_loop3A_1779 : i32
        %parallel_loop3A_1781 = arith.extui %parallel_loop3A_1780 : i1 to i32
        %parallel_loop3A_1782 = arith.constant 0 : i32
        %parallel_loop3A_1783 = arith.cmpi slt, %parallel_loop3A_1728, %parallel_loop3A_1782 : i32
        %parallel_loop3A_1784 = arith.extui %parallel_loop3A_1783 : i1 to i32
        %parallel_loop3A_1785 = arith.subi %parallel_loop3A_1781, %parallel_loop3A_1784 : i32
        %parallel_loop3A_1786 = arith.constant 0 : i32
        %parallel_loop3A_1787 = arith.cmpi sgt, %parallel_loop3A_1777, %parallel_loop3A_1786 : i32
        %parallel_loop3A_1788 = arith.extui %parallel_loop3A_1787 : i1 to i32
        %parallel_loop3A_1789 = arith.constant 0 : i32
        %parallel_loop3A_1790 = arith.cmpi slt, %parallel_loop3A_1777, %parallel_loop3A_1789 : i32
        %parallel_loop3A_1791 = arith.extui %parallel_loop3A_1790 : i1 to i32
        %parallel_loop3A_1792 = arith.subi %parallel_loop3A_1788, %parallel_loop3A_1791 : i32
        %parallel_loop3A_1793 = arith.cmpi ne, %parallel_loop3A_1785, %parallel_loop3A_1792 : i32
        %parallel_loop3A_1794 = arith.remsi %parallel_loop3A_1728, %parallel_loop3A_1777 : i32
        %parallel_loop3A_1795 = arith.constant 0 : i32
        %parallel_loop3A_1796 = arith.cmpi ne, %parallel_loop3A_1794, %parallel_loop3A_1795 : i32
        %parallel_loop3A_1797 = arith.andi %parallel_loop3A_1793, %parallel_loop3A_1796 : i1
        %parallel_loop3A_1798 = arith.constant 1 : i32
        %parallel_loop3A_1799 = arith.subi %parallel_loop3A_1778, %parallel_loop3A_1798 : i32
        %parallel_loop3A_1800 = arith.select %parallel_loop3A_1797, %parallel_loop3A_1799, %parallel_loop3A_1778 : i32
        %parallel_loop3A_1801 = arith.constant 8 : i32
        %parallel_loop3A_1802 = arith.constant 0 : i32
        %parallel_loop3A_1803 = arith.cmpi eq, %parallel_loop3A_1801, %parallel_loop3A_1802 : i32
        %parallel_loop3A_1804 = arith.constant 1 : i32
        %parallel_loop3A_1805 = arith.select %parallel_loop3A_1803, %parallel_loop3A_1804, %parallel_loop3A_1801 : i32
        %parallel_loop3A_1806 = arith.remsi %parallel_loop3A_1728, %parallel_loop3A_1805 : i32
        %parallel_loop3A_1807 = arith.constant 0 : i32
        %parallel_loop3A_1808 = arith.cmpi ne, %parallel_loop3A_1806, %parallel_loop3A_1807 : i32
        %parallel_loop3A_1809 = arith.constant 0 : i32
        %parallel_loop3A_1810 = arith.cmpi slt, %parallel_loop3A_1806, %parallel_loop3A_1809 : i32
        %parallel_loop3A_1811 = arith.constant 0 : i32
        %parallel_loop3A_1812 = arith.cmpi slt, %parallel_loop3A_1805, %parallel_loop3A_1811 : i32
        %parallel_loop3A_1813 = arith.xori %parallel_loop3A_1810, %parallel_loop3A_1812 : i1
        %parallel_loop3A_1814 = arith.andi %parallel_loop3A_1813, %parallel_loop3A_1808 : i1
        %parallel_loop3A_1815 = arith.addi %parallel_loop3A_1806, %parallel_loop3A_1805 : i32
        %parallel_loop3A_1816 = arith.select %parallel_loop3A_1814, %parallel_loop3A_1815, %parallel_loop3A_1806 : i32
        %parallel_loop3A_1817 = arith.constant 16 : i32
        %parallel_loop3A_1818 = arith.muli %parallel_loop3A_1816, %parallel_loop3A_1817 : i32
        %parallel_loop3A_1819 = arith.constant 0 : i32
        %parallel_loop3A_1820 = arith.index_cast %parallel_loop3A_1819 : i32 to index
        %parallel_loop3A_1821 = arith.index_cast %parallel_loop3A_1800 : i32 to index
        %parallel_loop3A_1822 = arith.index_cast %parallel_loop3A_1818 : i32 to index
        %parallel_loop3A_1823 = tpu.vector_load %arg9[%parallel_loop3A_1820, %parallel_loop3A_1821, %parallel_loop3A_1822] {strides = array<i32>} : memref<2x8x128xf32, #tpu.memory_space<vmem>>, vector<16xf32>,
        %parallel_loop3A_1824 = arith.constant 8 : i32
        %parallel_loop3A_1825 = arith.divsi %parallel_loop3A_1728, %parallel_loop3A_1824 : i32
        %parallel_loop3A_1826 = arith.constant 0 : i32
        %parallel_loop3A_1827 = arith.cmpi sgt, %parallel_loop3A_1728, %parallel_loop3A_1826 : i32
        %parallel_loop3A_1828 = arith.extui %parallel_loop3A_1827 : i1 to i32
        %parallel_loop3A_1829 = arith.constant 0 : i32
        %parallel_loop3A_1830 = arith.cmpi slt, %parallel_loop3A_1728, %parallel_loop3A_1829 : i32
        %parallel_loop3A_1831 = arith.extui %parallel_loop3A_1830 : i1 to i32
        %parallel_loop3A_1832 = arith.subi %parallel_loop3A_1828, %parallel_loop3A_1831 : i32
        %parallel_loop3A_1833 = arith.constant 0 : i32
        %parallel_loop3A_1834 = arith.cmpi sgt, %parallel_loop3A_1824, %parallel_loop3A_1833 : i32
        %parallel_loop3A_1835 = arith.extui %parallel_loop3A_1834 : i1 to i32
        %parallel_loop3A_1836 = arith.constant 0 : i32
        %parallel_loop3A_1837 = arith.cmpi slt, %parallel_loop3A_1824, %parallel_loop3A_1836 : i32
        %parallel_loop3A_1838 = arith.extui %parallel_loop3A_1837 : i1 to i32
        %parallel_loop3A_1839 = arith.subi %parallel_loop3A_1835, %parallel_loop3A_1838 : i32
        %parallel_loop3A_1840 = arith.cmpi ne, %parallel_loop3A_1832, %parallel_loop3A_1839 : i32
        %parallel_loop3A_1841 = arith.remsi %parallel_loop3A_1728, %parallel_loop3A_1824 : i32
        %parallel_loop3A_1842 = arith.constant 0 : i32
        %parallel_loop3A_1843 = arith.cmpi ne, %parallel_loop3A_1841, %parallel_loop3A_1842 : i32
        %parallel_loop3A_1844 = arith.andi %parallel_loop3A_1840, %parallel_loop3A_1843 : i1
        %parallel_loop3A_1845 = arith.constant 1 : i32
        %parallel_loop3A_1846 = arith.subi %parallel_loop3A_1825, %parallel_loop3A_1845 : i32
        %parallel_loop3A_1847 = arith.select %parallel_loop3A_1844, %parallel_loop3A_1846, %parallel_loop3A_1825 : i32
        %parallel_loop3A_1848 = arith.constant 8 : i32
        %parallel_loop3A_1849 = arith.constant 0 : i32
        %parallel_loop3A_1850 = arith.cmpi eq, %parallel_loop3A_1848, %parallel_loop3A_1849 : i32
        %parallel_loop3A_1851 = arith.constant 1 : i32
        %parallel_loop3A_1852 = arith.select %parallel_loop3A_1850, %parallel_loop3A_1851, %parallel_loop3A_1848 : i32
        %parallel_loop3A_1853 = arith.remsi %parallel_loop3A_1728, %parallel_loop3A_1852 : i32
        %parallel_loop3A_1854 = arith.constant 0 : i32
        %parallel_loop3A_1855 = arith.cmpi ne, %parallel_loop3A_1853, %parallel_loop3A_1854 : i32
        %parallel_loop3A_1856 = arith.constant 0 : i32
        %parallel_loop3A_1857 = arith.cmpi slt, %parallel_loop3A_1853, %parallel_loop3A_1856 : i32
        %parallel_loop3A_1858 = arith.constant 0 : i32
        %parallel_loop3A_1859 = arith.cmpi slt, %parallel_loop3A_1852, %parallel_loop3A_1858 : i32
        %parallel_loop3A_1860 = arith.xori %parallel_loop3A_1857, %parallel_loop3A_1859 : i1
        %parallel_loop3A_1861 = arith.andi %parallel_loop3A_1860, %parallel_loop3A_1855 : i1
        %parallel_loop3A_1862 = arith.addi %parallel_loop3A_1853, %parallel_loop3A_1852 : i32
        %parallel_loop3A_1863 = arith.select %parallel_loop3A_1861, %parallel_loop3A_1862, %parallel_loop3A_1853 : i32
        %parallel_loop3A_1864 = arith.constant 16 : i32
        %parallel_loop3A_1865 = arith.muli %parallel_loop3A_1863, %parallel_loop3A_1864 : i32
        %parallel_loop3A_1866 = arith.constant 1 : i32
        %parallel_loop3A_1867 = arith.index_cast %parallel_loop3A_1866 : i32 to index
        %parallel_loop3A_1868 = arith.index_cast %parallel_loop3A_1847 : i32 to index
        %parallel_loop3A_1869 = arith.index_cast %parallel_loop3A_1865 : i32 to index
        %parallel_loop3A_1870 = tpu.vector_load %arg9[%parallel_loop3A_1867, %parallel_loop3A_1868, %parallel_loop3A_1869] {strides = array<i32>} : memref<2x8x128xf32, #tpu.memory_space<vmem>>, vector<16xf32>,
        %parallel_loop3A_1871 = vector.broadcast %parallel_loop3A_1730 : i32 to vector<16xi32>
        %parallel_loop3A_1872 = arith.addi %add3A_1183, %parallel_loop3A_1871 : vector<16xi32>
        %parallel_loop3A_1873 = tpu.vector_load_idx %arg14[%parallel_loop3A_1872] : memref<8256xf32, #tpu.memory_space<vmem>>[vector<16xi32>], vector<16xf32>,
        %parallel_loop3A_1874 = arith.addf %parallel_loop3A_1873, %parallel_loop3A_1776 : vector<16xf32>
        %parallel_loop3A_1875 = arith.subf %parallel_loop3A_1874, %mul3A_1212 : vector<16xf32>
        %parallel_loop3A_1876 = arith.mulf %parallel_loop3A_1875, %mul3A_1254 : vector<16xf32>
        %parallel_loop3A_1877 = arith.mulf %parallel_loop3A_1876, %parallel_loop3A_1823 : vector<16xf32>
        %parallel_loop3A_1878 = arith.addf %parallel_loop3A_1877, %parallel_loop3A_1870 : vector<16xf32>
        %parallel_loop3A_1879 = arith.index_cast %parallel_loop3A_1728 : i32 to index
        %parallel_loop3A_1880 = arith.constant 0 : index
        %parallel_loop3A_1881 = tpu.vector_load %arg16[%parallel_loop3A_1879, %parallel_loop3A_1880] {strides = array<i32>} : memref<64x128xf32, #tpu.memory_space<vmem>>, vector<16xf32>,
        tpu.vector_store %arg16[%parallel_loop3A_1879, %parallel_loop3A_1880], %parallel_loop3A_1878 {strides = array<i32>} : memref<64x128xf32, #tpu.memory_space<vmem>>, vector<16xf32>,
        %parallel_loop3A_1882 = vector.broadcast %parallel_loop3A_1730 : i32 to vector<16xi32>
        %parallel_loop3A_1883 = arith.addi %add3A_1186, %parallel_loop3A_1882 : vector<16xi32>
        %parallel_loop3A_1884 = tpu.vector_load_idx %arg14[%parallel_loop3A_1883] : memref<8256xf32, #tpu.memory_space<vmem>>[vector<16xi32>], vector<16xf32>,
        %parallel_loop3A_1885 = arith.addf %parallel_loop3A_1884, %parallel_loop3A_1776 : vector<16xf32>
        %parallel_loop3A_1886 = arith.subf %parallel_loop3A_1885, %mul3A_1256 : vector<16xf32>
        %parallel_loop3A_1887 = arith.mulf %parallel_loop3A_1886, %mul3A_1298 : vector<16xf32>
        %parallel_loop3A_1888 = arith.mulf %parallel_loop3A_1887, %parallel_loop3A_1823 : vector<16xf32>
        %parallel_loop3A_1889 = arith.addf %parallel_loop3A_1888, %parallel_loop3A_1870 : vector<16xf32>
        %parallel_loop3A_1890 = arith.index_cast %parallel_loop3A_1728 : i32 to index
        %parallel_loop3A_1891 = arith.constant 16 : index
        %parallel_loop3A_1892 = tpu.vector_load %arg16[%parallel_loop3A_1890, %parallel_loop3A_1891] {strides = array<i32>} : memref<64x128xf32, #tpu.memory_space<vmem>>, vector<16xf32>,
        tpu.vector_store %arg16[%parallel_loop3A_1890, %parallel_loop3A_1891], %parallel_loop3A_1889 {strides = array<i32>} : memref<64x128xf32, #tpu.memory_space<vmem>>, vector<16xf32>,
        %parallel_loop3A_1893 = vector.broadcast %parallel_loop3A_1730 : i32 to vector<16xi32>
        %parallel_loop3A_1894 = arith.addi %add3A_1189, %parallel_loop3A_1893 : vector<16xi32>
        %parallel_loop3A_1895 = tpu.vector_load_idx %arg14[%parallel_loop3A_1894] : memref<8256xf32, #tpu.memory_space<vmem>>[vector<16xi32>], vector<16xf32>,
        %parallel_loop3A_1896 = arith.addf %parallel_loop3A_1895, %parallel_loop3A_1776 : vector<16xf32>
        %parallel_loop3A_1897 = arith.subf %parallel_loop3A_1896, %mul3A_1300 : vector<16xf32>
        %parallel_loop3A_1898 = arith.mulf %parallel_loop3A_1897, %mul3A_1342 : vector<16xf32>
        %parallel_loop3A_1899 = arith.mulf %parallel_loop3A_1898, %parallel_loop3A_1823 : vector<16xf32>
        %parallel_loop3A_1900 = arith.addf %parallel_loop3A_1899, %parallel_loop3A_1870 : vector<16xf32>
        %parallel_loop3A_1901 = arith.index_cast %parallel_loop3A_1728 : i32 to index
        %parallel_loop3A_1902 = arith.constant 32 : index
        %parallel_loop3A_1903 = tpu.vector_load %arg16[%parallel_loop3A_1901, %parallel_loop3A_1902] {strides = array<i32>} : memref<64x128xf32, #tpu.memory_space<vmem>>, vector<16xf32>,
        tpu.vector_store %arg16[%parallel_loop3A_1901, %parallel_loop3A_1902], %parallel_loop3A_1900 {strides = array<i32>} : memref<64x128xf32, #tpu.memory_space<vmem>>, vector<16xf32>,
        %parallel_loop3A_1904 = vector.broadcast %parallel_loop3A_1730 : i32 to vector<16xi32>
        %parallel_loop3A_1905 = arith.addi %add3A_1192, %parallel_loop3A_1904 : vector<16xi32>
        %parallel_loop3A_1906 = tpu.vector_load_idx %arg14[%parallel_loop3A_1905] : memref<8256xf32, #tpu.memory_space<vmem>>[vector<16xi32>], vector<16xf32>,
        %parallel_loop3A_1907 = arith.addf %parallel_loop3A_1906, %parallel_loop3A_1776 : vector<16xf32>
        %parallel_loop3A_1908 = arith.subf %parallel_loop3A_1907, %mul3A_1344 : vector<16xf32>
        %parallel_loop3A_1909 = arith.mulf %parallel_loop3A_1908, %mul3A_1386 : vector<16xf32>
        %parallel_loop3A_1910 = arith.mulf %parallel_loop3A_1909, %parallel_loop3A_1823 : vector<16xf32>
        %parallel_loop3A_1911 = arith.addf %parallel_loop3A_1910, %parallel_loop3A_1870 : vector<16xf32>
        %parallel_loop3A_1912 = arith.index_cast %parallel_loop3A_1728 : i32 to index
        %parallel_loop3A_1913 = arith.constant 48 : index
        %parallel_loop3A_1914 = tpu.vector_load %arg16[%parallel_loop3A_1912, %parallel_loop3A_1913] {strides = array<i32>} : memref<64x128xf32, #tpu.memory_space<vmem>>, vector<16xf32>,
        tpu.vector_store %arg16[%parallel_loop3A_1912, %parallel_loop3A_1913], %parallel_loop3A_1911 {strides = array<i32>} : memref<64x128xf32, #tpu.memory_space<vmem>>, vector<16xf32>,
        %parallel_loop3A_1915 = vector.broadcast %parallel_loop3A_1730 : i32 to vector<16xi32>
        %parallel_loop3A_1916 = arith.addi %add3A_1195, %parallel_loop3A_1915 : vector<16xi32>
        %parallel_loop3A_1917 = tpu.vector_load_idx %arg14[%parallel_loop3A_1916] : memref<8256xf32, #tpu.memory_space<vmem>>[vector<16xi32>], vector<16xf32>,
        %parallel_loop3A_1918 = arith.addf %parallel_loop3A_1917, %parallel_loop3A_1776 : vector<16xf32>
        %parallel_loop3A_1919 = arith.subf %parallel_loop3A_1918, %mul3A_1388 : vector<16xf32>
        %parallel_loop3A_1920 = arith.mulf %parallel_loop3A_1919, %mul3A_1430 : vector<16xf32>
        %parallel_loop3A_1921 = arith.mulf %parallel_loop3A_1920, %parallel_loop3A_1823 : vector<16xf32>
        %parallel_loop3A_1922 = arith.addf %parallel_loop3A_1921, %parallel_loop3A_1870 : vector<16xf32>
        %parallel_loop3A_1923 = arith.index_cast %parallel_loop3A_1728 : i32 to index
        %parallel_loop3A_1924 = arith.constant 64 : index
        %parallel_loop3A_1925 = tpu.vector_load %arg16[%parallel_loop3A_1923, %parallel_loop3A_1924] {strides = array<i32>} : memref<64x128xf32, #tpu.memory_space<vmem>>, vector<16xf32>,
        tpu.vector_store %arg16[%parallel_loop3A_1923, %parallel_loop3A_1924], %parallel_loop3A_1922 {strides = array<i32>} : memref<64x128xf32, #tpu.memory_space<vmem>>, vector<16xf32>,
        %parallel_loop3A_1926 = vector.broadcast %parallel_loop3A_1730 : i32 to vector<16xi32>
        %parallel_loop3A_1927 = arith.addi %add3A_1198, %parallel_loop3A_1926 : vector<16xi32>
        %parallel_loop3A_1928 = tpu.vector_load_idx %arg14[%parallel_loop3A_1927] : memref<8256xf32, #tpu.memory_space<vmem>>[vector<16xi32>], vector<16xf32>,
        %parallel_loop3A_1929 = arith.addf %parallel_loop3A_1928, %parallel_loop3A_1776 : vector<16xf32>
        %parallel_loop3A_1930 = arith.subf %parallel_loop3A_1929, %mul3A_1432 : vector<16xf32>
        %parallel_loop3A_1931 = arith.mulf %parallel_loop3A_1930, %mul3A_1474 : vector<16xf32>
        %parallel_loop3A_1932 = arith.mulf %parallel_loop3A_1931, %parallel_loop3A_1823 : vector<16xf32>
        %parallel_loop3A_1933 = arith.addf %parallel_loop3A_1932, %parallel_loop3A_1870 : vector<16xf32>
        %parallel_loop3A_1934 = arith.index_cast %parallel_loop3A_1728 : i32 to index
        %parallel_loop3A_1935 = arith.constant 80 : index
        %parallel_loop3A_1936 = tpu.vector_load %arg16[%parallel_loop3A_1934, %parallel_loop3A_1935] {strides = array<i32>} : memref<64x128xf32, #tpu.memory_space<vmem>>, vector<16xf32>,
        tpu.vector_store %arg16[%parallel_loop3A_1934, %parallel_loop3A_1935], %parallel_loop3A_1933 {strides = array<i32>} : memref<64x128xf32, #tpu.memory_space<vmem>>, vector<16xf32>,
        %parallel_loop3A_1937 = vector.broadcast %parallel_loop3A_1730 : i32 to vector<16xi32>
        %parallel_loop3A_1938 = arith.addi %add3A_1201, %parallel_loop3A_1937 : vector<16xi32>
        %parallel_loop3A_1939 = tpu.vector_load_idx %arg14[%parallel_loop3A_1938] : memref<8256xf32, #tpu.memory_space<vmem>>[vector<16xi32>], vector<16xf32>,
        %parallel_loop3A_1940 = arith.addf %parallel_loop3A_1939, %parallel_loop3A_1776 : vector<16xf32>
        %parallel_loop3A_1941 = arith.subf %parallel_loop3A_1940, %mul3A_1476 : vector<16xf32>
        %parallel_loop3A_1942 = arith.mulf %parallel_loop3A_1941, %mul3A_1518 : vector<16xf32>
        %parallel_loop3A_1943 = arith.mulf %parallel_loop3A_1942, %parallel_loop3A_1823 : vector<16xf32>
        %parallel_loop3A_1944 = arith.addf %parallel_loop3A_1943, %parallel_loop3A_1870 : vector<16xf32>
        %parallel_loop3A_1945 = arith.index_cast %parallel_loop3A_1728 : i32 to index
        %parallel_loop3A_1946 = arith.constant 96 : index
        %parallel_loop3A_1947 = tpu.vector_load %arg16[%parallel_loop3A_1945, %parallel_loop3A_1946] {strides = array<i32>} : memref<64x128xf32, #tpu.memory_space<vmem>>, vector<16xf32>,
        tpu.vector_store %arg16[%parallel_loop3A_1945, %parallel_loop3A_1946], %parallel_loop3A_1944 {strides = array<i32>} : memref<64x128xf32, #tpu.memory_space<vmem>>, vector<16xf32>,
        %parallel_loop3A_1948 = vector.broadcast %parallel_loop3A_1730 : i32 to vector<16xi32>
        %parallel_loop3A_1949 = arith.addi %add3A_1204, %parallel_loop3A_1948 : vector<16xi32>
        %parallel_loop3A_1950 = tpu.vector_load_idx %arg14[%parallel_loop3A_1949] : memref<8256xf32, #tpu.memory_space<vmem>>[vector<16xi32>], vector<16xf32>,
        %parallel_loop3A_1951 = arith.addf %parallel_loop3A_1950, %parallel_loop3A_1776 : vector<16xf32>
        %parallel_loop3A_1952 = arith.subf %parallel_loop3A_1951, %mul3A_1520 : vector<16xf32>
        %parallel_loop3A_1953 = arith.mulf %parallel_loop3A_1952, %mul3A_1562 : vector<16xf32>
        %parallel_loop3A_1954 = arith.mulf %parallel_loop3A_1953, %parallel_loop3A_1823 : vector<16xf32>
        %parallel_loop3A_1955 = arith.addf %parallel_loop3A_1954, %parallel_loop3A_1870 : vector<16xf32>
        %parallel_loop3A_1956 = arith.index_cast %parallel_loop3A_1728 : i32 to index
        %parallel_loop3A_1957 = arith.constant 112 : index
        %parallel_loop3A_1958 = tpu.vector_load %arg16[%parallel_loop3A_1956, %parallel_loop3A_1957] {strides = array<i32>} : memref<64x128xf32, #tpu.memory_space<vmem>>, vector<16xf32>,
        tpu.vector_store %arg16[%parallel_loop3A_1956, %parallel_loop3A_1957], %parallel_loop3A_1955 {strides = array<i32>} : memref<64x128xf32, #tpu.memory_space<vmem>>, vector<16xf32>,
      } {sc.loop_unroll_factor = 4 : i64, sc.parallel_access}
      %add3A_1566 = arith.addi %mul3A_2, %add3A_1120 : i32
      %jit3A_1567 = arith.constant 8 : i32
      %div3A_1568 = arith.divsi %add3A_1566, %jit3A_1567 : i32
      %sign3A_1569 = arith.constant 0 : i32
      %sign3A_1570 = arith.cmpi sgt, %add3A_1566, %sign3A_1569 : i32
      %sign3A_1571 = arith.extui %sign3A_1570 : i1 to i32
      %sign3A_1572 = arith.constant 0 : i32
      %sign3A_1573 = arith.cmpi slt, %add3A_1566, %sign3A_1572 : i32
      %sign3A_1574 = arith.extui %sign3A_1573 : i1 to i32
      %sign3A_1575 = arith.subi %sign3A_1571, %sign3A_1574 : i32
      %sign3A_1576 = arith.constant 0 : i32
      %sign3A_1577 = arith.cmpi sgt, %jit3A_1567, %sign3A_1576 : i32
      %sign3A_1578 = arith.extui %sign3A_1577 : i1 to i32
      %sign3A_1579 = arith.constant 0 : i32
      %sign3A_1580 = arith.cmpi slt, %jit3A_1567, %sign3A_1579 : i32
      %sign3A_1581 = arith.extui %sign3A_1580 : i1 to i32
      %sign3A_1582 = arith.subi %sign3A_1578, %sign3A_1581 : i32
      %ne3A_1583 = arith.cmpi ne, %sign3A_1575, %sign3A_1582 : i32
      %rem3A_1584 = arith.remsi %add3A_1566, %jit3A_1567 : i32
      %ne3A_1585 = arith.constant 0 : i32
      %ne3A_1586 = arith.cmpi ne, %rem3A_1584, %ne3A_1585 : i32
      %and3A_1587 = arith.andi %ne3A_1583, %ne3A_1586 : i1
      %sub3A_1588 = arith.constant 1 : i32
      %sub3A_1589 = arith.subi %div3A_1568, %sub3A_1588 : i32
      %select_n3A_1590 = arith.select %and3A_1587, %sub3A_1589, %div3A_1568 : i32
      %jit3A_1591 = arith.constant 8 : i32
      %eq3A_1592 = arith.constant 0 : i32
      %eq3A_1593 = arith.cmpi eq, %jit3A_1591, %eq3A_1592 : i32
      %jit3A_1594 = arith.constant 1 : i32
      %select_n3A_1595 = arith.select %eq3A_1593, %jit3A_1594, %jit3A_1591 : i32
      %rem3A_1596 = arith.remsi %add3A_1566, %select_n3A_1595 : i32
      %ne3A_1597 = arith.constant 0 : i32
      %ne3A_1598 = arith.cmpi ne, %rem3A_1596, %ne3A_1597 : i32
      %lt3A_1599 = arith.constant 0 : i32
      %lt3A_1600 = arith.cmpi slt, %rem3A_1596, %lt3A_1599 : i32
      %lt3A_1601 = arith.constant 0 : i32
      %lt3A_1602 = arith.cmpi slt, %select_n3A_1595, %lt3A_1601 : i32
      %ne3A_1603 = arith.xori %lt3A_1600, %lt3A_1602 : i1
      %and3A_1604 = arith.andi %ne3A_1603, %ne3A_1598 : i1
      %add3A_1605 = arith.addi %rem3A_1596, %select_n3A_1595 : i32
      %select_n3A_1606 = arith.select %and3A_1604, %add3A_1605, %rem3A_1596 : i32
      %dma_start3A_1607 = arith.constant 0 : i32
      %dma_start3A_1608 = arith.constant 0 : i32
      %dma_start3A_1609 = arith.constant 0 : i32
      %dma_start3A_1610 = tpu.memref_slice %arg16[%dma_start3A_1608, %dma_start3A_1609] : memref<64x128xf32, #tpu.memory_space<vmem>> -> memref<8x128xf32, #tpu.memory_space<vmem>>
      %dma_start3A_1611 = arith.constant 0 : i32
      %dma_start3A_1612 = arith.constant 0 : i32
      %dma_start3A_1613 = tpu.memref_slice %arg6[%select_n3A_1590, %dma_start3A_1607, %select_n3A_1606, %dma_start3A_1611, %dma_start3A_1612] : memref<200x8x8x8x128xf32, #tpu.memory_space<hbm>> -> memref<1x1x1x8x128xf32, #tpu.memory_space<hbm>>
      %dma_start3A_1614 = tpu.memref_squeeze %dma_start3A_1613 : memref<1x1x1x8x128xf32, #tpu.memory_space<hbm>> -> memref<8x128xf32, #tpu.memory_space<hbm>>
      %dma_start3A_1615 = arith.constant 0 : i32
      %dma_start3A_1616 = arith.constant 0 : i32
      %dma_start3A_1617 = tpu.memref_slice %arg6[%select_n3A_1590, %dma_start3A_1607, %select_n3A_1606, %dma_start3A_1615, %dma_start3A_1616] : memref<200x8x8x8x128xf32, #tpu.memory_space<hbm>> -> memref<1x1x1x8x128xf32, #tpu.memory_space<hbm>>
      %dma_start3A_1618 = tpu.memref_squeeze %dma_start3A_1617 : memref<1x1x1x8x128xf32, #tpu.memory_space<hbm>> -> memref<8x128xf32, #tpu.memory_space<hbm>>
      %dma_start3A_1619 = arith.constant 0 : i32
      %dma_start3A_1620 = arith.constant 0 : i32
      %dma_start3A_1621 = tpu.memref_slice %arg16[%dma_start3A_1619, %dma_start3A_1620] : memref<64x128xf32, #tpu.memory_space<vmem>> -> memref<8x128xf32, #tpu.memory_space<vmem>>
      tpu.enqueue_dma source(%dma_start3A_1621 : memref<8x128xf32, #tpu.memory_space<vmem>>) target(%dma_start3A_1618 : memref<8x128xf32, #tpu.memory_space<hbm>>) target_semaphore(%arg20 : memref<!tpu.dma_semaphore, #tpu.memory_space<semaphore_mem>>)
      %dma_start3A_1622 = arith.constant 1 : i32
      %dma_start3A_1623 = arith.constant 8 : i32
      %dma_start3A_1624 = arith.constant 0 : i32
      %dma_start3A_1625 = tpu.memref_slice %arg16[%dma_start3A_1623, %dma_start3A_1624] : memref<64x128xf32, #tpu.memory_space<vmem>> -> memref<8x128xf32, #tpu.memory_space<vmem>>
      %dma_start3A_1626 = arith.constant 0 : i32
      %dma_start3A_1627 = arith.constant 0 : i32
      %dma_start3A_1628 = tpu.memref_slice %arg6[%select_n3A_1590, %dma_start3A_1622, %select_n3A_1606, %dma_start3A_1626, %dma_start3A_1627] : memref<200x8x8x8x128xf32, #tpu.memory_space<hbm>> -> memref<1x1x1x8x128xf32, #tpu.memory_space<hbm>>
      %dma_start3A_1629 = tpu.memref_squeeze %dma_start3A_1628 : memref<1x1x1x8x128xf32, #tpu.memory_space<hbm>> -> memref<8x128xf32, #tpu.memory_space<hbm>>
      %dma_start3A_1630 = arith.constant 0 : i32
      %dma_start3A_1631 = arith.constant 0 : i32
      %dma_start3A_1632 = tpu.memref_slice %arg6[%select_n3A_1590, %dma_start3A_1622, %select_n3A_1606, %dma_start3A_1630, %dma_start3A_1631] : memref<200x8x8x8x128xf32, #tpu.memory_space<hbm>> -> memref<1x1x1x8x128xf32, #tpu.memory_space<hbm>>
      %dma_start3A_1633 = tpu.memref_squeeze %dma_start3A_1632 : memref<1x1x1x8x128xf32, #tpu.memory_space<hbm>> -> memref<8x128xf32, #tpu.memory_space<hbm>>
      %dma_start3A_1634 = arith.constant 8 : i32
      %dma_start3A_1635 = arith.constant 0 : i32
      %dma_start3A_1636 = tpu.memref_slice %arg16[%dma_start3A_1634, %dma_start3A_1635] : memref<64x128xf32, #tpu.memory_space<vmem>> -> memref<8x128xf32, #tpu.memory_space<vmem>>
      tpu.enqueue_dma source(%dma_start3A_1636 : memref<8x128xf32, #tpu.memory_space<vmem>>) target(%dma_start3A_1633 : memref<8x128xf32, #tpu.memory_space<hbm>>) target_semaphore(%arg20 : memref<!tpu.dma_semaphore, #tpu.memory_space<semaphore_mem>>)
      %dma_start3A_1637 = arith.constant 2 : i32
      %dma_start3A_1638 = arith.constant 16 : i32
      %dma_start3A_1639 = arith.constant 0 : i32
      %dma_start3A_1640 = tpu.memref_slice %arg16[%dma_start3A_1638, %dma_start3A_1639] : memref<64x128xf32, #tpu.memory_space<vmem>> -> memref<8x128xf32, #tpu.memory_space<vmem>>
      %dma_start3A_1641 = arith.constant 0 : i32
      %dma_start3A_1642 = arith.constant 0 : i32
      %dma_start3A_1643 = tpu.memref_slice %arg6[%select_n3A_1590, %dma_start3A_1637, %select_n3A_1606, %dma_start3A_1641, %dma_start3A_1642] : memref<200x8x8x8x128xf32, #tpu.memory_space<hbm>> -> memref<1x1x1x8x128xf32, #tpu.memory_space<hbm>>
      %dma_start3A_1644 = tpu.memref_squeeze %dma_start3A_1643 : memref<1x1x1x8x128xf32, #tpu.memory_space<hbm>> -> memref<8x128xf32, #tpu.memory_space<hbm>>
      %dma_start3A_1645 = arith.constant 0 : i32
      %dma_start3A_1646 = arith.constant 0 : i32
      %dma_start3A_1647 = tpu.memref_slice %arg6[%select_n3A_1590, %dma_start3A_1637, %select_n3A_1606, %dma_start3A_1645, %dma_start3A_1646] : memref<200x8x8x8x128xf32, #tpu.memory_space<hbm>> -> memref<1x1x1x8x128xf32, #tpu.memory_space<hbm>>
      %dma_start3A_1648 = tpu.memref_squeeze %dma_start3A_1647 : memref<1x1x1x8x128xf32, #tpu.memory_space<hbm>> -> memref<8x128xf32, #tpu.memory_space<hbm>>
      %dma_start3A_1649 = arith.constant 16 : i32
      %dma_start3A_1650 = arith.constant 0 : i32
      %dma_start3A_1651 = tpu.memref_slice %arg16[%dma_start3A_1649, %dma_start3A_1650] : memref<64x128xf32, #tpu.memory_space<vmem>> -> memref<8x128xf32, #tpu.memory_space<vmem>>
      tpu.enqueue_dma source(%dma_start3A_1651 : memref<8x128xf32, #tpu.memory_space<vmem>>) target(%dma_start3A_1648 : memref<8x128xf32, #tpu.memory_space<hbm>>) target_semaphore(%arg20 : memref<!tpu.dma_semaphore, #tpu.memory_space<semaphore_mem>>)
      %dma_start3A_1652 = arith.constant 3 : i32
      %dma_start3A_1653 = arith.constant 24 : i32
      %dma_start3A_1654 = arith.constant 0 : i32
      %dma_start3A_1655 = tpu.memref_slice %arg16[%dma_start3A_1653, %dma_start3A_1654] : memref<64x128xf32, #tpu.memory_space<vmem>> -> memref<8x128xf32, #tpu.memory_space<vmem>>
      %dma_start3A_1656 = arith.constant 0 : i32
      %dma_start3A_1657 = arith.constant 0 : i32
      %dma_start3A_1658 = tpu.memref_slice %arg6[%select_n3A_1590, %dma_start3A_1652, %select_n3A_1606, %dma_start3A_1656, %dma_start3A_1657] : memref<200x8x8x8x128xf32, #tpu.memory_space<hbm>> -> memref<1x1x1x8x128xf32, #tpu.memory_space<hbm>>
      %dma_start3A_1659 = tpu.memref_squeeze %dma_start3A_1658 : memref<1x1x1x8x128xf32, #tpu.memory_space<hbm>> -> memref<8x128xf32, #tpu.memory_space<hbm>>
      %dma_start3A_1660 = arith.constant 0 : i32
      %dma_start3A_1661 = arith.constant 0 : i32
      %dma_start3A_1662 = tpu.memref_slice %arg6[%select_n3A_1590, %dma_start3A_1652, %select_n3A_1606, %dma_start3A_1660, %dma_start3A_1661] : memref<200x8x8x8x128xf32, #tpu.memory_space<hbm>> -> memref<1x1x1x8x128xf32, #tpu.memory_space<hbm>>
      %dma_start3A_1663 = tpu.memref_squeeze %dma_start3A_1662 : memref<1x1x1x8x128xf32, #tpu.memory_space<hbm>> -> memref<8x128xf32, #tpu.memory_space<hbm>>
      %dma_start3A_1664 = arith.constant 24 : i32
      %dma_start3A_1665 = arith.constant 0 : i32
      %dma_start3A_1666 = tpu.memref_slice %arg16[%dma_start3A_1664, %dma_start3A_1665] : memref<64x128xf32, #tpu.memory_space<vmem>> -> memref<8x128xf32, #tpu.memory_space<vmem>>
      tpu.enqueue_dma source(%dma_start3A_1666 : memref<8x128xf32, #tpu.memory_space<vmem>>) target(%dma_start3A_1663 : memref<8x128xf32, #tpu.memory_space<hbm>>) target_semaphore(%arg20 : memref<!tpu.dma_semaphore, #tpu.memory_space<semaphore_mem>>)
      %dma_start3A_1667 = arith.constant 4 : i32
      %dma_start3A_1668 = arith.constant 32 : i32
      %dma_start3A_1669 = arith.constant 0 : i32
      %dma_start3A_1670 = tpu.memref_slice %arg16[%dma_start3A_1668, %dma_start3A_1669] : memref<64x128xf32, #tpu.memory_space<vmem>> -> memref<8x128xf32, #tpu.memory_space<vmem>>
      %dma_start3A_1671 = arith.constant 0 : i32
      %dma_start3A_1672 = arith.constant 0 : i32
      %dma_start3A_1673 = tpu.memref_slice %arg6[%select_n3A_1590, %dma_start3A_1667, %select_n3A_1606, %dma_start3A_1671, %dma_start3A_1672] : memref<200x8x8x8x128xf32, #tpu.memory_space<hbm>> -> memref<1x1x1x8x128xf32, #tpu.memory_space<hbm>>
      %dma_start3A_1674 = tpu.memref_squeeze %dma_start3A_1673 : memref<1x1x1x8x128xf32, #tpu.memory_space<hbm>> -> memref<8x128xf32, #tpu.memory_space<hbm>>
      %dma_start3A_1675 = arith.constant 0 : i32
      %dma_start3A_1676 = arith.constant 0 : i32
      %dma_start3A_1677 = tpu.memref_slice %arg6[%select_n3A_1590, %dma_start3A_1667, %select_n3A_1606, %dma_start3A_1675, %dma_start3A_1676] : memref<200x8x8x8x128xf32, #tpu.memory_space<hbm>> -> memref<1x1x1x8x128xf32, #tpu.memory_space<hbm>>
      %dma_start3A_1678 = tpu.memref_squeeze %dma_start3A_1677 : memref<1x1x1x8x128xf32, #tpu.memory_space<hbm>> -> memref<8x128xf32, #tpu.memory_space<hbm>>
      %dma_start3A_1679 = arith.constant 32 : i32
      %dma_start3A_1680 = arith.constant 0 : i32
      %dma_start3A_1681 = tpu.memref_slice %arg16[%dma_start3A_1679, %dma_start3A_1680] : memref<64x128xf32, #tpu.memory_space<vmem>> -> memref<8x128xf32, #tpu.memory_space<vmem>>
      tpu.enqueue_dma source(%dma_start3A_1681 : memref<8x128xf32, #tpu.memory_space<vmem>>) target(%dma_start3A_1678 : memref<8x128xf32, #tpu.memory_space<hbm>>) target_semaphore(%arg20 : memref<!tpu.dma_semaphore, #tpu.memory_space<semaphore_mem>>)
      %dma_start3A_1682 = arith.constant 5 : i32
      %dma_start3A_1683 = arith.constant 40 : i32
      %dma_start3A_1684 = arith.constant 0 : i32
      %dma_start3A_1685 = tpu.memref_slice %arg16[%dma_start3A_1683, %dma_start3A_1684] : memref<64x128xf32, #tpu.memory_space<vmem>> -> memref<8x128xf32, #tpu.memory_space<vmem>>
      %dma_start3A_1686 = arith.constant 0 : i32
      %dma_start3A_1687 = arith.constant 0 : i32
      %dma_start3A_1688 = tpu.memref_slice %arg6[%select_n3A_1590, %dma_start3A_1682, %select_n3A_1606, %dma_start3A_1686, %dma_start3A_1687] : memref<200x8x8x8x128xf32, #tpu.memory_space<hbm>> -> memref<1x1x1x8x128xf32, #tpu.memory_space<hbm>>
      %dma_start3A_1689 = tpu.memref_squeeze %dma_start3A_1688 : memref<1x1x1x8x128xf32, #tpu.memory_space<hbm>> -> memref<8x128xf32, #tpu.memory_space<hbm>>
      %dma_start3A_1690 = arith.constant 0 : i32
      %dma_start3A_1691 = arith.constant 0 : i32
      %dma_start3A_1692 = tpu.memref_slice %arg6[%select_n3A_1590, %dma_start3A_1682, %select_n3A_1606, %dma_start3A_1690, %dma_start3A_1691] : memref<200x8x8x8x128xf32, #tpu.memory_space<hbm>> -> memref<1x1x1x8x128xf32, #tpu.memory_space<hbm>>
      %dma_start3A_1693 = tpu.memref_squeeze %dma_start3A_1692 : memref<1x1x1x8x128xf32, #tpu.memory_space<hbm>> -> memref<8x128xf32, #tpu.memory_space<hbm>>
      %dma_start3A_1694 = arith.constant 40 : i32
      %dma_start3A_1695 = arith.constant 0 : i32
      %dma_start3A_1696 = tpu.memref_slice %arg16[%dma_start3A_1694, %dma_start3A_1695] : memref<64x128xf32, #tpu.memory_space<vmem>> -> memref<8x128xf32, #tpu.memory_space<vmem>>
      tpu.enqueue_dma source(%dma_start3A_1696 : memref<8x128xf32, #tpu.memory_space<vmem>>) target(%dma_start3A_1693 : memref<8x128xf32, #tpu.memory_space<hbm>>) target_semaphore(%arg20 : memref<!tpu.dma_semaphore, #tpu.memory_space<semaphore_mem>>)
      %dma_start3A_1697 = arith.constant 6 : i32
      %dma_start3A_1698 = arith.constant 48 : i32
      %dma_start3A_1699 = arith.constant 0 : i32
      %dma_start3A_1700 = tpu.memref_slice %arg16[%dma_start3A_1698, %dma_start3A_1699] : memref<64x128xf32, #tpu.memory_space<vmem>> -> memref<8x128xf32, #tpu.memory_space<vmem>>
      %dma_start3A_1701 = arith.constant 0 : i32
      %dma_start3A_1702 = arith.constant 0 : i32
      %dma_start3A_1703 = tpu.memref_slice %arg6[%select_n3A_1590, %dma_start3A_1697, %select_n3A_1606, %dma_start3A_1701, %dma_start3A_1702] : memref<200x8x8x8x128xf32, #tpu.memory_space<hbm>> -> memref<1x1x1x8x128xf32, #tpu.memory_space<hbm>>
      %dma_start3A_1704 = tpu.memref_squeeze %dma_start3A_1703 : memref<1x1x1x8x128xf32, #tpu.memory_space<hbm>> -> memref<8x128xf32, #tpu.memory_space<hbm>>
      %dma_start3A_1705 = arith.constant 0 : i32
      %dma_start3A_1706 = arith.constant 0 : i32
      %dma_start3A_1707 = tpu.memref_slice %arg6[%select_n3A_1590, %dma_start3A_1697, %select_n3A_1606, %dma_start3A_1705, %dma_start3A_1706] : memref<200x8x8x8x128xf32, #tpu.memory_space<hbm>> -> memref<1x1x1x8x128xf32, #tpu.memory_space<hbm>>
      %dma_start3A_1708 = tpu.memref_squeeze %dma_start3A_1707 : memref<1x1x1x8x128xf32, #tpu.memory_space<hbm>> -> memref<8x128xf32, #tpu.memory_space<hbm>>
      %dma_start3A_1709 = arith.constant 48 : i32
      %dma_start3A_1710 = arith.constant 0 : i32
      %dma_start3A_1711 = tpu.memref_slice %arg16[%dma_start3A_1709, %dma_start3A_1710] : memref<64x128xf32, #tpu.memory_space<vmem>> -> memref<8x128xf32, #tpu.memory_space<vmem>>
      tpu.enqueue_dma source(%dma_start3A_1711 : memref<8x128xf32, #tpu.memory_space<vmem>>) target(%dma_start3A_1708 : memref<8x128xf32, #tpu.memory_space<hbm>>) target_semaphore(%arg20 : memref<!tpu.dma_semaphore, #tpu.memory_space<semaphore_mem>>)
      %dma_start3A_1712 = arith.constant 7 : i32
      %dma_start3A_1713 = arith.constant 56 : i32
      %dma_start3A_1714 = arith.constant 0 : i32
      %dma_start3A_1715 = tpu.memref_slice %arg16[%dma_start3A_1713, %dma_start3A_1714] : memref<64x128xf32, #tpu.memory_space<vmem>> -> memref<8x128xf32, #tpu.memory_space<vmem>>
      %dma_start3A_1716 = arith.constant 0 : i32
      %dma_start3A_1717 = arith.constant 0 : i32
      %dma_start3A_1718 = tpu.memref_slice %arg6[%select_n3A_1590, %dma_start3A_1712, %select_n3A_1606, %dma_start3A_1716, %dma_start3A_1717] : memref<200x8x8x8x128xf32, #tpu.memory_space<hbm>> -> memref<1x1x1x8x128xf32, #tpu.memory_space<hbm>>
      %dma_start3A_1719 = tpu.memref_squeeze %dma_start3A_1718 : memref<1x1x1x8x128xf32, #tpu.memory_space<hbm>> -> memref<8x128xf32, #tpu.memory_space<hbm>>
      %dma_start3A_1720 = arith.constant 0 : i32
      %dma_start3A_1721 = arith.constant 0 : i32
      %dma_start3A_1722 = tpu.memref_slice %arg6[%select_n3A_1590, %dma_start3A_1712, %select_n3A_1606, %dma_start3A_1720, %dma_start3A_1721] : memref<200x8x8x8x128xf32, #tpu.memory_space<hbm>> -> memref<1x1x1x8x128xf32, #tpu.memory_space<hbm>>
      %dma_start3A_1723 = tpu.memref_squeeze %dma_start3A_1722 : memref<1x1x1x8x128xf32, #tpu.memory_space<hbm>> -> memref<8x128xf32, #tpu.memory_space<hbm>>
      %dma_start3A_1724 = arith.constant 56 : i32
      %dma_start3A_1725 = arith.constant 0 : i32
      %dma_start3A_1726 = tpu.memref_slice %arg16[%dma_start3A_1724, %dma_start3A_1725] : memref<64x128xf32, #tpu.memory_space<vmem>> -> memref<8x128xf32, #tpu.memory_space<vmem>>
      tpu.enqueue_dma source(%dma_start3A_1726 : memref<8x128xf32, #tpu.memory_space<vmem>>) target(%dma_start3A_1723 : memref<8x128xf32, #tpu.memory_space<hbm>>) target_semaphore(%arg20 : memref<!tpu.dma_semaphore, #tpu.memory_space<semaphore_mem>>)
      %scan3A_1727 = arith.constant 0 : i32
      scf.yield %scan3A_1727 : i32
    }
    %scan3A_188 = arith.constant 25 : i32
    %add3A_189 = arith.constant 48 : i32
    %add3A_190 = arith.addi %mul3A_2, %add3A_189 : i32
    %jit3A_191 = arith.constant 8 : i32
    %div3A_192 = arith.divsi %add3A_190, %jit3A_191 : i32
    %sign3A_193 = arith.constant 0 : i32
    %sign3A_194 = arith.cmpi sgt, %add3A_190, %sign3A_193 : i32
    %sign3A_195 = arith.extui %sign3A_194 : i1 to i32
    %sign3A_196 = arith.constant 0 : i32
    %sign3A_197 = arith.cmpi slt, %add3A_190, %sign3A_196 : i32
    %sign3A_198 = arith.extui %sign3A_197 : i1 to i32
    %sign3A_199 = arith.subi %sign3A_195, %sign3A_198 : i32
    %sign3A_200 = arith.constant 0 : i32
    %sign3A_201 = arith.cmpi sgt, %jit3A_191, %sign3A_200 : i32
    %sign3A_202 = arith.extui %sign3A_201 : i1 to i32
    %sign3A_203 = arith.constant 0 : i32
    %sign3A_204 = arith.cmpi slt, %jit3A_191, %sign3A_203 : i32
    %sign3A_205 = arith.extui %sign3A_204 : i1 to i32
    %sign3A_206 = arith.subi %sign3A_202, %sign3A_205 : i32
    %ne3A_207 = arith.cmpi ne, %sign3A_199, %sign3A_206 : i32
    %rem3A_208 = arith.remsi %add3A_190, %jit3A_191 : i32
    %ne3A_209 = arith.constant 0 : i32
    %ne3A_210 = arith.cmpi ne, %rem3A_208, %ne3A_209 : i32
    %and3A_211 = arith.andi %ne3A_207, %ne3A_210 : i1
    %sub3A_212 = arith.constant 1 : i32
    %sub3A_213 = arith.subi %div3A_192, %sub3A_212 : i32
    %select_n3A_214 = arith.select %and3A_211, %sub3A_213, %div3A_192 : i32
    %jit3A_215 = arith.constant 8 : i32
    %eq3A_216 = arith.constant 0 : i32
    %eq3A_217 = arith.cmpi eq, %jit3A_215, %eq3A_216 : i32
    %jit3A_218 = arith.constant 1 : i32
    %select_n3A_219 = arith.select %eq3A_217, %jit3A_218, %jit3A_215 : i32
    %rem3A_220 = arith.remsi %add3A_190, %select_n3A_219 : i32
    %ne3A_221 = arith.constant 0 : i32
    %ne3A_222 = arith.cmpi ne, %rem3A_220, %ne3A_221 : i32
    %lt3A_223 = arith.constant 0 : i32
    %lt3A_224 = arith.cmpi slt, %rem3A_220, %lt3A_223 : i32
    %lt3A_225 = arith.constant 0 : i32
    %lt3A_226 = arith.cmpi slt, %select_n3A_219, %lt3A_225 : i32
    %ne3A_227 = arith.xori %lt3A_224, %lt3A_226 : i1
    %and3A_228 = arith.andi %ne3A_227, %ne3A_222 : i1
    %add3A_229 = arith.addi %rem3A_220, %select_n3A_219 : i32
    %select_n3A_230 = arith.select %and3A_228, %add3A_229, %rem3A_220 : i32
    %dma_wait3A = arith.constant 0 : i32
    %dma_wait3A_231 = arith.constant 0 : i32
    %dma_wait3A_232 = arith.constant 0 : i32
    %dma_wait3A_233 = tpu.memref_slice %arg15[%dma_wait3A_231, %dma_wait3A_232] : memref<64x128xf32, #tpu.memory_space<vmem>> -> memref<8x128xf32, #tpu.memory_space<vmem>>
    %dma_wait3A_234 = arith.constant 0 : i32
    %dma_wait3A_235 = arith.constant 0 : i32
    %dma_wait3A_236 = tpu.memref_slice %arg6[%select_n3A_214, %dma_wait3A, %select_n3A_230, %dma_wait3A_234, %dma_wait3A_235] : memref<200x8x8x8x128xf32, #tpu.memory_space<hbm>> -> memref<1x1x1x8x128xf32, #tpu.memory_space<hbm>>
    %dma_wait3A_237 = tpu.memref_squeeze %dma_wait3A_236 : memref<1x1x1x8x128xf32, #tpu.memory_space<hbm>> -> memref<8x128xf32, #tpu.memory_space<hbm>>
    %dma_wait3A_238 = arith.constant 0 : i32
    %dma_wait3A_239 = arith.constant 0 : i32
    %dma_wait3A_240 = tpu.memref_slice %arg6[%select_n3A_214, %dma_wait3A, %select_n3A_230, %dma_wait3A_238, %dma_wait3A_239] : memref<200x8x8x8x128xf32, #tpu.memory_space<hbm>> -> memref<1x1x1x8x128xf32, #tpu.memory_space<hbm>>
    %dma_wait3A_241 = tpu.memref_squeeze %dma_wait3A_240 : memref<1x1x1x8x128xf32, #tpu.memory_space<hbm>> -> memref<8x128xf32, #tpu.memory_space<hbm>>
    %dma_wait3A_242 = arith.constant 0 : i32
    %dma_wait3A_243 = arith.constant 0 : i32
    %dma_wait3A_244 = tpu.memref_slice %arg15[%dma_wait3A_242, %dma_wait3A_243] : memref<64x128xf32, #tpu.memory_space<vmem>> -> memref<8x128xf32, #tpu.memory_space<vmem>>
    tpu.wait_dma2 semaphore(%arg19 : memref<!tpu.dma_semaphore, #tpu.memory_space<semaphore_mem>>) src(%dma_wait3A_244 : memref<8x128xf32, #tpu.memory_space<vmem>>) dst(%dma_wait3A_241 : memref<8x128xf32, #tpu.memory_space<hbm>>)
    %dma_wait3A_245 = arith.constant 1 : i32
    %dma_wait3A_246 = arith.constant 8 : i32
    %dma_wait3A_247 = arith.constant 0 : i32
    %dma_wait3A_248 = tpu.memref_slice %arg15[%dma_wait3A_246, %dma_wait3A_247] : memref<64x128xf32, #tpu.memory_space<vmem>> -> memref<8x128xf32, #tpu.memory_space<vmem>>
    %dma_wait3A_249 = arith.constant 0 : i32
    %dma_wait3A_250 = arith.constant 0 : i32
    %dma_wait3A_251 = tpu.memref_slice %arg6[%select_n3A_214, %dma_wait3A_245, %select_n3A_230, %dma_wait3A_249, %dma_wait3A_250] : memref<200x8x8x8x128xf32, #tpu.memory_space<hbm>> -> memref<1x1x1x8x128xf32, #tpu.memory_space<hbm>>
    %dma_wait3A_252 = tpu.memref_squeeze %dma_wait3A_251 : memref<1x1x1x8x128xf32, #tpu.memory_space<hbm>> -> memref<8x128xf32, #tpu.memory_space<hbm>>
    %dma_wait3A_253 = arith.constant 0 : i32
    %dma_wait3A_254 = arith.constant 0 : i32
    %dma_wait3A_255 = tpu.memref_slice %arg6[%select_n3A_214, %dma_wait3A_245, %select_n3A_230, %dma_wait3A_253, %dma_wait3A_254] : memref<200x8x8x8x128xf32, #tpu.memory_space<hbm>> -> memref<1x1x1x8x128xf32, #tpu.memory_space<hbm>>
    %dma_wait3A_256 = tpu.memref_squeeze %dma_wait3A_255 : memref<1x1x1x8x128xf32, #tpu.memory_space<hbm>> -> memref<8x128xf32, #tpu.memory_space<hbm>>
    %dma_wait3A_257 = arith.constant 8 : i32
    %dma_wait3A_258 = arith.constant 0 : i32
    %dma_wait3A_259 = tpu.memref_slice %arg15[%dma_wait3A_257, %dma_wait3A_258] : memref<64x128xf32, #tpu.memory_space<vmem>> -> memref<8x128xf32, #tpu.memory_space<vmem>>
    tpu.wait_dma2 semaphore(%arg19 : memref<!tpu.dma_semaphore, #tpu.memory_space<semaphore_mem>>) src(%dma_wait3A_259 : memref<8x128xf32, #tpu.memory_space<vmem>>) dst(%dma_wait3A_256 : memref<8x128xf32, #tpu.memory_space<hbm>>)
    %dma_wait3A_260 = arith.constant 2 : i32
    %dma_wait3A_261 = arith.constant 16 : i32
    %dma_wait3A_262 = arith.constant 0 : i32
    %dma_wait3A_263 = tpu.memref_slice %arg15[%dma_wait3A_261, %dma_wait3A_262] : memref<64x128xf32, #tpu.memory_space<vmem>> -> memref<8x128xf32, #tpu.memory_space<vmem>>
    %dma_wait3A_264 = arith.constant 0 : i32
    %dma_wait3A_265 = arith.constant 0 : i32
    %dma_wait3A_266 = tpu.memref_slice %arg6[%select_n3A_214, %dma_wait3A_260, %select_n3A_230, %dma_wait3A_264, %dma_wait3A_265] : memref<200x8x8x8x128xf32, #tpu.memory_space<hbm>> -> memref<1x1x1x8x128xf32, #tpu.memory_space<hbm>>
    %dma_wait3A_267 = tpu.memref_squeeze %dma_wait3A_266 : memref<1x1x1x8x128xf32, #tpu.memory_space<hbm>> -> memref<8x128xf32, #tpu.memory_space<hbm>>
    %dma_wait3A_268 = arith.constant 0 : i32
    %dma_wait3A_269 = arith.constant 0 : i32
    %dma_wait3A_270 = tpu.memref_slice %arg6[%select_n3A_214, %dma_wait3A_260, %select_n3A_230, %dma_wait3A_268, %dma_wait3A_269] : memref<200x8x8x8x128xf32, #tpu.memory_space<hbm>> -> memref<1x1x1x8x128xf32, #tpu.memory_space<hbm>>
    %dma_wait3A_271 = tpu.memref_squeeze %dma_wait3A_270 : memref<1x1x1x8x128xf32, #tpu.memory_space<hbm>> -> memref<8x128xf32, #tpu.memory_space<hbm>>
    %dma_wait3A_272 = arith.constant 16 : i32
    %dma_wait3A_273 = arith.constant 0 : i32
    %dma_wait3A_274 = tpu.memref_slice %arg15[%dma_wait3A_272, %dma_wait3A_273] : memref<64x128xf32, #tpu.memory_space<vmem>> -> memref<8x128xf32, #tpu.memory_space<vmem>>
    tpu.wait_dma2 semaphore(%arg19 : memref<!tpu.dma_semaphore, #tpu.memory_space<semaphore_mem>>) src(%dma_wait3A_274 : memref<8x128xf32, #tpu.memory_space<vmem>>) dst(%dma_wait3A_271 : memref<8x128xf32, #tpu.memory_space<hbm>>)
    %dma_wait3A_275 = arith.constant 3 : i32
    %dma_wait3A_276 = arith.constant 24 : i32
    %dma_wait3A_277 = arith.constant 0 : i32
    %dma_wait3A_278 = tpu.memref_slice %arg15[%dma_wait3A_276, %dma_wait3A_277] : memref<64x128xf32, #tpu.memory_space<vmem>> -> memref<8x128xf32, #tpu.memory_space<vmem>>
    %dma_wait3A_279 = arith.constant 0 : i32
    %dma_wait3A_280 = arith.constant 0 : i32
    %dma_wait3A_281 = tpu.memref_slice %arg6[%select_n3A_214, %dma_wait3A_275, %select_n3A_230, %dma_wait3A_279, %dma_wait3A_280] : memref<200x8x8x8x128xf32, #tpu.memory_space<hbm>> -> memref<1x1x1x8x128xf32, #tpu.memory_space<hbm>>
    %dma_wait3A_282 = tpu.memref_squeeze %dma_wait3A_281 : memref<1x1x1x8x128xf32, #tpu.memory_space<hbm>> -> memref<8x128xf32, #tpu.memory_space<hbm>>
    %dma_wait3A_283 = arith.constant 0 : i32
    %dma_wait3A_284 = arith.constant 0 : i32
    %dma_wait3A_285 = tpu.memref_slice %arg6[%select_n3A_214, %dma_wait3A_275, %select_n3A_230, %dma_wait3A_283, %dma_wait3A_284] : memref<200x8x8x8x128xf32, #tpu.memory_space<hbm>> -> memref<1x1x1x8x128xf32, #tpu.memory_space<hbm>>
    %dma_wait3A_286 = tpu.memref_squeeze %dma_wait3A_285 : memref<1x1x1x8x128xf32, #tpu.memory_space<hbm>> -> memref<8x128xf32, #tpu.memory_space<hbm>>
    %dma_wait3A_287 = arith.constant 24 : i32
    %dma_wait3A_288 = arith.constant 0 : i32
    %dma_wait3A_289 = tpu.memref_slice %arg15[%dma_wait3A_287, %dma_wait3A_288] : memref<64x128xf32, #tpu.memory_space<vmem>> -> memref<8x128xf32, #tpu.memory_space<vmem>>
    tpu.wait_dma2 semaphore(%arg19 : memref<!tpu.dma_semaphore, #tpu.memory_space<semaphore_mem>>) src(%dma_wait3A_289 : memref<8x128xf32, #tpu.memory_space<vmem>>) dst(%dma_wait3A_286 : memref<8x128xf32, #tpu.memory_space<hbm>>)
    %dma_wait3A_290 = arith.constant 4 : i32
    %dma_wait3A_291 = arith.constant 32 : i32
    %dma_wait3A_292 = arith.constant 0 : i32
    %dma_wait3A_293 = tpu.memref_slice %arg15[%dma_wait3A_291, %dma_wait3A_292] : memref<64x128xf32, #tpu.memory_space<vmem>> -> memref<8x128xf32, #tpu.memory_space<vmem>>
    %dma_wait3A_294 = arith.constant 0 : i32
    %dma_wait3A_295 = arith.constant 0 : i32
    %dma_wait3A_296 = tpu.memref_slice %arg6[%select_n3A_214, %dma_wait3A_290, %select_n3A_230, %dma_wait3A_294, %dma_wait3A_295] : memref<200x8x8x8x128xf32, #tpu.memory_space<hbm>> -> memref<1x1x1x8x128xf32, #tpu.memory_space<hbm>>
    %dma_wait3A_297 = tpu.memref_squeeze %dma_wait3A_296 : memref<1x1x1x8x128xf32, #tpu.memory_space<hbm>> -> memref<8x128xf32, #tpu.memory_space<hbm>>
    %dma_wait3A_298 = arith.constant 0 : i32
    %dma_wait3A_299 = arith.constant 0 : i32
    %dma_wait3A_300 = tpu.memref_slice %arg6[%select_n3A_214, %dma_wait3A_290, %select_n3A_230, %dma_wait3A_298, %dma_wait3A_299] : memref<200x8x8x8x128xf32, #tpu.memory_space<hbm>> -> memref<1x1x1x8x128xf32, #tpu.memory_space<hbm>>
    %dma_wait3A_301 = tpu.memref_squeeze %dma_wait3A_300 : memref<1x1x1x8x128xf32, #tpu.memory_space<hbm>> -> memref<8x128xf32, #tpu.memory_space<hbm>>
    %dma_wait3A_302 = arith.constant 32 : i32
    %dma_wait3A_303 = arith.constant 0 : i32
    %dma_wait3A_304 = tpu.memref_slice %arg15[%dma_wait3A_302, %dma_wait3A_303] : memref<64x128xf32, #tpu.memory_space<vmem>> -> memref<8x128xf32, #tpu.memory_space<vmem>>
    tpu.wait_dma2 semaphore(%arg19 : memref<!tpu.dma_semaphore, #tpu.memory_space<semaphore_mem>>) src(%dma_wait3A_304 : memref<8x128xf32, #tpu.memory_space<vmem>>) dst(%dma_wait3A_301 : memref<8x128xf32, #tpu.memory_space<hbm>>)
    %dma_wait3A_305 = arith.constant 5 : i32
    %dma_wait3A_306 = arith.constant 40 : i32
    %dma_wait3A_307 = arith.constant 0 : i32
    %dma_wait3A_308 = tpu.memref_slice %arg15[%dma_wait3A_306, %dma_wait3A_307] : memref<64x128xf32, #tpu.memory_space<vmem>> -> memref<8x128xf32, #tpu.memory_space<vmem>>
    %dma_wait3A_309 = arith.constant 0 : i32
    %dma_wait3A_310 = arith.constant 0 : i32
    %dma_wait3A_311 = tpu.memref_slice %arg6[%select_n3A_214, %dma_wait3A_305, %select_n3A_230, %dma_wait3A_309, %dma_wait3A_310] : memref<200x8x8x8x128xf32, #tpu.memory_space<hbm>> -> memref<1x1x1x8x128xf32, #tpu.memory_space<hbm>>
    %dma_wait3A_312 = tpu.memref_squeeze %dma_wait3A_311 : memref<1x1x1x8x128xf32, #tpu.memory_space<hbm>> -> memref<8x128xf32, #tpu.memory_space<hbm>>
    %dma_wait3A_313 = arith.constant 0 : i32
    %dma_wait3A_314 = arith.constant 0 : i32
    %dma_wait3A_315 = tpu.memref_slice %arg6[%select_n3A_214, %dma_wait3A_305, %select_n3A_230, %dma_wait3A_313, %dma_wait3A_314] : memref<200x8x8x8x128xf32, #tpu.memory_space<hbm>> -> memref<1x1x1x8x128xf32, #tpu.memory_space<hbm>>
    %dma_wait3A_316 = tpu.memref_squeeze %dma_wait3A_315 : memref<1x1x1x8x128xf32, #tpu.memory_space<hbm>> -> memref<8x128xf32, #tpu.memory_space<hbm>>
    %dma_wait3A_317 = arith.constant 40 : i32
    %dma_wait3A_318 = arith.constant 0 : i32
    %dma_wait3A_319 = tpu.memref_slice %arg15[%dma_wait3A_317, %dma_wait3A_318] : memref<64x128xf32, #tpu.memory_space<vmem>> -> memref<8x128xf32, #tpu.memory_space<vmem>>
    tpu.wait_dma2 semaphore(%arg19 : memref<!tpu.dma_semaphore, #tpu.memory_space<semaphore_mem>>) src(%dma_wait3A_319 : memref<8x128xf32, #tpu.memory_space<vmem>>) dst(%dma_wait3A_316 : memref<8x128xf32, #tpu.memory_space<hbm>>)
    %dma_wait3A_320 = arith.constant 6 : i32
    %dma_wait3A_321 = arith.constant 48 : i32
    %dma_wait3A_322 = arith.constant 0 : i32
    %dma_wait3A_323 = tpu.memref_slice %arg15[%dma_wait3A_321, %dma_wait3A_322] : memref<64x128xf32, #tpu.memory_space<vmem>> -> memref<8x128xf32, #tpu.memory_space<vmem>>
    %dma_wait3A_324 = arith.constant 0 : i32
    %dma_wait3A_325 = arith.constant 0 : i32
    %dma_wait3A_326 = tpu.memref_slice %arg6[%select_n3A_214, %dma_wait3A_320, %select_n3A_230, %dma_wait3A_324, %dma_wait3A_325] : memref<200x8x8x8x128xf32, #tpu.memory_space<hbm>> -> memref<1x1x1x8x128xf32, #tpu.memory_space<hbm>>
    %dma_wait3A_327 = tpu.memref_squeeze %dma_wait3A_326 : memref<1x1x1x8x128xf32, #tpu.memory_space<hbm>> -> memref<8x128xf32, #tpu.memory_space<hbm>>
    %dma_wait3A_328 = arith.constant 0 : i32
    %dma_wait3A_329 = arith.constant 0 : i32
    %dma_wait3A_330 = tpu.memref_slice %arg6[%select_n3A_214, %dma_wait3A_320, %select_n3A_230, %dma_wait3A_328, %dma_wait3A_329] : memref<200x8x8x8x128xf32, #tpu.memory_space<hbm>> -> memref<1x1x1x8x128xf32, #tpu.memory_space<hbm>>
    %dma_wait3A_331 = tpu.memref_squeeze %dma_wait3A_330 : memref<1x1x1x8x128xf32, #tpu.memory_space<hbm>> -> memref<8x128xf32, #tpu.memory_space<hbm>>
    %dma_wait3A_332 = arith.constant 48 : i32
    %dma_wait3A_333 = arith.constant 0 : i32
    %dma_wait3A_334 = tpu.memref_slice %arg15[%dma_wait3A_332, %dma_wait3A_333] : memref<64x128xf32, #tpu.memory_space<vmem>> -> memref<8x128xf32, #tpu.memory_space<vmem>>
    tpu.wait_dma2 semaphore(%arg19 : memref<!tpu.dma_semaphore, #tpu.memory_space<semaphore_mem>>) src(%dma_wait3A_334 : memref<8x128xf32, #tpu.memory_space<vmem>>) dst(%dma_wait3A_331 : memref<8x128xf32, #tpu.memory_space<hbm>>)
    %dma_wait3A_335 = arith.constant 7 : i32
    %dma_wait3A_336 = arith.constant 56 : i32
    %dma_wait3A_337 = arith.constant 0 : i32
    %dma_wait3A_338 = tpu.memref_slice %arg15[%dma_wait3A_336, %dma_wait3A_337] : memref<64x128xf32, #tpu.memory_space<vmem>> -> memref<8x128xf32, #tpu.memory_space<vmem>>
    %dma_wait3A_339 = arith.constant 0 : i32
    %dma_wait3A_340 = arith.constant 0 : i32
    %dma_wait3A_341 = tpu.memref_slice %arg6[%select_n3A_214, %dma_wait3A_335, %select_n3A_230, %dma_wait3A_339, %dma_wait3A_340] : memref<200x8x8x8x128xf32, #tpu.memory_space<hbm>> -> memref<1x1x1x8x128xf32, #tpu.memory_space<hbm>>
    %dma_wait3A_342 = tpu.memref_squeeze %dma_wait3A_341 : memref<1x1x1x8x128xf32, #tpu.memory_space<hbm>> -> memref<8x128xf32, #tpu.memory_space<hbm>>
    %dma_wait3A_343 = arith.constant 0 : i32
    %dma_wait3A_344 = arith.constant 0 : i32
    %dma_wait3A_345 = tpu.memref_slice %arg6[%select_n3A_214, %dma_wait3A_335, %select_n3A_230, %dma_wait3A_343, %dma_wait3A_344] : memref<200x8x8x8x128xf32, #tpu.memory_space<hbm>> -> memref<1x1x1x8x128xf32, #tpu.memory_space<hbm>>
    %dma_wait3A_346 = tpu.memref_squeeze %dma_wait3A_345 : memref<1x1x1x8x128xf32, #tpu.memory_space<hbm>> -> memref<8x128xf32, #tpu.memory_space<hbm>>
    %dma_wait3A_347 = arith.constant 56 : i32
    %dma_wait3A_348 = arith.constant 0 : i32
    %dma_wait3A_349 = tpu.memref_slice %arg15[%dma_wait3A_347, %dma_wait3A_348] : memref<64x128xf32, #tpu.memory_space<vmem>> -> memref<8x128xf32, #tpu.memory_space<vmem>>
    tpu.wait_dma2 semaphore(%arg19 : memref<!tpu.dma_semaphore, #tpu.memory_space<semaphore_mem>>) src(%dma_wait3A_349 : memref<8x128xf32, #tpu.memory_space<vmem>>) dst(%dma_wait3A_346 : memref<8x128xf32, #tpu.memory_space<hbm>>)
    %add3A_350 = arith.constant 49 : i32
    %add3A_351 = arith.addi %mul3A_2, %add3A_350 : i32
    %jit3A_352 = arith.constant 8 : i32
    %div3A_353 = arith.divsi %add3A_351, %jit3A_352 : i32
    %sign3A_354 = arith.constant 0 : i32
    %sign3A_355 = arith.cmpi sgt, %add3A_351, %sign3A_354 : i32
    %sign3A_356 = arith.extui %sign3A_355 : i1 to i32
    %sign3A_357 = arith.constant 0 : i32
    %sign3A_358 = arith.cmpi slt, %add3A_351, %sign3A_357 : i32
    %sign3A_359 = arith.extui %sign3A_358 : i1 to i32
    %sign3A_360 = arith.subi %sign3A_356, %sign3A_359 : i32
    %sign3A_361 = arith.constant 0 : i32
    %sign3A_362 = arith.cmpi sgt, %jit3A_352, %sign3A_361 : i32
    %sign3A_363 = arith.extui %sign3A_362 : i1 to i32
    %sign3A_364 = arith.constant 0 : i32
    %sign3A_365 = arith.cmpi slt, %jit3A_352, %sign3A_364 : i32
    %sign3A_366 = arith.extui %sign3A_365 : i1 to i32
    %sign3A_367 = arith.subi %sign3A_363, %sign3A_366 : i32
    %ne3A_368 = arith.cmpi ne, %sign3A_360, %sign3A_367 : i32
    %rem3A_369 = arith.remsi %add3A_351, %jit3A_352 : i32
    %ne3A_370 = arith.constant 0 : i32
    %ne3A_371 = arith.cmpi ne, %rem3A_369, %ne3A_370 : i32
    %and3A_372 = arith.andi %ne3A_368, %ne3A_371 : i1
    %sub3A_373 = arith.constant 1 : i32
    %sub3A_374 = arith.subi %div3A_353, %sub3A_373 : i32
    %select_n3A_375 = arith.select %and3A_372, %sub3A_374, %div3A_353 : i32
    %jit3A_376 = arith.constant 8 : i32
    %eq3A_377 = arith.constant 0 : i32
    %eq3A_378 = arith.cmpi eq, %jit3A_376, %eq3A_377 : i32
    %jit3A_379 = arith.constant 1 : i32
    %select_n3A_380 = arith.select %eq3A_378, %jit3A_379, %jit3A_376 : i32
    %rem3A_381 = arith.remsi %add3A_351, %select_n3A_380 : i32
    %ne3A_382 = arith.constant 0 : i32
    %ne3A_383 = arith.cmpi ne, %rem3A_381, %ne3A_382 : i32
    %lt3A_384 = arith.constant 0 : i32
    %lt3A_385 = arith.cmpi slt, %rem3A_381, %lt3A_384 : i32
    %lt3A_386 = arith.constant 0 : i32
    %lt3A_387 = arith.cmpi slt, %select_n3A_380, %lt3A_386 : i32
    %ne3A_388 = arith.xori %lt3A_385, %lt3A_387 : i1
    %and3A_389 = arith.andi %ne3A_388, %ne3A_383 : i1
    %add3A_390 = arith.addi %rem3A_381, %select_n3A_380 : i32
    %select_n3A_391 = arith.select %and3A_389, %add3A_390, %rem3A_381 : i32
    %dma_wait3A_392 = arith.constant 0 : i32
    %dma_wait3A_393 = arith.constant 0 : i32
    %dma_wait3A_394 = arith.constant 0 : i32
    %dma_wait3A_395 = tpu.memref_slice %arg16[%dma_wait3A_393, %dma_wait3A_394] : memref<64x128xf32, #tpu.memory_space<vmem>> -> memref<8x128xf32, #tpu.memory_space<vmem>>
    %dma_wait3A_396 = arith.constant 0 : i32
    %dma_wait3A_397 = arith.constant 0 : i32
    %dma_wait3A_398 = tpu.memref_slice %arg6[%select_n3A_375, %dma_wait3A_392, %select_n3A_391, %dma_wait3A_396, %dma_wait3A_397] : memref<200x8x8x8x128xf32, #tpu.memory_space<hbm>> -> memref<1x1x1x8x128xf32, #tpu.memory_space<hbm>>
    %dma_wait3A_399 = tpu.memref_squeeze %dma_wait3A_398 : memref<1x1x1x8x128xf32, #tpu.memory_space<hbm>> -> memref<8x128xf32, #tpu.memory_space<hbm>>
    %dma_wait3A_400 = arith.constant 0 : i32
    %dma_wait3A_401 = arith.constant 0 : i32
    %dma_wait3A_402 = tpu.memref_slice %arg6[%select_n3A_375, %dma_wait3A_392, %select_n3A_391, %dma_wait3A_400, %dma_wait3A_401] : memref<200x8x8x8x128xf32, #tpu.memory_space<hbm>> -> memref<1x1x1x8x128xf32, #tpu.memory_space<hbm>>
    %dma_wait3A_403 = tpu.memref_squeeze %dma_wait3A_402 : memref<1x1x1x8x128xf32, #tpu.memory_space<hbm>> -> memref<8x128xf32, #tpu.memory_space<hbm>>
    %dma_wait3A_404 = arith.constant 0 : i32
    %dma_wait3A_405 = arith.constant 0 : i32
    %dma_wait3A_406 = tpu.memref_slice %arg16[%dma_wait3A_404, %dma_wait3A_405] : memref<64x128xf32, #tpu.memory_space<vmem>> -> memref<8x128xf32, #tpu.memory_space<vmem>>
    tpu.wait_dma2 semaphore(%arg20 : memref<!tpu.dma_semaphore, #tpu.memory_space<semaphore_mem>>) src(%dma_wait3A_406 : memref<8x128xf32, #tpu.memory_space<vmem>>) dst(%dma_wait3A_403 : memref<8x128xf32, #tpu.memory_space<hbm>>)
    %dma_wait3A_407 = arith.constant 1 : i32
    %dma_wait3A_408 = arith.constant 8 : i32
    %dma_wait3A_409 = arith.constant 0 : i32
    %dma_wait3A_410 = tpu.memref_slice %arg16[%dma_wait3A_408, %dma_wait3A_409] : memref<64x128xf32, #tpu.memory_space<vmem>> -> memref<8x128xf32, #tpu.memory_space<vmem>>
    %dma_wait3A_411 = arith.constant 0 : i32
    %dma_wait3A_412 = arith.constant 0 : i32
    %dma_wait3A_413 = tpu.memref_slice %arg6[%select_n3A_375, %dma_wait3A_407, %select_n3A_391, %dma_wait3A_411, %dma_wait3A_412] : memref<200x8x8x8x128xf32, #tpu.memory_space<hbm>> -> memref<1x1x1x8x128xf32, #tpu.memory_space<hbm>>
    %dma_wait3A_414 = tpu.memref_squeeze %dma_wait3A_413 : memref<1x1x1x8x128xf32, #tpu.memory_space<hbm>> -> memref<8x128xf32, #tpu.memory_space<hbm>>
    %dma_wait3A_415 = arith.constant 0 : i32
    %dma_wait3A_416 = arith.constant 0 : i32
    %dma_wait3A_417 = tpu.memref_slice %arg6[%select_n3A_375, %dma_wait3A_407, %select_n3A_391, %dma_wait3A_415, %dma_wait3A_416] : memref<200x8x8x8x128xf32, #tpu.memory_space<hbm>> -> memref<1x1x1x8x128xf32, #tpu.memory_space<hbm>>
    %dma_wait3A_418 = tpu.memref_squeeze %dma_wait3A_417 : memref<1x1x1x8x128xf32, #tpu.memory_space<hbm>> -> memref<8x128xf32, #tpu.memory_space<hbm>>
    %dma_wait3A_419 = arith.constant 8 : i32
    %dma_wait3A_420 = arith.constant 0 : i32
    %dma_wait3A_421 = tpu.memref_slice %arg16[%dma_wait3A_419, %dma_wait3A_420] : memref<64x128xf32, #tpu.memory_space<vmem>> -> memref<8x128xf32, #tpu.memory_space<vmem>>
    tpu.wait_dma2 semaphore(%arg20 : memref<!tpu.dma_semaphore, #tpu.memory_space<semaphore_mem>>) src(%dma_wait3A_421 : memref<8x128xf32, #tpu.memory_space<vmem>>) dst(%dma_wait3A_418 : memref<8x128xf32, #tpu.memory_space<hbm>>)
    %dma_wait3A_422 = arith.constant 2 : i32
    %dma_wait3A_423 = arith.constant 16 : i32
    %dma_wait3A_424 = arith.constant 0 : i32
    %dma_wait3A_425 = tpu.memref_slice %arg16[%dma_wait3A_423, %dma_wait3A_424] : memref<64x128xf32, #tpu.memory_space<vmem>> -> memref<8x128xf32, #tpu.memory_space<vmem>>
    %dma_wait3A_426 = arith.constant 0 : i32
    %dma_wait3A_427 = arith.constant 0 : i32
    %dma_wait3A_428 = tpu.memref_slice %arg6[%select_n3A_375, %dma_wait3A_422, %select_n3A_391, %dma_wait3A_426, %dma_wait3A_427] : memref<200x8x8x8x128xf32, #tpu.memory_space<hbm>> -> memref<1x1x1x8x128xf32, #tpu.memory_space<hbm>>
    %dma_wait3A_429 = tpu.memref_squeeze %dma_wait3A_428 : memref<1x1x1x8x128xf32, #tpu.memory_space<hbm>> -> memref<8x128xf32, #tpu.memory_space<hbm>>
    %dma_wait3A_430 = arith.constant 0 : i32
    %dma_wait3A_431 = arith.constant 0 : i32
    %dma_wait3A_432 = tpu.memref_slice %arg6[%select_n3A_375, %dma_wait3A_422, %select_n3A_391, %dma_wait3A_430, %dma_wait3A_431] : memref<200x8x8x8x128xf32, #tpu.memory_space<hbm>> -> memref<1x1x1x8x128xf32, #tpu.memory_space<hbm>>
    %dma_wait3A_433 = tpu.memref_squeeze %dma_wait3A_432 : memref<1x1x1x8x128xf32, #tpu.memory_space<hbm>> -> memref<8x128xf32, #tpu.memory_space<hbm>>
    %dma_wait3A_434 = arith.constant 16 : i32
    %dma_wait3A_435 = arith.constant 0 : i32
    %dma_wait3A_436 = tpu.memref_slice %arg16[%dma_wait3A_434, %dma_wait3A_435] : memref<64x128xf32, #tpu.memory_space<vmem>> -> memref<8x128xf32, #tpu.memory_space<vmem>>
    tpu.wait_dma2 semaphore(%arg20 : memref<!tpu.dma_semaphore, #tpu.memory_space<semaphore_mem>>) src(%dma_wait3A_436 : memref<8x128xf32, #tpu.memory_space<vmem>>) dst(%dma_wait3A_433 : memref<8x128xf32, #tpu.memory_space<hbm>>)
    %dma_wait3A_437 = arith.constant 3 : i32
    %dma_wait3A_438 = arith.constant 24 : i32
    %dma_wait3A_439 = arith.constant 0 : i32
    %dma_wait3A_440 = tpu.memref_slice %arg16[%dma_wait3A_438, %dma_wait3A_439] : memref<64x128xf32, #tpu.memory_space<vmem>> -> memref<8x128xf32, #tpu.memory_space<vmem>>
    %dma_wait3A_441 = arith.constant 0 : i32
    %dma_wait3A_442 = arith.constant 0 : i32
    %dma_wait3A_443 = tpu.memref_slice %arg6[%select_n3A_375, %dma_wait3A_437, %select_n3A_391, %dma_wait3A_441, %dma_wait3A_442] : memref<200x8x8x8x128xf32, #tpu.memory_space<hbm>> -> memref<1x1x1x8x128xf32, #tpu.memory_space<hbm>>
    %dma_wait3A_444 = tpu.memref_squeeze %dma_wait3A_443 : memref<1x1x1x8x128xf32, #tpu.memory_space<hbm>> -> memref<8x128xf32, #tpu.memory_space<hbm>>
    %dma_wait3A_445 = arith.constant 0 : i32
    %dma_wait3A_446 = arith.constant 0 : i32
    %dma_wait3A_447 = tpu.memref_slice %arg6[%select_n3A_375, %dma_wait3A_437, %select_n3A_391, %dma_wait3A_445, %dma_wait3A_446] : memref<200x8x8x8x128xf32, #tpu.memory_space<hbm>> -> memref<1x1x1x8x128xf32, #tpu.memory_space<hbm>>
    %dma_wait3A_448 = tpu.memref_squeeze %dma_wait3A_447 : memref<1x1x1x8x128xf32, #tpu.memory_space<hbm>> -> memref<8x128xf32, #tpu.memory_space<hbm>>
    %dma_wait3A_449 = arith.constant 24 : i32
    %dma_wait3A_450 = arith.constant 0 : i32
    %dma_wait3A_451 = tpu.memref_slice %arg16[%dma_wait3A_449, %dma_wait3A_450] : memref<64x128xf32, #tpu.memory_space<vmem>> -> memref<8x128xf32, #tpu.memory_space<vmem>>
    tpu.wait_dma2 semaphore(%arg20 : memref<!tpu.dma_semaphore, #tpu.memory_space<semaphore_mem>>) src(%dma_wait3A_451 : memref<8x128xf32, #tpu.memory_space<vmem>>) dst(%dma_wait3A_448 : memref<8x128xf32, #tpu.memory_space<hbm>>)
    %dma_wait3A_452 = arith.constant 4 : i32
    %dma_wait3A_453 = arith.constant 32 : i32
    %dma_wait3A_454 = arith.constant 0 : i32
    %dma_wait3A_455 = tpu.memref_slice %arg16[%dma_wait3A_453, %dma_wait3A_454] : memref<64x128xf32, #tpu.memory_space<vmem>> -> memref<8x128xf32, #tpu.memory_space<vmem>>
    %dma_wait3A_456 = arith.constant 0 : i32
    %dma_wait3A_457 = arith.constant 0 : i32
    %dma_wait3A_458 = tpu.memref_slice %arg6[%select_n3A_375, %dma_wait3A_452, %select_n3A_391, %dma_wait3A_456, %dma_wait3A_457] : memref<200x8x8x8x128xf32, #tpu.memory_space<hbm>> -> memref<1x1x1x8x128xf32, #tpu.memory_space<hbm>>
    %dma_wait3A_459 = tpu.memref_squeeze %dma_wait3A_458 : memref<1x1x1x8x128xf32, #tpu.memory_space<hbm>> -> memref<8x128xf32, #tpu.memory_space<hbm>>
    %dma_wait3A_460 = arith.constant 0 : i32
    %dma_wait3A_461 = arith.constant 0 : i32
    %dma_wait3A_462 = tpu.memref_slice %arg6[%select_n3A_375, %dma_wait3A_452, %select_n3A_391, %dma_wait3A_460, %dma_wait3A_461] : memref<200x8x8x8x128xf32, #tpu.memory_space<hbm>> -> memref<1x1x1x8x128xf32, #tpu.memory_space<hbm>>
    %dma_wait3A_463 = tpu.memref_squeeze %dma_wait3A_462 : memref<1x1x1x8x128xf32, #tpu.memory_space<hbm>> -> memref<8x128xf32, #tpu.memory_space<hbm>>
    %dma_wait3A_464 = arith.constant 32 : i32
    %dma_wait3A_465 = arith.constant 0 : i32
    %dma_wait3A_466 = tpu.memref_slice %arg16[%dma_wait3A_464, %dma_wait3A_465] : memref<64x128xf32, #tpu.memory_space<vmem>> -> memref<8x128xf32, #tpu.memory_space<vmem>>
    tpu.wait_dma2 semaphore(%arg20 : memref<!tpu.dma_semaphore, #tpu.memory_space<semaphore_mem>>) src(%dma_wait3A_466 : memref<8x128xf32, #tpu.memory_space<vmem>>) dst(%dma_wait3A_463 : memref<8x128xf32, #tpu.memory_space<hbm>>)
    %dma_wait3A_467 = arith.constant 5 : i32
    %dma_wait3A_468 = arith.constant 40 : i32
    %dma_wait3A_469 = arith.constant 0 : i32
    %dma_wait3A_470 = tpu.memref_slice %arg16[%dma_wait3A_468, %dma_wait3A_469] : memref<64x128xf32, #tpu.memory_space<vmem>> -> memref<8x128xf32, #tpu.memory_space<vmem>>
    %dma_wait3A_471 = arith.constant 0 : i32
    %dma_wait3A_472 = arith.constant 0 : i32
    %dma_wait3A_473 = tpu.memref_slice %arg6[%select_n3A_375, %dma_wait3A_467, %select_n3A_391, %dma_wait3A_471, %dma_wait3A_472] : memref<200x8x8x8x128xf32, #tpu.memory_space<hbm>> -> memref<1x1x1x8x128xf32, #tpu.memory_space<hbm>>
    %dma_wait3A_474 = tpu.memref_squeeze %dma_wait3A_473 : memref<1x1x1x8x128xf32, #tpu.memory_space<hbm>> -> memref<8x128xf32, #tpu.memory_space<hbm>>
    %dma_wait3A_475 = arith.constant 0 : i32
    %dma_wait3A_476 = arith.constant 0 : i32
    %dma_wait3A_477 = tpu.memref_slice %arg6[%select_n3A_375, %dma_wait3A_467, %select_n3A_391, %dma_wait3A_475, %dma_wait3A_476] : memref<200x8x8x8x128xf32, #tpu.memory_space<hbm>> -> memref<1x1x1x8x128xf32, #tpu.memory_space<hbm>>
    %dma_wait3A_478 = tpu.memref_squeeze %dma_wait3A_477 : memref<1x1x1x8x128xf32, #tpu.memory_space<hbm>> -> memref<8x128xf32, #tpu.memory_space<hbm>>
    %dma_wait3A_479 = arith.constant 40 : i32
    %dma_wait3A_480 = arith.constant 0 : i32
    %dma_wait3A_481 = tpu.memref_slice %arg16[%dma_wait3A_479, %dma_wait3A_480] : memref<64x128xf32, #tpu.memory_space<vmem>> -> memref<8x128xf32, #tpu.memory_space<vmem>>
    tpu.wait_dma2 semaphore(%arg20 : memref<!tpu.dma_semaphore, #tpu.memory_space<semaphore_mem>>) src(%dma_wait3A_481 : memref<8x128xf32, #tpu.memory_space<vmem>>) dst(%dma_wait3A_478 : memref<8x128xf32, #tpu.memory_space<hbm>>)
    %dma_wait3A_482 = arith.constant 6 : i32
    %dma_wait3A_483 = arith.constant 48 : i32
    %dma_wait3A_484 = arith.constant 0 : i32
    %dma_wait3A_485 = tpu.memref_slice %arg16[%dma_wait3A_483, %dma_wait3A_484] : memref<64x128xf32, #tpu.memory_space<vmem>> -> memref<8x128xf32, #tpu.memory_space<vmem>>
    %dma_wait3A_486 = arith.constant 0 : i32
    %dma_wait3A_487 = arith.constant 0 : i32
    %dma_wait3A_488 = tpu.memref_slice %arg6[%select_n3A_375, %dma_wait3A_482, %select_n3A_391, %dma_wait3A_486, %dma_wait3A_487] : memref<200x8x8x8x128xf32, #tpu.memory_space<hbm>> -> memref<1x1x1x8x128xf32, #tpu.memory_space<hbm>>
    %dma_wait3A_489 = tpu.memref_squeeze %dma_wait3A_488 : memref<1x1x1x8x128xf32, #tpu.memory_space<hbm>> -> memref<8x128xf32, #tpu.memory_space<hbm>>
    %dma_wait3A_490 = arith.constant 0 : i32
    %dma_wait3A_491 = arith.constant 0 : i32
    %dma_wait3A_492 = tpu.memref_slice %arg6[%select_n3A_375, %dma_wait3A_482, %select_n3A_391, %dma_wait3A_490, %dma_wait3A_491] : memref<200x8x8x8x128xf32, #tpu.memory_space<hbm>> -> memref<1x1x1x8x128xf32, #tpu.memory_space<hbm>>
    %dma_wait3A_493 = tpu.memref_squeeze %dma_wait3A_492 : memref<1x1x1x8x128xf32, #tpu.memory_space<hbm>> -> memref<8x128xf32, #tpu.memory_space<hbm>>
    %dma_wait3A_494 = arith.constant 48 : i32
    %dma_wait3A_495 = arith.constant 0 : i32
    %dma_wait3A_496 = tpu.memref_slice %arg16[%dma_wait3A_494, %dma_wait3A_495] : memref<64x128xf32, #tpu.memory_space<vmem>> -> memref<8x128xf32, #tpu.memory_space<vmem>>
    tpu.wait_dma2 semaphore(%arg20 : memref<!tpu.dma_semaphore, #tpu.memory_space<semaphore_mem>>) src(%dma_wait3A_496 : memref<8x128xf32, #tpu.memory_space<vmem>>) dst(%dma_wait3A_493 : memref<8x128xf32, #tpu.memory_space<hbm>>)
    %dma_wait3A_497 = arith.constant 7 : i32
    %dma_wait3A_498 = arith.constant 56 : i32
    %dma_wait3A_499 = arith.constant 0 : i32
    %dma_wait3A_500 = tpu.memref_slice %arg16[%dma_wait3A_498, %dma_wait3A_499] : memref<64x128xf32, #tpu.memory_space<vmem>> -> memref<8x128xf32, #tpu.memory_space<vmem>>
    %dma_wait3A_501 = arith.constant 0 : i32
    %dma_wait3A_502 = arith.constant 0 : i32
    %dma_wait3A_503 = tpu.memref_slice %arg6[%select_n3A_375, %dma_wait3A_497, %select_n3A_391, %dma_wait3A_501, %dma_wait3A_502] : memref<200x8x8x8x128xf32, #tpu.memory_space<hbm>> -> memref<1x1x1x8x128xf32, #tpu.memory_space<hbm>>
    %dma_wait3A_504 = tpu.memref_squeeze %dma_wait3A_503 : memref<1x1x1x8x128xf32, #tpu.memory_space<hbm>> -> memref<8x128xf32, #tpu.memory_space<hbm>>
    %dma_wait3A_505 = arith.constant 0 : i32
    %dma_wait3A_506 = arith.constant 0 : i32
    %dma_wait3A_507 = tpu.memref_slice %arg6[%select_n3A_375, %dma_wait3A_497, %select_n3A_391, %dma_wait3A_505, %dma_wait3A_506] : memref<200x8x8x8x128xf32, #tpu.memory_space<hbm>> -> memref<1x1x1x8x128xf32, #tpu.memory_space<hbm>>
    %dma_wait3A_508 = tpu.memref_squeeze %dma_wait3A_507 : memref<1x1x1x8x128xf32, #tpu.memory_space<hbm>> -> memref<8x128xf32, #tpu.memory_space<hbm>>
    %dma_wait3A_509 = arith.constant 56 : i32
    %dma_wait3A_510 = arith.constant 0 : i32
    %dma_wait3A_511 = tpu.memref_slice %arg16[%dma_wait3A_509, %dma_wait3A_510] : memref<64x128xf32, #tpu.memory_space<vmem>> -> memref<8x128xf32, #tpu.memory_space<vmem>>
    tpu.wait_dma2 semaphore(%arg20 : memref<!tpu.dma_semaphore, #tpu.memory_space<semaphore_mem>>) src(%dma_wait3A_511 : memref<8x128xf32, #tpu.memory_space<vmem>>) dst(%dma_wait3A_508 : memref<8x128xf32, #tpu.memory_space<hbm>>)
    return
  }
}

</mosaic_0001>

<sc_bundles>
// kernel: kernel.3.cloned.1.call-start
scs
__scs_entry_jumppad:
0x0: {  	(pc) =	sbr.rel $0x88, $3  }
0x1: {  	(tag) =	ssettag $0x0;
	lr =	simm.s32 $0x1  }
0x2: {  	[smem:$0x3F9C] =	sst lr;
	_ =	strace $0xD0000000  }
0x3: {  	_ = 	snop  }
0x4: {  	_ = 	snop  }
0x5: {  	_ = 	snop  }
0x6: {  	_ = 	snop  }
0x7: {  	_ = 	snop  }
__scs_overlays_trampoline_lowered:
0x8: {  	[smem:$0x3FAB] =	sst s0  }
0x9: {  	[smem:$0x3FAC] =	sst s1  }
0xa: {  	[smem:$0x3FAD] =	sst s2  }
0xb: {  	[smem:$0x3FAE] =	sst s3  }
0xc: {  	[smem:$0x3FAF] =	sst s4  }
0xd: {  	[smem:$0x3FB0] =	sst s5  }
0xe: {  	[smem:$0x3FB1] =	sst s6  }
0xf: {  	[smem:$0x3FB2] =	sst s7  }
0x10: {  	[smem:$0x3FB3] =	sst s8  }
0x11: {  	[smem:$0x3FB4] =	sst s9;
	s0 =	simm.s32 @!p0 $0x0  }
0x12: {  	s1 =	sld [smem:$0x3F9A];
	s0 =	simm.s32 @p0 $0x1  }
0x13: {  	[smem:$0x3FB5] =	sst s0;
	s0 =	simm.s32 @!p1 $0x0  }
0x14: {  	s2 =	sld [smem:$0x3F99];
	s0 =	simm.s32 @p1 $0x1  }
0x15: {  	[smem:$0x3FB6] =	sst s0;
	s0 =	simm.s32 @!p2 $0x0  }
0x16: {  	s3 =	sld [smem:$0x3FDB];
	s0 =	simm.s32 @p2 $0x1  }
0x17: {  	s4 =	simm.s32 $0x1BF5;
	[smem:$0x3FB8] =	sst s0  }
0x18: {  	s0 =	sld [smem:$0x3F9B];
	_ =	swait.ge [sflag:s4], $0x0  }
0x19: {  	s7 =	sld [smem:$0x3F9C]  }
0x1a: {  	s8 =	sadd.s32 $0xFFFFE003, lr  }
0x1b: {  	s9 =	sadd.s32 $0xFFFFFEF7, lr;
	s5 =	simm.s32 $0xFFFFFFFF;
	p2 =	slt.u32 s8, $0xFFFFF086  }
0x1c: {  	p1 =	slt.u32 s9, $0xF7A;
	s5 =	simm.s32 @!p2 $0x0  }
0x1d: {  	s5 =	simm.s32 @p1 $0x1;
	p0 =	seq.s32 s7, s2  }
0x1e: {  	s7 =	smul.u32 @!p0 $0xF7A, s2;
	p2 =	seq.s32 @!p0 s5, $0x0  }
0x1f: {  	s9 =	smul.u32 $0xF7A, s1;
	s8 =	simm.s32 @!p0 $0x1BF5;
	p2 =	por !p2, p0  }
0x20: {  	[sflag:s8] =	ssyncset.s32 @!p0 $0xFFFFF086;
	s6 =	sadd.s32 @!p0 s3, s7;
	s7 =	simm.s32 @!p0 $0x108  }
0x21: {  	s3 =	sadd.s32 s3, s9;
	s6 =	sadd.s32 @!p0 $0x88, s6;
	s7 =	simm.s32 @p2 $0x1082  }
0x22: {  	[simem:s7], [sflag:s8] =	dma.local @!p0 [hbm:s6], $0xF7A  }
0x23: {  	s9 =	sor.u32 $0xD0000000, s2;
	s6 =	simm.s32 $0x108;
	_ =	swait.ge @!p0 [sflag:s8], $0x0  }
0x24: {  	s3 =	sadd.s32 $0x88, s3;
	s6 =	simm.s32 @!p1 $0x1082;
	[sflag:s4] =	ssyncset.s32 $0xFFFFF086  }
0x25: {  	[simem:s6], [sflag:s4] =	dma.local [hbm:s3], $0xF7A  }
0x26: {  	[smem:$0x3F9C] =	sst s1;
	(tag) =	ssettag s2;
	_ =	strace s9  }
0x27: {  	s1 =	sld [smem:$0x3FAC]  }
0x28: {  	s2 =	sld [smem:$0x3FAD]  }
0x29: {  	s4 =	sld [smem:$0x3FAF]  }
0x2a: {  	p0 =	seq.s32 s5, $0x0;
	s5 =	sld [smem:$0x3FB0]  }
0x2b: {  	s6 =	sld [smem:$0x3FB1]  }
0x2c: {  	s7 =	sld [smem:$0x3FB2]  }
0x2d: {  	s3 =	simm.s32 $0x108;
	s8 =	sld [smem:$0x3FB3]  }
0x2e: {  	s3 =	simm.s32 @!p0 $0x1082;
	s9 =	sld [smem:$0x3FB4]  }
0x2f: {  	lr =	sadd.s32 s0, s3;
	s0 =	sld [smem:$0x3FAB]  }
0x30: {  	s3 =	sld [smem:$0x3FAE]  }
0x31: {  	[smem:$0x3FB7] =	sst s10  }
0x32: {  	s10 =	sld [smem:$0x3FB5];
	_ =	sdelay $0x3  }
0x33: {  	p0 =	seq.s32 s10, $0x1;
	s10 =	sld [smem:$0x3FB7];
	_ =	sdelay $0x3  }
0x34: {  	[smem:$0x3FB7] =	sst s10  }
0x35: {  	s10 =	sld [smem:$0x3FB6];
	_ =	sdelay $0x3  }
0x36: {  	p1 =	seq.s32 s10, $0x1;
	s10 =	sld [smem:$0x3FB7];
	_ =	sdelay $0x3  }
0x37: {  	[smem:$0x3FB7] =	sst s10  }
0x38: {  	s10 =	sld [smem:$0x3FB8]  }
0x39: {  	_ = 	snop;
	(pc) =	sbr.ind lr, $3  }
0x3a: {  	_ = 	snop  }
0x3b: {  	_ = 	snop  }
0x3c: {  	p2 =	seq.s32 s10, $0x1;
	s10 =	sld [smem:$0x3FB7]  }
0x3d: {  	_ =	shalt  }
0x3e: {  	_ =	shalt  }
0x3f: {  	_ =	shalt  }
0x40: {  	_ =	shalt  }
0x41: {  	_ =	shalt  }
0x42: {  	_ =	shalt  }
0x43: {  	_ =	shalt  }
0x44: {  	_ =	shalt  }
0x45: {  	_ =	shalt  }
0x46: {  	_ =	shalt  }
0x47: {  	_ =	shalt  }
0x48: {  	_ =	shalt  }
0x49: {  	_ =	shalt  }
0x4a: {  	_ =	shalt  }
0x4b: {  	_ =	shalt  }
0x4c: {  	_ =	shalt  }
0x4d: {  	_ =	shalt  }
0x4e: {  	_ =	shalt  }
0x4f: {  	_ =	shalt  }
0x50: {  	_ =	shalt  }
0x51: {  	_ =	shalt  }
0x52: {  	_ =	shalt  }
0x53: {  	_ =	shalt  }
0x54: {  	_ =	shalt  }
0x55: {  	_ =	shalt  }
0x56: {  	_ =	shalt  }
0x57: {  	_ =	shalt  }
0x58: {  	_ =	shalt  }
0x59: {  	_ =	shalt  }
0x5a: {  	_ =	shalt  }
0x5b: {  	_ =	shalt  }
0x5c: {  	_ =	shalt  }
0x5d: {  	_ =	shalt  }
0x5e: {  	_ =	shalt  }
0x5f: {  	_ =	shalt  }
0x60: {  	_ =	shalt  }
0x61: {  	_ =	shalt  }
0x62: {  	_ =	shalt  }
0x63: {  	_ =	shalt  }
0x64: {  	_ =	shalt  }
0x65: {  	_ =	shalt  }
0x66: {  	_ =	shalt  }
0x67: {  	_ =	shalt  }
0x68: {  	_ =	shalt  }
0x69: {  	_ =	shalt  }
0x6a: {  	_ =	shalt  }
0x6b: {  	_ =	shalt  }
0x6c: {  	_ =	shalt  }
0x6d: {  	_ =	shalt  }
0x6e: {  	_ =	shalt  }
0x6f: {  	_ =	shalt  }
0x70: {  	_ =	shalt  }
0x71: {  	_ =	shalt  }
0x72: {  	_ =	shalt  }
0x73: {  	_ =	shalt  }
0x74: {  	_ =	shalt  }
0x75: {  	_ =	shalt  }
0x76: {  	_ =	shalt  }
0x77: {  	_ =	shalt  }
0x78: {  	_ =	shalt  }
0x79: {  	_ =	shalt  }
0x7a: {  	_ =	shalt  }
0x7b: {  	_ =	shalt  }
0x7c: {  	_ =	shalt  }
0x7d: {  	_ =	shalt  }
0x7e: {  	_ =	shalt  }
0x7f: {  	_ =	shalt  }
0x80: {  	_ =	shalt  }
0x81: {  	_ =	shalt  }
0x82: {  	_ =	shalt  }
0x83: {  	_ =	shalt  }
0x84: {  	_ =	shalt  }
0x85: {  	_ =	shalt  }
0x86: {  	_ =	shalt  }
0x87: {  	_ =	shalt  }
.Lfunc_end0:
.L_simem_size_0:
called_computation_lowered:
.L_overlay_start_0:
0x88: {  	s2 =	sld [smem:$0x3FD9]  }
0x89: {  	s3 =	sld [smem:$0x3FFE];
	_ =	sdelay $0x1  }
0x8a: {  	s1 =	srdreg.scid  }
0x8b: {  	s0 =	sand.u32 $0x1, s1  }
0x8c: {  	s17 =	sshll.u32 s0, $0xA;
	s2 =	sadd.s32 s3, s2  }
0x8d: {  	s2 =	sadd.s32 s2, s17  }
0x8e: {  	[smem:$0x3FC3] =	sst s2  }
0x8f: {  	_ = 	snop  }
0x90: {  	s2 =	sld [smem:$0x3FD0];
	(tm) =	ssettm $0x1  }
0x91: {  	s18 =	sld [smem:$0x3FFB];
	_ =	sdelay $0x3  }
0x92: {  	_ =	strace s18  }
0x93: {  	s3 =	sld [smem:$0x3FFC];
	_ =	sdelay $0x3  }
0x94: {  	_ =	strace s3  }
0x95: {  	s3 =	sld [smem:$0x3FFD];
	_ =	sdelay $0x3  }
0x96: {  	_ =	strace s3  }
0x97: {  	_ =	strace $0x8FFFFFFF  }
0x98: {  	s19 =	sld [smem:$0x3FDB];
	_ =	sdelay $0x1  }
0x99: {  	s4 =	simm.s32 $_scs_section_size  }
0x9a: {  	s5 =	simm.s32 $_size__tile_overlayer_lowered;
	s6 =	simm.s32 $_tile_overlayer_lowered  }
0x9b: {  	s22 =	simm.s32 $0x1BFF;
	s21 =	sshll.u32 s6, $0x1;
	s3 =	sadd.s32 s4, s19  }
0x9c: {  	s7 =	simm.s32 $0x0;
	s20 =	sshll.u32 s5, $0x1;
	s5 =	sadd.s32 s21, s3  }
0x9d: {  	[timem:s7], [sflag:s22] =	dma.local [hbm:s5], s20  }
0x9e: {  	_ =	swait.ge [sflag:s22], s20  }
0x9f: {  	s4 =	ssub.s32 $0x0, s20;
	[sflag:s22] =	ssyncset.done $0x0  }
0xa0: {  	[sflag:s22] =	ssyncadd.s32 s4;
	_ =	sdelay $0x1  }
0xa1: {  	s23 =	simm.s32 $0x1B8B  }
0xa2: {  	_ =	swait.ge [sflag:s23], $0x1  }
0xa3: {  	[sflag:s23] =	ssyncset.done $0x0  }
0xa4: {  	s25 =	simm.s32 $0x1B8E;
	s24 =	sld [smem:$0x3FFE];
	[sflag:s23] =	ssyncadd.s32 $0xFFFFFFFF  }
0xa5: {  	s26 =	simm.s32 $execute0_lowered;
	[smem:$0x3FD2] =	sst s25  }
0xa6: {  	s5 =	sshll.u32 s26, $0x1;
	_ =	strace $0x80000046;
	[dreg:$0x1] =	wrdreg $0xFFFFFFFF  }
0xa7: {  	s28 =	simm.s32 $_size_execute0_lowered;
	s3 =	sadd.s32 s3, s5;
	[dreg:$0x0] =	wrdreg $0x0  }
0xa8: {  	s5 =	sshll.u32 s28, $0x1;
	[dreg:$0x2] =	wrdreg s3  }
0xa9: {  	[dreg:$0x3] =	wrdreg s5  }
0xaa: {  	[dreg:$0x4] =	wrdreg $0xC0  }
0xab: {  	_ =	task [dreg:s7], $0x5FFFF  }
0xac: {  	[dreg:$0x1] =	wrdreg $0xFFFFFFFF  }
0xad: {  	[dreg:$0x0] =	wrdreg $0x60  }
0xae: {  	[dreg:$0x2] =	wrdreg s24  }
0xaf: {  	[dreg:$0x3] =	wrdreg s2  }
0xb0: {  	[dreg:$0x4] =	wrdreg $0x9  }
0xb1: {  	_ =	task.clear_ibuf [dreg:s7], $0x5FFFF;
	_ =	strace $0x90000046  }
0xb2: {  	s29 =	simm.s32 $0x9;
	_ =	strace $0x80000048  }
0xb3: {  	_ =	swait.ge [sflag:s29], $0x1  }
0xb4: {  	[sflag:s29] =	ssyncadd.s32 $0xFFFFFFFF  }
0xb5: {  	_ =	strace $0x90000048  }
0xb6: {  	_ =	sfence  }
0xb7: {  	s30 =	sld [smem:$0x0];
	_ =	sdelay $0x2  }
0xb8: {  	s31 =	sshll.u32 s1, $0xD;
	s1 =	sshrl.u32 s1, $0x2  }
0xb9: {  	s3 =	sand.u32 $0x4000, s31;
	s1 =	sadd.s32 s1, s30  }
0xba: {  	s0 =	sor.u32 s3, s0;
	s1 =	sshll.u32 s1, $0x11  }
0xbb: {  	s0 =	sor.u32 s1, s0  }
0xbc: {  	s0 =	sadd.s32 $0x8F2B, s0  }
0xbd: {  	[sflag:s0] =	ssyncadd.remote.s32 $0x1  }
0xbe: {  	_ =	sfence.sel $0xFFFF  }
0xbf: {  	[dreg:$0x0] =	wrdreg $0xFFFFFFFF;
	(pc) =	sbr.abs _section_cstart, $3  }
0xc0: {  	[dreg:$0x1] =	wrdreg $0xFFFFFFFF  }
0xc1: {  	_ =	task.clear_ibuf [dreg:s7], $0x2FFFF;
	_ =	strace $0x9FFFFFFF  }
0xc2: {  	(tm) =	ssettm $0x7FFFFFFF  }
0xc3: {  	_ =	shalt  }
tec
execute0_lowered:
.L_overlay_start_1:
0x0: {  	(tag) =	ssettag $0x1  }
0x1: {  	s16 =	rddreg [dreg:$0x0]  }
0x2: {  	s8 =	rddreg [dreg:$0x1];
	s7 =	simm.s32 $0x0  }
0x3: {  	s0 =	srdreg.scid;
	[smem:$0x7FF] =	sst s7;
	s17 =	sadd.s32 $0xF49A00, s16  }
0x4: {  	s22 =	sadd.s32 $0x400, s8;
	_ =	strace $0x80000047;
	[dreg:$0xc] =	wrdreg s17  }
0x5: {  	s1 =	stileid.u32;
	s23 =	sadd.s32 $0x800, s8;
	[dreg:$0x12] =	wrdreg s22  }
0x6: {  	s0 =	sand.u32 $0x1, s0;
	s24 =	sadd.s32 $0xC00, s8;
	[dreg:$0x13] =	wrdreg s23  }
0x7: {  	s1 =	sshll.u32 s1, $0x1;
	s25 =	sadd.s32 $0x1000, s8;
	[dreg:$0x14] =	wrdreg s24  }
0x8: {  	s26 =	sadd.s32 $0x1400, s8;
	s28 =	sadd.s32 $0x1800, s8;
	[dreg:$0x15] =	wrdreg s25  }
0x9: {  	s29 =	sadd.s32 $0x1C00, s8;
	s1 =	sor.u32 s0, s1;
	[dreg:$0x16] =	wrdreg s26  }
0xa: {  	s0 =	ssub.s32 $0x2, s0;
	[dreg:$0x17] =	wrdreg s28;
	s4 =	smul.u32 $0x32, s1  }
0xb: {  	s5 =	simm.s32 $0x1;
	[dreg:$0x18] =	wrdreg s29;
	s18 =	sshrl.u32 s0, $0x1  }
0xc: {  	v6 =	vlaneseq.u32;
	s1 =	sshll.u32 s1, $0xB;
	s2 =	sshrl.u32 s4, $0x3;
	s3 =	sand.u32 $0x38, s4  }
0xd: {  	v0 =	vor.u32 $0x30, v6;
	s0 =	ssub.s32 s0, s18;
	p0 =	seq.s32 s2, $0x0;
	p1 =	sne.s32 s3, $0x0  }
0xe: {  	v62 =	vor.u32 $0x40, v6;
	[tilespmem:$0x1FF50] =	vst v0;
	s1 =	sand.u32 $0x1800, s1;
	s6 =	sshrl.u32 s4, $0x6;
	p0 =	por !p0, !p1  }
0xf: {  	v63 =	vor.u32 $0x50, v6;
	[tilespmem:$0x1FF60] =	vst v62;
	s20 =	sshll.u32 s4, $0x4;
	s31 =	sadd.s32 $0x2, s4;
	p0 =	por !p0, !p0  }
0x10: {  	v61 =	vor.u32 $0x60, v6;
	[tilespmem:$0x1FF70] =	vst v63;
	s0 =	smax.u32 s0, $0x1;
	[dreg:$0xb] =	wrdreg s4;
	s5 =	simm.s32 @!p0 $0x0  }
0x11: {  	v57 =	vor.u32 $0x20, v6;
	[tilespmem:$0x1FFC0] =	vst v61;
	s3 =	sadd.s32 $0xF49C00, s16;
	[dreg:$0x19] =	wrdreg s31;
	s5 =	ssub.s32 s6, s5  }
0x12: {  	v7 =	vmul.u32 $0x81, v6;
	v11 =	vor.u32 $0x10, v6;
	[tilespmem:$0x1FFE0] =	vst v57;
	[dreg:$0x1a] =	wrdreg s0;
	s6 =	sshll.u32 s5, $0xA;
	s5 =	sshll.u32 s5, $0x3  }
0x13: {  	[tilespmem:$0x1FFF0] =	vst v11;
	[dreg:$0xe] =	wrdreg s3;
	s6 =	sand.u32 $0x1FFFFC00, s6;
	s2 =	ssub.s32 s2, s5  }
0x14: {  	v62 =	vor.u32 $0x70, v6;
	[tilespmem:$0x1FF80] =	vst v7;
	s3 =	sand.u32 $0x380, s20;
	s6 =	sadd.s32 s6, s16;
	s2 =	sshll.u32 s2, $0xA  }
0x15: {  	v8 =	vadd.s32 $0x810, v7;
	[tilespmem:$0x1FFD0] =	vst v62;
	[dreg:$0xd] =	wrdreg s5;
	s19 =	sadd.s32 $0xE00, s6;
	s2 =	sand.u32 $0xFFFFE000, s2  }
0x16: {  	v9 =	vadd.s32 $0x1020, v7;
	[tilespmem:$0x1FF90] =	vst v8;
	s21 =	sadd.s32 $0xF43200, s6;
	[dreg:$0xf] =	wrdreg s19;
	s1 =	sor.u32 s1, s2  }
0x17: {  	v10 =	vadd.s32 $0x1830, v7;
	[tilespmem:$0x1FFA0] =	vst v9;
	[dreg:$0x10] =	wrdreg s21;
	s1 =	sor.u32 s3, s1  }
0x18: {  	s30 =	simm.s32 $0x10900;
	[tilespmem:$0x1FFB0] =	vst v10;
	s2 =	simm.s32 $0x0;
	[dreg:$0x11] =	wrdreg s1  }
.LBB2_1:
0x19: {  	[dreg:$0x1b] =	wrdreg s2  }
0x1a: {  	s0 =	simm.s32 $0x0;
	s1 =	rddreg [dreg:$0xf];
	s21 =	simm.s32 $0x5  }
0x1b: {  	[tilespmem:s0], [sflag:$0x5] =	stream.linear.gather [hbm4b:s1+s0], $0x4000, $0x38;
	[tilespmem:$0x16980] =	vst v63  }
0x1c: {  	_ =	swait.ge [sflag:s21], $0x4000  }
0x1d: {  	[sflag:s21] =	ssyncset.done $0x0  }
0x1e: {  	s3 =	simm.s32 $0x4000;
	s22 =	rddreg [dreg:$0x10];
	[sflag:s21] =	ssyncadd.s32 $0xFFFFC000  }
0x1f: {  	[tilespmem:s3], [sflag:$0x5] =	stream.linear.gather [hbm4b:s22+s0], $0x4000, $0x38;
	[tilespmem:$0x16980] =	vst v63  }
0x20: {  	_ =	swait.ge [sflag:s21], $0x4000  }
0x21: {  	[sflag:s21] =	ssyncset.done $0x0  }
0x22: {  	s24 =	simm.s32 $0x8000;
	s23 =	rddreg [dreg:$0xc];
	[sflag:s21] =	ssyncadd.s32 $0xFFFFC000  }
0x23: {  	[tilespmem:s24], [sflag:$0x5] =	stream.linear.gather [hbm4b:s23+s0], $0x800, $0x38;
	[tilespmem:$0x16980] =	vst v63  }
0x24: {  	_ =	swait.ge [sflag:s21], $0x800  }
0x25: {  	[sflag:s21] =	ssyncset.done $0x0  }
0x26: {  	s25 =	rddreg [dreg:$0x11];
	[sflag:s21] =	ssyncadd.s32 $0xFFFFF800  }
0x27: {  	v0 =	vld [tilespmem:s25+$0x0];
	_ =	sdelay $0x4  }
0x28: {  	[tilespmem:$0x10800] =	vst v0  }
0x29: {  	v0 =	vld [tilespmem:s25+$0x10];
	_ =	sdelay $0x4  }
0x2a: {  	[tilespmem:$0x10810] =	vst v0  }
0x2b: {  	v0 =	vld [tilespmem:s25+$0x20];
	_ =	sdelay $0x4  }
0x2c: {  	[tilespmem:$0x10820] =	vst v0  }
0x2d: {  	v0 =	vld [tilespmem:s25+$0x30];
	_ =	sdelay $0x4  }
0x2e: {  	[tilespmem:$0x10830] =	vst v0  }
0x2f: {  	v0 =	vld [tilespmem:s25+$0x40];
	_ =	sdelay $0x4  }
0x30: {  	[tilespmem:$0x10840] =	vst v0  }
0x31: {  	v0 =	vld [tilespmem:s25+$0x50];
	_ =	sdelay $0x4  }
0x32: {  	[tilespmem:$0x10850] =	vst v0  }
0x33: {  	v0 =	vld [tilespmem:s25+$0x60];
	_ =	sdelay $0x4  }
0x34: {  	[tilespmem:$0x10860] =	vst v0  }
0x35: {  	v0 =	vld [tilespmem:s25+$0x70];
	_ =	sdelay $0x3  }
0x36: {  	s28 =	simm.s32 $0x80;
	s29 =	simm.s32 $0x10800  }
0x37: {  	s31 =	simm.s32 $0x8800;
	s5 =	simm.s32 $0x0;
	s26 =	rddreg [dreg:$0xe];
	[tilespmem:$0x10870] =	vst v0  }
0x38: {  	[tilespmem:s31], [sflag:$0x1] =	stream.indirect.gather [hbm4b:s26+s28], $0x80, s29, s28, $0xb8;
	[tilespmem:$0x16980] =	vst v63  }
.LBB2_2:
0x39: {  	s9 =	sshll.u32 s5, $0x1  }
0x3a: {  	s1 =	sadd.s32 s9, s4  }
0x3b: {  	s3 =	sadd.s32 $0x1, s1  }
0x3c: {  	s0 =	rddreg [dreg:$0xd];
	s1 =	sshrl.u32 s3, $0x3  }
0x3d: {  	[dreg:$0x1d] =	wrdreg s1;
	s1 =	ssub.s32 s1, s0  }
0x3e: {  	s23 =	sshll.u32 s3, $0xA;
	[dreg:$0x1e] =	wrdreg s3;
	s0 =	sshll.u32 s1, $0xA  }
0x3f: {  	s3 =	sshll.u32 s3, $0x4;
	s1 =	sand.u32 $0x1C00, s23;
	s2 =	sand.u32 $0xFFFFE000, s0  }
0x40: {  	s3 =	sand.u32 $0x380, s3;
	s1 =	sor.u32 s1, s2  }
0x41: {  	s1 =	sor.u32 s3, s1  }
0x42: {  	v0 =	vld [tilespmem:s1+$0x0];
	_ =	sdelay $0x4  }
0x43: {  	[tilespmem:$0x10880] =	vst v0  }
0x44: {  	v0 =	vld [tilespmem:s1+$0x10];
	_ =	sdelay $0x4  }
0x45: {  	[tilespmem:$0x10890] =	vst v0  }
0x46: {  	v0 =	vld [tilespmem:s1+$0x20];
	_ =	sdelay $0x4  }
0x47: {  	[tilespmem:$0x108A0] =	vst v0  }
0x48: {  	v0 =	vld [tilespmem:s1+$0x30];
	_ =	sdelay $0x4  }
0x49: {  	[tilespmem:$0x108B0] =	vst v0  }
0x4a: {  	v0 =	vld [tilespmem:s1+$0x40];
	_ =	sdelay $0x4  }
0x4b: {  	[tilespmem:$0x108C0] =	vst v0  }
0x4c: {  	v0 =	vld [tilespmem:s1+$0x50];
	_ =	sdelay $0x4  }
0x4d: {  	[tilespmem:$0x108D0] =	vst v0  }
0x4e: {  	v0 =	vld [tilespmem:s1+$0x60];
	_ =	sdelay $0x4  }
0x4f: {  	[tilespmem:$0x108E0] =	vst v0  }
0x50: {  	v0 =	vld [tilespmem:s1+$0x70];
	_ =	sdelay $0x3  }
0x51: {  	s24 =	rddreg [dreg:$0xe];
	s25 =	simm.s32 $0x80;
	s26 =	simm.s32 $0x10880  }
0x52: {  	s28 =	simm.s32 $0xC800;
	s29 =	simm.s32 $0x1;
	[dreg:$0x1f] =	wrdreg s0;
	[tilespmem:$0x108F0] =	vst v0  }
0x53: {  	[tilespmem:s28], [sflag:$0x2] =	stream.indirect.gather [hbm4b:s24+s25], $0x80, s26, s25, $0xb8;
	[tilespmem:$0x16980] =	vst v63  }
0x54: {  	_ =	swait.ge [sflag:s29], $0x4000  }
0x55: {  	p0 =	sne.s32 s5, $0x0;
	[sflag:s29] =	ssyncset.done $0x0  }
0x56: {  	s1 =	simm.s32 @p0 $0x3;
	[dreg:$0x1c] =	wrdreg s5;
	[sflag:s29] =	ssyncadd.s32 $0xFFFFC000  }
0x57: {  	_ =	swait.ge @p0 [sflag:s1], $0x400  }
0x58: {  	[sflag:s1] =	ssyncset.done @p0 $0x0  }
0x59: {  	[sflag:s1] =	ssyncadd.s32 @p0 $0xFFFFFC00  }
0x5a: {  	_ =	swait.ge @p0 [sflag:s1], $0x400  }
0x5b: {  	[sflag:s1] =	ssyncset.done @p0 $0x0  }
0x5c: {  	[sflag:s1] =	ssyncadd.s32 @p0 $0xFFFFFC00  }
0x5d: {  	_ =	swait.ge @p0 [sflag:s1], $0x400  }
0x5e: {  	[sflag:s1] =	ssyncset.done @p0 $0x0  }
0x5f: {  	[sflag:s1] =	ssyncadd.s32 @p0 $0xFFFFFC00  }
0x60: {  	_ =	swait.ge @p0 [sflag:s1], $0x400  }
0x61: {  	[sflag:s1] =	ssyncset.done @p0 $0x0  }
0x62: {  	[sflag:s1] =	ssyncadd.s32 @p0 $0xFFFFFC00  }
0x63: {  	_ =	swait.ge @p0 [sflag:s1], $0x400  }
0x64: {  	[sflag:s1] =	ssyncset.done @p0 $0x0  }
0x65: {  	[sflag:s1] =	ssyncadd.s32 @p0 $0xFFFFFC00  }
0x66: {  	_ =	swait.ge @p0 [sflag:s1], $0x400  }
0x67: {  	[sflag:s1] =	ssyncset.done @p0 $0x0  }
0x68: {  	[sflag:s1] =	ssyncadd.s32 @p0 $0xFFFFFC00  }
0x69: {  	_ =	swait.ge @p0 [sflag:s1], $0x400  }
0x6a: {  	[sflag:s1] =	ssyncset.done @p0 $0x0  }
0x6b: {  	[sflag:s1] =	ssyncadd.s32 @p0 $0xFFFFFC00  }
0x6c: {  	_ =	swait.ge @p0 [sflag:s1], $0x400  }
0x6d: {  	[sflag:s1] =	ssyncset.done @p0 $0x0  }
0x6e: {  	s11 =	simm.s32 $0x8900;
	s31 =	simm.s32 $0x3;
	[sflag:s1] =	ssyncadd.s32 @p0 $0xFFFFFC00  }
0x6f: {  	s8 =	simm.s32 $0x1;
	v1 =	vadd.s32 s31, v7;
	v0 =	vld [tilespmem:s11+$0x80]  }
0x70: {  	v3 =	vadd.s32 s8, v7;
	v2 =	vld [tilespmem:s11+$0xFFFFFF80];
	_ =	sdelay $0x1  }
0x71: {  	s6 =	simm.s32 $0x2  }
0x72: {  	s7 =	simm.s32 $0x0;
	v5 =	vadd.s32 s6, v7;
	v4 =	vld [tilespmem:s11+$0x0]  }
0x73: {  	v13 =	vadd.s32 s7, v7;
	v12 =	vld [tilespmem:s11+$0xFFFFFF00];
	[tilespmem:v1+s30+$0x0] =	vst.idx.msk $0xffff, v0  }
0x74: {  	v1 =	vadd.s32 s31, v8;
	[tilespmem:v3+s30+$0x0] =	vst.idx.msk $0xffff, v2;
	v0 =	vld [tilespmem:s11+$0x90]  }
0x75: {  	v3 =	vadd.s32 s8, v8;
	v2 =	vld [tilespmem:s11+$0xFFFFFF90];
	_ =	sdelay $0x1  }
0x76: {  	[tilespmem:v5+s30+$0x0] =	vst.idx.msk $0xffff, v4  }
0x77: {  	v5 =	vadd.s32 s6, v8;
	[tilespmem:v13+s30+$0x0] =	vst.idx.msk $0xffff, v12;
	v4 =	vld [tilespmem:s11+$0x10]  }
0x78: {  	v13 =	vadd.s32 s7, v8;
	v12 =	vld [tilespmem:s11+$0xFFFFFF10];
	[tilespmem:v1+s30+$0x0] =	vst.idx.msk $0xffff, v0  }
0x79: {  	v1 =	vadd.s32 s31, v9;
	[tilespmem:v3+s30+$0x0] =	vst.idx.msk $0xffff, v2;
	v0 =	vld [tilespmem:s11+$0xA0]  }
0x7a: {  	s10 =	simm.s32 $0x7;
	s1 =	simm.s32 $0x8B00;
	v3 =	vadd.s32 s8, v9;
	v2 =	vld [tilespmem:s11+$0xFFFFFFA0]  }
0x7b: {  	v15 =	vadd.s32 s10, v7;
	s5 =	simm.s32 $0x5;
	v14 =	vld [tilespmem:s1+$0x80]  }
0x7c: {  	s2 =	simm.s32 $0x4;
	v17 =	vadd.s32 s5, v7;
	v16 =	vld [tilespmem:s1+$0xFFFFFF80];
	[tilespmem:v5+s30+$0x0] =	vst.idx.msk $0xffff, v4  }
0x7d: {  	[tilespmem:v13+s30+$0x0] =	vst.idx.msk $0xffff, v12;
	v12 =	vld [tilespmem:s1+$0xFFFFFF00];
	v13 =	vadd.s32 s2, v7  }
0x7e: {  	s3 =	simm.s32 $0x6;
	v5 =	vadd.s32 s6, v9;
	v4 =	vld [tilespmem:s11+$0x20];
	[tilespmem:v1+s30+$0x0] =	vst.idx.msk $0xffff, v0  }
0x7f: {  	[tilespmem:v3+s30+$0x0] =	vst.idx.msk $0xffff, v2;
	v2 =	vld [tilespmem:s1+$0x0];
	v3 =	vadd.s32 s3, v7  }
0x80: {  	[tilespmem:v15+s30+$0x0] =	vst.idx.msk $0xffff, v14;
	v1 =	vadd.s32 s31, v10;
	v0 =	vld [tilespmem:s11+$0xB0]  }
0x81: {  	[tilespmem:v17+s30+$0x0] =	vst.idx.msk $0xffff, v16;
	v15 =	vadd.s32 s10, v8;
	v14 =	vld [tilespmem:s1+$0x90]  }
0x82: {  	v17 =	vadd.s32 s5, v8;
	v16 =	vld [tilespmem:s1+$0xFFFFFF90];
	[tilespmem:v13+s30+$0x0] =	vst.idx.msk $0xffff, v12  }
0x83: {  	[tilespmem:v5+s30+$0x0] =	vst.idx.msk $0xffff, v4;
	v4 =	vld [tilespmem:s11+$0xFFFFFF20];
	v5 =	vadd.s32 s7, v9  }
0x84: {  	v20 =	vadd.s32 s2, v8;
	v19 =	vld [tilespmem:s1+$0xFFFFFF10];
	[tilespmem:v3+s30+$0x0] =	vst.idx.msk $0xffff, v2  }
0x85: {  	v2 =	vadd.s32 s8, v10;
	[tilespmem:v1+s30+$0x0] =	vst.idx.msk $0xffff, v0;
	v0 =	vld [tilespmem:s11+$0xFFFFFFB0]  }
0x86: {  	v18 =	vadd.s32 s3, v8;
	[tilespmem:v15+s30+$0x0] =	vst.idx.msk $0xffff, v14;
	v13 =	vld [tilespmem:s1+$0x10]  }
0x87: {  	[tilespmem:v17+s30+$0x0] =	vst.idx.msk $0xffff, v16  }
0x88: {  	v12 =	vld [tilespmem:s11+$0x30];
	[tilespmem:v5+s30+$0x0] =	vst.idx.msk $0xffff, v4  }
0x89: {  	v3 =	vld [tilespmem:s1+$0xA0];
	[tilespmem:v20+s30+$0x0] =	vst.idx.msk $0xffff, v19  }
0x8a: {  	v1 =	vld [tilespmem:s1+$0xFFFFFFA0];
	[tilespmem:v2+s30+$0x0] =	vst.idx.msk $0xffff, v0  }
0x8b: {  	v15 =	vadd.s32 s6, v10;
	v4 =	vld [tilespmem:s11+$0xFFFFFF30];
	[tilespmem:v18+s30+$0x0] =	vst.idx.msk $0xffff, v13  }
0x8c: {  	v16 =	vadd.s32 s10, v9;
	v58 =	vld [tilespmem:$0x1FF50]  }
0x8d: {  	v14 =	vadd.s32 s5, v9;
	v59 =	vld [tilespmem:$0x1FF60]  }
0x8e: {  	s12 =	simm.s32 $0xC;
	v13 =	vadd.s32 s7, v10;
	v0 =	vld [tilespmem:s1+$0x20]  }
0x8f: {  	s8 =	simm.s32 $0x8;
	s11 =	simm.s32 $0x8D00;
	s7 =	simm.s32 $0xB;
	v2 =	vadd.s32 s3, v9;
	v60 =	vld [tilespmem:$0x1FF70]  }
.LBB2_3:
0x90: {  	p1 =	slt.u32 s12, $0x7C;
	s6 =	sadd.s32 $0x1, s8;
	v5 =	vld [tilespmem:s11+$0x80];
	v17 =	vadd.s32 s7, v7;
	[tilespmem:v15+s30+$0x0] =	vst.idx.msk $0xffff, v12  }
0x91: {  	v12 =	vld [tilespmem:s11+$0xFFFFFF80];
	v15 =	vadd.s32 s6, v7;
	[tilespmem:v16+s30+$0x0] =	vst.idx.msk $0xffff, v3  }
0x92: {  	s13 =	sadd.s32 $0x2, s8;
	v3 =	vadd.s32 s10, v10;
	s10 =	smov.u32 s7;
	[tilespmem:v14+s30+$0x0] =	vst.idx.msk $0xffff, v1;
	v1 =	vld [tilespmem:s1+$0xB0]  }
0x93: {  	v16 =	vadd.s32 s13, v7;
	v14 =	vld [tilespmem:s11+$0x0];
	[tilespmem:v13+s30+$0x0] =	vst.idx.msk $0xffff, v4  }
0x94: {  	v13 =	vadd.s32 s8, v7;
	v4 =	vld [tilespmem:s11+$0xFFFFFF00];
	[tilespmem:v2+s30+$0x0] =	vst.idx.msk $0xffff, v0  }
0x95: {  	v2 =	vadd.s32 s2, v9;
	[tilespmem:v17+s30+$0x0] =	vst.idx.msk $0xffff, v5;
	v0 =	vld [tilespmem:s1+$0xFFFFFF20]  }
0x96: {  	[tilespmem:v15+s30+$0x0] =	vst.idx.msk $0xffff, v12;
	v5 =	vld [tilespmem:s11+$0x90];
	v12 =	vadd.s32 s10, v8  }
0x97: {  	v18 =	vadd.s32 s6, v8;
	v17 =	vld [tilespmem:s11+$0xFFFFFF90];
	[tilespmem:v3+s30+$0x0] =	vst.idx.msk $0xffff, v1  }
0x98: {  	v20 =	vadd.s32 s5, v10;
	s5 =	smov.u32 s6;
	[tilespmem:v16+s30+$0x0] =	vst.idx.msk $0xffff, v14;
	v19 =	vld [tilespmem:s1+$0xFFFFFFB0]  }
0x99: {  	[tilespmem:v13+s30+$0x0] =	vst.idx.msk $0xffff, v4;
	v4 =	vld [tilespmem:s11+$0x10];
	v13 =	vadd.s32 s13, v8  }
0x9a: {  	v22 =	vadd.s32 s8, v8;
	v21 =	vld [tilespmem:s11+$0xFFFFFF10];
	[tilespmem:v2+s30+$0x0] =	vst.idx.msk $0xffff, v0  }
.Ltmp0:
0x9b: {  	v15 =	vadd.s32 s3, v10;
	s3 =	smov.u32 s13;
	[tilespmem:v12+s30+$0x0] =	vst.idx.msk $0xffff, v5;
	v12 =	vld [tilespmem:s1+$0x30];
	(pc) =	sbr.rel @p1 .LBB2_3-.Ltmp0, $4  }
0x9c: {  	v16 =	vadd.s32 s10, v9;
	[tilespmem:v18+s30+$0x0] =	vst.idx.msk $0xffff, v17;
	v3 =	vld [tilespmem:s11+$0xA0]  }
0x9d: {  	v14 =	vadd.s32 s5, v9;
	v1 =	vld [tilespmem:s11+$0xFFFFFFA0];
	[tilespmem:v20+s30+$0x0] =	vst.idx.msk $0xffff, v19  }
0x9e: {  	[tilespmem:v13+s30+$0x0] =	vst.idx.msk $0xffff, v4;
	v4 =	vld [tilespmem:s1+$0xFFFFFF30];
	v13 =	vadd.s32 s2, v10;
	s2 =	smov.u32 s8;
	s8 =	smov.u32 s12;
	s1 =	smov.u32 s11  }
0x9f: {  	v2 =	vadd.s32 s3, v9;
	s12 =	sadd.s32 $0x4, s12;
	s11 =	sadd.s32 $0x200, s11;
	s7 =	sadd.s32 $0x3, s8;
	[tilespmem:v22+s30+$0x0] =	vst.idx.msk $0xffff, v21;
	v0 =	vld [tilespmem:s1+$0x20]  }
0xa0: {  	_ =	sdelay $0x2  }
0xa1: {  	s6 =	sadd.s32 $0x1, s8;
	v5 =	vld [tilespmem:s11+$0x80];
	v17 =	vadd.s32 s7, v7  }
0xa2: {  	[tilespmem:v15+s30+$0x0] =	vst.idx.msk $0xffff, v12;
	v12 =	vld [tilespmem:s11+$0xFFFFFF80];
	s12 =	sadd.s32 $0x2, s8;
	v15 =	vadd.s32 s6, v7  }
0xa3: {  	[tilespmem:v16+s30+$0x0] =	vst.idx.msk $0xffff, v3;
	v3 =	vld [tilespmem:s11+$0x0];
	v16 =	vadd.s32 s12, v7  }
0xa4: {  	[tilespmem:v14+s30+$0x0] =	vst.idx.msk $0xffff, v1;
	v1 =	vld [tilespmem:s11+$0xFFFFFF00];
	v14 =	vadd.s32 s8, v7  }
0xa5: {  	[tilespmem:v13+s30+$0x0] =	vst.idx.msk $0xffff, v4  }
0xa6: {  	v4 =	vld [tilespmem:s1+$0xB0];
	v13 =	vadd.s32 s10, v10;
	[tilespmem:v17+s30+$0x0] =	vst.idx.msk $0xffff, v5  }
0xa7: {  	[tilespmem:v15+s30+$0x0] =	vst.idx.msk $0xffff, v12;
	v5 =	vld [tilespmem:s11+$0x90];
	v12 =	vadd.s32 s7, v8  }
0xa8: {  	v17 =	vadd.s32 s6, v8;
	[tilespmem:v16+s30+$0x0] =	vst.idx.msk $0xffff, v3;
	v15 =	vld [tilespmem:s11+$0xFFFFFF90]  }
0xa9: {  	v3 =	vadd.s32 s12, v8;
	[tilespmem:v14+s30+$0x0] =	vst.idx.msk $0xffff, v1;
	v1 =	vld [tilespmem:s11+$0x10]  }
0xaa: {  	[tilespmem:v2+s30+$0x0] =	vst.idx.msk $0xffff, v0;
	v2 =	vadd.s32 s8, v8;
	v0 =	vld [tilespmem:s11+$0xFFFFFF10]  }
0xab: {  	v16 =	vadd.s32 s2, v9;
	v14 =	vld [tilespmem:s1+$0xFFFFFF20];
	[tilespmem:v13+s30+$0x0] =	vst.idx.msk $0xffff, v4  }
0xac: {  	v4 =	vld [tilespmem:s1+$0xFFFFFFB0];
	v13 =	vadd.s32 s5, v10;
	[tilespmem:v12+s30+$0x0] =	vst.idx.msk $0xffff, v5  }
0xad: {  	v12 =	vadd.s32 s7, v9;
	[tilespmem:v17+s30+$0x0] =	vst.idx.msk $0xffff, v15;
	v5 =	vld [tilespmem:s11+$0xA0]  }
0xae: {  	v17 =	vadd.s32 s6, v9;
	[tilespmem:v3+s30+$0x0] =	vst.idx.msk $0xffff, v1;
	v15 =	vld [tilespmem:s11+$0xFFFFFFA0]  }
0xaf: {  	v1 =	vadd.s32 s12, v9;
	[tilespmem:v2+s30+$0x0] =	vst.idx.msk $0xffff, v0;
	v0 =	vld [tilespmem:s11+$0x20]  }
0xb0: {  	[tilespmem:v16+s30+$0x0] =	vst.idx.msk $0xffff, v14;
	v3 =	vadd.s32 s8, v9;
	v2 =	vld [tilespmem:s11+$0xFFFFFF20]  }
0xb1: {  	v14 =	vld [tilespmem:s1+$0x30];
	v16 =	vadd.s32 s3, v10;
	[tilespmem:v13+s30+$0x0] =	vst.idx.msk $0xffff, v4  }
0xb2: {  	v4 =	vld [tilespmem:s1+$0xFFFFFF30];
	v13 =	vadd.s32 s2, v10;
	[tilespmem:v12+s30+$0x0] =	vst.idx.msk $0xffff, v5  }
0xb3: {  	v12 =	vadd.s32 s7, v10;
	[tilespmem:v17+s30+$0x0] =	vst.idx.msk $0xffff, v15;
	v5 =	vld [tilespmem:s11+$0xB0]  }
0xb4: {  	[tilespmem:v1+s30+$0x0] =	vst.idx.msk $0xffff, v0;
	v1 =	vadd.s32 s6, v10;
	v0 =	vld [tilespmem:s11+$0xFFFFFFB0]  }
0xb5: {  	[tilespmem:v3+s30+$0x0] =	vst.idx.msk $0xffff, v2;
	v2 =	vld [tilespmem:s11+$0x30];
	v3 =	vadd.s32 s12, v10  }
0xb6: {  	[tilespmem:v16+s30+$0x0] =	vst.idx.msk $0xffff, v14;
	v15 =	vadd.s32 s8, v10;
	v14 =	vld [tilespmem:s11+$0xFFFFFF30]  }
0xb7: {  	[tilespmem:v13+s30+$0x0] =	vst.idx.msk $0xffff, v4  }
0xb8: {  	[tilespmem:v12+s30+$0x0] =	vst.idx.msk $0xffff, v5  }
0xb9: {  	s28 =	simm.s32 $0x81;
	[tilespmem:v1+s30+$0x0] =	vst.idx.msk $0xffff, v0  }
0xba: {  	s23 =	simm.s32 $0x0;
	v13 =	vadd.s32 s28, v59;
	[tilespmem:v3+s30+$0x0] =	vst.idx.msk $0xffff, v2  }
0xbb: {  	s0 =	sadd.s32 s4, s9;
	v16 =	vadd.s32 s23, v62;
	[tilespmem:v15+s30+$0x0] =	vst.idx.msk $0xffff, v14  }
0xbc: {  	s29 =	simm.s32 $0x102;
	s18 =	sshrl.u32 s0, $0x3;
	v17 =	vadd.s32 s28, v60;
	[smem:$0x7FC] =	sst s0  }
0xbd: {  	v18 =	vadd.s32 s29, v61;
	[smem:$0x7FD] =	sst s18  }
0xbe: {  	v23 =	vadd.s32 s29, v11;
	[smem:$0x7FB] =	sst s9  }
0xbf: {  	v24 =	vadd.s32 s29, v6;
	v19 =	vld.idx.msk [tilespmem:v13+s30+$0x0], $0xffff  }
0xc0: {  	v0 =	vadd.s32 s23, v11;
	v16 =	vld.idx.msk [tilespmem:v16+s30+$0x0], $0xffff  }
0xc1: {  	v1 =	vadd.s32 s23, v61;
	v17 =	vld.idx.msk [tilespmem:v17+s30+$0x0], $0xffff  }
0xc2: {  	v2 =	vadd.s32 s23, v6;
	s19 =	rddreg [dreg:$0xd];
	v18 =	vld.idx.msk [tilespmem:v18+s30+$0x0], $0xffff  }
0xc3: {  	v14 =	vadd.s32 s23, v58;
	s1 =	ssub.s32 s18, s19;
	v23 =	vld.idx.msk [tilespmem:v23+s30+$0x0], $0xffff  }
0xc4: {  	s22 =	simm.s32 $0x0;
	v24 =	vld.idx.msk [tilespmem:v24+s30+$0x0], $0xffff;
	s1 =	sshll.u32 s1, $0xC  }
0xc5: {  	s2 =	sand.u32 $0xE00, s22;
	v15 =	vadd.s32 s23, v59;
	s1 =	sshra.s32 s1, $0x2;
	v0 =	vld.idx.msk [tilespmem:v0+s30+$0x0], $0xffff  }
0xc6: {  	s24 =	simm.s32 $0x0;
	s2 =	sshrl.u32 s2, $0x2;
	v13 =	vadd.s32 s29, v60;
	v1 =	vld.idx.msk [tilespmem:v1+s30+$0x0], $0xffff;
	s0 =	sadd.s32 $0x4000, s1  }
0xc7: {  	s3 =	sand.u32 $0x40, s24;
	v2 =	vld.idx.msk [tilespmem:v2+s30+$0x0], $0xffff;
	s2 =	sadd.s32 s2, s0  }
0xc8: {  	v25 =	vadd.s32 s29, v57;
	v14 =	vld.idx.msk [tilespmem:v14+s30+$0x0], $0xffff;
	s26 =	sadd.s32 s3, s2  }
0xc9: {  	s25 =	simm.s32 $0x20;
	v27 =	vadd.s32 s23, v57;
	v3 =	vld [tilespmem:s26+$0x0]  }
0xca: {  	v37 =	vadd.s32 s29, v59;
	s7 =	sand.u32 $0x60, s25;
	v15 =	vld.idx.msk [tilespmem:v15+s30+$0x0], $0xffff  }
0xcb: {  	v28 =	vadd.s32 s29, v62;
	s7 =	sadd.s32 s7, s2;
	v13 =	vld.idx.msk [tilespmem:v13+s30+$0x0], $0xffff  }
0xcc: {  	v4 =	vld [tilespmem:s7+$0x0]  }
0xcd: {  	v20 =	vimm.f32 $0.0e+00;
	v22 =	vadd.s32 s28, v57;
	v25 =	vld.idx.msk [tilespmem:v25+s30+$0x0], $0xffff  }
0xce: {  	s20 =	simm.s32 $0x30;
	v21 =	vadd.s32 s28, v11;
	v26 =	vadd.s32 s29, v58;
	v27 =	vld.idx.msk [tilespmem:v27+s30+$0x0], $0xffff;
	v2 =	vadd.f32 v2, v3  }
0xcf: {  	s5 =	sand.u32 $0x70, s20;
	v5 =	vadd.s32 s28, v62;
	v37 =	vld.idx.msk [tilespmem:v37+s30+$0x0], $0xffff;
	v1 =	vadd.f32 v1, v3;
	v0 =	vadd.f32 v0, v3  }
0xd0: {  	s31 =	simm.s32 $0x10;
	v29 =	vadd.s32 s28, v58;
	v28 =	vld.idx.msk [tilespmem:v28+s30+$0x0], $0xffff;
	s5 =	sadd.s32 s5, s2;
	v14 =	vadd.f32 v14, v3;
	v15 =	vadd.f32 v15, v3  }
0xd1: {  	v30 =	vadd.s32 s23, v60;
	v12 =	vld [tilespmem:s5+$0x0];
	s5 =	sand.u32 $0x50, s31;
	v16 =	vadd.f32 v16, v3;
	v38 =	vadd.f32 v13, v4  }
0xd2: {  	s21 =	simm.s32 $0x183;
	v31 =	vadd.s32 s28, v61;
	v22 =	vld.idx.msk [tilespmem:v22+s30+$0x0], $0xffff;
	s2 =	sadd.s32 s5, s2;
	v23 =	vadd.f32 v23, v4;
	v13 =	vadd.f32 v24, v4  }
0xd3: {  	v63 =	vadd.s32 s21, v59;
	v45 =	vld [tilespmem:s2+$0x0];
	v46 =	vadd.f32 v25, v4;
	v27 =	vadd.f32 v27, v3  }
0xd4: {  	v5 =	vld.idx.msk [tilespmem:v5+s30+$0x0], $0xffff;
	v24 =	vadd.s32 s28, v6;
	v50 =	vadd.f32 v37, v4;
	v35 =	vadd.f32 v1, v20  }
0xd5: {  	v21 =	vld.idx.msk [tilespmem:v21+s30+$0x0], $0xffff;
	v33 =	vmul.f32 v1, v1;
	v1 =	vadd.f32 v2, v20;
	v36 =	vadd.f32 v0, v20  }
0xd6: {  	v34 =	vmul.f32 v0, v0;
	v0 =	vld.idx.msk [tilespmem:v30+s30+$0x0], $0xffff;
	v30 =	vadd.f32 v18, v4;
	v41 =	vadd.f32 v16, v20  }
0xd7: {  	v39 =	vmul.f32 v14, v14;
	v42 =	vadd.f32 v14, v20;
	v14 =	vadd.f32 v28, v4  }
0xd8: {  	v32 =	vmul.f32 v2, v2;
	v44 =	vadd.f32 v15, v20;
	v17 =	vadd.f32 v17, v45  }
0xd9: {  	v18 =	vadd.s32 s21, v62;
	v19 =	vadd.f32 v19, v45;
	v5 =	vadd.f32 v5, v45  }
0xda: {  	v25 =	vld.idx.msk [tilespmem:v31+s30+$0x0], $0xffff;
	v40 =	vmul.f32 v15, v15;
	v37 =	vadd.f32 v22, v45;
	v21 =	vadd.f32 v21, v45  }
0xdb: {  	v26 =	vld.idx.msk [tilespmem:v26+s30+$0x0], $0xffff;
	v16 =	vmul.f32 v16, v16;
	v32 =	vadd.f32 v32, v20;
	v34 =	vadd.f32 v34, v20  }
0xdc: {  	v2 =	vadd.s32 s21, v61;
	v33 =	vadd.f32 v33, v20;
	v28 =	vadd.f32 v40, v20  }
0xdd: {  	v43 =	vmul.f32 v30, v30;
	v47 =	vadd.f32 v39, v20;
	v48 =	vadd.f32 v16, v20  }
0xde: {  	v49 =	vmul.f32 v14, v14;
	v16 =	vmul.f32 v46, v46;
	v40 =	vadd.s32 s21, v60  }
0xdf: {  	v55 =	vmul.f32 v5, v5;
	v5 =	vadd.f32 v5, v41;
	v25 =	vadd.f32 v25, v45  }
0xe0: {  	v0 =	vadd.f32 v0, v3;
	v53 =	vld.idx.msk [tilespmem:v18+s30+$0x0], $0xffff;
	v18 =	vadd.f32 v26, v4;
	v4 =	vmul.f32 v19, v19  }
0xe1: {  	v3 =	vmul.f32 v23, v23;
	v22 =	vadd.f32 v25, v35;
	v19 =	vadd.f32 v19, v44  }
0xe2: {  	v2 =	vld.idx.msk [tilespmem:v2+s30+$0x0], $0xffff;
	v56 =	vmul.f32 v25, v25;
	v31 =	vadd.f32 v0, v20;
	v4 =	vadd.f32 v4, v28  }
0xe3: {  	v0 =	vmul.f32 v0, v0;
	v22 =	vadd.f32 v30, v22;
	v25 =	vadd.f32 v50, v19  }
0xe4: {  	v28 =	vld.idx.msk [tilespmem:v29+s30+$0x0], $0xffff;
	v29 =	vadd.s32 s21, v58;
	v19 =	vadd.f32 v21, v36;
	v44 =	vadd.f32 v56, v33  }
0xe5: {  	v56 =	vadd.s32 s21, v11;
	v54 =	vadd.f32 v0, v20;
	v0 =	vadd.f32 v27, v20  }
0xe6: {  	v27 =	vmul.f32 v27, v27;
	v31 =	vadd.f32 v17, v31;
	v19 =	vadd.f32 v23, v19  }
0xe7: {  	v52 =	vld.idx.msk [tilespmem:v24+s30+$0x0], $0xffff;
	v17 =	vmul.f32 v17, v17;
	v2 =	vadd.f32 v2, v12;
	v15 =	vadd.f32 v53, v12  }
0xe8: {  	v53 =	vadd.s32 s21, v57;
	v30 =	vadd.f32 v37, v0;
	v20 =	vadd.f32 v27, v20  }
0xe9: {  	v51 =	vmul.f32 v2, v2;
	v0 =	vadd.f32 v2, v22;
	v2 =	vmul.f32 v21, v21  }
0xea: {  	v21 =	vadd.f32 v17, v54;
	v17 =	vadd.f32 v14, v5;
	v5 =	vadd.s32 s21, v6  }
0xeb: {  	v27 =	vmul.f32 v37, v37;
	v54 =	vadd.f32 v55, v48;
	v55 =	vld.idx.msk [tilespmem:v40+s30+$0x0], $0xffff;
	v23 =	vadd.f32 v28, v45  }
0xec: {  	v39 =	vmul.f32 v13, v13;
	v28 =	vld.idx.msk [tilespmem:v29+s30+$0x0], $0xffff;
	v22 =	vadd.f32 v38, v31;
	v40 =	vadd.f32 v52, v45  }
0xed: {  	v26 =	vmul.f32 v38, v38;
	v29 =	vld.idx.msk [tilespmem:v63+s30+$0x0], $0xffff;
	v37 =	vadd.f32 v27, v20;
	v20 =	vadd.f32 v43, v44  }
0xee: {  	v36 =	vmul.f32 v50, v50;
	v24 =	vadd.f32 v2, v34;
	v2 =	vadd.f32 v49, v54;
	v63 =	vld.idx.msk [tilespmem:v53+s30+$0x0], $0xffff  }
0xef: {  	v34 =	vadd.f32 v46, v30;
	v33 =	vadd.f32 v23, v42;
	v30 =	vmul.f32 v23, v23;
	v5 =	vld.idx.msk [tilespmem:v5+s30+$0x0], $0xffff  }
0xf0: {  	v14 =	vmul.f32 v15, v15;
	v27 =	vadd.f32 v26, v21;
	v42 =	vld.idx.msk [tilespmem:v56+s30+$0x0], $0xffff;
	v20 =	vadd.f32 v51, v20  }
0xf1: {  	v21 =	vmul.f32 v40, v40;
	v30 =	vadd.f32 v30, v47;
	v26 =	vadd.f32 v55, v12  }
0xf2: {  	v23 =	vmul.f32 v18, v18;
	v31 =	vadd.f32 v28, v12;
	v35 =	vadd.f32 v29, v12  }
0xf3: {  	s1 =	simm.s32 $0x0;
	v41 =	vadd.f32 v21, v32;
	v28 =	vmul.f32 v26, v26;
	v38 =	vadd.f32 v63, v12  }
0xf4: {  	s3 =	simm.s32 $0x387;
	s5 =	simm.s32 $0x100;
	s2 =	simm.s32 $0x70;
	v29 =	vmul.f32 v31, v31;
	v32 =	vmul.f32 v35, v35;
	v21 =	vadd.f32 v5, v12  }
.LBB2_5:
0xf5: {  	s6 =	sadd.s32 $0xFFFFFE7D, s3;
	s7 =	sand.u32 $0xE00, s5;
	s8 =	sadd.s32 $0xFFFFFEFE, s3;
	v1 =	vadd.f32 v40, v1;
	v5 =	vadd.f32 v42, v12;
	v40 =	vmul.f32 v38, v38  }
0xf6: {  	s10 =	sadd.s32 $0xFFFFFFD0, s2;
	s12 =	sadd.s32 $0xFFFFFFF0, s2;
	v3 =	vadd.f32 v3, v24;
	s7 =	sshrl.u32 s7, $0x2;
	v42 =	vadd.s32 s6, v6;
	v43 =	vadd.s32 s6, v11  }
0xf7: {  	s13 =	sand.u32 $0x70, s2;
	v18 =	vadd.f32 v18, v33;
	s10 =	sand.u32 $0x40, s10;
	v44 =	vadd.s32 s6, v58;
	v45 =	vadd.s32 s6, v59;
	s7 =	sadd.s32 s7, s0  }
0xf8: {  	v46 =	vadd.s32 s6, v61;
	v47 =	vadd.s32 s6, v62;
	s12 =	sand.u32 $0x60, s12;
	v39 =	vadd.f32 v39, v41;
	s10 =	sadd.s32 s10, s7;
	s13 =	sadd.s32 s13, s7  }
0xf9: {  	s1 =	sadd.s32 $0x4, s1;
	v41 =	vadd.s32 s8, v11;
	v48 =	vadd.s32 s8, v57;
	v1 =	vadd.f32 v13, v1;
	v33 =	vld [tilespmem:s10+$0x0];
	s10 =	sadd.s32 s12, s7  }
0xfa: {  	v4 =	vadd.f32 v36, v4;
	v49 =	vadd.s32 s8, v60;
	p1 =	slt.u32 s1, $0x3C;
	v13 =	vadd.s32 s8, v59;
	s12 =	sadd.s32 $0xFFFFFF7F, s3;
	v24 =	vld [tilespmem:s10+$0x0]  }
0xfb: {  	v25 =	vadd.f32 v35, v25;
	v36 =	vadd.s32 s8, v62;
	v50 =	vadd.s32 s12, v6;
	v12 =	vld [tilespmem:s13+$0x0]  }
0xfc: {  	v34 =	vadd.f32 v38, v34;
	v51 =	vadd.s32 s12, v58;
	v35 =	vld.idx.msk [tilespmem:v43+s30+$0x0], $0xffff;
	v43 =	vadd.s32 s12, v57  }
0xfd: {  	v16 =	vadd.f32 v16, v37;
	s10 =	sadd.s32 $0xFFFFFFE0, s2;
	v52 =	vadd.s32 s12, v61;
	v38 =	vld.idx.msk [tilespmem:v46+s30+$0x0], $0xffff;
	v46 =	vadd.s32 s12, v60  }
0xfe: {  	v53 =	vadd.s32 s8, v58;
	v4 =	vadd.f32 v32, v4;
	s10 =	sand.u32 $0x50, s10;
	v37 =	vld.idx.msk [tilespmem:v42+s30+$0x0], $0xffff;
	v42 =	vadd.s32 s6, v57  }
0xff: {  	v18 =	vadd.f32 v31, v18;
	v54 =	vadd.s32 s12, v59;
	s7 =	sadd.s32 s10, s7;
	v32 =	vld.idx.msk [tilespmem:v48+s30+$0x0], $0xffff;
	v48 =	vadd.s32 s8, v61  }
0x100: {  	v31 =	vadd.s32 s6, v60;
	v1 =	vadd.f32 v21, v1;
	v55 =	vadd.s32 s12, v11;
	v36 =	vld.idx.msk [tilespmem:v36+s30+$0x0], $0xffff  }
0x101: {  	v27 =	vadd.f32 v28, v27;
	v21 =	vmul.f32 v21, v21;
	v56 =	vld.idx.msk [tilespmem:v13+s30+$0x0], $0xffff;
	v13 =	vadd.s32 s12, v62  }
0x102: {  	v23 =	vadd.f32 v23, v30;
	v22 =	vadd.f32 v26, v22;
	v30 =	vmul.f32 v5, v5;
	v28 =	vld.idx.msk [tilespmem:v44+s30+$0x0], $0xffff  }
0x103: {  	v21 =	vadd.f32 v21, v39;
	v26 =	vadd.f32 v38, v33;
	v38 =	vld.idx.msk [tilespmem:v41+s30+$0x0], $0xffff  }
0x104: {  	v29 =	vadd.f32 v29, v23;
	v37 =	vadd.f32 v37, v33;
	v39 =	vld.idx.msk [tilespmem:v45+s30+$0x0], $0xffff  }
0x105: {  	v5 =	vadd.f32 v5, v19;
	v35 =	vadd.f32 v35, v33;
	v41 =	vmul.f32 v26, v26;
	v44 =	vld.idx.msk [tilespmem:v48+s30+$0x0], $0xffff  }
0x106: {  	v2 =	vadd.f32 v14, v2;
	v23 =	vadd.f32 v40, v16;
	v19 =	vmul.f32 v37, v37;
	v45 =	vld.idx.msk [tilespmem:v47+s30+$0x0], $0xffff  }
0x107: {  	v15 =	vadd.f32 v15, v17;
	v3 =	vadd.f32 v30, v3;
	v14 =	vmul.f32 v35, v35;
	v40 =	vld.idx.msk [tilespmem:v49+s30+$0x0], $0xffff  }
0x108: {  	v16 =	vadd.f32 v28, v33;
	v17 =	vld.idx.msk [tilespmem:v52+s30+$0x0], $0xffff  }
0x109: {  	v28 =	vld.idx.msk [tilespmem:v46+s30+$0x0], $0xffff  }
0x10a: {  	v30 =	vmul.f32 v16, v16;
	v39 =	vadd.f32 v39, v33;
	v46 =	vld.idx.msk [tilespmem:v55+s30+$0x0], $0xffff  }
0x10b: {  	v0 =	vadd.f32 v26, v0;
	v21 =	vadd.f32 v19, v21;
	v19 =	vld.idx.msk [tilespmem:v50+s30+$0x0], $0xffff  }
0x10c: {  	v47 =	vadd.s32 s8, v6;
	v26 =	vmul.f32 v39, v39;
	v45 =	vadd.f32 v45, v33;
	v48 =	vld.idx.msk [tilespmem:v13+s30+$0x0], $0xffff  }
0x10d: {  	v5 =	vadd.f32 v35, v5;
	v35 =	vadd.s32 s3, v61;
	v1 =	vadd.f32 v37, v1;
	v31 =	vld.idx.msk [tilespmem:v31+s30+$0x0], $0xffff  }
0x10e: {  	v49 =	vadd.s32 s3, v62;
	v37 =	vmul.f32 v45, v45;
	v17 =	vadd.f32 v17, v24;
	v43 =	vld.idx.msk [tilespmem:v43+s30+$0x0], $0xffff  }
0x10f: {  	v50 =	vadd.f32 v14, v3;
	v28 =	vadd.f32 v28, v24;
	v14 =	vld.idx.msk [tilespmem:v51+s30+$0x0], $0xffff  }
0x110: {  	v20 =	vadd.f32 v41, v20;
	v41 =	vadd.f32 v46, v24;
	v46 =	vmul.f32 v17, v17;
	v42 =	vld.idx.msk [tilespmem:v42+s30+$0x0], $0xffff  }
0x111: {  	v45 =	vadd.f32 v45, v15;
	v13 =	vadd.f32 v19, v24;
	v51 =	vmul.f32 v28, v28;
	v47 =	vld.idx.msk [tilespmem:v47+s30+$0x0], $0xffff  }
0x112: {  	v52 =	vadd.f32 v16, v18;
	v3 =	vmul.f32 v41, v41;
	v19 =	vadd.f32 v48, v24;
	v15 =	vld.idx.msk [tilespmem:v35+s30+$0x0], $0xffff  }
0x113: {  	v4 =	vadd.f32 v26, v4;
	v16 =	vadd.f32 v31, v33;
	v26 =	vld.idx.msk [tilespmem:v49+s30+$0x0], $0xffff  }
0x114: {  	v25 =	vadd.f32 v39, v25;
	v35 =	vadd.f32 v43, v24;
	v39 =	vmul.f32 v19, v19;
	v31 =	vld [tilespmem:s7+$0x0]  }
0x115: {  	v22 =	vadd.f32 v16, v22;
	v43 =	vmul.f32 v16, v16;
	v18 =	vadd.f32 v14, v24;
	v14 =	vld.idx.msk [tilespmem:v54+s30+$0x0], $0xffff  }
0x116: {  	v29 =	vadd.f32 v30, v29;
	v33 =	vadd.f32 v42, v33;
	v16 =	vmul.f32 v35, v35;
	v30 =	vld.idx.msk [tilespmem:v53+s30+$0x0], $0xffff  }
0x117: {  	v2 =	vadd.f32 v37, v2;
	v27 =	vadd.f32 v43, v27  }
0x118: {  	v34 =	vadd.f32 v33, v34;
	v33 =	vmul.f32 v33, v33;
	v37 =	vadd.f32 v15, v12  }
0x119: {  	v42 =	vadd.s32 s3, v60;
	v15 =	vadd.f32 v26, v12;
	v40 =	vadd.f32 v40, v31  }
0x11a: {  	v26 =	vadd.f32 v56, v31;
	v43 =	vadd.f32 v44, v31;
	v44 =	vmul.f32 v37, v37  }
0x11b: {  	v36 =	vadd.f32 v36, v31;
	v48 =	vadd.f32 v14, v24;
	v14 =	vmul.f32 v15, v15  }
0x11c: {  	v32 =	vadd.f32 v32, v31;
	v24 =	vmul.f32 v26, v26;
	v0 =	vadd.f32 v43, v0  }
0x11d: {  	v25 =	vadd.f32 v26, v25;
	v22 =	vadd.f32 v40, v22;
	v26 =	vmul.f32 v36, v36  }
0x11e: {  	v38 =	vadd.f32 v38, v31;
	v40 =	vmul.f32 v40, v40;
	v43 =	vmul.f32 v43, v43  }
0x11f: {  	v4 =	vadd.f32 v24, v4;
	v24 =	vadd.f32 v36, v45  }
0x120: {  	v0 =	vadd.f32 v17, v0;
	v36 =	vadd.s32 s3, v58;
	v45 =	vadd.s32 s3, v59  }
0x121: {  	v49 =	vadd.s32 s3, v6;
	v53 =	vadd.s32 s3, v11;
	v34 =	vadd.f32 v32, v34  }
0x122: {  	v54 =	vmul.f32 v38, v38;
	v25 =	vadd.f32 v48, v25;
	v0 =	vadd.f32 v37, v0  }
0x123: {  	v5 =	vadd.f32 v38, v5;
	v27 =	vadd.f32 v40, v27;
	v37 =	vadd.s32 s3, v57  }
0x124: {  	v20 =	vadd.f32 v43, v20;
	v17 =	vadd.f32 v19, v24  }
0x125: {  	v2 =	vadd.f32 v26, v2;
	v19 =	vadd.f32 v41, v5;
	v5 =	vld.idx.msk [tilespmem:v42+s30+$0x0], $0xffff  }
0x126: {  	v26 =	vadd.f32 v30, v31;
	v24 =	vadd.f32 v54, v50;
	v30 =	vld.idx.msk [tilespmem:v36+s30+$0x0], $0xffff  }
0x127: {  	v22 =	vadd.f32 v28, v22;
	v2 =	vadd.f32 v39, v2;
	v28 =	vld.idx.msk [tilespmem:v45+s30+$0x0], $0xffff  }
0x128: {  	v23 =	vadd.f32 v33, v23;
	v32 =	vmul.f32 v32, v32;
	v34 =	vadd.f32 v35, v34;
	v38 =	vld.idx.msk [tilespmem:v37+s30+$0x0], $0xffff  }
0x129: {  	v40 =	vadd.f32 v47, v31;
	v33 =	vadd.f32 v26, v52;
	v35 =	vmul.f32 v26, v26;
	v43 =	vld.idx.msk [tilespmem:v49+s30+$0x0], $0xffff  }
0x12a: {  	v27 =	vadd.f32 v51, v27;
	v37 =	vadd.f32 v32, v23;
	v23 =	vmul.f32 v18, v18;
	v42 =	vld.idx.msk [tilespmem:v53+s30+$0x0], $0xffff  }
.Ltmp1:
0x12b: {  	v39 =	vmul.f32 v13, v13;
	v20 =	vadd.f32 v46, v20;
	v26 =	vadd.f32 v5, v12;
	(pc) =	sbr.rel @p1 .LBB2_5-.Ltmp1, $4  }
0x12c: {  	v36 =	vmul.f32 v48, v48;
	v5 =	vmul.f32 v40, v40;
	v31 =	vadd.f32 v30, v12  }
0x12d: {  	v30 =	vadd.f32 v35, v29;
	v35 =	vadd.f32 v28, v12;
	v28 =	vmul.f32 v26, v26  }
0x12e: {  	v20 =	vadd.f32 v44, v20;
	v38 =	vadd.f32 v38, v12;
	v29 =	vmul.f32 v31, v31  }
0x12f: {  	s5 =	sadd.s32 $0x100, s5;
	s2 =	sadd.s32 $0x40, s2;
	s3 =	sadd.s32 $0x204, s3;
	v41 =	vadd.f32 v5, v21;
	v21 =	vadd.f32 v43, v12;
	v32 =	vmul.f32 v35, v35  }
0x130: {  	v1 =	vadd.f32 v40, v1;
	_ =	sdelay $0x1  }
0x131: {  	v1 =	vadd.f32 v13, v1  }
0x132: {  	v5 =	vadd.f32 v39, v41;
	v13 =	vmul.f32 v21, v21  }
0x133: {  	v12 =	vadd.f32 v42, v12;
	v1 =	vadd.f32 v21, v1  }
0x134: {  	v3 =	vadd.f32 v3, v24;
	v5 =	vadd.f32 v13, v5  }
0x135: {  	v13 =	vmul.f32 v12, v12;
	v12 =	vadd.f32 v12, v19;
	v42 =	vmul.f32 $1.562500000e-02, v1  }
0x136: {  	v1 =	vmul.f32 $1.562500000e-02, v5  }
0x137: {  	v3 =	vadd.f32 v13, v3;
	v49 =	vmul.f32 $1.562500000e-02, v12;
	v5 =	vmul.f32 v42, v42;
	_ =	sdelay $0x1  }
0x138: {  	v3 =	vmul.f32 $1.562500000e-02, v3;
	v1 =	vsub.f32 v1, v5;
	v5 =	vmul.f32 v49, v49  }
0x139: {  	v18 =	vadd.f32 v18, v33  }
0x13a: {  	v1 =	vadd.f32 $9.999999740e-06, v1;
	v3 =	vsub.f32 v3, v5  }
0x13b: {  	v12 =	vadd.f32 v38, v34;
	v13 =	vadd.f32 v16, v37;
	v5 =	vmul.f32 v38, v38  }
0x13c: {  	v16 =	vshrl.u32 v1, $0x1;
	v1 =	vmul.f32 $5.000000000e-01, v1;
	v3 =	vadd.f32 $9.999999740e-06, v3  }
0x13d: {  	v44 =	vmul.f32 $1.562500000e-02, v12;
	v5 =	vadd.f32 v5, v13;
	v13 =	vsub.s32 $0x5F3759DF, v16  }
0x13e: {  	v12 =	vmul.f32 v13, v1;
	v16 =	vmul.f32 $5.000000000e-01, v3;
	v3 =	vshrl.u32 v3, $0x1  }
0x13f: {  	v19 =	vmul.f32 v44, v44;
	v5 =	vmul.f32 $1.562500000e-02, v5;
	v3 =	vsub.s32 $0x5F3759DF, v3  }
0x140: {  	v12 =	vmul.f32 v13, v12;
	v21 =	vmul.f32 v3, v16  }
0x141: {  	v18 =	vadd.f32 v31, v18;
	v5 =	vsub.f32 v5, v19  }
0x142: {  	v12 =	vsub.f32 $1.500000000e+00, v12;
	v19 =	vmul.f32 v3, v21  }
0x143: {  	v56 =	vmul.f32 $1.562500000e-02, v18;
	v5 =	vadd.f32 $9.999999740e-06, v5  }
0x144: {  	v21 =	vadd.f32 v23, v30;
	v12 =	vmul.f32 v13, v12;
	v13 =	vsub.f32 $1.500000000e+00, v19  }
0x145: {  	v24 =	vmul.f32 v56, v56;
	v19 =	vshrl.u32 v5, $0x1;
	v5 =	vmul.f32 $5.000000000e-01, v5  }
0x146: {  	v21 =	vadd.f32 v29, v21;
	v19 =	vsub.s32 $0x5F3759DF, v19;
	v3 =	vmul.f32 v3, v13  }
0x147: {  	v4 =	vadd.f32 v36, v4;
	v23 =	vmul.f32 v12, v1;
	v13 =	vmul.f32 v19, v5  }
0x148: {  	v25 =	vadd.f32 v35, v25;
	v21 =	vmul.f32 $1.562500000e-02, v21;
	v18 =	vmul.f32 v3, v16  }
0x149: {  	v22 =	vadd.f32 v26, v22;
	v23 =	vmul.f32 v23, v12;
	v13 =	vmul.f32 v19, v13  }
0x14a: {  	v4 =	vadd.f32 v32, v4;
	v21 =	vsub.f32 v21, v24;
	v18 =	vmul.f32 v18, v3  }
0x14b: {  	v13 =	vsub.f32 $1.500000000e+00, v13;
	v23 =	vsub.f32 $1.500000000e+00, v23  }
0x14c: {  	s8 =	simm.s32 $0x81;
	v7 =	vmul.f32 $1.562500000e-02, v25;
	v21 =	vadd.f32 $9.999999740e-06, v21;
	v18 =	vsub.f32 $1.500000000e+00, v18  }
0x14d: {  	s12 =	simm.s32 $0x0;
	v19 =	vmul.f32 v19, v13;
	v13 =	vadd.s32 s8, v6;
	v12 =	vmul.f32 v23, v12  }
0x14e: {  	s2 =	simm.s32 $0x10;
	s3 =	sand.u32 $0x380, s12;
	v23 =	vadd.f32 v28, v27;
	v24 =	vshrl.u32 v21, $0x1;
	v21 =	vmul.f32 $5.000000000e-01, v21  }
0x14f: {  	s5 =	sand.u32 $0x50, s2;
	s1 =	sadd.s32 s3, s0;
	v24 =	vsub.s32 $0x5F3759DF, v24;
	v3 =	vmul.f32 v18, v3;
	v18 =	vmul.f32 v19, v5  }
0x150: {  	s14 =	simm.s32 $0x102;
	s2 =	sadd.s32 s5, s1;
	v27 =	vadd.s32 s12, v6;
	v1 =	vmul.f32 v12, v1;
	v28 =	vmul.f32 v24, v21  }
0x151: {  	s24 =	simm.s32 $0x20;
	s6 =	sand.u32 $0x40, s12;
	v37 =	vld [tilespmem:s2+$0x0];
	v29 =	vadd.s32 s14, v6;
	v16 =	vmul.f32 v3, v16;
	v18 =	vmul.f32 v18, v19  }
0x152: {  	s10 =	sand.u32 $0x60, s24;
	s7 =	sadd.s32 s6, s1;
	v26 =	vmul.f32 v1, v12;
	v25 =	vmul.f32 v24, v28;
	v1 =	vadd.f32 v14, v2;
	v30 =	vld.idx.msk [tilespmem:v13+s30+$0x0], $0xffff  }
0x153: {  	s26 =	sadd.s32 s10, s1;
	v40 =	vld [tilespmem:s7+$0x0];
	v2 =	vmul.f32 $1.562500000e-02, v4;
	v4 =	vmul.f32 v7, v7;
	v18 =	vsub.f32 $1.500000000e+00, v18  }
0x154: {  	v35 =	vmul.f32 $1.562500000e-02, v22;
	v9 =	vld [tilespmem:s26+$0x0];
	v16 =	vmul.f32 v16, v3  }
0x155: {  	v27 =	vld.idx.msk [tilespmem:v27+s30+$0x0], $0xffff;
	v2 =	vsub.f32 v2, v4;
	v18 =	vmul.f32 v18, v19;
	v19 =	vsub.f32 $1.500000000e+00, v25  }
0x156: {  	s25 =	sor.u32 $0x8000, s3;
	v23 =	vmul.f32 $1.562500000e-02, v23;
	v14 =	vsub.f32 $1.500000000e+00, v26;
	v4 =	vld.idx.msk [tilespmem:v29+s30+$0x0], $0xffff;
	v16 =	vsub.f32 $1.500000000e+00, v16  }
0x157: {  	s13 =	sor.u32 s5, s25;
	v2 =	vadd.f32 $9.999999740e-06, v2;
	v19 =	vmul.f32 v24, v19;
	v24 =	vadd.f32 v30, v37  }
0x158: {  	s3 =	sor.u32 $0x8400, s3;
	v22 =	vadd.s32 s8, v11;
	v33 =	vld [tilespmem:s13+$0x0];
	v63 =	vmul.f32 v14, v12;
	v5 =	vmul.f32 v18, v5  }
0x159: {  	s5 =	sor.u32 s5, s3;
	v43 =	vmul.f32 v16, v3;
	v26 =	vmul.f32 $5.000000000e-01, v2;
	v16 =	vsub.f32 v24, v42  }
0x15a: {  	s28 =	sor.u32 s6, s25;
	v14 =	vld [tilespmem:s5+$0x0];
	v3 =	vmul.f32 v5, v18;
	v24 =	vshrl.u32 v2, $0x1;
	v2 =	vadd.f32 v27, v40  }
0x15b: {  	s4 =	sor.u32 s10, s25;
	v31 =	vld [tilespmem:s28+$0x0];
	v4 =	vadd.f32 v4, v9;
	v5 =	vmul.f32 v19, v21;
	v16 =	vmul.f32 v16, v63  }
0x15c: {  	s31 =	sor.u32 s6, s3;
	v10 =	vld [tilespmem:s4+$0x0];
	v27 =	vmul.f32 v35, v35;
	v24 =	vsub.s32 $0x5F3759DF, v24;
	v2 =	vsub.f32 v2, v42  }
0x15d: {  	v50 =	vld [tilespmem:s31+$0x0];
	v4 =	vsub.f32 v4, v42;
	v5 =	vmul.f32 v5, v19;
	v16 =	vmul.f32 v16, v33  }
0x15e: {  	v15 =	vadd.f32 v15, v17;
	s6 =	sor.u32 s10, s3;
	v25 =	vmul.f32 v24, v26;
	v2 =	vmul.f32 v2, v63  }
0x15f: {  	v62 =	vld [tilespmem:s6+$0x0];
	v4 =	vmul.f32 v4, v63;
	v5 =	vsub.f32 $1.500000000e+00, v5;
	v28 =	vadd.f32 v16, v14  }
0x160: {  	s21 =	simm.s32 $0x12A80;
	v29 =	vadd.s32 s12, v11;
	v25 =	vmul.f32 v24, v25;
	v2 =	vmul.f32 v2, v31  }
0x161: {  	v4 =	vmul.f32 v4, v10;
	v5 =	vmul.f32 v5, v19;
	v19 =	vsub.f32 v23, v27;
	[tilespmem:s21+$0xFFFFFF80] =	vst v28  }
0x162: {  	s13 =	simm.s32 $0x183;
	v23 =	vsub.f32 $1.500000000e+00, v25;
	v27 =	vadd.s32 s14, v11;
	v2 =	vadd.f32 v2, v50;
	v22 =	vld.idx.msk [tilespmem:v22+s30+$0x0], $0xffff  }
0x163: {  	v20 =	vmul.f32 $1.562500000e-02, v20;
	s7 =	simm.s32 $0x30;
	v25 =	vadd.s32 s13, v6;
	v19 =	vadd.f32 $9.999999740e-06, v19  }
0x164: {  	s5 =	sand.u32 $0x70, s7;
	v4 =	vadd.f32 v4, v62;
	v17 =	vmul.f32 v5, v21;
	v21 =	vmul.f32 v24, v23;
	[tilespmem:s21+$0xFFFFFF00] =	vst v2  }
0x165: {  	v1 =	vmul.f32 $1.562500000e-02, v1;
	s1 =	sadd.s32 s5, s1;
	v23 =	vshrl.u32 v19, $0x1;
	v2 =	vmul.f32 $5.000000000e-01, v19;
	v19 =	vld.idx.msk [tilespmem:v29+s30+$0x0], $0xffff  }
0x166: {  	v38 =	vld [tilespmem:s1+$0x0];
	[tilespmem:s21+$0x0] =	vst v4;
	v17 =	vmul.f32 v17, v5;
	v24 =	vmul.f32 v21, v26;
	v23 =	vsub.s32 $0x5F3759DF, v23  }
0x167: {  	v16 =	vmul.f32 $1.562500000e-02, v0;
	v0 =	vld.idx.msk [tilespmem:v27+s30+$0x0], $0xffff;
	v28 =	vmul.f32 v23, v2;
	v4 =	vadd.f32 v22, v37  }
0x168: {  	v3 =	vsub.f32 $1.500000000e+00, v3;
	v25 =	vld.idx.msk [tilespmem:v25+s30+$0x0], $0xffff;
	v17 =	vsub.f32 $1.500000000e+00, v17;
	v22 =	vmul.f32 v24, v21  }
0x169: {  	v24 =	vmul.f32 v23, v28;
	v28 =	vmul.f32 v16, v16;
	v4 =	vsub.f32 v4, v49  }
0x16a: {  	v52 =	vmul.f32 v3, v18;
	v19 =	vadd.f32 v19, v40;
	v22 =	vsub.f32 $1.500000000e+00, v22  }
0x16b: {  	v24 =	vsub.f32 $1.500000000e+00, v24;
	v3 =	vsub.f32 v20, v28;
	v4 =	vmul.f32 v4, v43  }
0x16c: {  	v30 =	vadd.s32 s14, v57;
	v0 =	vadd.f32 v0, v9;
	v18 =	vsub.f32 v19, v49  }
0x16d: {  	s9 =	sor.u32 s5, s25;
	v20 =	vadd.f32 v25, v38;
	v19 =	vadd.s32 s8, v57;
	v4 =	vmul.f32 v4, v33  }
0x16e: {  	v47 =	vld [tilespmem:s9+$0x0];
	v3 =	vadd.f32 $9.999999740e-06, v3;
	v0 =	vsub.f32 v0, v49;
	v18 =	vmul.f32 v18, v43  }
0x16f: {  	s10 =	sor.u32 s5, s3;
	v21 =	vmul.f32 v22, v21;
	v22 =	vsub.f32 v20, v42;
	v4 =	vadd.f32 v4, v14  }
0x170: {  	v28 =	vadd.s32 s12, v57;
	v20 =	vld [tilespmem:s10+$0x0];
	v0 =	vmul.f32 v0, v43;
	v18 =	vmul.f32 v18, v31  }
0x171: {  	v27 =	vmovc v14;
	v29 =	vshrl.u32 v3, $0x1;
	v22 =	vmul.f32 v22, v63;
	v14 =	vmul.f32 $1.562500000e-02, v15;
	[tilespmem:s21+$0xFFFFFF90] =	vst v4  }
0x172: {  	v3 =	vmul.f32 $5.000000000e-01, v3;
	v0 =	vmul.f32 v0, v10;
	v18 =	vadd.f32 v18, v50;
	v19 =	vld.idx.msk [tilespmem:v19+s30+$0x0], $0xffff  }
0x173: {  	v32 =	vmovc v60;
	v15 =	vadd.s32 s13, v11;
	v22 =	vmul.f32 v22, v47;
	v4 =	vsub.s32 $0x5F3759DF, v29;
	[tilespmem:$0x1FDB0] =	vst v14  }
0x174: {  	v60 =	vmul.f32 v17, v5;
	v0 =	vadd.f32 v0, v62;
	v29 =	vmul.f32 v4, v3;
	[tilespmem:s21+$0xFFFFFF10] =	vst v18  }
0x175: {  	v26 =	vmul.f32 v21, v26;
	v22 =	vadd.f32 v22, v20;
	v18 =	vmul.f32 v23, v24;
	v24 =	vld.idx.msk [tilespmem:v28+s30+$0x0], $0xffff  }
0x176: {  	[tilespmem:s21+$0x10] =	vst v0;
	v23 =	vmul.f32 v4, v29;
	v28 =	vmul.f32 v14, v14  }
0x177: {  	v48 =	vadd.s32 s14, v58;
	s4 =	simm.s32 $0x285;
	[tilespmem:s21+$0x80] =	vst v22;
	v17 =	vld.idx.msk [tilespmem:v30+s30+$0x0], $0xffff;
	v29 =	vmul.f32 v18, v2;
	v0 =	vadd.f32 v19, v37  }
0x178: {  	v15 =	vld.idx.msk [tilespmem:v15+s30+$0x0], $0xffff;
	v5 =	vsub.f32 $1.500000000e+00, v23;
	v1 =	vsub.f32 v1, v28;
	v28 =	vadd.s32 s4, v6  }
0x179: {  	s11 =	simm.s32 $0x40;
	v19 =	vmul.f32 v26, v21;
	v22 =	vmul.f32 v29, v18;
	v0 =	vsub.f32 v0, v44  }
0x17a: {  	s15 =	simm.s32 $0x50;
	s16 =	sand.u32 $0x380, s11;
	v26 =	vadd.s32 s8, v58;
	v4 =	vmul.f32 v4, v5;
	v5 =	vadd.f32 v24, v40  }
0x17b: {  	s18 =	sand.u32 $0x50, s15;
	s17 =	sadd.s32 s16, s0;
	v1 =	vadd.f32 $9.999999740e-06, v1;
	v19 =	vsub.f32 $1.500000000e+00, v19;
	v0 =	vmul.f32 v0, v52  }
0x17c: {  	s2 =	sadd.s32 s18, s17;
	v29 =	vadd.s32 s12, v58;
	v22 =	vsub.f32 $1.500000000e+00, v22;
	v5 =	vsub.f32 v5, v44  }
0x17d: {  	v53 =	vld [tilespmem:s2+$0x0];
	v17 =	vadd.f32 v17, v9;
	v15 =	vadd.f32 v15, v38;
	v0 =	vmul.f32 v0, v33  }
0x17e: {  	v12 =	vmovc v44;
	v23 =	vmul.f32 v4, v3;
	v24 =	vshrl.u32 v1, $0x1;
	v28 =	vld.idx.msk [tilespmem:v28+s30+$0x0], $0xffff;
	v5 =	vmul.f32 v5, v52  }
0x17f: {  	s19 =	simm.s32 $0x60;
	v1 =	vmul.f32 $5.000000000e-01, v1;
	v17 =	vsub.f32 v17, v12;
	v0 =	vadd.f32 v0, v27  }
0x180: {  	s20 =	simm.s32 $0x306;
	s22 =	sand.u32 $0x60, s19;
	v15 =	vsub.f32 v15, v49;
	v24 =	vsub.s32 $0x5F3759DF, v24;
	v5 =	vmul.f32 v5, v31  }
0x181: {  	s6 =	sadd.s32 s22, s17;
	v54 =	vmul.f32 v19, v21;
	v17 =	vmul.f32 v17, v52;
	[tilespmem:s21+$0xFFFFFFA0] =	vst v0;
	v0 =	vadd.s32 s20, v6  }
0x182: {  	v41 =	vmovc v59;
	s23 =	sor.u32 $0x8000, s16;
	v59 =	vld [tilespmem:s6+$0x0];
	v30 =	vmul.f32 v24, v1;
	v15 =	vmul.f32 v15, v43;
	v5 =	vadd.f32 v5, v50  }
0x183: {  	s15 =	sor.u32 s18, s23;
	v23 =	vmul.f32 v23, v4;
	v17 =	vmul.f32 v17, v10;
	v21 =	vadd.f32 v28, v53;
	v46 =	vld.idx.msk [tilespmem:v26+s30+$0x0], $0xffff  }
0x184: {  	v8 =	vadd.s32 s13, v57;
	v25 =	vld [tilespmem:s15+$0x0];
	v30 =	vmul.f32 v24, v30;
	v15 =	vmul.f32 v15, v47;
	[tilespmem:s21+$0xFFFFFF20] =	vst v5  }
0x185: {  	s24 =	simm.s32 $0x204;
	v17 =	vadd.f32 v17, v62;
	v21 =	vsub.f32 v21, v42;
	v5 =	vmul.f32 v22, v18;
	v22 =	vld.idx.msk [tilespmem:v29+s30+$0x0], $0xffff  }
0x186: {  	v18 =	vsub.f32 $1.500000000e+00, v23;
	v23 =	vsub.f32 $1.500000000e+00, v30;
	v30 =	vadd.s32 s24, v6;
	v51 =	vld.idx.msk [tilespmem:v0+s30+$0x0], $0xffff  }
0x187: {  	s3 =	sor.u32 $0x8400, s16;
	s2 =	simm.s32 $0x387;
	v15 =	vadd.f32 v15, v20;
	[tilespmem:s21+$0x20] =	vst v17;
	v21 =	vmul.f32 v21, v63  }
0x188: {  	s7 =	sor.u32 s18, s3;
	v13 =	vmovc v27;
	v0 =	vmul.f32 v18, v4;
	v4 =	vld.idx.msk [tilespmem:v48+s30+$0x0], $0xffff;
	v18 =	vadd.s32 s2, v6;
	v17 =	vadd.f32 v46, v37  }
0x189: {  	v44 =	vmovc v33;
	v27 =	vmov v31;
	v31 =	vld [tilespmem:s7+$0x0];
	[tilespmem:s21+$0x90] =	vst v15;
	v19 =	vmul.f32 v5, v2;
	v2 =	vmul.f32 v24, v23  }
0x18a: {  	v15 =	vld.idx.msk [tilespmem:v8+s30+$0x0], $0xffff;
	v21 =	vmul.f32 v21, v25;
	v17 =	vsub.f32 v17, v56;
	v22 =	vadd.f32 v22, v40  }
0x18b: {  	v36 =	vadd.s32 s8, v41;
	s25 =	sor.u32 s22, s23;
	v19 =	vmul.f32 v19, v5;
	v24 =	vld.idx.msk [tilespmem:v30+s30+$0x0], $0xffff;
	[tilespmem:$0x1FE30] =	vst v44;
	v61 =	vadd.f32 v51, v59  }
0x18c: {  	v28 =	vmovc v38;
	v23 =	vmul.f32 v2, v1;
	v30 =	vld [tilespmem:s25+$0x0];
	v17 =	vmul.f32 v17, v60;
	v22 =	vsub.f32 v22, v56  }
0x18d: {  	s26 =	simm.s32 $0x70;
	s10 =	sor.u32 s22, s3;
	v38 =	vadd.s32 s4, v11;
	v4 =	vadd.f32 v4, v9;
	v18 =	vld.idx.msk [tilespmem:v18+s30+$0x0], $0xffff;
	[tilespmem:$0x1FE60] =	vst v13;
	v8 =	vsub.f32 v61, v42  }
0x18e: {  	v45 =	vmovc v41;
	s7 =	sand.u32 $0x70, s26;
	v21 =	vadd.f32 v21, v31;
	v33 =	vld [tilespmem:s10+$0x0];
	v17 =	vmul.f32 v17, v44;
	v22 =	vmul.f32 v22, v60  }
0x18f: {  	s1 =	sand.u32 $0x40, s11;
	s28 =	sadd.s32 s7, s17;
	v29 =	vmovc v37;
	v15 =	vadd.f32 v15, v28;
	v4 =	vsub.f32 v4, v56;
	v37 =	vmul.f32 v8, v63  }
0x190: {  	s19 =	simm.s32 $0x12C80;
	s5 =	sadd.s32 s1, s17;
	v34 =	vld [tilespmem:s28+$0x0];
	v61 =	vadd.s32 s12, v45;
	v17 =	vadd.f32 v17, v13;
	v22 =	vmul.f32 v22, v27  }
0x191: {  	s31 =	sor.u32 s7, s23;
	v48 =	vld [tilespmem:s5+$0x0];
	[tilespmem:s19+$0xFFFFFF80] =	vst v21;
	v4 =	vmul.f32 v4, v60;
	v41 =	vmul.f32 v37, v30  }
0x192: {  	v15 =	vsub.f32 v15, v12;
	v55 =	vld [tilespmem:s31+$0x0];
	[tilespmem:s21+$0xFFFFFFB0] =	vst v17;
	v17 =	vadd.s32 s20, v11;
	v22 =	vadd.f32 v22, v50  }
0x193: {  	v21 =	vmul.f32 v23, v2;
	v4 =	vmul.f32 v4, v10;
	v46 =	vld.idx.msk [tilespmem:v36+s30+$0x0], $0xffff;
	v23 =	vadd.f32 v41, v33  }
0x194: {  	v19 =	vsub.f32 $1.500000000e+00, v19;
	v15 =	vmul.f32 v15, v52;
	v8 =	vmovc v45;
	v45 =	vadd.s32 s14, v45;
	v41 =	vld.idx.msk [tilespmem:v38+s30+$0x0], $0xffff;
	[tilespmem:s21+$0xFFFFFF30] =	vst v22  }
0x195: {  	s6 =	sor.u32 s1, s23;
	v18 =	vadd.f32 v18, v34;
	v4 =	vadd.f32 v4, v62;
	v22 =	vld.idx.msk [tilespmem:v61+s30+$0x0], $0xffff;
	[tilespmem:s19+$0x0] =	vst v23  }
0x196: {  	v37 =	vmul.f32 v19, v5;
	v5 =	vadd.f32 v24, v48;
	v61 =	vld [tilespmem:s6+$0x0];
	[tilespmem:$0x1FD70] =	vst v47  }
0x197: {  	s1 =	sor.u32 s1, s3;
	v15 =	vmul.f32 v15, v47;
	v18 =	vsub.f32 v18, v42;
	[tilespmem:s21+$0x30] =	vst v4;
	v4 =	vld.idx.msk [tilespmem:v17+s30+$0x0], $0xffff  }
0x198: {  	v26 =	vmovc v13;
	v19 =	vsub.f32 $1.500000000e+00, v21;
	v21 =	vadd.s32 s4, v57;
	v5 =	vsub.f32 v5, v42;
	v13 =	vld [tilespmem:s1+$0x0]  }
0x199: {  	s3 =	sor.u32 s7, s3;
	v18 =	vmul.f32 v18, v63;
	v17 =	vadd.s32 s13, v58;
	v23 =	vld.idx.msk [tilespmem:v45+s30+$0x0], $0xffff;
	v24 =	vadd.f32 v41, v53  }
0x19a: {  	v15 =	vadd.f32 v15, v20;
	v5 =	vmul.f32 v5, v63;
	v14 =	vld [tilespmem:s3+$0x0];
	v22 =	vadd.f32 v22, v40  }
0x19b: {  	v36 =	vadd.s32 s24, v11;
	v18 =	vmul.f32 v18, v55;
	[tilespmem:$0x1FD80] =	vst v55;
	v24 =	vsub.f32 v24, v49  }
0x19c: {  	v41 =	vadd.s32 s2, v11;
	v5 =	vmul.f32 v5, v61;
	[tilespmem:s21+$0xA0] =	vst v15;
	v22 =	vsub.f32 v22, v7  }
0x19d: {  	v15 =	vadd.f32 v46, v29;
	[tilespmem:$0x1FF00] =	vst v29;
	v4 =	vadd.f32 v4, v59;
	v24 =	vmul.f32 v24, v43  }
0x19e: {  	v17 =	vld.idx.msk [tilespmem:v17+s30+$0x0], $0xffff;
	v5 =	vadd.f32 v5, v13;
	v23 =	vadd.f32 v23, v9;
	v22 =	vmul.f32 v22, v54  }
0x19f: {  	v18 =	vadd.f32 v18, v14;
	[tilespmem:$0x1FDC0] =	vst v14;
	v4 =	vsub.f32 v4, v49;
	v24 =	vmul.f32 v24, v25  }
0x1a0: {  	v15 =	vsub.f32 v15, v7;
	[tilespmem:s19+$0xFFFFFF00] =	vst v5;
	v23 =	vsub.f32 v23, v7;
	v5 =	vmul.f32 v22, v27  }
0x1a1: {  	[tilespmem:s19+$0x80] =	vst v18;
	v22 =	vadd.s32 s12, v32;
	v38 =	vld.idx.msk [tilespmem:v36+s30+$0x0], $0xffff;
	v4 =	vmul.f32 v4, v43;
	v24 =	vadd.f32 v24, v31  }
0x1a2: {  	v15 =	vmul.f32 v15, v54;
	v18 =	vadd.s32 s20, v57;
	v45 =	vld.idx.msk [tilespmem:v41+s30+$0x0], $0xffff;
	v23 =	vmul.f32 v23, v54  }
0x1a3: {  	v5 =	vadd.f32 v5, v50;
	v17 =	vadd.f32 v17, v28;
	v4 =	vmul.f32 v4, v30;
	[tilespmem:s19+$0xFFFFFF90] =	vst v24  }
0x1a4: {  	v51 =	vmovc v44;
	v2 =	vmul.f32 v19, v2;
	v41 =	vadd.s32 s14, v32;
	v23 =	vmul.f32 v23, v10;
	v19 =	vld.idx.msk [tilespmem:v21+s30+$0x0], $0xffff  }
0x1a5: {  	v15 =	vmul.f32 v15, v51;
	[tilespmem:s21+$0xFFFFFF40] =	vst v5;
	v5 =	vsub.f32 v17, v56;
	v4 =	vadd.f32 v4, v33  }
0x1a6: {  	v21 =	vld.idx.msk [tilespmem:v22+s30+$0x0], $0xffff;
	v17 =	vadd.f32 v23, v62;
	v23 =	vadd.f32 v38, v48  }
0x1a7: {  	v3 =	vmul.f32 v0, v3;
	v15 =	vadd.f32 v15, v26;
	v24 =	vadd.f32 v45, v34;
	[tilespmem:s19+$0x10] =	vst v4  }
0x1a8: {  	v5 =	vmul.f32 v5, v60;
	[tilespmem:s21+$0x40] =	vst v17;
	v17 =	vld.idx.msk [tilespmem:v18+s30+$0x0], $0xffff;
	v23 =	vsub.f32 v23, v49  }
0x1a9: {  	v39 =	vmovc v8;
	v8 =	vmov v47;
	v24 =	vsub.f32 v24, v49;
	v51 =	vld.idx.msk [tilespmem:v41+s30+$0x0], $0xffff;
	v19 =	vadd.f32 v19, v53  }
0x1aa: {  	v18 =	vadd.s32 s8, v32;
	v5 =	vmul.f32 v5, v8;
	v23 =	vmul.f32 v23, v43  }
0x1ab: {  	v4 =	vadd.s32 s24, v57;
	[tilespmem:$0x1FD90] =	vst v37;
	v21 =	vadd.f32 v21, v40;
	v19 =	vsub.f32 v19, v12  }
0x1ac: {  	v44 =	vmovc v7;
	v32 =	vadd.s32 s13, v39;
	v5 =	vadd.f32 v5, v20;
	[tilespmem:s21+$0xFFFFFFC0] =	vst v15;
	v23 =	vmul.f32 v23, v61  }
0x1ad: {  	[tilespmem:$0x1FE20] =	vst v25;
	v21 =	vsub.f32 v21, v35;
	v17 =	vadd.f32 v17, v59;
	v19 =	vmul.f32 v19, v52  }
0x1ae: {  	v15 =	vmul.f32 v24, v43;
	[tilespmem:$0x1FDE0] =	vst v35;
	v45 =	vadd.f32 v51, v9;
	v23 =	vadd.f32 v23, v13  }
0x1af: {  	v18 =	vld.idx.msk [tilespmem:v18+s30+$0x0], $0xffff;
	v21 =	vmul.f32 v21, v37;
	v17 =	vsub.f32 v17, v12;
	v19 =	vmul.f32 v19, v25  }
0x1b0: {  	v7 =	vmovc v10;
	v10 =	vmov v9;
	v9 =	vld [tilespmem:$0x1FFC0];
	[tilespmem:s21+$0xB0] =	vst v5;
	v5 =	vmul.f32 v15, v55;
	v24 =	vsub.f32 v45, v35  }
0x1b1: {  	v21 =	vmul.f32 v21, v27;
	[tilespmem:s19+$0xFFFFFF10] =	vst v23;
	v17 =	vmul.f32 v17, v52;
	v15 =	vadd.f32 v19, v31  }
0x1b2: {  	v1 =	vmul.f32 v2, v1;
	v23 =	vld.idx.msk [tilespmem:v32+s30+$0x0], $0xffff;
	[tilespmem:$0x1FE40] =	vst v50;
	v19 =	vmul.f32 v24, v37  }
0x1b3: {  	v36 =	vmovc v34;
	v34 =	vadd.s32 s4, v58;
	v21 =	vadd.f32 v21, v50;
	v17 =	vmul.f32 v17, v30;
	[tilespmem:s19+$0xFFFFFFA0] =	vst v15  }
0x1b4: {  	v5 =	vadd.f32 v5, v14;
	v4 =	vld.idx.msk [tilespmem:v4+s30+$0x0], $0xffff;
	v15 =	vmul.f32 v19, v7;
	[tilespmem:$0x1FEC0] =	vst v7  }
0x1b5: {  	v3 =	vmul.f32 v3, v0;
	v51 =	vadd.s32 s12, v9;
	v17 =	vadd.f32 v17, v33;
	[tilespmem:s21+$0xFFFFFF50] =	vst v21  }
0x1b6: {  	v1 =	vmul.f32 v1, v2;
	v19 =	vadd.s32 s14, v9;
	[tilespmem:s19+$0x90] =	vst v5;
	v5 =	vadd.f32 v15, v62  }
0x1b7: {  	v3 =	vsub.f32 $1.500000000e+00, v3;
	[tilespmem:s19+$0x20] =	vst v17  }
0x1b8: {  	v1 =	vsub.f32 $1.500000000e+00, v1;
	v47 =	vld.idx.msk [tilespmem:v34+s30+$0x0], $0xffff;
	[tilespmem:s21+$0x50] =	vst v5  }
0x1b9: {  	v22 =	vadd.s32 s2, v57;
	v34 =	vmul.f32 v3, v0;
	v0 =	vadd.f32 v18, v29;
	v29 =	vld [tilespmem:$0x1FFD0]  }
0x1ba: {  	v24 =	vadd.s32 s20, v58;
	v15 =	vld.idx.msk [tilespmem:v51+s30+$0x0], $0xffff  }
0x1bb: {  	v38 =	vmovc v12;
	v12 =	vmov v35;
	v35 =	vmul.f32 v1, v2;
	v1 =	vadd.f32 v4, v48;
	v4 =	vld.idx.msk [tilespmem:v19+s30+$0x0], $0xffff  }
0x1bc: {  	s29 =	simm.s32 $0x80  }
0x1bd: {  	s11 =	simm.s32 $0x50A;
	s9 =	sand.u32 $0x380, s29;
	s26 =	simm.s32 $0x489  }
0x1be: {  	s22 =	simm.s32 $0xB0;
	s7 =	sand.u32 $0x40, s29;
	s23 =	sadd.s32 s9, s0;
	v3 =	vadd.s32 s26, v6;
	v17 =	vld.idx.msk [tilespmem:v22+s30+$0x0], $0xffff;
	v5 =	vadd.s32 s8, v29  }
0x1bf: {  	s16 =	simm.s32 $0xA0;
	s15 =	sand.u32 $0x70, s22;
	s17 =	sadd.s32 s7, s23;
	v2 =	vadd.s32 s11, v6;
	v18 =	vld.idx.msk [tilespmem:v24+s30+$0x0], $0xffff;
	v15 =	vadd.f32 v15, v40;
	[tilespmem:$0x1FD60] =	vst v5  }
0x1c0: {  	s16 =	sand.u32 $0x60, s16;
	s25 =	sadd.s32 s15, s23;
	v1 =	vsub.f32 v1, v38;
	v4 =	vadd.f32 v4, v10;
	v37 =	vld [tilespmem:s17+$0x0]  }
0x1c1: {  	s28 =	sadd.s32 s16, s23;
	v14 =	vmov v16;
	v15 =	vsub.f32 v15, v16;
	v51 =	vld [tilespmem:s25+$0x0]  }
0x1c2: {  	v1 =	vmul.f32 v1, v52;
	v41 =	vld [tilespmem:s28+$0x0];
	v4 =	vsub.f32 v4, v14  }
0x1c3: {  	v3 =	vld.idx.msk [tilespmem:v3+s30+$0x0], $0xffff;
	[tilespmem:$0x1FED0] =	vst v16;
	v15 =	vmul.f32 v15, v34  }
0x1c4: {  	s31 =	simm.s32 $0x90;
	v1 =	vmul.f32 v1, v61;
	v2 =	vld.idx.msk [tilespmem:v2+s30+$0x0], $0xffff;
	v4 =	vmul.f32 v4, v34  }
0x1c5: {  	s1 =	sand.u32 $0x50, s31;
	v26 =	vmovc v7;
	v39 =	vmov v13;
	v0 =	vsub.f32 v0, v12;
	v15 =	vmul.f32 v15, v27  }
0x1c6: {  	s3 =	sor.u32 $0x8000, s9;
	s10 =	sadd.s32 s1, s23;
	v8 =	vmovc v50;
	v5 =	vadd.f32 v23, v28;
	v1 =	vadd.f32 v1, v39;
	v4 =	vmul.f32 v4, v26  }
0x1c7: {  	s6 =	sor.u32 $0x8400, s9;
	s9 =	sor.u32 s15, s3;
	v23 =	vadd.f32 v47, v53;
	v16 =	vld [tilespmem:s10+$0x0];
	[tilespmem:$0x1FF40] =	vst v36;
	v15 =	vadd.f32 v15, v8  }
0x1c8: {  	s18 =	simm.s32 $0x58B;
	s22 =	sor.u32 s16, s3;
	v13 =	vmov v57;
	v18 =	vadd.f32 v18, v59;
	v12 =	vld [tilespmem:s9+$0x0];
	[tilespmem:s19+$0xFFFFFF20] =	vst v1;
	v4 =	vadd.f32 v4, v62  }
0x1c9: {  	s5 =	simm.s32 $0x408;
	v57 =	vmovc v33;
	v22 =	vadd.s32 s18, v6;
	v23 =	vsub.f32 v23, v56;
	v33 =	vld [tilespmem:s22+$0x0];
	v2 =	vadd.f32 v2, v41;
	[tilespmem:s21+$0xFFFFFF60] =	vst v15  }
0x1ca: {  	v19 =	vadd.s32 s5, v6;
	v18 =	vsub.f32 v18, v56;
	v9 =	vld [tilespmem:$0x1FF60];
	[tilespmem:s21+$0x60] =	vst v4  }
0x1cb: {  	v24 =	vadd.s32 s12, v29;
	s12 =	sor.u32 s16, s6;
	v23 =	vmul.f32 v23, v60;
	v2 =	vsub.f32 v2, v42;
	v32 =	vld [tilespmem:$0x1FD70]  }
0x1cc: {  	s23 =	sor.u32 s1, s3;
	v5 =	vsub.f32 v5, v44;
	v18 =	vmul.f32 v18, v60;
	v47 =	vld [tilespmem:s12+$0x0]  }
0x1cd: {  	v50 =	vld [tilespmem:s23+$0x0];
	v23 =	vmul.f32 v23, v25;
	v3 =	vadd.f32 v3, v16;
	v2 =	vmul.f32 v2, v63  }
0x1ce: {  	v22 =	vld.idx.msk [tilespmem:v22+s30+$0x0], $0xffff;
	v5 =	vmul.f32 v5, v54;
	v18 =	vmul.f32 v18, v30  }
0x1cf: {  	s25 =	sor.u32 s1, s6;
	v19 =	vld.idx.msk [tilespmem:v19+s30+$0x0], $0xffff;
	v15 =	vadd.f32 v23, v31;
	v3 =	vsub.f32 v3, v42;
	v2 =	vmul.f32 v2, v33  }
0x1d0: {  	v55 =	vadd.s32 s24, v58;
	v6 =	vmovc v36;
	s28 =	sor.u32 s15, s6;
	v25 =	vld [tilespmem:s25+$0x0];
	v18 =	vadd.f32 v18, v57;
	v5 =	vmul.f32 v5, v32  }
0x1d1: {  	v17 =	vadd.f32 v17, v36;
	v36 =	vld [tilespmem:s28+$0x0];
	[tilespmem:s19+$0xFFFFFFB0] =	vst v15;
	v3 =	vmul.f32 v3, v63;
	v2 =	vadd.f32 v2, v47  }
0x1d2: {  	s31 =	sor.u32 s7, s3;
	s12 =	simm.s32 $0x12E80;
	v8 =	vld [tilespmem:$0x1FF70];
	[tilespmem:s19+$0x30] =	vst v18;
	v5 =	vadd.f32 v5, v20  }
0x1d3: {  	v46 =	vld [tilespmem:s31+$0x0];
	v3 =	vmul.f32 v3, v50;
	[tilespmem:s12+$0x0] =	vst v2  }
0x1d4: {  	v21 =	vadd.s32 s14, v29;
	v23 =	vld.idx.msk [tilespmem:v24+s30+$0x0], $0xffff;
	[tilespmem:s21+$0xC0] =	vst v5  }
0x1d5: {  	v1 =	vadd.s32 s4, v9;
	v3 =	vadd.f32 v3, v25;
	v14 =	vld [tilespmem:$0x1FD80]  }
0x1d6: {  	v17 =	vsub.f32 v17, v38;
	s6 =	sor.u32 s7, s6;
	v24 =	vld.idx.msk [tilespmem:v55+s30+$0x0], $0xffff;
	v4 =	vadd.s32 s20, v9  }
0x1d7: {  	v55 =	vld [tilespmem:s6+$0x0];
	[tilespmem:s12+$0xFFFFFF80] =	vst v3  }
0x1d8: {  	v17 =	vmul.f32 v17, v52;
	v26 =	vmov v31;
	v15 =	vadd.s32 s13, v8;
	v31 =	vld [tilespmem:$0x1FDC0]  }
0x1d9: {  	v21 =	vld.idx.msk [tilespmem:v21+s30+$0x0], $0xffff;
	v18 =	vadd.f32 v23, v40;
	v23 =	vadd.s32 s11, v11  }
0x1da: {  	v7 =	vmovc v10;
	v10 =	vmov v58;
	v1 =	vld.idx.msk [tilespmem:v1+s30+$0x0], $0xffff;
	v2 =	vmul.f32 v17, v14;
	v17 =	vadd.f32 v19, v37  }
0x1db: {  	v22 =	vadd.f32 v22, v51;
	v4 =	vld.idx.msk [tilespmem:v4+s30+$0x0], $0xffff;
	v19 =	vadd.s32 s2, v10  }
0x1dc: {  	v45 =	vmov v48;
	v3 =	vadd.f32 v24, v48;
	v48 =	vld [tilespmem:$0x1FD90];
	[tilespmem:$0x1FDA0] =	vst v42;
	v17 =	vsub.f32 v17, v42  }
0x1dd: {  	v5 =	vsub.f32 v22, v42;
	v15 =	vld.idx.msk [tilespmem:v15+s30+$0x0], $0xffff;
	v2 =	vadd.f32 v2, v31  }
0x1de: {  	v22 =	vadd.s32 s26, v11;
	v3 =	vsub.f32 v3, v56;
	v23 =	vld.idx.msk [tilespmem:v23+s30+$0x0], $0xffff;
	[tilespmem:$0x1FDD0] =	vst v63;
	v17 =	vmul.f32 v17, v63  }
0x1df: {  	v24 =	vadd.s32 s5, v11;
	v5 =	vmul.f32 v5, v63;
	v8 =	vld [tilespmem:$0x1FDB0];
	[tilespmem:s19+$0xA0] =	vst v2  }
0x1e0: {  	v2 =	vmul.f32 v3, v60;
	v3 =	vadd.f32 v4, v59;
	v4 =	vld.idx.msk [tilespmem:v19+s30+$0x0], $0xffff;
	v17 =	vmul.f32 v17, v46  }
0x1e1: {  	v5 =	vmul.f32 v5, v12  }
0x1e2: {  	v40 =	vmovc v12;
	v12 =	vld [tilespmem:$0x1FDE0];
	v3 =	vsub.f32 v3, v44;
	v2 =	vmul.f32 v2, v61;
	v17 =	vadd.f32 v17, v55  }
0x1e3: {  	v22 =	vld.idx.msk [tilespmem:v22+s30+$0x0], $0xffff;
	v23 =	vadd.f32 v23, v41  }
0x1e4: {  	v15 =	vadd.f32 v15, v28;
	v3 =	vmul.f32 v3, v54;
	v2 =	vadd.f32 v2, v39;
	[tilespmem:s12+$0xFFFFFF00] =	vst v17  }
0x1e5: {  	v17 =	vsub.f32 v23, v49;
	v4 =	vadd.f32 v4, v6;
	v23 =	vld.idx.msk [tilespmem:v24+s30+$0x0], $0xffff;
	[tilespmem:$0x1FDF0] =	vst v56  }
0x1e6: {  	v21 =	vadd.f32 v21, v7;
	v5 =	vadd.f32 v5, v36;
	v3 =	vmul.f32 v3, v30;
	[tilespmem:$0x1FE00] =	vst v57  }
0x1e7: {  	v15 =	vsub.f32 v15, v12;
	v6 =	vadd.s32 s4, v29;
	v7 =	vsub.f32 v4, v56;
	v4 =	vld [tilespmem:$0x1FFC0];
	[tilespmem:s19+$0xFFFFFF30] =	vst v2  }
0x1e8: {  	v3 =	vadd.f32 v3, v57;
	[tilespmem:$0x1FE10] =	vst v6  }
0x1e9: {  	v15 =	vmul.f32 v15, v48;
	[tilespmem:s12+$0x80] =	vst v5  }
0x1ea: {  	v1 =	vadd.f32 v1, v53;
	[tilespmem:s19+$0x40] =	vst v3  }
0x1eb: {  	v15 =	vmul.f32 v15, v32;
	v6 =	vld [tilespmem:$0x1FE20]  }
0x1ec: {  	v18 =	vsub.f32 v18, v8;
	v1 =	vsub.f32 v1, v44  }
0x1ed: {  	v58 =	vmov v27;
	v2 =	vadd.f32 v15, v20  }
0x1ee: {  	v18 =	vmul.f32 v18, v35;
	v1 =	vmul.f32 v1, v54  }
0x1ef: {  	v22 =	vadd.f32 v22, v16;
	v17 =	vmul.f32 v17, v43;
	[tilespmem:s21+$0xD0] =	vst v2  }
0x1f0: {  	v18 =	vmul.f32 v18, v58;
	v58 =	vmovc v59;
	v59 =	vmov v6;
	v1 =	vmul.f32 v1, v6;
	v6 =	vld [tilespmem:$0x1FE30]  }
0x1f1: {  	v17 =	vmul.f32 v17, v33  }
0x1f2: {  	v27 =	vmovc v53;
	v53 =	vmovc v36;
	v36 =	vmov v55;
	v22 =	vsub.f32 v22, v49;
	v55 =	vadd.s32 s24, v9  }
0x1f3: {  	v0 =	vmul.f32 v0, v48;
	v19 =	vadd.s32 s18, v11;
	v3 =	vadd.f32 v17, v47  }
0x1f4: {  	v22 =	vmul.f32 v22, v43;
	v24 =	vadd.s32 s13, v4  }
0x1f5: {  	v56 =	vmov v6;
	v0 =	vmul.f32 v0, v6;
	v6 =	vld [tilespmem:$0x1FF70];
	[tilespmem:s12+$0x10] =	vst v3  }
0x1f6: {  	v15 =	vmul.f32 v22, v50;
	v3 =	vld [tilespmem:$0x1FE40]  }
0x1f7: {  	v5 =	vld.idx.msk [tilespmem:v55+s30+$0x0], $0xffff  }
0x1f8: {  	v2 =	vld.idx.msk [tilespmem:v19+s30+$0x0], $0xffff;
	v15 =	vadd.f32 v15, v25  }
0x1f9: {  	v22 =	vadd.f32 v23, v37;
	v23 =	vld.idx.msk [tilespmem:v24+s30+$0x0], $0xffff;
	[tilespmem:$0x1FE50] =	vst v26  }
0x1fa: {  	[tilespmem:s12+$0xFFFFFF90] =	vst v15  }
0x1fb: {  	v63 =	vadd.f32 v18, v3;
	v3 =	vld [tilespmem:$0x1FE60];
	_ =	sdelay $0x3  }
0x1fc: {  	v17 =	vadd.s32 s26, v13;
	v1 =	vadd.f32 v1, v26  }
0x1fd: {  	v19 =	vadd.s32 s20, v6;
	v0 =	vadd.f32 v0, v3  }
0x1fe: {  	[tilespmem:s19+$0xFFFFFFC0] =	vst v1  }
0x1ff: {  	v18 =	vadd.s32 s11, v13;
	v1 =	vadd.f32 v5, v45;
	[tilespmem:s21+$0xFFFFFFD0] =	vst v0  }
0x200: {  	v24 =	vadd.s32 s8, v4;
	v4 =	vmul.f32 v7, v60;
	v15 =	vadd.s32 s4, v6;
	[tilespmem:$0x1FE70] =	vst v60  }
0x201: {  	v22 =	vsub.f32 v22, v49;
	v1 =	vsub.f32 v1, v44;
	v17 =	vld.idx.msk [tilespmem:v17+s30+$0x0], $0xffff  }
0x202: {  	v4 =	vmul.f32 v4, v14;
	v5 =	vsub.f32 v21, v8;
	v19 =	vld.idx.msk [tilespmem:v19+s30+$0x0], $0xffff;
	[tilespmem:$0x1FE80] =	vst v44  }
0x203: {  	v21 =	vmul.f32 v22, v43;
	v22 =	vadd.f32 v23, v28;
	v23 =	vmul.f32 v1, v54;
	v1 =	vld [tilespmem:$0x1FEC0];
	[tilespmem:$0x1FE90] =	vst v35  }
0x204: {  	v18 =	vld.idx.msk [tilespmem:v18+s30+$0x0], $0xffff;
	[tilespmem:$0x1FEA0] =	vst v49  }
0x205: {  	v4 =	vadd.f32 v4, v31;
	v21 =	vmul.f32 v21, v46;
	v0 =	vadd.s32 s5, v13;
	v15 =	vld.idx.msk [tilespmem:v15+s30+$0x0], $0xffff;
	[tilespmem:$0x1FEB0] =	vst v54  }
0x206: {  	v24 =	vld.idx.msk [tilespmem:v24+s30+$0x0], $0xffff;
	[tilespmem:$0x1FEE0] =	vst v34  }
0x207: {  	v21 =	vadd.f32 v21, v36;
	v7 =	vld [tilespmem:$0x1FED0];
	[tilespmem:s19+$0xB0] =	vst v4  }
0x208: {  	v17 =	vadd.f32 v17, v16;
	[tilespmem:$0x1FEF0] =	vst v43  }
0x209: {  	[tilespmem:s12+$0xFFFFFF10] =	vst v21  }
0x20a: {  	v5 =	vmul.f32 v5, v35;
	v4 =	vsub.f32 v17, v38;
	v17 =	vld.idx.msk [tilespmem:v0+s30+$0x0], $0xffff  }
0x20b: {  	v2 =	vadd.f32 v2, v51;
	v0 =	vld [tilespmem:$0x1FF00]  }
0x20c: {  	v1 =	vmul.f32 v5, v1;
	v5 =	vadd.s32 s2, v9  }
0x20d: {  	v2 =	vsub.f32 v2, v49;
	v22 =	vsub.f32 v22, v7;
	_ =	sdelay $0x1  }
0x20e: {  	v2 =	vmul.f32 v2, v43;
	v55 =	vmov v3;
	v22 =	vmul.f32 v22, v34  }
0x20f: {  	v23 =	vmul.f32 v23, v61;
	v43 =	vmovc v0;
	v3 =	vadd.f32 v24, v0;
	v0 =	vmul.f32 v4, v52  }
0x210: {  	v21 =	vmul.f32 v22, v32;
	v9 =	vld.idx.msk [tilespmem:v5+s30+$0x0], $0xffff;
	[tilespmem:$0x1FF10] =	vst v38  }
0x211: {  	[tilespmem:$0x1FF20] =	vst v52;
	v4 =	vadd.f32 v23, v39;
	v22 =	vmul.f32 v0, v50;
	v0 =	vadd.s32 s18, v10  }
0x212: {  	v21 =	vadd.f32 v21, v20;
	[tilespmem:$0x1FF30] =	vst v0  }
0x213: {  	v18 =	vadd.f32 v18, v41;
	[tilespmem:s19+$0xFFFFFF40] =	vst v4  }
0x214: {  	[tilespmem:s21+$0xE0] =	vst v21  }
0x215: {  	v11 =	vadd.s32 s18, v13;
	v6 =	vadd.s32 s24, v6;
	v18 =	vsub.f32 v18, v38;
	[tilespmem:s21+$0xFFFFFF70] =	vst v63  }
0x216: {  	v42 =	vmovc v61;
	v2 =	vmul.f32 v2, v40;
	v8 =	vadd.s32 s13, v29;
	v15 =	vadd.f32 v15, v27;
	v0 =	vld [tilespmem:$0x1FF40]  }
0x217: {  	v57 =	vmovc v47;
	v26 =	vmovc v25;
	v61 =	vadd.s32 s26, v29;
	v19 =	vadd.f32 v19, v58;
	v5 =	vmul.f32 v18, v52  }
0x218: {  	v35 =	vmovc v14;
	v44 =	vmovc v37;
	v49 =	vmov v51;
	v18 =	vadd.s32 s26, v10;
	v23 =	vsub.f32 v15, v12  }
0x219: {  	v54 =	vmovc v40;
	v15 =	vsub.f32 v19, v12;
	v19 =	vadd.f32 v2, v53;
	v5 =	vmul.f32 v5, v33  }
0x21a: {  	v47 =	vmul.f32 v23, v48;
	v2 =	vsub.f32 v3, v7;
	v24 =	vadd.f32 v22, v25;
	v22 =	vld.idx.msk [tilespmem:v6+s30+$0x0], $0xffff  }
0x21b: {  	s14 =	simm.s32 $0x60C;
	s6 =	simm.s32 $0x12E80;
	s13 =	simm.s32 $0x8;
	v23 =	vadd.f32 v17, v37;
	v21 =	vadd.s32 s11, v10;
	v3 =	vld.idx.msk [tilespmem:v8+s30+$0x0], $0xffff;
	v14 =	vmovc v0;
	v29 =	vadd.f32 v9, v0  }
.LBB2_7:
0x21c: {  	v12 =	vld [tilespmem:$0x1FD90]  }
0x21d: {  	v0 =	vld [tilespmem:$0x1FEE0]  }
0x21e: {  	v4 =	vld [tilespmem:$0x1FE00]  }
0x21f: {  	v25 =	vld [tilespmem:$0x1FFE0]  }
0x220: {  	v37 =	vld [tilespmem:$0x1FF50]  }
0x221: {  	v51 =	vld [tilespmem:$0x1FDE0]  }
0x222: {  	[tilespmem:$0x1FD00] =	vst v44;
	v63 =	vld [tilespmem:$0x1FF20]  }
0x223: {  	v10 =	vadd.f32 v1, v62;
	v38 =	vld [tilespmem:$0x1FDB0];
	[tilespmem:s12+$0xFFFFFFA0] =	vst v24  }
0x224: {  	v62 =	vmov v44;
	v44 =	vmov v57;
	v5 =	vadd.f32 v5, v57;
	[tilespmem:s12+$0x90] =	vst v19;
	v57 =	vld [tilespmem:$0x1FFF0]  }
0x225: {  	v6 =	vld.idx.msk [tilespmem:v18+s30+$0x0], $0xffff;
	[tilespmem:s21+$0x70] =	vst v10  }
0x226: {  	s15 =	sadd.s32 $0x183, s14;
	[tilespmem:s12+$0x20] =	vst v5;
	v5 =	vld.idx.msk [tilespmem:v11+s30+$0x0], $0xffff  }
0x227: {  	v22 =	vadd.f32 v22, v45;
	v21 =	vld.idx.msk [tilespmem:v21+s30+$0x0], $0xffff;
	v8 =	vadd.s32 s15, v25  }
0x228: {  	s16 =	sadd.s32 $0x81, s14;
	v3 =	vadd.f32 v3, v28;
	v28 =	vld [tilespmem:$0x1FFD0];
	v2 =	vmul.f32 v2, v0;
	v0 =	vlaneseq.u32;
	v1 =	vmovc v8  }
0x229: {  	s17 =	sadd.s32 $0x102, s14;
	v13 =	vmov v4;
	v4 =	vld [tilespmem:$0x1FF10];
	[tilespmem:$0x1FD50] =	vst v1;
	v1 =	vadd.s32 s16, v25  }
0x22a: {  	v17 =	vadd.s32 s16, v0;
	v24 =	vadd.s32 s17, v0;
	v22 =	vsub.f32 v22, v51;
	[tilespmem:$0x1FD10] =	vst v1;
	v1 =	vld [tilespmem:$0x1FE10]  }
0x22b: {  	v7 =	vadd.s32 s14, v0;
	v8 =	vadd.s32 s15, v0;
	v9 =	vmul.f32 v2, v56;
	v0 =	vmovc v14;
	v14 =	vld [tilespmem:$0x1FE90]  }
0x22c: {  	v15 =	vmul.f32 v15, v12;
	v22 =	vmul.f32 v22, v12;
	v12 =	vld [tilespmem:$0x1FDA0]  }
0x22d: {  	[tilespmem:$0x1FCF0] =	vst v47;
	v47 =	vmovc v55;
	v9 =	vadd.f32 v9, v55;
	v55 =	vmov v46;
	v46 =	vmov v45;
	v45 =	vld [tilespmem:$0x1FFC0]  }
0x22e: {  	[tilespmem:$0x1FCC0] =	vst v0;
	v0 =	vld [tilespmem:$0x1FD60]  }
0x22f: {  	v2 =	vmov v49;
	v49 =	vld [tilespmem:$0x1FE70]  }
0x230: {  	s29 =	sadd.s32 $0x40, s29;
	v17 =	vld.idx.msk [tilespmem:v17+s30+$0x0], $0xffff  }
0x231: {  	[dreg:$0x3] =	wrdreg s18;
	s22 =	sand.u32 $0x380, s29;
	v24 =	vld.idx.msk [tilespmem:v24+s30+$0x0], $0xffff  }
0x232: {  	v34 =	vmov v42;
	s18 =	smov.u32 s6;
	s6 =	sand.u32 $0x40, s29;
	s31 =	sadd.s32 s22, s0;
	v3 =	vsub.f32 v3, v38;
	v23 =	vsub.f32 v23, v4;
	[tilespmem:$0x1FF40] =	vst v2;
	v7 =	vld.idx.msk [tilespmem:v7+s30+$0x0], $0xffff  }
0x233: {  	s1 =	smov.u32 s21;
	v15 =	vmul.f32 v15, v30;
	v5 =	vadd.f32 v5, v2;
	[tilespmem:s21+$0xFFFFFFE0] =	vst v9;
	s21 =	sadd.s32 s6, s31;
	v8 =	vld.idx.msk [tilespmem:v8+s30+$0x0], $0xffff;
	v2 =	vmov v61  }
0x234: {  	[tilespmem:$0x1FCD0] =	vst v34;
	v22 =	vmul.f32 v22, v34;
	v9 =	vmul.f32 v23, v63;
	v34 =	vld [tilespmem:s21+$0x0]  }
0x235: {  	v15 =	vadd.f32 v15, v13;
	v61 =	vld [tilespmem:$0x1FEE0];
	v3 =	vmul.f32 v3, v14  }
0x236: {  	s10 =	sadd.s32 $0x20, s29;
	[tilespmem:$0x1FE10] =	vst v2;
	v60 =	vadd.s32 s20, v45;
	v9 =	vmul.f32 v9, v55;
	v2 =	vmov v27;
	v27 =	vld [tilespmem:$0x1FE80]  }
0x237: {  	s23 =	sand.u32 $0x60, s10;
	v10 =	vadd.s32 s5, v37;
	[tilespmem:s19+$0x50] =	vst v15;
	v15 =	vmul.f32 v3, v32;
	v23 =	vld.idx.msk [tilespmem:v0+s30+$0x0], $0xffff  }
0x238: {  	s3 =	smov.u32 s11;
	[tilespmem:$0x1FD30] =	vst v30;
	s11 =	sadd.s32 s23, s31;
	v9 =	vadd.f32 v9, v36;
	v0 =	vmov v1;
	v1 =	vmov v30;
	v30 =	vld [tilespmem:$0x1FDF0]  }
0x239: {  	v5 =	vsub.f32 v5, v4;
	v4 =	vadd.f32 v15, v20;
	v15 =	vld [tilespmem:s11+$0x0]  }
0x23a: {  	v11 =	vadd.s32 s24, v45;
	v3 =	vmov v41;
	[tilespmem:s12+$0xFFFFFF20] =	vst v9;
	v9 =	vadd.f32 v21, v41;
	v41 =	vld [tilespmem:$0x1FF60]  }
0x23b: {  	s7 =	sadd.s32 $0x10, s29;
	v42 =	vadd.s32 s16, v28;
	[tilespmem:$0x1FF00] =	vst v2;
	v60 =	vld.idx.msk [tilespmem:v60+s30+$0x0], $0xffff  }
0x23c: {  	s28 =	sadd.s32 $0x30, s29;
	s9 =	sand.u32 $0x50, s7;
	v22 =	vadd.f32 v22, v39;
	[tilespmem:$0x1FD60] =	vst v0;
	v2 =	vmov v50;
	v10 =	vld.idx.msk [tilespmem:v10+s30+$0x0], $0xffff  }
0x23d: {  	[dreg:$0x5] =	wrdreg s4;
	s4 =	sand.u32 $0x70, s28;
	s28 =	sadd.s32 s9, s31;
	v6 =	vadd.f32 v6, v16;
	[tilespmem:$0x1FE20] =	vst v2;
	v2 =	vld [tilespmem:$0x1FE50]  }
0x23e: {  	s8 =	smov.u32 s2;
	s2 =	smov.u32 s0;
	s0 =	sor.u32 $0x8000, s22;
	[tilespmem:s19+$0xFFFFFF50] =	vst v22;
	v0 =	vmov v42;
	v42 =	vmov v16;
	v16 =	vld [tilespmem:s28+$0x0]  }
0x23f: {  	v40 =	vmov v58;
	s10 =	sor.u32 s23, s0;
	v11 =	vld.idx.msk [tilespmem:v11+s30+$0x0], $0xffff;
	v6 =	vsub.f32 v6, v30  }
0x240: {  	[dreg:$0xa] =	wrdreg s20;
	v48 =	vmovc v35;
	s25 =	sadd.s32 s4, s31;
	[tilespmem:$0x1FCB0] =	vst v13;
	s20 =	sor.u32 s6, s0;
	v20 =	vmov v31;
	v31 =	vsub.f32 v29, v27;
	v29 =	vld [tilespmem:s10+$0x0];
	v21 =	vadd.f32 v23, v43  }
0x241: {  	v35 =	vmovc v54;
	v52 =	vmov v53;
	v5 =	vmul.f32 v5, v63;
	[dreg:$0x8] =	wrdreg s20;
	s20 =	sor.u32 $0x8400, s22;
	[tilespmem:$0x1FD40] =	vst v0;
	v0 =	vld [tilespmem:s25+$0x0];
	v6 =	vmul.f32 v6, v49  }
0x242: {  	v18 =	vadd.s32 s16, v57;
	s23 =	sor.u32 s23, s20;
	[tilespmem:s1+$0xF0] =	vst v4;
	v4 =	vmovc v59;
	v59 =	vld [tilespmem:$0x1FF70];
	v9 =	vsub.f32 v9, v30;
	v21 =	vsub.f32 v21, v38  }
0x243: {  	v13 =	vmovc v26;
	v32 =	vadd.s32 s17, v57;
	v5 =	vmul.f32 v5, v35;
	v43 =	vld [tilespmem:s23+$0x0];
	[tilespmem:$0x1FE30] =	vst v4;
	v6 =	vmul.f32 v6, v50  }
0x244: {  	s23 =	rddreg [dreg:$0x8];
	v60 =	vadd.f32 v60, v40;
	v9 =	vmul.f32 v9, v49;
	v40 =	vmovc v13;
	v13 =	vld [tilespmem:$0x1FF30];
	v21 =	vmul.f32 v21, v14  }
0x245: {  	v22 =	vadd.s32 s26, v41;
	v4 =	vmovc v2;
	v2 =	vmovc v46;
	v11 =	vadd.f32 v11, v46;
	v46 =	vld [tilespmem:s23+$0x0];
	v6 =	vadd.f32 v6, v26  }
0x246: {  	s31 =	sor.u32 s4, s0;
	v7 =	vadd.f32 v7, v34;
	v5 =	vadd.f32 v5, v52;
	v50 =	vld [tilespmem:$0x1FEB0];
	v21 =	vmul.f32 v21, v56  }
0x247: {  	v8 =	vadd.f32 v8, v0;
	v26 =	vld [tilespmem:s31+$0x0];
	[tilespmem:s12+$0xFFFFFFB0] =	vst v6;
	v6 =	vmul.f32 v9, v33;
	v9 =	vadd.f32 v24, v15  }
0x248: {  	s7 =	sor.u32 s6, s20;
	s6 =	sor.u32 s9, s0;
	[tilespmem:s18+$0xA0] =	vst v5;
	v24 =	vadd.s32 s15, v57;
	v5 =	vadd.f32 v21, v47;
	v21 =	vadd.s32 s14, v57;
	v57 =	vld [tilespmem:$0x1FDD0]  }
0x249: {  	[tilespmem:$0x1FCE0] =	vst v58;
	v7 =	vsub.f32 v7, v12;
	v17 =	vadd.f32 v17, v16;
	v58 =	vld [tilespmem:s6+$0x0]  }
0x24a: {  	v19 =	vadd.s32 s15, v37;
	v10 =	vadd.f32 v10, v62;
	v8 =	vsub.f32 v8, v12;
	v22 =	vld.idx.msk [tilespmem:v22+s30+$0x0], $0xffff  }
0x24b: {  	v62 =	vmov v19;
	v9 =	vsub.f32 v9, v12;
	[tilespmem:s1+$0xFFFFFFF0] =	vst v5;
	v5 =	vsub.f32 v17, v12;
	v12 =	vld [tilespmem:$0x1FED0]  }
0x24c: {  	v23 =	vadd.s32 s3, v41;
	[tilespmem:$0x1FF30] =	vst v62;
	v62 =	vld [tilespmem:$0x1FCB0];
	v31 =	vmul.f32 v31, v50  }
0x24d: {  	s22 =	sor.u32 s9, s20;
	[tilespmem:$0x1FE60] =	vst v4;
	v4 =	vld [tilespmem:$0x1FF40];
	v9 =	vmul.f32 v9, v57  }
0x24e: {  	v53 =	vmov v33;
	s20 =	sor.u32 s4, s20;
	v6 =	vadd.f32 v6, v44;
	v33 =	vld [tilespmem:s22+$0x0];
	v17 =	vmul.f32 v31, v48  }
0x24f: {  	s21 =	smov.u32 s19;
	s19 =	smov.u32 s18;
	v56 =	vmovc v39;
	v54 =	vld [tilespmem:s20+$0x0];
	v31 =	vadd.s32 s8, v59;
	v5 =	vmul.f32 v5, v57;
	v9 =	vmul.f32 v9, v29  }
0x250: {  	v39 =	vld [tilespmem:$0x1FEA0];
	[tilespmem:s19+$0x30] =	vst v6;
	v8 =	vmul.f32 v8, v57;
	v6 =	vsub.f32 v60, v12;
	v60 =	vadd.f32 v17, v20  }
0x251: {  	v10 =	vsub.f32 v10, v30;
	v23 =	vld.idx.msk [tilespmem:v23+s30+$0x0], $0xffff;
	v5 =	vmul.f32 v5, v58;
	v9 =	vadd.f32 v9, v43  }
0x252: {  	s12 =	sadd.s32 $0x200, s12;
	v13 =	vld.idx.msk [tilespmem:v13+s30+$0x0], $0xffff;
	v8 =	vmul.f32 v8, v26;
	v6 =	vmul.f32 v6, v61;
	[tilespmem:s21+$0xC0] =	vst v60  }
0x253: {  	v7 =	vmul.f32 v7, v57;
	v17 =	vld [tilespmem:s7+$0x0];
	v5 =	vadd.f32 v5, v33;
	[tilespmem:s12+$0x0] =	vst v9;
	v9 =	vmul.f32 v10, v49  }
0x254: {  	v19 =	vadd.f32 v22, v42;
	v8 =	vadd.f32 v8, v54;
	v31 =	vld.idx.msk [tilespmem:v31+s30+$0x0], $0xffff;
	v6 =	vmul.f32 v6, v1  }
0x255: {  	v10 =	vsub.f32 v11, v12;
	[tilespmem:s12+$0xFFFFFF80] =	vst v5;
	v11 =	vadd.s32 s5, v41;
	v1 =	vld [tilespmem:$0x1FCC0];
	v9 =	vmul.f32 v9, v55  }
0x256: {  	v23 =	vadd.f32 v23, v3;
	v18 =	vld.idx.msk [tilespmem:v18+s30+$0x0], $0xffff;
	v6 =	vadd.f32 v6, v62  }
0x257: {  	v47 =	vmovc v42;
	v42 =	vmov v3;
	v7 =	vmul.f32 v7, v46;
	v3 =	vld [tilespmem:$0x1FCD0];
	[tilespmem:s12+$0x80] =	vst v8;
	v9 =	vadd.f32 v9, v36  }
0x258: {  	s25 =	rddreg [dreg:$0xa];
	v5 =	vld.idx.msk [tilespmem:v32+s30+$0x0], $0xffff;
	v23 =	vsub.f32 v23, v27;
	[tilespmem:s21+$0x60] =	vst v6  }
0x259: {  	v22 =	vadd.s32 s25, v28;
	v60 =	vld [tilespmem:$0x1FD90];
	v6 =	vadd.f32 v7, v17;
	[tilespmem:s19+$0xFFFFFF30] =	vst v9  }
0x25a: {  	v10 =	vmul.f32 v10, v61;
	v7 =	vmul.f32 v23, v50;
	v9 =	vadd.f32 v13, v4;
	v8 =	vld.idx.msk [tilespmem:v11+s30+$0x0], $0xffff  }
0x25b: {  	v23 =	vadd.f32 v31, v1;
	[tilespmem:s12+$0xFFFFFF00] =	vst v6;
	v6 =	vadd.f32 v18, v16;
	v18 =	vld.idx.msk [tilespmem:v24+s30+$0x0], $0xffff  }
0x25c: {  	v9 =	vsub.f32 v9, v30;
	v30 =	vld [tilespmem:$0x1FEF0]  }
0x25d: {  	v10 =	vmul.f32 v10, v3;
	v5 =	vadd.f32 v5, v15;
	v11 =	vsub.f32 v23, v51  }
0x25e: {  	v57 =	vadd.s32 s24, v28  }
0x25f: {  	v22 =	vld.idx.msk [tilespmem:v22+s30+$0x0], $0xffff;
	v10 =	vadd.f32 v10, v56;
	v5 =	vsub.f32 v5, v39;
	v11 =	vmul.f32 v11, v60  }
0x260: {  	v6 =	vsub.f32 v6, v39;
	v9 =	vmul.f32 v9, v49;
	v49 =	vmovc v0;
	v18 =	vadd.f32 v18, v0;
	v0 =	vld [tilespmem:$0x1FCE0]  }
0x261: {  	s11 =	smov.u32 s17;
	v31 =	vadd.s32 s14, v25;
	v7 =	vmul.f32 v7, v53;
	v21 =	vld.idx.msk [tilespmem:v21+s30+$0x0], $0xffff;
	v5 =	vmul.f32 v5, v30  }
0x262: {  	[tilespmem:s21+$0xFFFFFF60] =	vst v10;
	v10 =	vadd.s32 s11, v25;
	v25 =	vld [tilespmem:$0x1FE20];
	v11 =	vmul.f32 v11, v48;
	v6 =	vmul.f32 v6, v30  }
0x263: {  	v19 =	vsub.f32 v19, v27;
	v7 =	vadd.f32 v7, v44;
	v5 =	vmul.f32 v5, v29  }
0x264: {  	v32 =	vld.idx.msk [tilespmem:v57+s30+$0x0], $0xffff;
	v11 =	vadd.f32 v11, v20;
	v6 =	vmul.f32 v6, v58  }
0x265: {  	v19 =	vmul.f32 v19, v50;
	[tilespmem:s19+$0x40] =	vst v7;
	v7 =	vadd.f32 v22, v0;
	v5 =	vadd.f32 v5, v43;
	v0 =	vld [tilespmem:$0x1FCF0]  }
0x266: {  	v57 =	vmov v43;
	[tilespmem:s21+$0xD0] =	vst v11;
	v6 =	vadd.f32 v6, v33;
	v43 =	vld [tilespmem:$0x1FE30]  }
0x267: {  	v13 =	vadd.s32 s8, v45;
	v11 =	vmul.f32 v19, v25;
	[tilespmem:s12+$0x10] =	vst v5  }
0x268: {  	s20 =	smov.u32 s3;
	[tilespmem:s12+$0xFFFFFF90] =	vst v6;
	v6 =	vld.idx.msk [tilespmem:v10+s30+$0x0], $0xffff  }
0x269: {  	v24 =	vadd.s32 s20, v59;
	v10 =	vadd.f32 v11, v40;
	v11 =	vadd.s32 s8, v28;
	v28 =	vmovc v1;
	v1 =	vld [tilespmem:$0x1FD10]  }
0x26a: {  	[tilespmem:$0x1FD20] =	vst v26;
	v26 =	vmov v53;
	v53 =	vld [tilespmem:$0x1FE60];
	v9 =	vmul.f32 v9, v35;
	v21 =	vadd.f32 v21, v34  }
0x26b: {  	v22 =	vadd.f32 v32, v2;
	v19 =	vmul.f32 v0, v43;
	v0 =	vld [tilespmem:$0x1FD00]  }
0x26c: {  	s31 =	rddreg [dreg:$0x3];
	v9 =	vadd.f32 v9, v52;
	v21 =	vsub.f32 v21, v39;
	v13 =	vld.idx.msk [tilespmem:v13+s30+$0x0], $0xffff  }
0x26d: {  	s0 =	smov.u32 s2;
	s2 =	smov.u32 s31;
	v23 =	vadd.s32 s26, v59;
	v22 =	vsub.f32 v22, v38;
	v7 =	vsub.f32 v7, v38  }
0x26e: {  	[tilespmem:$0x1FE00] =	vst v44;
	s28 =	rddreg [dreg:$0x5];
	v39 =	vsub.f32 v18, v39;
	v32 =	vadd.s32 s2, v41;
	v21 =	vmul.f32 v21, v30;
	v5 =	vld.idx.msk [tilespmem:v24+s30+$0x0], $0xffff  }
0x26f: {  	[tilespmem:$0x1FE50] =	vst v40;
	v41 =	vmovc v15;
	v24 =	vadd.s32 s28, v45;
	v22 =	vmul.f32 v22, v14;
	v7 =	vmul.f32 v7, v14;
	v14 =	vld [tilespmem:$0x1FF00]  }
0x270: {  	v15 =	vmul.f32 v39, v30;
	v19 =	vadd.f32 v19, v53;
	v8 =	vadd.f32 v8, v0;
	v45 =	vmovc v0;
	v0 =	vld [tilespmem:$0x1FD20]  }
0x271: {  	s4 =	smov.u32 s26;
	s26 =	smov.u32 s16;
	v44 =	vmov v34;
	v13 =	vadd.f32 v13, v28;
	v2 =	vld.idx.msk [tilespmem:v1+s30+$0x0], $0xffff;
	[tilespmem:s19+$0xFFFFFFC0] =	vst v10;
	v1 =	vmul.f32 v22, v3  }
0x272: {  	v18 =	vadd.s32 s26, v37;
	v8 =	vsub.f32 v8, v27;
	v10 =	vld.idx.msk [tilespmem:v23+s30+$0x0], $0xffff;
	[tilespmem:s21+$0xFFFFFFD0] =	vst v19;
	v19 =	vmul.f32 v21, v46  }
0x273: {  	[tilespmem:s19+$0xB0] =	vst v9;
	v30 =	vmovc v26;
	v26 =	vmov v33;
	v9 =	vsub.f32 v13, v12;
	v22 =	vld [tilespmem:$0x1FF10];
	v1 =	vadd.f32 v1, v56  }
0x274: {  	v23 =	vld.idx.msk [tilespmem:v24+s30+$0x0], $0xffff;
	v8 =	vmul.f32 v8, v50;
	v50 =	vmovc v58;
	v58 =	vmov v42;
	v3 =	vadd.f32 v19, v17  }
0x275: {  	v39 =	vmovc v36;
	v42 =	vmov v55;
	v5 =	vadd.f32 v5, v58;
	[tilespmem:s21+$0xFFFFFF70] =	vst v1;
	v1 =	vadd.f32 v6, v41  }
0x276: {  	v19 =	vmul.f32 v15, v0;
	v8 =	vmul.f32 v8, v55;
	v55 =	vmovc v53;
	v53 =	vmovc v54;
	v54 =	vmov v0;
	v0 =	vld [tilespmem:$0x1FD30]  }
0x277: {  	s24 =	smov.u32 s5;
	v13 =	vld.idx.msk [tilespmem:v32+s30+$0x0], $0xffff;
	v9 =	vmul.f32 v9, v61;
	v2 =	vadd.f32 v2, v16;
	v10 =	vadd.f32 v10, v47  }
0x278: {  	v32 =	vmovc v48;
	[tilespmem:s12+$0xFFFFFF10] =	vst v3;
	v3 =	vadd.s32 s24, v59;
	v15 =	vsub.f32 v5, v51;
	v19 =	vadd.f32 v19, v53  }
0x279: {  	s13 =	sadd.s32 $0x4, s13;
	v9 =	vmul.f32 v9, v48;
	v31 =	vld.idx.msk [tilespmem:v31+s30+$0x0], $0xffff;
	v2 =	vsub.f32 v2, v22;
	v6 =	vadd.f32 v23, v14  }
0x27a: {  	p1 =	slt.u32 s13, $0x3C;
	v27 =	vmovc v47;
	v21 =	vadd.s32 s11, v37;
	v56 =	vmovc v43;
	v8 =	vadd.f32 v8, v36;
	v22 =	vsub.f32 v1, v22  }
.Ltmp2:
0x27b: {  	v43 =	vmovc v14;
	v2 =	vmul.f32 v2, v63;
	v1 =	vmul.f32 v7, v0;
	v7 =	vadd.f32 v9, v20;
	(pc) =	sbr.rel @p1 .LBB2_7-.Ltmp2, $4  }
0x27c: {  	v61 =	vld [tilespmem:$0x1FD40];
	v59 =	vmovc v25;
	v14 =	vmov v4;
	[tilespmem:s19+$0xFFFFFF40] =	vst v8;
	v8 =	vsub.f32 v10, v51;
	v5 =	vmul.f32 v22, v63  }
0x27d: {  	v22 =	vld.idx.msk [tilespmem:v3+s30+$0x0], $0xffff;
	v0 =	vmov v29;
	v29 =	vadd.f32 v13, v4;
	v2 =	vmul.f32 v2, v50;
	[tilespmem:s21+$0xE0] =	vst v7  }
0x27e: {  	s18 =	smov.u32 s15;
	v36 =	vmovc v17;
	v47 =	vmul.f32 v8, v60;
	v23 =	vadd.f32 v31, v44;
	v31 =	vmov v52;
	v3 =	vld.idx.msk [tilespmem:v11+s30+$0x0], $0xffff  }
0x27f: {  	s6 =	smov.u32 s12;
	s5 =	smov.u32 s14;
	s14 =	sadd.s32 $0x204, s14;
	v5 =	vmul.f32 v5, v0;
	v24 =	vadd.f32 v2, v33;
	v33 =	vmovc v0;
	v2 =	vsub.f32 v6, v12;
	v11 =	vld [tilespmem:$0x1FD50]  }
0x280: {  	_ =	sdelay $0x5  }
0x281: {  	v48 =	vld [tilespmem:$0x1FFE0]  }
0x282: {  	v63 =	vld [tilespmem:$0x1FFF0];
	[tilespmem:s12+$0x90] =	vst v19  }
0x283: {  	v6 =	vld.idx.msk [tilespmem:v11+s30+$0x0], $0xffff  }
0x284: {  	v8 =	vld [tilespmem:$0x1FF10];
	_ =	sdelay $0x1  }
0x285: {  	v13 =	vld [tilespmem:$0x1FF20];
	_ =	sdelay $0x1  }
0x286: {  	v6 =	vadd.f32 v6, v49  }
0x287: {  	v7 =	vsub.f32 v23, v8  }
0x288: {  	v6 =	vsub.f32 v6, v8  }
0x289: {  	v7 =	vmul.f32 v7, v13  }
0x28a: {  	v6 =	vmul.f32 v6, v13  }
0x28b: {  	v7 =	vmul.f32 v7, v46  }
0x28c: {  	v5 =	vadd.f32 v5, v57;
	v6 =	vmul.f32 v6, v54  }
0x28d: {  	v0 =	vld [tilespmem:$0x1FF50];
	[tilespmem:s12+$0xFFFFFFA0] =	vst v24;
	v19 =	vadd.f32 v7, v36  }
0x28e: {  	[tilespmem:s12+$0x20] =	vst v5;
	v6 =	vadd.f32 v6, v53  }
0x28f: {  	[tilespmem:s12+$0xFFFFFF20] =	vst v19  }
0x290: {  	[tilespmem:s6+$0xA0] =	vst v6  }
0x291: {  	v23 =	vld [tilespmem:$0x1FF30]  }
0x292: {  	v17 =	vadd.s32 s5, v0;
	_ =	sdelay $0x1  }
0x293: {  	v21 =	vld.idx.msk [tilespmem:v21+s30+$0x0], $0xffff  }
0x294: {  	v9 =	vld.idx.msk [tilespmem:v18+s30+$0x0], $0xffff  }
0x295: {  	v34 =	vld [tilespmem:$0x1FDF0]  }
0x296: {  	v5 =	vld.idx.msk [tilespmem:v17+s30+$0x0], $0xffff  }
0x297: {  	v37 =	vld [tilespmem:$0x1FE70]  }
0x298: {  	v24 =	vadd.f32 v21, v41;
	v0 =	vld.idx.msk [tilespmem:v23+s30+$0x0], $0xffff  }
0x299: {  	v25 =	vadd.f32 v9, v16  }
0x29a: {  	v6 =	vsub.f32 v24, v34  }
0x29b: {  	v12 =	vld [tilespmem:$0x1FF60];
	v7 =	vsub.f32 v25, v34  }
0x29c: {  	v5 =	vadd.f32 v5, v44;
	v6 =	vmul.f32 v6, v37  }
0x29d: {  	v7 =	vmul.f32 v7, v37;
	v0 =	vadd.f32 v0, v49  }
0x29e: {  	v5 =	vsub.f32 v5, v34;
	v6 =	vmul.f32 v6, v33  }
0x29f: {  	v7 =	vmul.f32 v7, v50;
	v0 =	vsub.f32 v0, v34  }
0x2a0: {  	v40 =	vadd.s32 s11, v12;
	v5 =	vmul.f32 v5, v37;
	v6 =	vadd.f32 v6, v57  }
0x2a1: {  	v7 =	vadd.f32 v7, v26;
	v0 =	vmul.f32 v0, v37  }
0x2a2: {  	v10 =	vadd.s32 s26, v12;
	v5 =	vmul.f32 v5, v46;
	[tilespmem:s6+$0x30] =	vst v6  }
0x2a3: {  	[tilespmem:s12+$0xFFFFFFB0] =	vst v7;
	v0 =	vmul.f32 v0, v54  }
0x2a4: {  	v5 =	vadd.f32 v5, v36;
	v17 =	vld [tilespmem:$0x1FDE0]  }
0x2a5: {  	v19 =	vld.idx.msk [tilespmem:v40+s30+$0x0], $0xffff;
	v0 =	vadd.f32 v0, v53  }
0x2a6: {  	v60 =	vadd.s32 s5, v12;
	v23 =	vld [tilespmem:$0x1FD90];
	[tilespmem:s6+$0xFFFFFF30] =	vst v5  }
0x2a7: {  	v13 =	vadd.s32 s18, v12;
	v25 =	vld.idx.msk [tilespmem:v10+s30+$0x0], $0xffff;
	[tilespmem:s6+$0xB0] =	vst v0  }
0x2a8: {  	v38 =	vadd.f32 v22, v45;
	v52 =	vld [tilespmem:$0x1FE80];
	_ =	sdelay $0x1  }
0x2a9: {  	v18 =	vsub.f32 v38, v17;
	v7 =	vadd.f32 v19, v41;
	v19 =	vld [tilespmem:$0x1FEB0]  }
0x2aa: {  	v37 =	vld.idx.msk [tilespmem:v60+s30+$0x0], $0xffff  }
0x2ab: {  	v34 =	vmul.f32 v18, v23;
	v40 =	vld.idx.msk [tilespmem:v13+s30+$0x0], $0xffff  }
0x2ac: {  	v24 =	vmul.f32 v15, v23;
	v9 =	vadd.f32 v25, v16;
	v60 =	vld [tilespmem:$0x1FE00];
	v4 =	vsub.f32 v29, v52  }
0x2ad: {  	v5 =	vmul.f32 v34, v42;
	v7 =	vsub.f32 v7, v52  }
0x2ae: {  	v38 =	vmul.f32 v24, v30;
	v9 =	vsub.f32 v9, v52;
	v29 =	vld [tilespmem:$0x1FF70];
	v4 =	vmul.f32 v4, v19  }
0x2af: {  	v6 =	vadd.f32 v37, v44;
	v5 =	vadd.f32 v5, v39;
	v7 =	vmul.f32 v7, v19  }
0x2b0: {  	v8 =	vadd.f32 v40, v49;
	v9 =	vmul.f32 v9, v19;
	v4 =	vmul.f32 v4, v35  }
0x2b1: {  	v0 =	vadd.f32 v38, v60;
	v6 =	vsub.f32 v6, v52;
	v7 =	vmul.f32 v7, v33  }
0x2b2: {  	v21 =	vld [tilespmem:$0x1FFC0];
	[tilespmem:s19+$0xFFFFFF50] =	vst v5;
	v8 =	vsub.f32 v8, v52;
	v9 =	vmul.f32 v9, v50;
	v4 =	vadd.f32 v4, v31  }
0x2b3: {  	v6 =	vmul.f32 v6, v19;
	[tilespmem:s19+$0x50] =	vst v0;
	v34 =	vadd.s32 s2, v29;
	v52 =	vadd.f32 v7, v57  }
0x2b4: {  	v38 =	vmul.f32 v8, v19;
	v19 =	vadd.f32 v9, v26;
	[tilespmem:s19+$0xC0] =	vst v4  }
0x2b5: {  	v6 =	vmul.f32 v6, v46;
	v12 =	vadd.s32 s5, v29;
	[tilespmem:s6+$0x40] =	vst v52  }
0x2b6: {  	[tilespmem:s6+$0xFFFFFFC0] =	vst v19  }
0x2b7: {  	v51 =	vmov v26;
	v25 =	vadd.s32 s24, v21;
	v6 =	vadd.f32 v6, v36;
	v26 =	vld [tilespmem:$0x1FEE0]  }
0x2b8: {  	v37 =	vadd.s32 s11, v29;
	v40 =	vadd.s32 s26, v29;
	v22 =	vadd.s32 s18, v29;
	v29 =	vld.idx.msk [tilespmem:v34+s30+$0x0], $0xffff  }
0x2b9: {  	v0 =	vmul.f32 v38, v54;
	[tilespmem:s6+$0xFFFFFF40] =	vst v6  }
0x2ba: {  	v6 =	vld.idx.msk [tilespmem:v12+s30+$0x0], $0xffff  }
0x2bb: {  	v0 =	vadd.f32 v0, v53  }
0x2bc: {  	v11 =	vld.idx.msk [tilespmem:v25+s30+$0x0], $0xffff;
	v2 =	vmul.f32 v2, v26  }
0x2bd: {  	v34 =	vld.idx.msk [tilespmem:v37+s30+$0x0], $0xffff;
	[tilespmem:s6+$0xC0] =	vst v0;
	v5 =	vadd.f32 v29, v14  }
0x2be: {  	v12 =	vld [tilespmem:$0x1FED0];
	v2 =	vmul.f32 v2, v56  }
0x2bf: {  	v24 =	vadd.s32 s20, v21;
	v8 =	vld.idx.msk [tilespmem:v40+s30+$0x0], $0xffff;
	v6 =	vadd.f32 v6, v44;
	v5 =	vsub.f32 v5, v17  }
0x2c0: {  	v2 =	vadd.f32 v2, v55  }
0x2c1: {  	v37 =	vadd.f32 v11, v45;
	v38 =	vld.idx.msk [tilespmem:v22+s30+$0x0], $0xffff;
	v6 =	vsub.f32 v6, v17;
	v5 =	vmul.f32 v5, v23  }
0x2c2: {  	v3 =	vadd.f32 v3, v28;
	v13 =	vadd.s32 s4, v21;
	v22 =	vld [tilespmem:$0x1FFD0];
	v4 =	vadd.f32 v34, v41;
	[tilespmem:s21+$0xFFFFFFE0] =	vst v2  }
0x2c3: {  	v0 =	vsub.f32 v37, v12;
	v25 =	vmul.f32 v6, v23;
	v5 =	vmul.f32 v5, v35;
	v37 =	vld [tilespmem:$0x1FE50]  }
0x2c4: {  	v15 =	vadd.s32 s2, v21;
	v10 =	vld.idx.msk [tilespmem:v24+s30+$0x0], $0xffff;
	v8 =	vadd.f32 v8, v16;
	v4 =	vsub.f32 v4, v17  }
0x2c5: {  	v34 =	vadd.s32 s5, v21;
	v24 =	vadd.f32 v5, v31;
	v5 =	vmul.f32 v25, v46  }
0x2c6: {  	v52 =	vmul.f32 v47, v59;
	v7 =	vadd.f32 v38, v49;
	v4 =	vmul.f32 v4, v23;
	v28 =	vld [tilespmem:$0x1FD60]  }
0x2c7: {  	v38 =	vadd.s32 s11, v21;
	v8 =	vsub.f32 v8, v17;
	v5 =	vadd.f32 v5, v36  }
0x2c8: {  	v7 =	vsub.f32 v7, v17;
	v4 =	vmul.f32 v4, v33;
	[tilespmem:s19+$0xD0] =	vst v24;
	v17 =	vadd.f32 v52, v37  }
0x2c9: {  	v10 =	vadd.f32 v10, v58;
	v0 =	vmul.f32 v0, v26;
	v15 =	vld.idx.msk [tilespmem:v15+s30+$0x0], $0xffff;
	[tilespmem:s6+$0xFFFFFF50] =	vst v5  }
0x2ca: {  	v29 =	vmul.f32 v8, v23;
	v4 =	vadd.f32 v4, v57;
	[tilespmem:s19+$0xFFFFFFD0] =	vst v17;
	v8 =	vld.idx.msk [tilespmem:v34+s30+$0x0], $0xffff  }
0x2cb: {  	v0 =	vmul.f32 v0, v42;
	v13 =	vld.idx.msk [tilespmem:v13+s30+$0x0], $0xffff  }
0x2cc: {  	v11 =	vadd.s32 s24, v22;
	v10 =	vsub.f32 v10, v12;
	v7 =	vmul.f32 v7, v23;
	[tilespmem:s6+$0x50] =	vst v4  }
0x2cd: {  	v0 =	vadd.f32 v0, v39;
	v2 =	vld.idx.msk [tilespmem:v38+s30+$0x0], $0xffff  }
0x2ce: {  	v10 =	vmul.f32 v10, v26;
	v7 =	vmul.f32 v7, v54;
	v6 =	vld.idx.msk [tilespmem:v28+s30+$0x0], $0xffff;
	v38 =	vadd.f32 v15, v14  }
0x2cf: {  	[tilespmem:s19+$0xFFFFFF60] =	vst v0;
	v0 =	vmul.f32 v29, v50;
	v52 =	vadd.s32 s26, v21;
	v8 =	vadd.f32 v8, v44  }
0x2d0: {  	v34 =	vmul.f32 v10, v30;
	v23 =	vld [tilespmem:$0x1FDB0];
	v10 =	vsub.f32 v38, v12;
	v13 =	vadd.f32 v13, v27  }
0x2d1: {  	v47 =	vadd.s32 s18, v21;
	v11 =	vld.idx.msk [tilespmem:v11+s30+$0x0], $0xffff;
	v0 =	vadd.f32 v0, v51;
	v8 =	vsub.f32 v8, v12  }
0x2d2: {  	v28 =	vadd.f32 v7, v53;
	v10 =	vmul.f32 v10, v26;
	v13 =	vsub.f32 v13, v12  }
0x2d3: {  	[tilespmem:s6+$0xFFFFFFD0] =	vst v0;
	v6 =	vadd.f32 v6, v43;
	v8 =	vmul.f32 v8, v26  }
0x2d4: {  	v1 =	vadd.f32 v1, v62;
	[tilespmem:s6+$0xD0] =	vst v28;
	v10 =	vmul.f32 v10, v35;
	v18 =	vmul.f32 v13, v26  }
0x2d5: {  	v52 =	vld.idx.msk [tilespmem:v52+s30+$0x0], $0xffff;
	v29 =	vsub.f32 v6, v23;
	v6 =	vadd.f32 v34, v60;
	v8 =	vmul.f32 v8, v46  }
0x2d6: {  	v62 =	vadd.f32 v11, v45;
	v24 =	vld [tilespmem:$0x1FE90];
	v10 =	vadd.f32 v10, v31;
	v11 =	vmul.f32 v18, v59  }
0x2d7: {  	v43 =	vld.idx.msk [tilespmem:v47+s30+$0x0], $0xffff;
	[tilespmem:s19+$0x60] =	vst v6;
	v8 =	vadd.f32 v8, v36  }
0x2d8: {  	v2 =	vadd.f32 v2, v41;
	[tilespmem:s19+$0xE0] =	vst v10;
	v11 =	vadd.f32 v11, v37  }
0x2d9: {  	[tilespmem:s6+$0xFFFFFF60] =	vst v8  }
0x2da: {  	v9 =	vadd.s32 s20, v22;
	v2 =	vsub.f32 v2, v12;
	v47 =	vmov v16;
	[tilespmem:s19+$0xFFFFFFE0] =	vst v11  }
0x2db: {  	v7 =	vadd.s32 s2, v22;
	v28 =	vadd.f32 v52, v47;
	v8 =	vld [tilespmem:$0x1FE10]  }
0x2dc: {  	v3 =	vsub.f32 v3, v23;
	v2 =	vmul.f32 v2, v26;
	v25 =	vadd.f32 v43, v49  }
0x2dd: {  	v40 =	vmov v14;
	v4 =	vadd.s32 s5, v22;
	v14 =	vsub.f32 v28, v12  }
0x2de: {  	v3 =	vmul.f32 v3, v24;
	v2 =	vmul.f32 v2, v33;
	v13 =	vsub.f32 v25, v12  }
0x2df: {  	v5 =	vadd.s32 s11, v22;
	v0 =	vmul.f32 v29, v24;
	v9 =	vld.idx.msk [tilespmem:v9+s30+$0x0], $0xffff;
	v29 =	vmul.f32 v14, v26  }
0x2e0: {  	v6 =	vsub.f32 v62, v23;
	v13 =	vmul.f32 v13, v26  }
0x2e1: {  	v3 =	vmul.f32 v3, v32;
	v2 =	vadd.f32 v2, v57;
	v7 =	vld.idx.msk [tilespmem:v7+s30+$0x0], $0xffff;
	v10 =	vmul.f32 v29, v50  }
0x2e2: {  	v19 =	vadd.s32 s18, v22;
	v0 =	vmul.f32 v0, v56;
	v4 =	vld.idx.msk [tilespmem:v4+s30+$0x0], $0xffff;
	v32 =	vmul.f32 v13, v54  }
0x2e3: {  	v6 =	vmul.f32 v6, v24;
	v38 =	vadd.f32 v10, v51;
	[tilespmem:s6+$0x60] =	vst v2;
	v8 =	vld.idx.msk [tilespmem:v8+s30+$0x0], $0xffff  }
0x2e4: {  	v9 =	vadd.f32 v9, v58;
	v5 =	vld.idx.msk [tilespmem:v5+s30+$0x0], $0xffff;
	v11 =	vadd.f32 v32, v53  }
0x2e5: {  	v3 =	vadd.f32 v3, v20;
	v6 =	vmul.f32 v6, v42;
	v0 =	vadd.f32 v0, v55;
	[tilespmem:s6+$0xFFFFFFE0] =	vst v38  }
0x2e6: {  	v9 =	vsub.f32 v9, v23;
	v7 =	vadd.f32 v7, v40;
	v43 =	vld.idx.msk [tilespmem:v61+s30+$0x0], $0xffff;
	[tilespmem:s6+$0xE0] =	vst v11  }
0x2e7: {  	v6 =	vadd.f32 v6, v39;
	v4 =	vadd.f32 v4, v44;
	v42 =	vld.idx.msk [tilespmem:v19+s30+$0x0], $0xffff  }
0x2e8: {  	v34 =	vmul.f32 v9, v24;
	v7 =	vsub.f32 v7, v23;
	v8 =	vadd.f32 v8, v27  }
0x2e9: {  	v5 =	vadd.f32 v5, v41;
	v4 =	vsub.f32 v4, v23  }
0x2ea: {  	v2 =	vmul.f32 v34, v30;
	v7 =	vmul.f32 v7, v24;
	v8 =	vsub.f32 v8, v23  }
0x2eb: {  	[tilespmem:s21+$0x70] =	vst v1;
	v45 =	vadd.f32 v43, v47;
	v5 =	vsub.f32 v5, v23;
	v4 =	vmul.f32 v4, v24  }
0x2ec: {  	[tilespmem:s21+$0xF0] =	vst v3;
	v47 =	vmul.f32 v7, v35;
	v9 =	vadd.f32 v42, v49;
	v8 =	vmul.f32 v8, v24  }
0x2ed: {  	[tilespmem:s21+$0xFFFFFFF0] =	vst v0;
	v2 =	vadd.f32 v2, v60;
	v5 =	vmul.f32 v5, v24;
	v4 =	vmul.f32 v4, v46  }
0x2ee: {  	[tilespmem:s19+$0xFFFFFF70] =	vst v6;
	v3 =	vadd.f32 v47, v31;
	v49 =	vsub.f32 v9, v23;
	v52 =	vmul.f32 v8, v59  }
0x2ef: {  	v1 =	vsub.f32 v45, v23;
	[tilespmem:s19+$0x70] =	vst v2;
	v56 =	vmul.f32 v5, v33;
	v58 =	vadd.f32 v4, v36  }
0x2f0: {  	[tilespmem:s19+$0xF0] =	vst v3;
	v55 =	vmul.f32 v49, v24;
	v0 =	vadd.f32 v52, v37  }
0x2f1: {  	v1 =	vmul.f32 v1, v24;
	v60 =	vadd.f32 v56, v57;
	[tilespmem:s6+$0xFFFFFF70] =	vst v58  }
0x2f2: {  	v59 =	vmul.f32 v55, v54;
	[tilespmem:s19+$0xFFFFFFF0] =	vst v0  }
0x2f3: {  	v1 =	vmul.f32 v1, v50;
	s0 =	sld [smem:$0x7FC];
	[tilespmem:s6+$0x70] =	vst v60  }
0x2f4: {  	v61 =	vadd.f32 v59, v53;
	s1 =	sld [smem:$0x7FD]  }
0x2f5: {  	v62 =	vadd.f32 v1, v51  }
0x2f6: {  	[tilespmem:s6+$0xF0] =	vst v61;
	s0 =	sshll.u32 s0, $0x7  }
0x2f7: {  	s13 =	rddreg [dreg:$0x1];
	[tilespmem:s6+$0xFFFFFFF0] =	vst v62;
	s1 =	sshll.u32 s1, $0xD;
	s0 =	sand.u32 $0x300, s0  }
0x2f8: {  	s14 =	simm.s32 $0x0;
	s15 =	rddreg [dreg:$0x12];
	s0 =	sor.u32 s0, s1  }
0x2f9: {  	s3 =	simm.s32 $0x12980;
	s17 =	rddreg [dreg:$0x13];
	s1 =	sadd.s32 s13, s0  }
0x2fa: {  	[hbm4b:s1+s14] =	stream.linear.scatter [tilespmem:s3], [sflag:$0x3], $0x400, $0x38;
	[tilespmem:$0x16980] =	vst v63  }
0x2fb: {  	s16 =	simm.s32 $0x12D80;
	s19 =	rddreg [dreg:$0x14];
	s1 =	sadd.s32 s0, s15  }
0x2fc: {  	[hbm4b:s1+s14] =	stream.linear.scatter [tilespmem:s16], [sflag:$0x3], $0x400, $0x38;
	[tilespmem:$0x16980] =	vst v63  }
0x2fd: {  	s18 =	simm.s32 $0x13180;
	s21 =	rddreg [dreg:$0x15];
	s1 =	sadd.s32 s0, s17  }
0x2fe: {  	[hbm4b:s1+s14] =	stream.linear.scatter [tilespmem:s18], [sflag:$0x3], $0x400, $0x38;
	[tilespmem:$0x16980] =	vst v63  }
0x2ff: {  	s20 =	simm.s32 $0x13580;
	s23 =	rddreg [dreg:$0x16];
	s1 =	sadd.s32 s0, s19  }
0x300: {  	[hbm4b:s1+s14] =	stream.linear.scatter [tilespmem:s20], [sflag:$0x3], $0x400, $0x38;
	[tilespmem:$0x16980] =	vst v63  }
0x301: {  	s22 =	simm.s32 $0x13980;
	s31 =	rddreg [dreg:$0x1c];
	s1 =	sadd.s32 s0, s21  }
0x302: {  	[hbm4b:s1+s14] =	stream.linear.scatter [tilespmem:s22], [sflag:$0x3], $0x400, $0x38;
	[tilespmem:$0x16980] =	vst v63  }
0x303: {  	s24 =	simm.s32 $0x13D80;
	p1 =	sne.s32 s31, $0x18;
	s1 =	sadd.s32 s0, s23  }
0x304: {  	[hbm4b:s1+s14] =	stream.linear.scatter [tilespmem:s24], [sflag:$0x3], $0x400, $0x38;
	[tilespmem:$0x16980] =	vst v63  }
.Ltmp3:
0x305: {  	s25 =	rddreg [dreg:$0x17];
	(pc) =	sbr.rel @p1 .LBB2_11-.Ltmp3, $4  }
0x306: {  	s26 =	simm.s32 $0x14180;
	s28 =	rddreg [dreg:$0x18];
	s1 =	sadd.s32 s0, s25  }
0x307: {  	[hbm4b:s1+s14] =	stream.linear.scatter [tilespmem:s26], [sflag:$0x3], $0x400, $0x38;
	[tilespmem:$0x16980] =	vst v63  }
0x308: {  	s29 =	simm.s32 $0x14580;
	s0 =	sadd.s32 s0, s28  }
0x309: {  	v58 =	vmov v21;
	v61 =	vmov v22;
	[hbm4b:s0+s14] =	stream.linear.scatter [tilespmem:s29], [sflag:$0x3], $0x400, $0x38;
	[tilespmem:$0x16980] =	vst v63  }
0x30a: {  	s0 =	simm.s32 $0x2  }
0x30b: {  	_ =	swait.ge [sflag:s0], $0x4000  }
.Ltmp4:
0x30c: {  	v19 =	vld [tilespmem:$0x1FF80];
	(pc) =	sbr.rel .LBB2_10-.Ltmp4, $4  }
0x30d: {  	_ = 	snop  }
0x30e: {  	v22 =	vld [tilespmem:$0x1FFB0]  }
0x30f: {  	[sflag:s0] =	ssyncset.done $0x0;
	v20 =	vld [tilespmem:$0x1FF90]  }
0x310: {  	v51 =	vlaneseq.u32;
	v56 =	vmov v48;
	v21 =	vld [tilespmem:$0x1FFA0];
	[sflag:s0] =	ssyncadd.s32 $0xFFFFC000  }
.LBB2_11:
0x311: {  	s1 =	sld [smem:$0x7FB];
	_ =	sdelay $0x1  }
0x312: {  	s0 =	rddreg [dreg:$0x19]  }
0x313: {  	s0 =	sadd.s32 s1, s0  }
0x314: {  	s2 =	rddreg [dreg:$0xd];
	s1 =	sshrl.u32 s0, $0x3  }
0x315: {  	s1 =	ssub.s32 s1, s2  }
0x316: {  	s25 =	sshll.u32 s0, $0xA;
	s1 =	sshll.u32 s1, $0xA  }
0x317: {  	s0 =	sshll.u32 s0, $0x4;
	s2 =	sand.u32 $0x1800, s25;
	s1 =	sand.u32 $0xFFFFE000, s1  }
0x318: {  	s0 =	sand.u32 $0x380, s0;
	s1 =	sor.u32 s2, s1  }
0x319: {  	s0 =	sor.u32 s0, s1  }
0x31a: {  	v0 =	vld [tilespmem:s0+$0x0];
	_ =	sdelay $0x4  }
0x31b: {  	[tilespmem:$0x10800] =	vst v0  }
0x31c: {  	v0 =	vld [tilespmem:s0+$0x10];
	_ =	sdelay $0x4  }
0x31d: {  	[tilespmem:$0x10810] =	vst v0  }
0x31e: {  	v0 =	vld [tilespmem:s0+$0x20];
	_ =	sdelay $0x4  }
0x31f: {  	[tilespmem:$0x10820] =	vst v0  }
0x320: {  	v0 =	vld [tilespmem:s0+$0x30];
	_ =	sdelay $0x4  }
0x321: {  	[tilespmem:$0x10830] =	vst v0  }
0x322: {  	v0 =	vld [tilespmem:s0+$0x40];
	_ =	sdelay $0x4  }
0x323: {  	[tilespmem:$0x10840] =	vst v0  }
0x324: {  	v0 =	vld [tilespmem:s0+$0x50];
	_ =	sdelay $0x4  }
0x325: {  	[tilespmem:$0x10850] =	vst v0  }
0x326: {  	v0 =	vld [tilespmem:s0+$0x60];
	_ =	sdelay $0x4  }
0x327: {  	[tilespmem:$0x10860] =	vst v0  }
0x328: {  	v0 =	vld [tilespmem:s0+$0x70];
	_ =	sdelay $0x3  }
0x329: {  	s26 =	rddreg [dreg:$0xe];
	s28 =	simm.s32 $0x80  }
0x32a: {  	s29 =	simm.s32 $0x10800;
	s3 =	simm.s32 $0x8800;
	s31 =	simm.s32 $0x2;
	[tilespmem:$0x10870] =	vst v0  }
0x32b: {  	[tilespmem:s3], [sflag:$0x1] =	stream.indirect.gather [hbm4b:s26+s28], $0x80, s29, s28, $0xb8;
	[tilespmem:$0x16980] =	vst v63  }
0x32c: {  	_ =	swait.ge [sflag:s31], $0x4000  }
.Ltmp5:
0x32d: {  	v19 =	vld [tilespmem:$0x1FF80];
	(pc) =	sbr.rel @!p0 .LBB2_12-.Ltmp5, $4  }
0x32e: {  	_ = 	snop  }
0x32f: {  	v22 =	vld [tilespmem:$0x1FFB0]  }
0x330: {  	[sflag:s31] =	ssyncset.done $0x0;
	v20 =	vld [tilespmem:$0x1FF90]  }
0x331: {  	v51 =	vlaneseq.u32;
	v56 =	vmov v48;
	v21 =	vld [tilespmem:$0x1FFA0];
	[sflag:s31] =	ssyncadd.s32 $0xFFFFC000  }
.LBB2_10:
0x332: {  	s0 =	simm.s32 $0x4  }
0x333: {  	_ =	swait.ge [sflag:s0], $0x400  }
0x334: {  	[sflag:s0] =	ssyncset.done $0x0  }
0x335: {  	[sflag:s0] =	ssyncadd.s32 $0xFFFFFC00  }
0x336: {  	_ =	swait.ge [sflag:s0], $0x400  }
0x337: {  	[sflag:s0] =	ssyncset.done $0x0  }
0x338: {  	[sflag:s0] =	ssyncadd.s32 $0xFFFFFC00  }
0x339: {  	_ =	swait.ge [sflag:s0], $0x400  }
0x33a: {  	[sflag:s0] =	ssyncset.done $0x0  }
0x33b: {  	[sflag:s0] =	ssyncadd.s32 $0xFFFFFC00  }
0x33c: {  	_ =	swait.ge [sflag:s0], $0x400  }
0x33d: {  	[sflag:s0] =	ssyncset.done $0x0  }
0x33e: {  	[sflag:s0] =	ssyncadd.s32 $0xFFFFFC00  }
0x33f: {  	_ =	swait.ge [sflag:s0], $0x400  }
0x340: {  	[sflag:s0] =	ssyncset.done $0x0  }
0x341: {  	[sflag:s0] =	ssyncadd.s32 $0xFFFFFC00  }
0x342: {  	_ =	swait.ge [sflag:s0], $0x400  }
0x343: {  	[sflag:s0] =	ssyncset.done $0x0  }
0x344: {  	[sflag:s0] =	ssyncadd.s32 $0xFFFFFC00  }
0x345: {  	_ =	swait.ge [sflag:s0], $0x400  }
0x346: {  	[sflag:s0] =	ssyncset.done $0x0  }
0x347: {  	[sflag:s0] =	ssyncadd.s32 $0xFFFFFC00  }
0x348: {  	_ =	swait.ge [sflag:s0], $0x400  }
0x349: {  	[sflag:s0] =	ssyncset.done $0x0  }
0x34a: {  	[sflag:s0] =	ssyncadd.s32 $0xFFFFFC00  }
.LBB2_12:
0x34b: {  	s10 =	simm.s32 $0xC900;
	v55 =	vld [tilespmem:$0x1FF50];
	s4 =	simm.s32 $0x1  }
0x34c: {  	s0 =	simm.s32 $0x3;
	v2 =	vld [tilespmem:s10+$0xFFFFFF80];
	v3 =	vadd.s32 s4, v19  }
0x34d: {  	v0 =	vld [tilespmem:s10+$0x80];
	v1 =	vadd.s32 s0, v19  }
0x34e: {  	v53 =	vld [tilespmem:$0x1FF60];
	s6 =	simm.s32 $0x2  }
0x34f: {  	s7 =	simm.s32 $0x0;
	v4 =	vld [tilespmem:s10+$0x0];
	v5 =	vadd.s32 s6, v19  }
0x350: {  	v6 =	vld [tilespmem:s10+$0xFFFFFF00];
	v7 =	vadd.s32 s7, v19  }
0x351: {  	v54 =	vld [tilespmem:$0x1FF70];
	[tilespmem:v3+s30+$0x0] =	vst.idx.msk $0xffff, v2  }
0x352: {  	[tilespmem:v1+s30+$0x0] =	vst.idx.msk $0xffff, v0;
	v3 =	vadd.s32 s4, v20;
	v2 =	vld [tilespmem:s10+$0xFFFFFF90]  }
0x353: {  	v1 =	vadd.s32 s0, v20;
	v0 =	vld [tilespmem:s10+$0x90]  }
0x354: {  	[tilespmem:v5+s30+$0x0] =	vst.idx.msk $0xffff, v4  }
0x355: {  	v5 =	vadd.s32 s6, v20;
	[tilespmem:v7+s30+$0x0] =	vst.idx.msk $0xffff, v6;
	v4 =	vld [tilespmem:s10+$0x10]  }
0x356: {  	s9 =	simm.s32 $0x7;
	s1 =	simm.s32 $0xCB00;
	v7 =	vadd.s32 s7, v20;
	v6 =	vld [tilespmem:s10+$0xFFFFFF10]  }
0x357: {  	v8 =	vld [tilespmem:s1+$0x80];
	v9 =	vadd.s32 s9, v19;
	[tilespmem:v3+s30+$0x0] =	vst.idx.msk $0xffff, v2  }
0x358: {  	[tilespmem:v1+s30+$0x0] =	vst.idx.msk $0xffff, v0;
	v3 =	vadd.s32 s4, v21;
	v2 =	vld [tilespmem:s10+$0xFFFFFFA0]  }
0x359: {  	s5 =	simm.s32 $0x5;
	v1 =	vadd.s32 s0, v21;
	v0 =	vld [tilespmem:s10+$0xA0]  }
0x35a: {  	s2 =	simm.s32 $0x4;
	v10 =	vld [tilespmem:s1+$0xFFFFFF80];
	v11 =	vadd.s32 s5, v19;
	[tilespmem:v5+s30+$0x0] =	vst.idx.msk $0xffff, v4  }
0x35b: {  	[tilespmem:v7+s30+$0x0] =	vst.idx.msk $0xffff, v6;
	v6 =	vld [tilespmem:s1+$0xFFFFFF00];
	v7 =	vadd.s32 s2, v19  }
0x35c: {  	s3 =	simm.s32 $0x6;
	[tilespmem:v9+s30+$0x0] =	vst.idx.msk $0xffff, v8;
	v5 =	vadd.s32 s6, v21;
	v4 =	vld [tilespmem:s10+$0x20]  }
0x35d: {  	[tilespmem:v3+s30+$0x0] =	vst.idx.msk $0xffff, v2;
	v2 =	vld [tilespmem:s1+$0x0];
	v3 =	vadd.s32 s3, v19  }
0x35e: {  	v60 =	vadd.s32 s9, v20;
	v8 =	vld [tilespmem:s1+$0x90];
	[tilespmem:v1+s30+$0x0] =	vst.idx.msk $0xffff, v0  }
0x35f: {  	[tilespmem:v11+s30+$0x0] =	vst.idx.msk $0xffff, v10;
	v1 =	vadd.s32 s0, v22;
	v0 =	vld [tilespmem:s10+$0xB0]  }
0x360: {  	v62 =	vadd.s32 s5, v20;
	v10 =	vld [tilespmem:s1+$0xFFFFFF90];
	[tilespmem:v7+s30+$0x0] =	vst.idx.msk $0xffff, v6  }
0x361: {  	[tilespmem:v5+s30+$0x0] =	vst.idx.msk $0xffff, v4;
	v4 =	vld [tilespmem:s10+$0xFFFFFF20];
	v5 =	vadd.s32 s7, v21  }
0x362: {  	v18 =	vadd.s32 s2, v20;
	v17 =	vld [tilespmem:s1+$0xFFFFFF10];
	[tilespmem:v3+s30+$0x0] =	vst.idx.msk $0xffff, v2  }
0x363: {  	[tilespmem:v60+s30+$0x0] =	vst.idx.msk $0xffff, v8;
	v7 =	vadd.s32 s3, v20;
	v6 =	vld [tilespmem:s1+$0x10]  }
0x364: {  	v2 =	vadd.s32 s4, v22;
	[tilespmem:v1+s30+$0x0] =	vst.idx.msk $0xffff, v0;
	v0 =	vld [tilespmem:s10+$0xFFFFFFB0]  }
0x365: {  	v15 =	vadd.s32 s6, v22;
	[tilespmem:v62+s30+$0x0] =	vst.idx.msk $0xffff, v10;
	v12 =	vld [tilespmem:s10+$0x30]  }
0x366: {  	v16 =	vadd.s32 s9, v21;
	[tilespmem:v5+s30+$0x0] =	vst.idx.msk $0xffff, v4;
	v3 =	vld [tilespmem:s1+$0xA0]  }
0x367: {  	v14 =	vadd.s32 s5, v21;
	[tilespmem:v18+s30+$0x0] =	vst.idx.msk $0xffff, v17;
	v1 =	vld [tilespmem:s1+$0xFFFFFFA0]  }
0x368: {  	s8 =	simm.s32 $0x8;
	v13 =	vadd.s32 s7, v22;
	v4 =	vld [tilespmem:s10+$0xFFFFFF30];
	[tilespmem:v7+s30+$0x0] =	vst.idx.msk $0xffff, v6  }
0x369: {  	s11 =	simm.s32 $0xC;
	s7 =	simm.s32 $0xB;
	s10 =	simm.s32 $0xCD00;
	[tilespmem:v2+s30+$0x0] =	vst.idx.msk $0xffff, v0;
	v2 =	vadd.s32 s3, v21;
	v0 =	vld [tilespmem:s1+$0x20]  }
.LBB2_13:
0x36a: {  	p0 =	slt.u32 s11, $0x7C;
	s0 =	sadd.s32 $0x1, s8;
	v5 =	vld [tilespmem:s10+$0x80];
	v6 =	vadd.s32 s7, v19;
	[tilespmem:v15+s30+$0x0] =	vst.idx.msk $0xffff, v12  }
0x36b: {  	v7 =	vld [tilespmem:s10+$0xFFFFFF80];
	v8 =	vadd.s32 s0, v19;
	[tilespmem:v16+s30+$0x0] =	vst.idx.msk $0xffff, v3  }
0x36c: {  	s4 =	sadd.s32 $0x2, s8;
	v3 =	vadd.s32 s9, v22;
	s9 =	smov.u32 s7;
	[tilespmem:v14+s30+$0x0] =	vst.idx.msk $0xffff, v1;
	v1 =	vld [tilespmem:s1+$0xB0]  }
0x36d: {  	v10 =	vadd.s32 s4, v19;
	v9 =	vld [tilespmem:s10+$0x0];
	[tilespmem:v13+s30+$0x0] =	vst.idx.msk $0xffff, v4  }
0x36e: {  	v11 =	vadd.s32 s8, v19;
	v4 =	vld [tilespmem:s10+$0xFFFFFF00];
	[tilespmem:v2+s30+$0x0] =	vst.idx.msk $0xffff, v0  }
0x36f: {  	v2 =	vadd.s32 s2, v21;
	[tilespmem:v6+s30+$0x0] =	vst.idx.msk $0xffff, v5;
	v0 =	vld [tilespmem:s1+$0xFFFFFF20]  }
0x370: {  	v6 =	vadd.s32 s9, v20;
	[tilespmem:v8+s30+$0x0] =	vst.idx.msk $0xffff, v7;
	v5 =	vld [tilespmem:s10+$0x90]  }
0x371: {  	v8 =	vadd.s32 s0, v20;
	v7 =	vld [tilespmem:s10+$0xFFFFFF90];
	[tilespmem:v3+s30+$0x0] =	vst.idx.msk $0xffff, v1  }
0x372: {  	[tilespmem:v10+s30+$0x0] =	vst.idx.msk $0xffff, v9;
	v9 =	vld [tilespmem:s1+$0xFFFFFFB0];
	v10 =	vadd.s32 s5, v22;
	s5 =	smov.u32 s0  }
0x373: {  	[tilespmem:v11+s30+$0x0] =	vst.idx.msk $0xffff, v4;
	v4 =	vld [tilespmem:s10+$0x10];
	v11 =	vadd.s32 s4, v20  }
0x374: {  	v18 =	vadd.s32 s8, v20;
	v17 =	vld [tilespmem:s10+$0xFFFFFF10];
	[tilespmem:v2+s30+$0x0] =	vst.idx.msk $0xffff, v0  }
.Ltmp6:
0x375: {  	v15 =	vadd.s32 s3, v22;
	s3 =	smov.u32 s4;
	[tilespmem:v6+s30+$0x0] =	vst.idx.msk $0xffff, v5;
	v12 =	vld [tilespmem:s1+$0x30];
	(pc) =	sbr.rel @p0 .LBB2_13-.Ltmp6, $4  }
0x376: {  	v16 =	vadd.s32 s9, v21;
	[tilespmem:v8+s30+$0x0] =	vst.idx.msk $0xffff, v7;
	v3 =	vld [tilespmem:s10+$0xA0]  }
0x377: {  	v14 =	vadd.s32 s5, v21;
	v1 =	vld [tilespmem:s10+$0xFFFFFFA0];
	[tilespmem:v10+s30+$0x0] =	vst.idx.msk $0xffff, v9  }
0x378: {  	v13 =	vadd.s32 s2, v22;
	s2 =	smov.u32 s8;
	s8 =	smov.u32 s11;
	[tilespmem:v11+s30+$0x0] =	vst.idx.msk $0xffff, v4;
	v4 =	vld [tilespmem:s1+$0xFFFFFF30];
	s1 =	smov.u32 s10  }
0x379: {  	s11 =	sadd.s32 $0x4, s11;
	s7 =	sadd.s32 $0x3, s8;
	v2 =	vadd.s32 s3, v21;
	s10 =	sadd.s32 $0x200, s10;
	[tilespmem:v18+s30+$0x0] =	vst.idx.msk $0xffff, v17;
	v0 =	vld [tilespmem:s1+$0x20]  }
0x37a: {  	_ =	sdelay $0x2  }
0x37b: {  	s0 =	sadd.s32 $0x1, s8;
	v5 =	vld [tilespmem:s10+$0x80];
	v6 =	vadd.s32 s7, v19  }
0x37c: {  	[tilespmem:v15+s30+$0x0] =	vst.idx.msk $0xffff, v12;
	v7 =	vld [tilespmem:s10+$0xFFFFFF80];
	s4 =	sadd.s32 $0x2, s8;
	v8 =	vadd.s32 s0, v19  }
0x37d: {  	[tilespmem:v16+s30+$0x0] =	vst.idx.msk $0xffff, v3;
	v3 =	vld [tilespmem:s10+$0x0];
	v9 =	vadd.s32 s4, v19  }
0x37e: {  	v10 =	vadd.s32 s8, v19;
	[tilespmem:v14+s30+$0x0] =	vst.idx.msk $0xffff, v1;
	v1 =	vld [tilespmem:s10+$0xFFFFFF00]  }
0x37f: {  	[tilespmem:v13+s30+$0x0] =	vst.idx.msk $0xffff, v4  }
0x380: {  	v11 =	vadd.s32 s9, v22;
	v4 =	vld [tilespmem:s1+$0xB0];
	[tilespmem:v6+s30+$0x0] =	vst.idx.msk $0xffff, v5  }
0x381: {  	v6 =	vadd.s32 s7, v20;
	[tilespmem:v8+s30+$0x0] =	vst.idx.msk $0xffff, v7;
	v5 =	vld [tilespmem:s10+$0x90]  }
0x382: {  	v40 =	vadd.s32 s0, v20;
	[tilespmem:v9+s30+$0x0] =	vst.idx.msk $0xffff, v3;
	v7 =	vld [tilespmem:s10+$0xFFFFFF90]  }
0x383: {  	v3 =	vadd.s32 s4, v20;
	[tilespmem:v10+s30+$0x0] =	vst.idx.msk $0xffff, v1;
	v1 =	vld [tilespmem:s10+$0x10]  }
0x384: {  	[tilespmem:v2+s30+$0x0] =	vst.idx.msk $0xffff, v0;
	v2 =	vadd.s32 s8, v20;
	v0 =	vld [tilespmem:s10+$0xFFFFFF10]  }
0x385: {  	v41 =	vld [tilespmem:s1+$0xFFFFFF20];
	v42 =	vadd.s32 s2, v21;
	[tilespmem:v11+s30+$0x0] =	vst.idx.msk $0xffff, v4  }
0x386: {  	v43 =	vadd.s32 s5, v22;
	v4 =	vld [tilespmem:s1+$0xFFFFFFB0];
	[tilespmem:v6+s30+$0x0] =	vst.idx.msk $0xffff, v5  }
0x387: {  	v6 =	vadd.s32 s7, v21;
	[tilespmem:v40+s30+$0x0] =	vst.idx.msk $0xffff, v7;
	v5 =	vld [tilespmem:s10+$0xA0]  }
0x388: {  	v44 =	vadd.s32 s0, v21;
	[tilespmem:v3+s30+$0x0] =	vst.idx.msk $0xffff, v1;
	v7 =	vld [tilespmem:s10+$0xFFFFFFA0]  }
0x389: {  	v1 =	vadd.s32 s4, v21;
	[tilespmem:v2+s30+$0x0] =	vst.idx.msk $0xffff, v0;
	v0 =	vld [tilespmem:s10+$0x20]  }
0x38a: {  	[tilespmem:v42+s30+$0x0] =	vst.idx.msk $0xffff, v41;
	v3 =	vadd.s32 s8, v21;
	v2 =	vld [tilespmem:s10+$0xFFFFFF20]  }
0x38b: {  	v46 =	vadd.s32 s3, v22;
	v45 =	vld [tilespmem:s1+$0x30];
	[tilespmem:v43+s30+$0x0] =	vst.idx.msk $0xffff, v4  }
0x38c: {  	v47 =	vadd.s32 s2, v22;
	v4 =	vld [tilespmem:s1+$0xFFFFFF30];
	[tilespmem:v6+s30+$0x0] =	vst.idx.msk $0xffff, v5  }
0x38d: {  	v6 =	vadd.s32 s7, v22;
	[tilespmem:v44+s30+$0x0] =	vst.idx.msk $0xffff, v7;
	v5 =	vld [tilespmem:s10+$0xB0]  }
0x38e: {  	[tilespmem:v1+s30+$0x0] =	vst.idx.msk $0xffff, v0;
	v1 =	vadd.s32 s0, v22;
	v0 =	vld [tilespmem:s10+$0xFFFFFFB0]  }
0x38f: {  	[tilespmem:v3+s30+$0x0] =	vst.idx.msk $0xffff, v2;
	v2 =	vld [tilespmem:s10+$0x30];
	v3 =	vadd.s32 s4, v22  }
0x390: {  	v48 =	vadd.s32 s8, v22;
	s20 =	simm.s32 $0x0;
	[tilespmem:v46+s30+$0x0] =	vst.idx.msk $0xffff, v45;
	v7 =	vld [tilespmem:s10+$0xFFFFFF30]  }
0x391: {  	v49 =	vadd.s32 s20, v53;
	[tilespmem:v47+s30+$0x0] =	vst.idx.msk $0xffff, v4  }
0x392: {  	s26 =	simm.s32 $0x81;
	v50 =	vadd.s32 s20, v61;
	[tilespmem:v6+s30+$0x0] =	vst.idx.msk $0xffff, v5  }
0x393: {  	s29 =	simm.s32 $0x102;
	v52 =	vadd.s32 s26, v54;
	[tilespmem:v1+s30+$0x0] =	vst.idx.msk $0xffff, v0  }
0x394: {  	v57 =	vadd.s32 s29, v58;
	[tilespmem:v3+s30+$0x0] =	vst.idx.msk $0xffff, v2  }
0x395: {  	v13 =	vadd.s32 s29, v54;
	[tilespmem:v48+s30+$0x0] =	vst.idx.msk $0xffff, v7  }
0x396: {  	v16 =	vadd.s32 s29, v63;
	v8 =	vld.idx.msk [tilespmem:v49+s30+$0x0], $0xffff  }
0x397: {  	v17 =	vadd.s32 s29, v51;
	v9 =	vld.idx.msk [tilespmem:v50+s30+$0x0], $0xffff  }
0x398: {  	v22 =	vadd.s32 s29, v61;
	v10 =	vld.idx.msk [tilespmem:v52+s30+$0x0], $0xffff  }
0x399: {  	v0 =	vadd.s32 s20, v63;
	v11 =	vld.idx.msk [tilespmem:v57+s30+$0x0], $0xffff  }
0x39a: {  	v2 =	vadd.s32 s20, v51;
	v13 =	vld.idx.msk [tilespmem:v13+s30+$0x0], $0xffff  }
0x39b: {  	s18 =	simm.s32 $0x0;
	v16 =	vld.idx.msk [tilespmem:v16+s30+$0x0], $0xffff  }
0x39c: {  	s19 =	sand.u32 $0xE00, s18;
	v1 =	vadd.s32 s20, v58;
	s15 =	rddreg [dreg:$0x1f];
	v17 =	vld.idx.msk [tilespmem:v17+s30+$0x0], $0xffff  }
0x39d: {  	s21 =	simm.s32 $0x0;
	s0 =	sshrl.u32 s19, $0x2;
	v7 =	vadd.s32 s20, v55;
	v22 =	vld.idx.msk [tilespmem:v22+s30+$0x0], $0xffff;
	s6 =	sadd.s32 $0x4000, s15  }
0x39e: {  	s23 =	sand.u32 $0x40, s21;
	s24 =	sadd.s32 s0, s6;
	v0 =	vld.idx.msk [tilespmem:v0+s30+$0x0], $0xffff  }
0x39f: {  	v18 =	vadd.s32 s29, v56;
	s0 =	sadd.s32 s23, s24;
	v2 =	vld.idx.msk [tilespmem:v2+s30+$0x0], $0xffff  }
0x3a0: {  	s22 =	simm.s32 $0x20;
	v19 =	vadd.s32 s29, v55;
	v3 =	vld [tilespmem:s0+$0x0]  }
0x3a1: {  	s25 =	sand.u32 $0x60, s22;
	v21 =	vadd.s32 s20, v56;
	v1 =	vld.idx.msk [tilespmem:v1+s30+$0x0], $0xffff  }
0x3a2: {  	v14 =	vadd.s32 s26, v63;
	s28 =	sadd.s32 s25, s24;
	v7 =	vld.idx.msk [tilespmem:v7+s30+$0x0], $0xffff  }
0x3a3: {  	v15 =	vadd.s32 s26, v56;
	v5 =	vadd.s32 s26, v61;
	v4 =	vld [tilespmem:s28+$0x0]  }
0x3a4: {  	v23 =	vadd.s32 s26, v55;
	v24 =	vadd.s32 s20, v54;
	v25 =	vadd.s32 s26, v58;
	v18 =	vld.idx.msk [tilespmem:v18+s30+$0x0], $0xffff  }
0x3a5: {  	s17 =	simm.s32 $0x183;
	v30 =	vadd.s32 s29, v53;
	v6 =	vadd.s32 s26, v53;
	v19 =	vld.idx.msk [tilespmem:v19+s30+$0x0], $0xffff;
	v2 =	vadd.f32 v2, v3  }
0x3a6: {  	s31 =	simm.s32 $0x10;
	v62 =	vadd.s32 s17, v55;
	v21 =	vld.idx.msk [tilespmem:v21+s30+$0x0], $0xffff;
	v1 =	vadd.f32 v1, v3;
	v0 =	vadd.f32 v0, v3  }
0x3a7: {  	v20 =	vimm.f32 $0.0e+00;
	v14 =	vld.idx.msk [tilespmem:v14+s30+$0x0], $0xffff;
	s0 =	sand.u32 $0x50, s31;
	v7 =	vadd.f32 v7, v3;
	v8 =	vadd.f32 v8, v3  }
0x3a8: {  	v44 =	vadd.s32 s17, v54;
	v5 =	vld.idx.msk [tilespmem:v5+s30+$0x0], $0xffff;
	s0 =	sadd.s32 s0, s24;
	v9 =	vadd.f32 v9, v3;
	v11 =	vadd.f32 v11, v4  }
0x3a9: {  	v49 =	vadd.s32 s17, v53;
	v37 =	vld [tilespmem:s0+$0x0];
	v31 =	vadd.f32 v13, v4;
	v34 =	vadd.f32 v16, v4  }
0x3aa: {  	v57 =	vadd.s32 s17, v63;
	v6 =	vld.idx.msk [tilespmem:v6+s30+$0x0], $0xffff;
	v13 =	vadd.f32 v17, v4;
	v22 =	vadd.f32 v22, v4  }
0x3ab: {  	v23 =	vld.idx.msk [tilespmem:v23+s30+$0x0], $0xffff;
	v17 =	vadd.s32 s26, v51;
	v39 =	vadd.f32 v18, v4;
	v18 =	vadd.f32 v19, v4  }
0x3ac: {  	v21 =	vadd.f32 v21, v3;
	v26 =	vmul.f32 v2, v2;
	v29 =	vadd.f32 v0, v20  }
0x3ad: {  	v33 =	vmul.f32 v7, v7;
	v35 =	vadd.f32 v9, v20;
	v7 =	vadd.f32 v7, v20  }
0x3ae: {  	v16 =	vmul.f32 v8, v8;
	v8 =	vadd.f32 v8, v20;
	v10 =	vadd.f32 v10, v37  }
0x3af: {  	v28 =	vmul.f32 v0, v0;
	v0 =	vld.idx.msk [tilespmem:v24+s30+$0x0], $0xffff;
	v6 =	vadd.f32 v6, v37;
	v5 =	vadd.f32 v5, v37  }
0x3b0: {  	s16 =	simm.s32 $0x30;
	v19 =	vld.idx.msk [tilespmem:v30+s30+$0x0], $0xffff;
	v24 =	vadd.s32 s17, v61;
	v14 =	vadd.f32 v14, v37;
	v23 =	vadd.f32 v23, v37  }
0x3b1: {  	s5 =	sand.u32 $0x70, s16;
	v59 =	vld.idx.msk [tilespmem:v15+s30+$0x0], $0xffff;
	v27 =	vmul.f32 v1, v1;
	v32 =	vadd.f32 v26, v20;
	v26 =	vadd.f32 v1, v20  }
0x3b2: {  	v25 =	vld.idx.msk [tilespmem:v25+s30+$0x0], $0xffff;
	s5 =	sadd.s32 s5, s24;
	v9 =	vmul.f32 v9, v9;
	v1 =	vadd.f32 v2, v20;
	v28 =	vadd.f32 v28, v20  }
0x3b3: {  	v12 =	vld [tilespmem:s5+$0x0];
	v2 =	vadd.s32 s17, v58;
	v27 =	vadd.f32 v27, v20;
	v36 =	vadd.f32 v16, v20  }
0x3b4: {  	v38 =	vmul.f32 v11, v11;
	v30 =	vadd.f32 v33, v20;
	v50 =	vld.idx.msk [tilespmem:v17+s30+$0x0], $0xffff;
	v0 =	vadd.f32 v0, v3  }
0x3b5: {  	v9 =	vadd.f32 v9, v20;
	v45 =	vadd.f32 v19, v4;
	v4 =	vmul.f32 v6, v6;
	v24 =	vld.idx.msk [tilespmem:v24+s30+$0x0], $0xffff  }
0x3b6: {  	v33 =	vadd.f32 v59, v37;
	v40 =	vadd.f32 v0, v20;
	v0 =	vmul.f32 v0, v0  }
0x3b7: {  	v41 =	vmul.f32 v31, v31;
	v6 =	vadd.f32 v6, v8;
	v4 =	vadd.f32 v4, v36  }
0x3b8: {  	v43 =	vmul.f32 v22, v22;
	v2 =	vld.idx.msk [tilespmem:v2+s30+$0x0], $0xffff;
	v42 =	vadd.f32 v0, v20;
	v0 =	vadd.f32 v21, v20  }
0x3b9: {  	v16 =	vmul.f32 v39, v39;
	v60 =	vadd.f32 v10, v40;
	v40 =	vadd.f32 v50, v37  }
0x3ba: {  	v59 =	vld.idx.msk [tilespmem:v49+s30+$0x0], $0xffff;
	v10 =	vmul.f32 v10, v10;
	v15 =	vadd.f32 v24, v12;
	v24 =	vadd.f32 v25, v37  }
0x3bb: {  	v3 =	vmul.f32 v34, v34;
	v25 =	vadd.f32 v45, v6;
	v6 =	vadd.f32 v14, v29  }
0x3bc: {  	v21 =	vmul.f32 v21, v21;
	v48 =	vadd.f32 v33, v0;
	v10 =	vadd.f32 v10, v42  }
0x3bd: {  	v29 =	vadd.s32 s17, v56;
	v2 =	vadd.f32 v2, v12;
	v19 =	vadd.f32 v24, v26  }
0x3be: {  	v26 =	vmul.f32 v5, v5;
	v24 =	vmul.f32 v24, v24;
	v5 =	vadd.f32 v5, v35  }
0x3bf: {  	v35 =	vadd.f32 v59, v12;
	v46 =	vmul.f32 v2, v2;
	v11 =	vadd.f32 v11, v19  }
0x3c0: {  	v52 =	vadd.f32 v24, v27;
	v17 =	vadd.f32 v22, v5;
	v5 =	vadd.s32 s17, v51  }
0x3c1: {  	v19 =	vadd.f32 v34, v6;
	v6 =	vld.idx.msk [tilespmem:v44+s30+$0x0], $0xffff;
	v0 =	vadd.f32 v2, v11;
	v2 =	vmul.f32 v14, v14  }
0x3c2: {  	v36 =	vmul.f32 v45, v45;
	v22 =	vadd.f32 v31, v60;
	v60 =	vadd.f32 v21, v20;
	v21 =	vld.idx.msk [tilespmem:v29+s30+$0x0], $0xffff  }
0x3c3: {  	v9 =	vadd.f32 v26, v9;
	v20 =	vmul.f32 v33, v33;
	v24 =	vadd.f32 v2, v28;
	v28 =	vld.idx.msk [tilespmem:v62+s30+$0x0], $0xffff  }
0x3c4: {  	v34 =	vadd.f32 v39, v48;
	v33 =	vadd.f32 v23, v7;
	v7 =	vmul.f32 v23, v23  }
0x3c5: {  	v23 =	vmul.f32 v18, v18;
	v27 =	vadd.f32 v41, v10;
	v37 =	vadd.f32 v20, v60;
	v5 =	vld.idx.msk [tilespmem:v5+s30+$0x0], $0xffff  }
0x3c6: {  	v42 =	vld.idx.msk [tilespmem:v57+s30+$0x0], $0xffff;
	v39 =	vmul.f32 v13, v13;
	v30 =	vadd.f32 v7, v30;
	v2 =	vadd.f32 v43, v9  }
0x3c7: {  	v62 =	vadd.f32 v38, v52;
	v26 =	vadd.f32 v6, v12;
	v6 =	vmul.f32 v40, v40  }
0x3c8: {  	v14 =	vmul.f32 v15, v15;
	v38 =	vadd.f32 v21, v12;
	v31 =	vadd.f32 v28, v12  }
0x3c9: {  	s2 =	simm.s32 $0x70;
	v20 =	vadd.f32 v46, v62;
	v41 =	vadd.f32 v6, v32;
	v32 =	vmul.f32 v35, v35  }
0x3ca: {  	s3 =	simm.s32 $0x387;
	s1 =	simm.s32 $0x0;
	s5 =	simm.s32 $0x100;
	v28 =	vmul.f32 v26, v26;
	v21 =	vadd.f32 v5, v12;
	v29 =	vmul.f32 v31, v31  }
.LBB2_15:
0x3cb: {  	s9 =	sadd.s32 $0xFFFFFE7D, s3;
	s0 =	sand.u32 $0xE00, s5;
	s8 =	sadd.s32 $0xFFFFFEFE, s3;
	v1 =	vadd.f32 v40, v1;
	v5 =	vadd.f32 v42, v12;
	v6 =	vmul.f32 v38, v38  }
0x3cc: {  	s4 =	sadd.s32 $0xFFFFFFD0, s2;
	s7 =	sadd.s32 $0xFFFFFFF0, s2;
	v3 =	vadd.f32 v3, v24;
	s0 =	sshrl.u32 s0, $0x2;
	v7 =	vadd.s32 s9, v51;
	v8 =	vadd.s32 s9, v63  }
0x3cd: {  	s10 =	sand.u32 $0x70, s2;
	v11 =	vadd.f32 v18, v33;
	s4 =	sand.u32 $0x40, s4;
	v9 =	vadd.s32 s9, v55;
	v10 =	vadd.s32 s9, v53;
	s0 =	sadd.s32 s0, s6  }
0x3ce: {  	v18 =	vadd.s32 s9, v58;
	v40 =	vadd.s32 s9, v61;
	s7 =	sand.u32 $0x60, s7;
	v39 =	vadd.f32 v39, v41;
	s4 =	sadd.s32 s4, s0;
	s10 =	sadd.s32 s10, s0  }
0x3cf: {  	s1 =	sadd.s32 $0x4, s1;
	v41 =	vadd.s32 s8, v63;
	v42 =	vadd.s32 s8, v56;
	v1 =	vadd.f32 v13, v1;
	v33 =	vld [tilespmem:s4+$0x0];
	s4 =	sadd.s32 s7, s0  }
0x3d0: {  	s11 =	sadd.s32 $0xFFFFFF7F, s3;
	v4 =	vadd.f32 v36, v4;
	v43 =	vadd.s32 s8, v54;
	p0 =	slt.u32 s1, $0x3C;
	v13 =	vadd.s32 s8, v53;
	v24 =	vld [tilespmem:s4+$0x0]  }
0x3d1: {  	v25 =	vadd.f32 v35, v25;
	v36 =	vadd.s32 s8, v61;
	v44 =	vadd.s32 s11, v51;
	v12 =	vld [tilespmem:s10+$0x0]  }
0x3d2: {  	v34 =	vadd.f32 v38, v34;
	v35 =	vadd.s32 s11, v56;
	v45 =	vadd.s32 s11, v55;
	v8 =	vld.idx.msk [tilespmem:v8+s30+$0x0], $0xffff  }
0x3d3: {  	v16 =	vadd.f32 v16, v37;
	v38 =	vadd.s32 s11, v54;
	v46 =	vadd.s32 s11, v58;
	s4 =	sadd.s32 $0xFFFFFFE0, s2;
	v18 =	vld.idx.msk [tilespmem:v18+s30+$0x0], $0xffff  }
0x3d4: {  	v37 =	vadd.s32 s9, v56;
	v47 =	vadd.s32 s8, v55;
	v4 =	vadd.f32 v32, v4;
	s4 =	sand.u32 $0x50, s4;
	v7 =	vld.idx.msk [tilespmem:v7+s30+$0x0], $0xffff  }
0x3d5: {  	v48 =	vadd.s32 s11, v53;
	v11 =	vadd.f32 v31, v11;
	s7 =	sadd.s32 s4, s0;
	v32 =	vld.idx.msk [tilespmem:v42+s30+$0x0], $0xffff;
	v42 =	vadd.s32 s8, v58  }
0x3d6: {  	v49 =	vadd.s32 s11, v63;
	v31 =	vadd.s32 s9, v54;
	v1 =	vadd.f32 v21, v1;
	v36 =	vld.idx.msk [tilespmem:v36+s30+$0x0], $0xffff  }
0x3d7: {  	v27 =	vadd.f32 v28, v27;
	v21 =	vmul.f32 v21, v21;
	v50 =	vld.idx.msk [tilespmem:v13+s30+$0x0], $0xffff;
	v13 =	vadd.s32 s11, v61  }
0x3d8: {  	v23 =	vadd.f32 v23, v30;
	v22 =	vadd.f32 v26, v22;
	v28 =	vmul.f32 v5, v5;
	v9 =	vld.idx.msk [tilespmem:v9+s30+$0x0], $0xffff  }
0x3d9: {  	v21 =	vadd.f32 v21, v39;
	v18 =	vadd.f32 v18, v33;
	v26 =	vld.idx.msk [tilespmem:v41+s30+$0x0], $0xffff  }
0x3da: {  	v29 =	vadd.f32 v29, v23;
	v7 =	vadd.f32 v7, v33;
	v10 =	vld.idx.msk [tilespmem:v10+s30+$0x0], $0xffff  }
0x3db: {  	v5 =	vadd.f32 v5, v19;
	v8 =	vadd.f32 v8, v33;
	v30 =	vmul.f32 v18, v18;
	v39 =	vld.idx.msk [tilespmem:v42+s30+$0x0], $0xffff  }
0x3dc: {  	v2 =	vadd.f32 v14, v2;
	v23 =	vadd.f32 v6, v16;
	v19 =	vmul.f32 v7, v7;
	v40 =	vld.idx.msk [tilespmem:v40+s30+$0x0], $0xffff  }
0x3dd: {  	v15 =	vadd.f32 v15, v17;
	v3 =	vadd.f32 v28, v3;
	v6 =	vmul.f32 v8, v8;
	v14 =	vld.idx.msk [tilespmem:v43+s30+$0x0], $0xffff  }
0x3de: {  	v9 =	vadd.f32 v9, v33;
	v16 =	vld.idx.msk [tilespmem:v46+s30+$0x0], $0xffff  }
0x3df: {  	v17 =	vld.idx.msk [tilespmem:v38+s30+$0x0], $0xffff  }
0x3e0: {  	v28 =	vmul.f32 v9, v9;
	v10 =	vadd.f32 v10, v33;
	v38 =	vld.idx.msk [tilespmem:v49+s30+$0x0], $0xffff  }
0x3e1: {  	v0 =	vadd.f32 v18, v0;
	v21 =	vadd.f32 v19, v21;
	v18 =	vld.idx.msk [tilespmem:v44+s30+$0x0], $0xffff  }
0x3e2: {  	v41 =	vadd.s32 s8, v51;
	v19 =	vmul.f32 v10, v10;
	v40 =	vadd.f32 v40, v33;
	v42 =	vld.idx.msk [tilespmem:v13+s30+$0x0], $0xffff  }
0x3e3: {  	v5 =	vadd.f32 v8, v5;
	v8 =	vadd.s32 s3, v58;
	v1 =	vadd.f32 v7, v1;
	v7 =	vld.idx.msk [tilespmem:v31+s30+$0x0], $0xffff  }
0x3e4: {  	v31 =	vmul.f32 v40, v40;
	v43 =	vadd.f32 v16, v24;
	v16 =	vadd.s32 s3, v61;
	v35 =	vld.idx.msk [tilespmem:v35+s30+$0x0], $0xffff  }
0x3e5: {  	v6 =	vadd.f32 v6, v3;
	v44 =	vld.idx.msk [tilespmem:v45+s30+$0x0], $0xffff;
	v45 =	vadd.f32 v17, v24  }
0x3e6: {  	v20 =	vadd.f32 v30, v20;
	v30 =	vadd.f32 v38, v24;
	v38 =	vmul.f32 v43, v43;
	v17 =	vld.idx.msk [tilespmem:v37+s30+$0x0], $0xffff  }
0x3e7: {  	v37 =	vadd.f32 v40, v15;
	v13 =	vadd.f32 v18, v24;
	v40 =	vld.idx.msk [tilespmem:v41+s30+$0x0], $0xffff;
	v41 =	vmul.f32 v45, v45  }
0x3e8: {  	v9 =	vadd.f32 v9, v11;
	v3 =	vmul.f32 v30, v30;
	v11 =	vadd.f32 v42, v24;
	v8 =	vld.idx.msk [tilespmem:v8+s30+$0x0], $0xffff  }
0x3e9: {  	v4 =	vadd.f32 v19, v4;
	v7 =	vadd.f32 v7, v33;
	v15 =	vld.idx.msk [tilespmem:v16+s30+$0x0], $0xffff  }
0x3ea: {  	v10 =	vadd.f32 v10, v25;
	v35 =	vadd.f32 v35, v24;
	v46 =	vmul.f32 v11, v11;
	v42 =	vld [tilespmem:s7+$0x0]  }
0x3eb: {  	v19 =	vadd.f32 v7, v22;
	v7 =	vmul.f32 v7, v7;
	v18 =	vadd.f32 v44, v24;
	v22 =	vld.idx.msk [tilespmem:v48+s30+$0x0], $0xffff  }
0x3ec: {  	v28 =	vadd.f32 v28, v29;
	v17 =	vadd.f32 v17, v33;
	v16 =	vmul.f32 v35, v35;
	v29 =	vld.idx.msk [tilespmem:v47+s30+$0x0], $0xffff  }
0x3ed: {  	v2 =	vadd.f32 v31, v2;
	v7 =	vadd.f32 v7, v27  }
0x3ee: {  	v25 =	vadd.f32 v17, v34;
	v27 =	vmul.f32 v17, v17;
	v8 =	vadd.f32 v8, v12  }
0x3ef: {  	v31 =	vadd.s32 s3, v54;
	v15 =	vadd.f32 v15, v12;
	v17 =	vadd.f32 v14, v42  }
0x3f0: {  	v33 =	vadd.f32 v50, v42;
	v34 =	vadd.f32 v39, v42;
	v44 =	vmul.f32 v8, v8  }
0x3f1: {  	v36 =	vadd.f32 v36, v42;
	v47 =	vadd.f32 v22, v24;
	v14 =	vmul.f32 v15, v15  }
0x3f2: {  	v32 =	vadd.f32 v32, v42;
	v22 =	vmul.f32 v33, v33;
	v0 =	vadd.f32 v34, v0  }
0x3f3: {  	v10 =	vadd.f32 v33, v10;
	v33 =	vadd.f32 v17, v19;
	v19 =	vmul.f32 v36, v36  }
0x3f4: {  	v24 =	vadd.f32 v26, v42;
	v17 =	vmul.f32 v17, v17;
	v26 =	vmul.f32 v34, v34  }
0x3f5: {  	v4 =	vadd.f32 v22, v4;
	v22 =	vadd.f32 v36, v37  }
0x3f6: {  	v34 =	vadd.s32 s3, v55;
	v0 =	vadd.f32 v43, v0;
	v36 =	vadd.s32 s3, v53  }
0x3f7: {  	v39 =	vadd.s32 s3, v51;
	v37 =	vadd.f32 v32, v25;
	v43 =	vadd.s32 s3, v63  }
0x3f8: {  	v48 =	vmul.f32 v24, v24;
	v25 =	vadd.f32 v47, v10;
	v0 =	vadd.f32 v8, v0  }
0x3f9: {  	v5 =	vadd.f32 v24, v5;
	v7 =	vadd.f32 v17, v7;
	v8 =	vadd.s32 s3, v56  }
0x3fa: {  	v10 =	vadd.f32 v26, v20;
	v17 =	vadd.f32 v11, v22  }
0x3fb: {  	v2 =	vadd.f32 v19, v2;
	v19 =	vadd.f32 v30, v5;
	v5 =	vld.idx.msk [tilespmem:v31+s30+$0x0], $0xffff  }
0x3fc: {  	v24 =	vadd.f32 v48, v6;
	v6 =	vadd.f32 v29, v42;
	v11 =	vld.idx.msk [tilespmem:v34+s30+$0x0], $0xffff  }
0x3fd: {  	v22 =	vadd.f32 v45, v33;
	v2 =	vadd.f32 v46, v2;
	v20 =	vld.idx.msk [tilespmem:v36+s30+$0x0], $0xffff  }
0x3fe: {  	v23 =	vadd.f32 v27, v23;
	v26 =	vmul.f32 v32, v32;
	v34 =	vadd.f32 v35, v37;
	v8 =	vld.idx.msk [tilespmem:v8+s30+$0x0], $0xffff  }
0x3ff: {  	v40 =	vadd.f32 v40, v42;
	v33 =	vadd.f32 v6, v9;
	v6 =	vmul.f32 v6, v6;
	v9 =	vld.idx.msk [tilespmem:v39+s30+$0x0], $0xffff  }
0x400: {  	v27 =	vadd.f32 v41, v7;
	v37 =	vadd.f32 v26, v23;
	v23 =	vmul.f32 v18, v18;
	v42 =	vld.idx.msk [tilespmem:v43+s30+$0x0], $0xffff  }
.Ltmp7:
0x401: {  	v7 =	vadd.f32 v38, v10;
	v39 =	vmul.f32 v13, v13;
	v26 =	vadd.f32 v5, v12;
	(pc) =	sbr.rel @p0 .LBB2_15-.Ltmp7, $4  }
0x402: {  	v36 =	vmul.f32 v47, v47;
	v5 =	vmul.f32 v40, v40;
	v31 =	vadd.f32 v11, v12  }
0x403: {  	v30 =	vadd.f32 v6, v28;
	v35 =	vadd.f32 v20, v12;
	v28 =	vmul.f32 v26, v26  }
0x404: {  	v20 =	vadd.f32 v44, v7;
	v38 =	vadd.f32 v8, v12;
	v29 =	vmul.f32 v31, v31  }
0x405: {  	s5 =	sadd.s32 $0x100, s5;
	s2 =	sadd.s32 $0x40, s2;
	s3 =	sadd.s32 $0x204, s3;
	v41 =	vadd.f32 v5, v21;
	v21 =	vadd.f32 v9, v12;
	v32 =	vmul.f32 v35, v35  }
0x406: {  	v1 =	vadd.f32 v40, v1;
	_ =	sdelay $0x1  }
0x407: {  	v1 =	vadd.f32 v13, v1;
	_ =	sdelay $0x1  }
0x408: {  	v5 =	vadd.f32 v39, v41;
	v6 =	vmul.f32 v21, v21;
	v1 =	vadd.f32 v21, v1  }
0x409: {  	v7 =	vadd.f32 v42, v12  }
0x40a: {  	v5 =	vadd.f32 v6, v5;
	v47 =	vmul.f32 $1.562500000e-02, v1  }
0x40b: {  	v3 =	vadd.f32 v3, v24;
	v6 =	vmul.f32 v7, v7;
	v7 =	vadd.f32 v7, v19  }
0x40c: {  	v1 =	vmul.f32 $1.562500000e-02, v5;
	v5 =	vmul.f32 v47, v47  }
0x40d: {  	v3 =	vadd.f32 v6, v3;
	v45 =	vmul.f32 $1.562500000e-02, v7  }
0x40e: {  	v1 =	vsub.f32 v1, v5  }
0x40f: {  	v3 =	vmul.f32 $1.562500000e-02, v3;
	v5 =	vmul.f32 v45, v45  }
0x410: {  	v6 =	vadd.f32 v38, v34;
	v1 =	vadd.f32 $9.999999740e-06, v1  }
0x411: {  	v7 =	vadd.f32 v16, v37;
	v3 =	vsub.f32 v3, v5;
	v5 =	vmul.f32 v38, v38  }
0x412: {  	v62 =	vmul.f32 $1.562500000e-02, v6;
	v8 =	vshrl.u32 v1, $0x1;
	v1 =	vmul.f32 $5.000000000e-01, v1  }
0x413: {  	v3 =	vadd.f32 $9.999999740e-06, v3;
	v5 =	vadd.f32 v5, v7;
	v7 =	vsub.s32 $0x5F3759DF, v8  }
0x414: {  	v9 =	vmul.f32 v62, v62;
	v6 =	vmul.f32 v7, v1  }
0x415: {  	v38 =	vmul.f32 $5.000000000e-01, v3;
	v3 =	vshrl.u32 v3, $0x1;
	v5 =	vmul.f32 $1.562500000e-02, v5  }
0x416: {  	v3 =	vsub.s32 $0x5F3759DF, v3;
	v6 =	vmul.f32 v7, v6  }
0x417: {  	v11 =	vadd.f32 v23, v30;
	v10 =	vmul.f32 v3, v38;
	v5 =	vsub.f32 v5, v9  }
0x418: {  	v39 =	vadd.f32 v18, v33;
	v6 =	vsub.f32 $1.500000000e+00, v6  }
0x419: {  	v10 =	vmul.f32 v3, v10;
	v5 =	vadd.f32 $9.999999740e-06, v5  }
0x41a: {  	v11 =	vadd.f32 v29, v11;
	v9 =	vadd.f32 v31, v39;
	v6 =	vmul.f32 v7, v6  }
0x41b: {  	v7 =	vsub.f32 $1.500000000e+00, v10;
	v40 =	vshrl.u32 v5, $0x1;
	v5 =	vmul.f32 $5.000000000e-01, v5  }
0x41c: {  	v11 =	vmul.f32 $1.562500000e-02, v11;
	v49 =	vmul.f32 $1.562500000e-02, v9;
	v10 =	vsub.s32 $0x5F3759DF, v40  }
0x41d: {  	v3 =	vmul.f32 v3, v7;
	v7 =	vmul.f32 v10, v5  }
0x41e: {  	v4 =	vadd.f32 v36, v4;
	s8 =	simm.s32 $0x81;
	v13 =	vmul.f32 v49, v49;
	v12 =	vmul.f32 v6, v1  }
0x41f: {  	v42 =	vadd.s32 s8, v51;
	v41 =	vmul.f32 v3, v38;
	v7 =	vmul.f32 v10, v7  }
0x420: {  	v18 =	vadd.f32 v28, v27;
	v11 =	vsub.f32 v11, v13;
	v12 =	vmul.f32 v12, v6  }
0x421: {  	s14 =	simm.s32 $0x102;
	v16 =	vadd.f32 v35, v25;
	v9 =	vmul.f32 v41, v3;
	v7 =	vsub.f32 $1.500000000e+00, v7  }
0x422: {  	s12 =	simm.s32 $0x0;
	v23 =	vadd.s32 s14, v51;
	v11 =	vadd.f32 $9.999999740e-06, v11;
	v12 =	vsub.f32 $1.500000000e+00, v12  }
0x423: {  	s0 =	simm.s32 $0x10;
	s3 =	sand.u32 $0x380, s12;
	v28 =	vmul.f32 $1.562500000e-02, v16;
	v9 =	vsub.f32 $1.500000000e+00, v9;
	v7 =	vmul.f32 v10, v7  }
0x424: {  	s0 =	sand.u32 $0x50, s0;
	s1 =	sadd.s32 s3, s6;
	v6 =	vmul.f32 v12, v6;
	v12 =	vshrl.u32 v11, $0x1;
	v11 =	vmul.f32 $5.000000000e-01, v11  }
0x425: {  	s2 =	sadd.s32 s0, s1;
	v12 =	vsub.s32 $0x5F3759DF, v12;
	v3 =	vmul.f32 v9, v3;
	v43 =	vmul.f32 v7, v5  }
0x426: {  	v19 =	vadd.s32 s12, v51;
	v27 =	vld [tilespmem:s2+$0x0];
	v1 =	vmul.f32 v6, v1;
	v21 =	vmul.f32 v12, v11  }
0x427: {  	s10 =	simm.s32 $0x20;
	s4 =	sand.u32 $0x40, s12;
	v4 =	vadd.f32 v32, v4;
	v10 =	vld.idx.msk [tilespmem:v42+s30+$0x0], $0xffff;
	v8 =	vmul.f32 v3, v38;
	v9 =	vmul.f32 v43, v7  }
0x428: {  	v22 =	vadd.f32 v26, v22;
	s7 =	sand.u32 $0x60, s10;
	s5 =	sadd.s32 s4, s1;
	v24 =	vmul.f32 v1, v6;
	v16 =	vmul.f32 v12, v21  }
0x429: {  	s15 =	sadd.s32 s7, s1;
	v60 =	vld [tilespmem:s5+$0x0];
	v1 =	vadd.f32 v14, v2;
	v2 =	vmul.f32 $1.562500000e-02, v4;
	v4 =	vmul.f32 v28, v28  }
0x42a: {  	v46 =	vld [tilespmem:s15+$0x0];
	v8 =	vmul.f32 v8, v3;
	v9 =	vsub.f32 $1.500000000e+00, v9;
	v14 =	vsub.f32 $1.500000000e+00, v24  }
0x42b: {  	v18 =	vmul.f32 $1.562500000e-02, v18;
	v19 =	vld.idx.msk [tilespmem:v19+s30+$0x0], $0xffff;
	v44 =	vsub.f32 $1.500000000e+00, v16;
	v2 =	vsub.f32 v2, v4  }
0x42c: {  	s11 =	sor.u32 $0x8000, s3;
	v10 =	vadd.f32 v10, v27;
	v4 =	vld.idx.msk [tilespmem:v23+s30+$0x0], $0xffff;
	v7 =	vmul.f32 v9, v7;
	v8 =	vsub.f32 $1.500000000e+00, v8  }
0x42d: {  	s9 =	sor.u32 s0, s11;
	v9 =	vmul.f32 v12, v44;
	v37 =	vmul.f32 v14, v6;
	v2 =	vadd.f32 $9.999999740e-06, v2  }
0x42e: {  	s3 =	sor.u32 $0x8400, s3;
	v29 =	vld [tilespmem:s9+$0x0];
	v6 =	vsub.f32 v10, v47;
	v12 =	vmul.f32 $1.562500000e-02, v22;
	v5 =	vmul.f32 v7, v5  }
0x42f: {  	s0 =	sor.u32 s0, s3;
	v40 =	vmul.f32 v8, v3;
	v57 =	vshrl.u32 v2, $0x1;
	v59 =	vmul.f32 $5.000000000e-01, v2  }
0x430: {  	s16 =	sor.u32 s4, s11;
	v31 =	vld [tilespmem:s0+$0x0];
	v2 =	vadd.f32 v19, v60;
	v6 =	vmul.f32 v6, v37;
	v19 =	vadd.s32 s8, v63  }
0x431: {  	s18 =	sor.u32 s7, s11;
	v30 =	vld [tilespmem:s16+$0x0];
	v21 =	vmul.f32 v12, v12;
	v8 =	vsub.s32 $0x5F3759DF, v57;
	v4 =	vadd.f32 v4, v46  }
0x432: {  	s17 =	sor.u32 s4, s3;
	v48 =	vld [tilespmem:s18+$0x0];
	v3 =	vmul.f32 v5, v7;
	v5 =	vmul.f32 v9, v11;
	v2 =	vsub.f32 v2, v47  }
0x433: {  	v33 =	vmovc v53;
	v53 =	vld [tilespmem:s17+$0x0];
	v16 =	vmul.f32 v8, v59;
	v6 =	vmul.f32 v6, v29;
	v4 =	vsub.f32 v4, v47  }
0x434: {  	s19 =	sor.u32 s7, s3;
	v23 =	vadd.s32 s12, v63;
	v5 =	vmul.f32 v5, v9;
	v2 =	vmul.f32 v2, v37  }
0x435: {  	s13 =	simm.s32 $0x183;
	v14 =	vld [tilespmem:s19+$0x0];
	v41 =	vsub.f32 v18, v21;
	v6 =	vadd.f32 v6, v31;
	v4 =	vmul.f32 v4, v37  }
0x436: {  	s23 =	simm.s32 $0x14A80;
	v18 =	vadd.s32 s13, v51;
	v5 =	vsub.f32 $1.500000000e+00, v5;
	v2 =	vmul.f32 v2, v30  }
0x437: {  	v21 =	vadd.s32 s14, v63;
	v22 =	vmul.f32 v8, v16;
	[tilespmem:s23+$0xFFFFFF80] =	vst v6;
	v4 =	vmul.f32 v4, v48  }
0x438: {  	v19 =	vld.idx.msk [tilespmem:v19+s30+$0x0], $0xffff;
	v5 =	vmul.f32 v5, v9;
	v2 =	vadd.f32 v2, v53;
	v9 =	vadd.f32 $9.999999740e-06, v41  }
0x439: {  	v6 =	vsub.f32 $1.500000000e+00, v22  }
0x43a: {  	v4 =	vadd.f32 v4, v14;
	[tilespmem:s23+$0xFFFFFF00] =	vst v2;
	v42 =	vshrl.u32 v9, $0x1;
	v2 =	vmul.f32 $5.000000000e-01, v9  }
0x43b: {  	s20 =	simm.s32 $0x30;
	v36 =	vmul.f32 $1.562500000e-02, v0;
	v6 =	vmul.f32 v8, v6;
	v43 =	vld.idx.msk [tilespmem:v23+s30+$0x0], $0xffff;
	v8 =	vsub.s32 $0x5F3759DF, v42  }
0x43c: {  	v15 =	vadd.f32 v15, v17;
	v20 =	vmul.f32 $1.562500000e-02, v20;
	s0 =	sand.u32 $0x70, s20;
	v18 =	vld.idx.msk [tilespmem:v18+s30+$0x0], $0xffff;
	[tilespmem:s23+$0x0] =	vst v4;
	v22 =	vmul.f32 v8, v2  }
0x43d: {  	s1 =	sadd.s32 s0, s1;
	v1 =	vmul.f32 $1.562500000e-02, v1;
	v17 =	vmul.f32 v6, v59;
	v4 =	vadd.f32 v19, v27;
	v0 =	vld.idx.msk [tilespmem:v21+s30+$0x0], $0xffff  }
0x43e: {  	v44 =	vadd.s32 s8, v56;
	v3 =	vsub.f32 $1.500000000e+00, v3;
	v19 =	vmul.f32 v8, v22;
	v22 =	vld [tilespmem:s1+$0x0]  }
0x43f: {  	v17 =	vmul.f32 v17, v6;
	v21 =	vmul.f32 v36, v36;
	v4 =	vsub.f32 v4, v45  }
0x440: {  	v38 =	vmul.f32 v3, v7;
	v11 =	vmul.f32 v5, v11;
	v9 =	vadd.f32 v43, v60  }
0x441: {  	v17 =	vsub.f32 $1.500000000e+00, v17;
	v3 =	vsub.f32 v20, v21;
	v4 =	vmul.f32 v4, v40  }
0x442: {  	v23 =	vmul.f32 $1.562500000e-02, v15;
	v0 =	vadd.f32 v0, v46;
	v7 =	vsub.f32 v9, v45  }
0x443: {  	v3 =	vadd.f32 $9.999999740e-06, v3;
	v4 =	vmul.f32 v4, v29;
	v18 =	vadd.f32 v18, v22  }
0x444: {  	s21 =	sor.u32 s0, s11;
	v6 =	vmul.f32 v17, v6;
	v0 =	vsub.f32 v0, v45;
	v7 =	vmul.f32 v7, v40  }
0x445: {  	v34 =	vld [tilespmem:s21+$0x0];
	v21 =	vshrl.u32 v3, $0x1;
	v4 =	vadd.f32 v4, v31;
	v17 =	vsub.f32 v18, v47  }
0x446: {  	s0 =	sor.u32 s0, s3;
	v24 =	vmovc v27;
	v18 =	vadd.s32 s12, v56;
	v0 =	vmul.f32 v0, v40;
	v7 =	vmul.f32 v7, v30  }
0x447: {  	v27 =	vmovc v46;
	v20 =	vld [tilespmem:s0+$0x0];
	v3 =	vmul.f32 $5.000000000e-01, v3;
	v46 =	vmovc v22;
	v22 =	vadd.s32 s14, v56;
	[tilespmem:s23+$0xFFFFFF90] =	vst v4;
	v4 =	vsub.s32 $0x5F3759DF, v21  }
0x448: {  	v17 =	vmul.f32 v17, v37;
	v9 =	vld.idx.msk [tilespmem:v44+s30+$0x0], $0xffff;
	v0 =	vmul.f32 v0, v48;
	v7 =	vadd.f32 v7, v53  }
0x449: {  	v15 =	vadd.s32 s13, v63;
	v11 =	vmul.f32 v11, v5;
	v21 =	vmul.f32 v4, v3;
	[tilespmem:$0x1FB00] =	vst v23  }
0x44a: {  	v39 =	vmovc v58;
	v19 =	vsub.f32 $1.500000000e+00, v19;
	v17 =	vmul.f32 v17, v34;
	v0 =	vadd.f32 v0, v14;
	[tilespmem:s23+$0xFFFFFF10] =	vst v7  }
0x44b: {  	v13 =	vmovc v54;
	v11 =	vsub.f32 $1.500000000e+00, v11;
	v10 =	vmul.f32 v6, v59;
	v54 =	vmul.f32 v4, v21;
	v18 =	vld.idx.msk [tilespmem:v18+s30+$0x0], $0xffff  }
0x44c: {  	v7 =	vmul.f32 v8, v19;
	v19 =	vmul.f32 v23, v23;
	v17 =	vadd.f32 v17, v20;
	[tilespmem:s23+$0x10] =	vst v0  }
0x44d: {  	v50 =	vmul.f32 v11, v5;
	v58 =	vmul.f32 v10, v6;
	v0 =	vadd.f32 v9, v24;
	v57 =	vld.idx.msk [tilespmem:v22+s30+$0x0], $0xffff  }
0x44e: {  	v23 =	vadd.s32 s14, v55;
	v5 =	vsub.f32 $1.500000000e+00, v54;
	v1 =	vsub.f32 v1, v19;
	[tilespmem:s23+$0x80] =	vst v17  }
0x44f: {  	v25 =	vmovc v61;
	s11 =	simm.s32 $0x285;
	v21 =	vmul.f32 v7, v2;
	v9 =	vsub.f32 $1.500000000e+00, v58;
	v61 =	vld.idx.msk [tilespmem:v15+s30+$0x0], $0xffff;
	v0 =	vsub.f32 v0, v62  }
0x450: {  	v19 =	vadd.s32 s11, v51;
	v4 =	vmul.f32 v4, v5;
	v5 =	vadd.f32 v18, v60  }
0x451: {  	v59 =	vmul.f32 v21, v7;
	v1 =	vadd.f32 $9.999999740e-06, v1;
	v0 =	vmul.f32 v0, v38  }
0x452: {  	s22 =	simm.s32 $0x40;
	v21 =	vadd.s32 s12, v55;
	v8 =	vadd.f32 v57, v27;
	v5 =	vsub.f32 v5, v62  }
0x453: {  	s25 =	simm.s32 $0x50;
	s26 =	sand.u32 $0x380, s22;
	v17 =	vshrl.u32 v1, $0x1;
	v18 =	vadd.s32 s8, v55;
	v0 =	vmul.f32 v0, v29  }
0x454: {  	s28 =	sadd.s32 s26, s6;
	s0 =	sand.u32 $0x50, s25;
	v11 =	vadd.f32 v61, v46;
	v8 =	vsub.f32 v8, v62;
	v5 =	vmul.f32 v5, v38  }
0x455: {  	s29 =	sadd.s32 s0, s28;
	v1 =	vmul.f32 $5.000000000e-01, v1;
	v17 =	vsub.s32 $0x5F3759DF, v17;
	v0 =	vadd.f32 v0, v31  }
0x456: {  	s20 =	simm.s32 $0x306;
	v16 =	vld [tilespmem:s29+$0x0];
	v11 =	vsub.f32 v11, v45;
	v8 =	vmul.f32 v8, v38;
	v5 =	vmul.f32 v5, v30  }
0x457: {  	s31 =	simm.s32 $0x60;
	v15 =	vmul.f32 v4, v3;
	v19 =	vld.idx.msk [tilespmem:v19+s30+$0x0], $0xffff;
	v22 =	vmul.f32 v17, v1;
	[tilespmem:s23+$0xFFFFFFA0] =	vst v0;
	v0 =	vadd.s32 s20, v51  }
0x458: {  	s4 =	sand.u32 $0x60, s31;
	v11 =	vmul.f32 v11, v40;
	v18 =	vld.idx.msk [tilespmem:v18+s30+$0x0], $0xffff;
	v8 =	vmul.f32 v8, v48;
	v5 =	vadd.f32 v5, v53  }
0x459: {  	s2 =	sadd.s32 s4, s28;
	v26 =	vmovc v24;
	v24 =	vadd.s32 s13, v56;
	v10 =	vsub.f32 $1.500000000e+00, v59;
	v15 =	vmul.f32 v15, v4  }
0x45a: {  	s24 =	simm.s32 $0x204;
	v43 =	vld [tilespmem:s2+$0x0];
	v22 =	vmul.f32 v17, v22;
	v11 =	vmul.f32 v11, v34;
	v8 =	vadd.f32 v8, v14;
	[tilespmem:s23+$0xFFFFFF20] =	vst v5  }
0x45b: {  	s9 =	sor.u32 $0x8000, s26;
	v5 =	vmul.f32 v10, v7;
	v7 =	vsub.f32 $1.500000000e+00, v15;
	v32 =	vld.idx.msk [tilespmem:v21+s30+$0x0], $0xffff;
	v21 =	vadd.s32 s24, v51  }
0x45c: {  	s10 =	sor.u32 s0, s9;
	v57 =	vmul.f32 v9, v6;
	v15 =	vsub.f32 $1.500000000e+00, v22;
	v11 =	vadd.f32 v11, v20;
	v22 =	vld.idx.msk [tilespmem:v0+s30+$0x0], $0xffff  }
0x45d: {  	s2 =	simm.s32 $0x387;
	v41 =	vld [tilespmem:s10+$0x0];
	v58 =	vadd.f32 v19, v16;
	[tilespmem:s23+$0x20] =	vst v8;
	v6 =	vmul.f32 v5, v2;
	v35 =	vadd.f32 v18, v26  }
0x45e: {  	v52 =	vadd.s32 s2, v51;
	v0 =	vmul.f32 v7, v4;
	v2 =	vmul.f32 v17, v15;
	v4 =	vld.idx.msk [tilespmem:v23+s30+$0x0], $0xffff;
	[tilespmem:s23+$0x90] =	vst v11  }
0x45f: {  	s3 =	sor.u32 $0x8400, s26;
	v18 =	vadd.s32 s11, v63;
	v11 =	vsub.f32 v58, v47;
	v7 =	vld.idx.msk [tilespmem:v24+s30+$0x0], $0xffff  }
0x460: {  	s0 =	sor.u32 s0, s3;
	v8 =	vsub.f32 v35, v49;
	v15 =	vmul.f32 v2, v1;
	v10 =	vadd.f32 v32, v60;
	v17 =	vld.idx.msk [tilespmem:v21+s30+$0x0], $0xffff  }
0x461: {  	s15 =	sor.u32 s4, s9;
	v6 =	vmul.f32 v6, v5;
	v11 =	vmul.f32 v11, v37;
	v19 =	vadd.f32 v22, v43;
	v32 =	vld [tilespmem:s0+$0x0];
	[tilespmem:$0x1FB70] =	vst v29  }
0x462: {  	v8 =	vmul.f32 v8, v50;
	v59 =	vmul.f32 v15, v2;
	v35 =	vld [tilespmem:s15+$0x0];
	v10 =	vsub.f32 v10, v49  }
0x463: {  	s16 =	simm.s32 $0x70;
	s4 =	sor.u32 s4, s3;
	v21 =	vadd.s32 s8, v33;
	v4 =	vadd.f32 v4, v27;
	v9 =	vld.idx.msk [tilespmem:v52+s30+$0x0], $0xffff;
	[tilespmem:$0x1FBA0] =	vst v31;
	v19 =	vsub.f32 v19, v47  }
0x464: {  	v61 =	vmovc v29;
	s0 =	sand.u32 $0x70, s16;
	v22 =	vadd.s32 s12, v33;
	v8 =	vmul.f32 v8, v29;
	v29 =	vld [tilespmem:s4+$0x0];
	v10 =	vmul.f32 v10, v50  }
0x465: {  	s1 =	sand.u32 $0x40, s22;
	v44 =	vmovc v46;
	s17 =	sadd.s32 s0, s28;
	v11 =	vmul.f32 v11, v41;
	v4 =	vsub.f32 v4, v49;
	v19 =	vmul.f32 v19, v37  }
0x466: {  	s18 =	sadd.s32 s1, s28;
	v58 =	vld [tilespmem:s17+$0x0];
	v7 =	vadd.f32 v7, v44;
	v8 =	vadd.f32 v8, v31;
	v10 =	vmul.f32 v10, v30  }
0x467: {  	s21 =	sor.u32 s1, s9;
	v52 =	vld [tilespmem:s18+$0x0];
	v4 =	vmul.f32 v4, v50;
	v11 =	vadd.f32 v11, v32;
	v19 =	vmul.f32 v19, v35  }
0x468: {  	s10 =	simm.s32 $0x14C80;
	v46 =	vmovc v26;
	v26 =	vld [tilespmem:s21+$0x0];
	v7 =	vsub.f32 v7, v62;
	[tilespmem:s23+$0xFFFFFFB0] =	vst v8;
	v8 =	vadd.s32 s20, v63;
	v10 =	vadd.f32 v10, v53  }
0x469: {  	v23 =	vadd.s32 s14, v33;
	v4 =	vmul.f32 v4, v48;
	v21 =	vld.idx.msk [tilespmem:v21+s30+$0x0], $0xffff;
	[tilespmem:s10+$0xFFFFFF80] =	vst v11;
	v15 =	vadd.f32 v19, v29  }
0x46a: {  	v42 =	vmovc v31;
	v54 =	vmov v27;
	v3 =	vmul.f32 v0, v3;
	v6 =	vsub.f32 $1.500000000e+00, v6;
	s19 =	sor.u32 s0, s9;
	v18 =	vld.idx.msk [tilespmem:v18+s30+$0x0], $0xffff;
	[tilespmem:s23+$0xFFFFFF30] =	vst v10  }
0x46b: {  	v31 =	vld [tilespmem:s19+$0x0];
	v7 =	vmul.f32 v7, v38;
	v9 =	vadd.f32 v9, v58;
	v4 =	vadd.f32 v4, v14;
	[tilespmem:s10+$0x0] =	vst v15  }
0x46c: {  	v27 =	vmov v33;
	v33 =	vmul.f32 v6, v5;
	v5 =	vadd.f32 v17, v52;
	v10 =	vld.idx.msk [tilespmem:v22+s30+$0x0], $0xffff;
	[tilespmem:$0x1FAB0] =	vst v34  }
0x46d: {  	v7 =	vmul.f32 v7, v34;
	v9 =	vsub.f32 v9, v47;
	[tilespmem:s23+$0x30] =	vst v4;
	v4 =	vld.idx.msk [tilespmem:v8+s30+$0x0], $0xffff  }
0x46e: {  	s1 =	sor.u32 s1, s3;
	v6 =	vsub.f32 $1.500000000e+00, v59;
	v5 =	vsub.f32 v5, v47;
	v8 =	vadd.s32 s13, v55;
	v15 =	vld.idx.msk [tilespmem:v23+s30+$0x0], $0xffff;
	[tilespmem:$0x1FAC0] =	vst v20  }
0x46f: {  	s0 =	sor.u32 s0, s3;
	v7 =	vadd.f32 v7, v20;
	v9 =	vmul.f32 v9, v37;
	v17 =	vadd.f32 v18, v16;
	v22 =	vld [tilespmem:s1+$0x0]  }
0x470: {  	v24 =	vmovc v34;
	v59 =	vadd.s32 s11, v56;
	v19 =	vadd.s32 s24, v63;
	v5 =	vmul.f32 v5, v37;
	v34 =	vld [tilespmem:s0+$0x0];
	[tilespmem:$0x1FAD0] =	vst v31  }
0x471: {  	v9 =	vmul.f32 v9, v31;
	v17 =	vsub.f32 v17, v45;
	[tilespmem:s23+$0xA0] =	vst v7;
	v10 =	vadd.f32 v10, v60  }
0x472: {  	v5 =	vmul.f32 v5, v26;
	v7 =	vadd.f32 v21, v46;
	[tilespmem:$0x1FC60] =	vst v46;
	v4 =	vadd.f32 v4, v43  }
0x473: {  	v17 =	vmul.f32 v17, v40;
	v8 =	vld.idx.msk [tilespmem:v8+s30+$0x0], $0xffff;
	v10 =	vsub.f32 v10, v28;
	v15 =	vadd.f32 v15, v54  }
0x474: {  	v18 =	vadd.s32 s2, v63;
	v5 =	vadd.f32 v5, v22;
	v4 =	vsub.f32 v4, v45  }
0x475: {  	v9 =	vadd.f32 v9, v34;
	v17 =	vmul.f32 v17, v41;
	v10 =	vmul.f32 v10, v57  }
0x476: {  	v7 =	vsub.f32 v7, v28;
	v15 =	vsub.f32 v15, v28;
	[tilespmem:s10+$0xFFFFFF00] =	vst v5;
	v4 =	vmul.f32 v4, v40  }
0x477: {  	v17 =	vadd.f32 v17, v32;
	[tilespmem:s10+$0x80] =	vst v9;
	v5 =	vmul.f32 v10, v30;
	v10 =	vadd.s32 s12, v13;
	v19 =	vld.idx.msk [tilespmem:v19+s30+$0x0], $0xffff  }
0x478: {  	v7 =	vmul.f32 v7, v57;
	v15 =	vmul.f32 v15, v57;
	[tilespmem:$0x1FB20] =	vst v44;
	v8 =	vadd.f32 v8, v44  }
0x479: {  	v9 =	vadd.s32 s20, v56;
	v4 =	vmul.f32 v4, v35;
	v18 =	vld.idx.msk [tilespmem:v18+s30+$0x0], $0xffff;
	[tilespmem:s10+$0xFFFFFF90] =	vst v17;
	v5 =	vadd.f32 v5, v53  }
0x47a: {  	v2 =	vmul.f32 v6, v2;
	v21 =	vadd.s32 s14, v13;
	v15 =	vmul.f32 v15, v48;
	v6 =	vld.idx.msk [tilespmem:v59+s30+$0x0], $0xffff  }
0x47b: {  	v7 =	vmul.f32 v7, v61;
	v4 =	vadd.f32 v4, v29;
	[tilespmem:s23+$0xFFFFFF40] =	vst v5;
	v5 =	vsub.f32 v8, v49  }
0x47c: {  	v59 =	vadd.f32 v15, v14;
	v10 =	vld.idx.msk [tilespmem:v10+s30+$0x0], $0xffff;
	v15 =	vadd.f32 v19, v52  }
0x47d: {  	v3 =	vmul.f32 v3, v0;
	v1 =	vmul.f32 v2, v1;
	v7 =	vadd.f32 v7, v42;
	[tilespmem:s10+$0x10] =	vst v4  }
0x47e: {  	v5 =	vmul.f32 v5, v50;
	[tilespmem:s23+$0x40] =	vst v59;
	v59 =	vld.idx.msk [tilespmem:v9+s30+$0x0], $0xffff;
	v15 =	vsub.f32 v15, v45  }
0x47f: {  	v61 =	vadd.s32 s8, v13;
	v17 =	vadd.f32 v18, v58;
	v18 =	vld.idx.msk [tilespmem:v21+s30+$0x0], $0xffff;
	v6 =	vadd.f32 v6, v16  }
0x480: {  	v4 =	vadd.s32 s24, v56;
	v5 =	vmul.f32 v5, v24;
	v15 =	vmul.f32 v15, v40  }
0x481: {  	v19 =	vadd.s32 s13, v27;
	v6 =	vsub.f32 v6, v62;
	v10 =	vadd.f32 v10, v60  }
0x482: {  	v17 =	vsub.f32 v17, v45;
	v5 =	vadd.f32 v5, v20;
	v15 =	vmul.f32 v15, v26  }
0x483: {  	[tilespmem:$0x1FB30] =	vst v22;
	v8 =	vadd.f32 v59, v43;
	v6 =	vmul.f32 v6, v38;
	v10 =	vsub.f32 v10, v12  }
0x484: {  	v21 =	vadd.s32 s11, v55;
	[tilespmem:$0x1FAE0] =	vst v33;
	v18 =	vadd.f32 v18, v54;
	v15 =	vadd.f32 v15, v22  }
0x485: {  	[tilespmem:s23+$0xFFFFFFC0] =	vst v7;
	v8 =	vsub.f32 v8, v62;
	v6 =	vmul.f32 v6, v41;
	v10 =	vmul.f32 v10, v33  }
0x486: {  	v9 =	vld.idx.msk [tilespmem:v61+s30+$0x0], $0xffff;
	v7 =	vmul.f32 v17, v40;
	[tilespmem:s23+$0xB0] =	vst v5;
	v17 =	vsub.f32 v18, v12;
	v18 =	vadd.s32 s12, v39  }
0x487: {  	v8 =	vmul.f32 v8, v38;
	v6 =	vadd.f32 v6, v32;
	[tilespmem:s10+$0xFFFFFF10] =	vst v15;
	v10 =	vmul.f32 v10, v30  }
0x488: {  	v11 =	vadd.s32 s2, v56;
	v5 =	vmul.f32 v7, v31;
	v15 =	vld.idx.msk [tilespmem:v19+s30+$0x0], $0xffff;
	v7 =	vmul.f32 v17, v33;
	[tilespmem:$0x1FB80] =	vst v53  }
0x489: {  	v17 =	vadd.s32 s20, v55;
	v8 =	vmul.f32 v8, v35;
	[tilespmem:s10+$0xFFFFFFA0] =	vst v6;
	v10 =	vadd.f32 v10, v53  }
0x48a: {  	v5 =	vadd.f32 v5, v34;
	v4 =	vld.idx.msk [tilespmem:v4+s30+$0x0], $0xffff;
	v6 =	vmul.f32 v7, v48;
	[tilespmem:$0x1FC00] =	vst v48;
	v7 =	vadd.s32 s14, v39  }
0x48b: {  	v1 =	vmul.f32 v1, v2;
	v19 =	vld.idx.msk [tilespmem:v21+s30+$0x0], $0xffff;
	v8 =	vadd.f32 v8, v29;
	[tilespmem:s23+$0xFFFFFF50] =	vst v10  }
0x48c: {  	v3 =	vsub.f32 $1.500000000e+00, v3;
	s18 =	simm.s32 $0x80;
	[tilespmem:s10+$0x90] =	vst v5;
	v5 =	vadd.f32 v6, v14;
	v6 =	vld.idx.msk [tilespmem:v18+s30+$0x0], $0xffff  }
0x48d: {  	s3 =	simm.s32 $0x489;
	s22 =	sand.u32 $0x380, s18;
	v1 =	vsub.f32 $1.500000000e+00, v1;
	[tilespmem:s10+$0x20] =	vst v8;
	v8 =	vld.idx.msk [tilespmem:v11+s30+$0x0], $0xffff  }
0x48e: {  	s25 =	simm.s32 $0xB0;
	s7 =	sand.u32 $0x40, s18;
	s16 =	sadd.s32 s22, s6;
	v23 =	vmul.f32 v3, v0;
	v3 =	vadd.s32 s3, v51;
	v61 =	vmovc v39;
	v39 =	vld.idx.msk [tilespmem:v17+s30+$0x0], $0xffff;
	[tilespmem:s23+$0x50] =	vst v5;
	v5 =	vadd.s32 s8, v25  }
0x48f: {  	s15 =	sand.u32 $0x70, s25;
	s17 =	simm.s32 $0xA0;
	s26 =	sadd.s32 s7, s16;
	v59 =	vmul.f32 v1, v2;
	v1 =	vadd.f32 v4, v52;
	v4 =	vld.idx.msk [tilespmem:v7+s30+$0x0], $0xffff;
	[tilespmem:$0x1FA90] =	vst v5  }
0x490: {  	s17 =	sand.u32 $0x60, s17;
	s28 =	sadd.s32 s15, s16;
	v42 =	vmov v62;
	v62 =	vld [tilespmem:s26+$0x0]  }
0x491: {  	s29 =	sadd.s32 s17, s16;
	v33 =	vld [tilespmem:s28+$0x0]  }
0x492: {  	s5 =	simm.s32 $0x50A;
	s9 =	sor.u32 $0x8000, s22;
	v31 =	vmov v48;
	v48 =	vld [tilespmem:s29+$0x0]  }
0x493: {  	s0 =	sor.u32 $0x8400, s22;
	s22 =	sor.u32 s15, s9;
	v2 =	vadd.s32 s5, v51;
	v3 =	vld.idx.msk [tilespmem:v3+s30+$0x0], $0xffff;
	[tilespmem:$0x1FC10] =	vst v36;
	v6 =	vadd.f32 v6, v60  }
0x494: {  	v5 =	vadd.f32 v15, v44;
	v44 =	vld [tilespmem:s22+$0x0]  }
0x495: {  	v24 =	vmov v54;
	v6 =	vsub.f32 v6, v36  }
0x496: {  	s31 =	simm.s32 $0x90;
	v4 =	vadd.f32 v4, v24  }
0x497: {  	s4 =	sand.u32 $0x50, s31;
	s1 =	simm.s32 $0x58B;
	v10 =	vadd.s32 s14, v25;
	v1 =	vsub.f32 v1, v42;
	v6 =	vmul.f32 v6, v23  }
0x498: {  	s21 =	sadd.s32 s4, s16;
	v13 =	vmovc v22;
	v11 =	vadd.s32 s1, v51;
	v15 =	vadd.f32 v19, v16;
	v2 =	vld.idx.msk [tilespmem:v2+s30+$0x0], $0xffff;
	v4 =	vsub.f32 v4, v36  }
0x499: {  	s25 =	sor.u32 s17, s0;
	v22 =	vmovc v25;
	v17 =	vadd.s32 s12, v25;
	v25 =	vld [tilespmem:s21+$0x0];
	v1 =	vmul.f32 v1, v38;
	[tilespmem:$0x1FC40] =	vst v44;
	v6 =	vmul.f32 v6, v30  }
0x49a: {  	v54 =	vmovc v53;
	v21 =	vmov v56;
	s26 =	sor.u32 s17, s9;
	v15 =	vsub.f32 v15, v49;
	v56 =	vld [tilespmem:s25+$0x0];
	v4 =	vmul.f32 v4, v23  }
0x49b: {  	v0 =	vadd.f32 v9, v46;
	s28 =	sor.u32 s4, s9;
	v1 =	vmul.f32 v1, v26;
	v46 =	vld [tilespmem:s26+$0x0];
	v6 =	vadd.f32 v6, v54  }
0x49c: {  	v9 =	vadd.f32 v39, v43;
	v15 =	vmul.f32 v15, v50;
	v39 =	vld [tilespmem:s28+$0x0];
	v4 =	vmul.f32 v4, v31  }
0x49d: {  	s4 =	sor.u32 s4, s0;
	v1 =	vadd.f32 v1, v13;
	v11 =	vld.idx.msk [tilespmem:v11+s30+$0x0], $0xffff;
	[tilespmem:s23+$0xFFFFFF60] =	vst v6  }
0x49e: {  	v53 =	vmov v16;
	v15 =	vmul.f32 v15, v41;
	v16 =	vld [tilespmem:s4+$0x0];
	v4 =	vadd.f32 v4, v14;
	[tilespmem:$0x1FAA0] =	vst v14  }
0x49f: {  	v2 =	vadd.f32 v2, v48;
	[tilespmem:s10+$0xFFFFFF20] =	vst v1  }
0x4a0: {  	s19 =	simm.s32 $0x408;
	v9 =	vsub.f32 v9, v49;
	v6 =	vadd.f32 v15, v32;
	[tilespmem:s23+$0x60] =	vst v4  }
0x4a1: {  	v7 =	vadd.s32 s19, v51;
	v2 =	vsub.f32 v2, v47;
	v51 =	vld [tilespmem:$0x1FAB0]  }
0x4a2: {  	v5 =	vsub.f32 v5, v28;
	v9 =	vmul.f32 v9, v50;
	[tilespmem:s10+$0xFFFFFFB0] =	vst v6  }
0x4a3: {  	v2 =	vmul.f32 v2, v37;
	v14 =	vld [tilespmem:$0x1FAC0]  }
0x4a4: {  	v5 =	vmul.f32 v5, v57;
	v9 =	vmul.f32 v9, v35  }
0x4a5: {  	v18 =	vadd.s32 s24, v55;
	v3 =	vadd.f32 v3, v25;
	v2 =	vmul.f32 v2, v46  }
0x4a6: {  	v9 =	vadd.f32 v9, v29;
	v15 =	vld.idx.msk [tilespmem:v17+s30+$0x0], $0xffff;
	v5 =	vmul.f32 v5, v51  }
0x4a7: {  	v3 =	vsub.f32 v3, v47;
	v7 =	vld.idx.msk [tilespmem:v7+s30+$0x0], $0xffff;
	v2 =	vadd.f32 v2, v56  }
0x4a8: {  	s12 =	simm.s32 $0x14E80;
	s29 =	sor.u32 s15, s0;
	v31 =	vmovc v27;
	v1 =	vadd.s32 s11, v27;
	v4 =	vadd.s32 s20, v27;
	v27 =	vld [tilespmem:$0x1FF70];
	[tilespmem:s10+$0x30] =	vst v9;
	v5 =	vadd.f32 v5, v14  }
0x4a9: {  	v8 =	vadd.f32 v8, v58;
	v19 =	vld [tilespmem:s29+$0x0];
	[tilespmem:s12+$0x0] =	vst v2  }
0x4aa: {  	v3 =	vmul.f32 v3, v37;
	v17 =	vld.idx.msk [tilespmem:v18+s30+$0x0], $0xffff;
	[tilespmem:s23+$0xC0] =	vst v5  }
0x4ab: {  	v20 =	vmov v12;
	v0 =	vsub.f32 v0, v12;
	v8 =	vsub.f32 v8, v42;
	v12 =	vld [tilespmem:$0x1FAD0]  }
0x4ac: {  	s0 =	sor.u32 s7, s0;
	v3 =	vmul.f32 v3, v39;
	v10 =	vld.idx.msk [tilespmem:v10+s30+$0x0], $0xffff  }
0x4ad: {  	v8 =	vmul.f32 v8, v38;
	v18 =	vld [tilespmem:s0+$0x0];
	v6 =	vadd.s32 s13, v27  }
0x4ae: {  	v3 =	vadd.f32 v3, v16;
	v9 =	vadd.f32 v15, v60;
	v15 =	vadd.s32 s5, v63;
	v1 =	vld.idx.msk [tilespmem:v1+s30+$0x0], $0xffff  }
0x4af: {  	s31 =	sor.u32 s7, s9;
	v11 =	vadd.f32 v11, v33;
	v4 =	vld.idx.msk [tilespmem:v4+s30+$0x0], $0xffff  }
0x4b0: {  	v7 =	vadd.f32 v7, v62;
	v60 =	vld [tilespmem:s31+$0x0];
	[tilespmem:s12+$0xFFFFFF80] =	vst v3;
	v2 =	vmul.f32 v8, v12  }
0x4b1: {  	v5 =	vsub.f32 v11, v47;
	v54 =	vld [tilespmem:$0x1FAE0];
	[tilespmem:$0x1FAF0] =	vst v47  }
0x4b2: {  	v7 =	vsub.f32 v7, v47;
	v6 =	vld.idx.msk [tilespmem:v6+s30+$0x0], $0xffff;
	v2 =	vadd.f32 v2, v34  }
0x4b3: {  	v5 =	vmul.f32 v5, v37;
	v15 =	vld.idx.msk [tilespmem:v15+s30+$0x0], $0xffff;
	[tilespmem:$0x1FB10] =	vst v37  }
0x4b4: {  	v36 =	vmov v48;
	v7 =	vmul.f32 v7, v37;
	v48 =	vld [tilespmem:$0x1FB00];
	[tilespmem:s10+$0xA0] =	vst v2  }
0x4b5: {  	v5 =	vmul.f32 v5, v44;
	v44 =	vld [tilespmem:$0x1FB20]  }
0x4b6: {  	v7 =	vmul.f32 v7, v60  }
0x4b7: {  	v3 =	vadd.f32 v17, v52  }
0x4b8: {  	v7 =	vadd.f32 v7, v18  }
0x4b9: {  	v11 =	vadd.s32 s3, v63;
	v3 =	vsub.f32 v3, v49  }
0x4ba: {  	v47 =	vmov v43;
	[tilespmem:s12+$0xFFFFFF00] =	vst v7;
	v6 =	vadd.f32 v6, v44  }
0x4bb: {  	v8 =	vadd.s32 s2, v55;
	v2 =	vmul.f32 v3, v50;
	v3 =	vadd.f32 v4, v47;
	v37 =	vld [tilespmem:$0x1FB30]  }
0x4bc: {  	v17 =	vadd.s32 s19, v63;
	v6 =	vsub.f32 v6, v20  }
0x4bd: {  	v3 =	vsub.f32 v3, v28  }
0x4be: {  	v11 =	vld.idx.msk [tilespmem:v11+s30+$0x0], $0xffff;
	v15 =	vadd.f32 v15, v36;
	v2 =	vmul.f32 v2, v26;
	v6 =	vmul.f32 v6, v54  }
0x4bf: {  	v43 =	vmov v18;
	v3 =	vmul.f32 v3, v57  }
0x4c0: {  	v4 =	vld.idx.msk [tilespmem:v8+s30+$0x0], $0xffff;
	v7 =	vsub.f32 v15, v45;
	v2 =	vadd.f32 v2, v37;
	v6 =	vmul.f32 v6, v51  }
0x4c1: {  	v18 =	vadd.s32 s24, v31;
	v5 =	vadd.f32 v5, v19;
	v15 =	vld.idx.msk [tilespmem:v17+s30+$0x0], $0xffff;
	[tilespmem:$0x1FB40] =	vst v49;
	v3 =	vmul.f32 v3, v35  }
0x4c2: {  	v7 =	vmul.f32 v7, v40;
	[tilespmem:s10+$0xFFFFFF30] =	vst v2;
	v2 =	vadd.f32 v6, v14;
	v6 =	vadd.s32 s11, v22  }
0x4c3: {  	v11 =	vadd.f32 v11, v25;
	v3 =	vadd.f32 v3, v29;
	[tilespmem:$0x1FB50] =	vst v6  }
0x4c4: {  	v7 =	vmul.f32 v7, v46;
	[tilespmem:s12+$0x80] =	vst v5  }
0x4c5: {  	v13 =	vmov v34;
	v11 =	vsub.f32 v11, v45;
	[tilespmem:s10+$0x40] =	vst v3  }
0x4c6: {  	v1 =	vadd.f32 v1, v53;
	v34 =	vadd.s32 s1, v63;
	v5 =	vld.idx.msk [tilespmem:v18+s30+$0x0], $0xffff;
	v3 =	vadd.f32 v7, v56;
	[tilespmem:$0x1FB60] =	vst v41  }
0x4c7: {  	v9 =	vsub.f32 v9, v48;
	v17 =	vadd.s32 s13, v61;
	v11 =	vmul.f32 v11, v40;
	[tilespmem:s23+$0xD0] =	vst v2  }
0x4c8: {  	v1 =	vsub.f32 v1, v28;
	v63 =	vld [tilespmem:$0x1FB70];
	[tilespmem:s12+$0x10] =	vst v3  }
0x4c9: {  	v9 =	vmul.f32 v9, v59;
	v6 =	vmul.f32 v11, v39;
	v3 =	vld [tilespmem:$0x1FB80]  }
0x4ca: {  	v1 =	vmul.f32 v1, v57  }
0x4cb: {  	v0 =	vmul.f32 v0, v54;
	v8 =	vmul.f32 v9, v30;
	v6 =	vadd.f32 v6, v16;
	v2 =	vld.idx.msk [tilespmem:v34+s30+$0x0], $0xffff  }
0x4cc: {  	v4 =	vadd.f32 v4, v58;
	v11 =	vadd.f32 v15, v62;
	v15 =	vld.idx.msk [tilespmem:v17+s30+$0x0], $0xffff;
	[tilespmem:$0x1FB90] =	vst v32  }
0x4cd: {  	v1 =	vmul.f32 v1, v41;
	[tilespmem:s12+$0xFFFFFF90] =	vst v6  }
0x4ce: {  	v4 =	vsub.f32 v4, v49;
	v49 =	vmovc v63;
	v0 =	vmul.f32 v0, v63;
	v63 =	vadd.f32 v8, v3;
	v3 =	vld [tilespmem:$0x1FBA0];
	_ =	sdelay $0x1  }
0x4cf: {  	v1 =	vadd.f32 v1, v32;
	_ =	sdelay $0x1  }
0x4d0: {  	v7 =	vadd.s32 s3, v21;
	[tilespmem:s10+$0xFFFFFFC0] =	vst v1;
	v1 =	vadd.f32 v5, v52  }
0x4d1: {  	v9 =	vadd.s32 s20, v27;
	v0 =	vadd.f32 v0, v3  }
0x4d2: {  	v1 =	vsub.f32 v1, v28  }
0x4d3: {  	v4 =	vmul.f32 v4, v50;
	v34 =	vadd.s32 s5, v21;
	[tilespmem:s23+$0xFFFFFFD0] =	vst v0  }
0x4d4: {  	v41 =	vmovc v52;
	v6 =	vadd.s32 s11, v27;
	v52 =	vadd.f32 v15, v44;
	v15 =	vmul.f32 v1, v57;
	[tilespmem:$0x1FBB0] =	vst v50;
	v1 =	vld [tilespmem:$0x1FC00]  }
0x4d5: {  	v11 =	vsub.f32 v11, v45;
	v17 =	vadd.s32 s8, v61;
	v7 =	vld.idx.msk [tilespmem:v7+s30+$0x0], $0xffff  }
0x4d6: {  	v4 =	vmul.f32 v4, v12;
	v9 =	vld.idx.msk [tilespmem:v9+s30+$0x0], $0xffff;
	[tilespmem:$0x1FBC0] =	vst v28  }
0x4d7: {  	v10 =	vadd.f32 v10, v24;
	v50 =	vmul.f32 v11, v40;
	[tilespmem:$0x1FBD0] =	vst v59;
	v28 =	vmov v12;
	v12 =	vld [tilespmem:$0x1FC10]  }
0x4d8: {  	v4 =	vadd.f32 v4, v13;
	v8 =	vld.idx.msk [tilespmem:v34+s30+$0x0], $0xffff;
	[tilespmem:$0x1FBE0] =	vst v45  }
0x4d9: {  	v5 =	vsub.f32 v10, v48;
	v10 =	vmul.f32 v50, v60;
	v6 =	vld.idx.msk [tilespmem:v6+s30+$0x0], $0xffff;
	[tilespmem:$0x1FBF0] =	vst v57  }
0x4da: {  	v0 =	vadd.s32 s19, v21;
	v17 =	vld.idx.msk [tilespmem:v17+s30+$0x0], $0xffff;
	[tilespmem:$0x1FC20] =	vst v23  }
0x4db: {  	v2 =	vadd.f32 v2, v33;
	v10 =	vadd.f32 v10, v43;
	[tilespmem:s10+$0xB0] =	vst v4  }
0x4dc: {  	v5 =	vmul.f32 v5, v59;
	[tilespmem:$0x1FC30] =	vst v40  }
0x4dd: {  	v2 =	vsub.f32 v2, v45;
	v57 =	vmov v13;
	v13 =	vld [tilespmem:$0x1FC40];
	[tilespmem:s12+$0xFFFFFF10] =	vst v10  }
0x4de: {  	v1 =	vmul.f32 v5, v1;
	v5 =	vadd.s32 s2, v31;
	v11 =	vsub.f32 v52, v12;
	[tilespmem:$0x1FC50] =	vst v53  }
0x4df: {  	v24 =	vmovc v20;
	v30 =	vadd.s32 s1, v21;
	v20 =	vmov v14;
	v14 =	vmov v62;
	v45 =	vld.idx.msk [tilespmem:v0+s30+$0x0], $0xffff  }
0x4e0: {  	v62 =	vmovc v39;
	v39 =	vmovc v19;
	v18 =	vmov v27;
	v2 =	vmul.f32 v2, v40;
	v11 =	vmul.f32 v11, v23;
	v0 =	vld [tilespmem:$0x1FC60]  }
0x4e1: {  	v48 =	vmovc v26;
	v15 =	vmul.f32 v15, v26;
	v7 =	vadd.f32 v7, v25;
	v8 =	vadd.f32 v8, v36  }
0x4e2: {  	v27 =	vmovc v3;
	v9 =	vadd.f32 v9, v47;
	v61 =	vmul.f32 v11, v51;
	v2 =	vmul.f32 v2, v13  }
0x4e3: {  	v3 =	vadd.s32 s13, v22;
	v4 =	vsub.f32 v7, v42;
	v21 =	vld.idx.msk [tilespmem:v5+s30+$0x0], $0xffff;
	[tilespmem:$0x1FC70] =	vst v42;
	v5 =	vsub.f32 v8, v42  }
0x4e4: {  	v34 =	vmovc v33;
	v31 =	vmov v47;
	[tilespmem:$0x1FC80] =	vst v24;
	v47 =	vadd.f32 v61, v20;
	v19 =	vadd.f32 v2, v19  }
0x4e5: {  	[tilespmem:$0x1FC90] =	vst v38;
	v2 =	vadd.s32 s1, v55;
	v33 =	vmovc v0;
	v17 =	vadd.f32 v17, v0;
	v0 =	vmul.f32 v4, v38  }
0x4e6: {  	v26 =	vmovc v51;
	v50 =	vmovc v14;
	v40 =	vmov v37;
	v7 =	vadd.s32 s24, v18;
	v6 =	vadd.f32 v6, v53;
	[tilespmem:$0x1FCA0] =	vst v2  }
0x4e7: {  	v5 =	vmul.f32 v5, v38;
	v4 =	vadd.f32 v15, v37;
	[tilespmem:s23+$0xE0] =	vst v47;
	v59 =	vmul.f32 v0, v62  }
0x4e8: {  	v53 =	vmovc v62;
	v18 =	vadd.s32 s3, v55;
	v6 =	vsub.f32 v6, v24;
	v61 =	vadd.s32 s3, v22;
	v37 =	vmovc v13;
	[tilespmem:s23+$0xFFFFFF70] =	vst v63  }
0x4e9: {  	v15 =	vsub.f32 v9, v24;
	v23 =	vadd.f32 v45, v14;
	v5 =	vmul.f32 v5, v46;
	[tilespmem:s10+$0xFFFFFF40] =	vst v4  }
0x4ea: {  	v62 =	vmovc v16;
	v2 =	vsub.f32 v17, v12;
	v3 =	vld.idx.msk [tilespmem:v3+s30+$0x0], $0xffff;
	v12 =	vadd.f32 v21, v58;
	v21 =	vadd.s32 s5, v55  }
0x4eb: {  	s14 =	simm.s32 $0x60C;
	s9 =	simm.s32 $0x14E80;
	s13 =	simm.s32 $0x8;
	v22 =	vld.idx.msk [tilespmem:v7+s30+$0x0], $0xffff;
	v0 =	vmovc v56;
	v24 =	vadd.f32 v59, v16;
	v16 =	vmul.f32 v6, v54;
	v59 =	vmov v46  }
.LBB2_17:
0x4ec: {  	v32 =	vld [tilespmem:$0x1FAE0]  }
0x4ed: {  	v4 =	vld [tilespmem:$0x1FC20]  }
0x4ee: {  	v52 =	vld [tilespmem:$0x1FFE0]  }
0x4ef: {  	v46 =	vld [tilespmem:$0x1FFF0]  }
0x4f0: {  	v38 =	vmov v48;
	v48 =	vld [tilespmem:$0x1FF50]  }
0x4f1: {  	v45 =	vld [tilespmem:$0x1FFD0]  }
0x4f2: {  	v55 =	vld [tilespmem:$0x1FC90]  }
0x4f3: {  	v56 =	vld [tilespmem:$0x1FBD0];
	[tilespmem:s12+$0xFFFFFFA0] =	vst v24  }
0x4f4: {  	s16 =	sadd.s32 $0x81, s14;
	v13 =	vlaneseq.u32;
	v54 =	vmovc v0;
	s18 =	sadd.s32 $0x40, s18;
	v5 =	vadd.f32 v5, v0;
	[tilespmem:s12+$0x90] =	vst v19;
	v0 =	vmov v58;
	v9 =	vld.idx.msk [tilespmem:v18+s30+$0x0], $0xffff  }
0x4f5: {  	v7 =	vadd.s32 s16, v13;
	s21 =	sand.u32 $0x380, s18;
	[tilespmem:$0x1FB20] =	vst v0;
	v0 =	vld [tilespmem:$0x1FC80]  }
0x4f6: {  	v10 =	vadd.s32 s14, v13;
	s0 =	sand.u32 $0x40, s18;
	s28 =	sadd.s32 s21, s6;
	[tilespmem:s12+$0x20] =	vst v5;
	v5 =	vld.idx.msk [tilespmem:v30+s30+$0x0], $0xffff  }
0x4f7: {  	s31 =	sadd.s32 s0, s28;
	v3 =	vadd.f32 v3, v44;
	v44 =	vld [tilespmem:$0x1FFC0]  }
0x4f8: {  	v47 =	vld [tilespmem:s31+$0x0]  }
0x4f9: {  	v2 =	vmul.f32 v2, v4;
	v4 =	vld [tilespmem:$0x1FAA0]  }
0x4fa: {  	s15 =	sadd.s32 $0x183, s14;
	v17 =	vadd.f32 v22, v41;
	v7 =	vld.idx.msk [tilespmem:v7+s30+$0x0], $0xffff  }
0x4fb: {  	v11 =	vadd.s32 s15, v52;
	v10 =	vld.idx.msk [tilespmem:v10+s30+$0x0], $0xffff  }
0x4fc: {  	s17 =	sadd.s32 $0x102, s14;
	[tilespmem:$0x1FA30] =	vst v16;
	v6 =	vmul.f32 v15, v32;
	v16 =	vmov v11;
	v17 =	vsub.f32 v17, v0;
	v0 =	vld [tilespmem:$0x1FA90]  }
0x4fd: {  	v8 =	vadd.s32 s17, v13;
	s26 =	sadd.s32 $0x30, s18;
	v15 =	vmul.f32 v2, v49;
	[tilespmem:$0x1FA60] =	vst v16;
	v16 =	vld [tilespmem:$0x1FB00];
	v2 =	vmovc v41;
	v41 =	vadd.s32 s15, v13;
	v13 =	vmovc v27  }
0x4fe: {  	v14 =	vmov v49;
	s29 =	sand.u32 $0x70, s26;
	v49 =	vld [tilespmem:$0x1FBB0];
	v1 =	vadd.f32 v1, v4;
	v4 =	vmov v29  }
0x4ff: {  	s8 =	smov.u32 s2;
	s2 =	smov.u32 s6;
	s6 =	sadd.s32 s29, s28;
	[tilespmem:$0x1FAA0] =	vst v4;
	v29 =	vmov v4;
	v4 =	vld [tilespmem:$0x1FC70]  }
0x500: {  	v17 =	vmul.f32 v17, v32;
	v30 =	vmovc v13;
	[tilespmem:s23+$0x70] =	vst v1;
	v1 =	vadd.s32 s16, v52;
	v13 =	vmov v34;
	v34 =	vld [tilespmem:s6+$0x0]  }
0x501: {  	v6 =	vmul.f32 v6, v35;
	[tilespmem:$0x1FA40] =	vst v1;
	v1 =	vld [tilespmem:$0x1FB50]  }
0x502: {  	v24 =	vadd.s32 s20, v44;
	v17 =	vmul.f32 v17, v38;
	v21 =	vld.idx.msk [tilespmem:v21+s30+$0x0], $0xffff  }
0x503: {  	v15 =	vadd.f32 v15, v27;
	v6 =	vadd.f32 v6, v29;
	v8 =	vld.idx.msk [tilespmem:v8+s30+$0x0], $0xffff  }
0x504: {  	[tilespmem:$0x1FB30] =	vst v40;
	[dreg:$0x4] =	wrdreg s1;
	s1 =	smov.u32 s10;
	s10 =	smov.u32 s23;
	v17 =	vadd.f32 v17, v40;
	v40 =	vld [tilespmem:$0x1FF60];
	v22 =	vsub.f32 v23, v4  }
0x505: {  	[tilespmem:s10+$0xFFFFFFE0] =	vst v15;
	v11 =	vld.idx.msk [tilespmem:v41+s30+$0x0], $0xffff  }
0x506: {  	s4 =	sadd.s32 $0x10, s18;
	v27 =	vmov v60;
	[tilespmem:s1+$0x50] =	vst v6;
	v15 =	vmul.f32 v22, v55;
	v22 =	vld.idx.msk [tilespmem:v0+s30+$0x0], $0xffff;
	v0 =	vmov v1  }
0x507: {  	s4 =	sand.u32 $0x50, s4;
	[tilespmem:$0x1F9F0] =	vst v27;
	v3 =	vsub.f32 v3, v16;
	v24 =	vld.idx.msk [tilespmem:v24+s30+$0x0], $0xffff  }
0x508: {  	[dreg:$0x6] =	wrdreg s11;
	s11 =	sadd.s32 s4, s28;
	v9 =	vadd.f32 v9, v25;
	[tilespmem:$0x1FA00] =	vst v13;
	v23 =	vadd.s32 s16, v45;
	v15 =	vmul.f32 v15, v27;
	v27 =	vld [tilespmem:$0x1FB40]  }
0x509: {  	v5 =	vadd.f32 v5, v13;
	v3 =	vmul.f32 v3, v56;
	v13 =	vmovc v25;
	v25 =	vld [tilespmem:s11+$0x0];
	[tilespmem:$0x1FA90] =	vst v0;
	v0 =	vmov v23  }
0x50a: {  	s7 =	sadd.s32 $0x20, s18;
	s26 =	sor.u32 $0x8000, s21;
	v42 =	vadd.s32 s19, v48;
	[tilespmem:$0x1FA50] =	vst v0;
	v0 =	vld [tilespmem:$0x1FC50]  }
0x50b: {  	[dreg:$0x7] =	wrdreg s20;
	s22 =	sand.u32 $0x60, s7;
	s20 =	sor.u32 s0, s26;
	v6 =	vadd.f32 v15, v43;
	v15 =	vmul.f32 v3, v26;
	v26 =	vld [tilespmem:$0x1FBC0]  }
0x50c: {  	[tilespmem:$0x1FA20] =	vst v31;
	[dreg:$0x9] =	wrdreg s20;
	s20 =	sadd.s32 s22, s28;
	v1 =	vmov v61;
	v51 =	vadd.f32 v21, v36;
	v21 =	vadd.f32 v22, v33;
	v33 =	vld [tilespmem:$0x1FF70]  }
0x50d: {  	v60 =	vadd.s32 s24, v44;
	[tilespmem:$0x1FB50] =	vst v1;
	v1 =	vadd.f32 v15, v20;
	v15 =	vld [tilespmem:s20+$0x0];
	v9 =	vsub.f32 v9, v27  }
0x50e: {  	[tilespmem:s12+$0xFFFFFF20] =	vst v6;
	v20 =	vmov v57;
	v57 =	vld [tilespmem:$0x1FAF0]  }
0x50f: {  	[tilespmem:$0x1FA10] =	vst v38;
	v5 =	vsub.f32 v5, v4;
	v22 =	vld.idx.msk [tilespmem:v42+s30+$0x0], $0xffff;
	v9 =	vmul.f32 v9, v49;
	v3 =	vmov v0  }
0x510: {  	v18 =	vadd.s32 s16, v46;
	v32 =	vadd.s32 s14, v46;
	s28 =	sor.u32 s22, s26;
	v38 =	vmovc v37;
	v10 =	vadd.f32 v10, v47;
	[tilespmem:$0x1FC60] =	vst v3;
	v3 =	vld [tilespmem:$0x1FB60]  }
0x511: {  	v5 =	vmul.f32 v5, v55;
	[tilespmem:s1+$0xFFFFFF50] =	vst v17;
	v42 =	vld [tilespmem:s28+$0x0];
	v6 =	vmul.f32 v9, v53;
	v9 =	vsub.f32 v51, v27  }
0x512: {  	s25 =	sor.u32 s29, s26;
	v11 =	vadd.f32 v11, v34;
	v17 =	vsub.f32 v21, v16;
	v21 =	vadd.s32 s3, v40;
	[tilespmem:s10+$0xF0] =	vst v1;
	v60 =	vld.idx.msk [tilespmem:v60+s30+$0x0], $0xffff  }
0x513: {  	v58 =	vmovc v62;
	v5 =	vmul.f32 v5, v38;
	v0 =	vld [tilespmem:s25+$0x0];
	v6 =	vadd.f32 v6, v62;
	v9 =	vmul.f32 v9, v49  }
0x514: {  	v61 =	vmovc v28;
	v24 =	vadd.f32 v24, v31;
	v17 =	vmul.f32 v17, v56;
	v31 =	vsub.f32 v12, v26;
	v12 =	vld [tilespmem:$0x1FB90]  }
0x515: {  	s26 =	sor.u32 s4, s26;
	v62 =	vmovc v39;
	v28 =	vmovc v3;
	[tilespmem:s12+$0xFFFFFFB0] =	vst v6;
	v6 =	vmul.f32 v9, v59;
	v9 =	vadd.s32 s15, v46;
	v3 =	vadd.s32 s17, v46;
	v46 =	vld [tilespmem:$0x1FC10]  }
0x516: {  	v7 =	vadd.f32 v7, v25;
	v17 =	vmul.f32 v17, v14;
	v5 =	vadd.f32 v5, v62;
	v63 =	vld [tilespmem:s26+$0x0]  }
0x517: {  	v10 =	vsub.f32 v10, v57;
	v8 =	vadd.f32 v8, v15;
	v21 =	vld.idx.msk [tilespmem:v21+s30+$0x0], $0xffff  }
0x518: {  	v22 =	vadd.f32 v22, v50;
	[tilespmem:s9+$0xA0] =	vst v5;
	v5 =	vadd.f32 v17, v30;
	v30 =	vmovc v53;
	v53 =	vmov v50;
	v50 =	vld [tilespmem:$0x1FBF0]  }
0x519: {  	s21 =	sor.u32 $0x8400, s21;
	v41 =	vmovc v54;
	v11 =	vsub.f32 v11, v57;
	v6 =	vadd.f32 v6, v54;
	v54 =	vmovc v2;
	v2 =	vmov v12;
	v12 =	vld [tilespmem:$0x1FC20]  }
0x51a: {  	s23 =	sor.u32 s22, s21;
	v8 =	vsub.f32 v8, v57;
	[tilespmem:s10+$0xFFFFFFF0] =	vst v5;
	v5 =	vsub.f32 v7, v57;
	v57 =	vld [tilespmem:$0x1FB10]  }
0x51b: {  	s7 =	sor.u32 s0, s21;
	s4 =	sor.u32 s4, s21;
	s21 =	sor.u32 s29, s21;
	v1 =	vld [tilespmem:s23+$0x0]  }
0x51c: {  	v23 =	vadd.s32 s5, v40;
	v14 =	vmov v15;
	s26 =	rddreg [dreg:$0x9];
	v15 =	vld [tilespmem:s21+$0x0];
	s10 =	smov.u32 s9  }
0x51d: {  	v39 =	vadd.f32 v60, v54;
	v60 =	vld [tilespmem:s26+$0x0];
	[tilespmem:s10+$0x30] =	vst v6;
	v6 =	vsub.f32 v24, v46  }
0x51e: {  	v19 =	vadd.s32 s15, v48;
	v51 =	vld [tilespmem:s4+$0x0];
	v17 =	vmul.f32 v31, v50  }
0x51f: {  	v4 =	vmovc v36;
	v36 =	vmovc v58;
	v58 =	vmov v19;
	v24 =	vld [tilespmem:$0x1FCA0];
	v6 =	vmul.f32 v6, v12;
	v7 =	vmul.f32 v8, v57  }
0x520: {  	[tilespmem:$0x1FCA0] =	vst v58;
	v58 =	vld [tilespmem:$0x1FA00];
	v17 =	vmul.f32 v17, v61;
	v5 =	vmul.f32 v5, v57  }
0x521: {  	v22 =	vsub.f32 v22, v27;
	v8 =	vld.idx.msk [tilespmem:v23+s30+$0x0], $0xffff;
	v11 =	vmul.f32 v11, v57;
	v10 =	vmul.f32 v10, v57  }
0x522: {  	v57 =	vld [tilespmem:$0x1FBE0];
	v6 =	vmul.f32 v6, v35;
	v7 =	vmul.f32 v7, v42  }
0x523: {  	[tilespmem:$0x1FA70] =	vst v35;
	v35 =	vmul.f32 v22, v49;
	v22 =	vsub.f32 v39, v46;
	v39 =	vld [tilespmem:$0x1F9F0];
	v5 =	vmul.f32 v5, v63  }
0x524: {  	v31 =	vadd.f32 v17, v20;
	v17 =	vld [tilespmem:s7+$0x0];
	v7 =	vadd.f32 v7, v1  }
0x525: {  	s12 =	sadd.s32 $0x200, s12;
	v23 =	vadd.s32 s8, v33;
	v6 =	vadd.f32 v6, v29;
	v29 =	vld [tilespmem:$0x1FB20];
	v5 =	vadd.f32 v5, v51  }
0x526: {  	v22 =	vmul.f32 v22, v12;
	v12 =	vld [tilespmem:$0x1FAE0];
	[tilespmem:s12+$0x0] =	vst v7  }
0x527: {  	[tilespmem:s12+$0xFFFFFF80] =	vst v5;
	v5 =	vld.idx.msk [tilespmem:v3+s30+$0x0], $0xffff  }
0x528: {  	s23 =	smov.u32 s1;
	[tilespmem:$0x1FC40] =	vst v0;
	v11 =	vmul.f32 v11, v0;
	v0 =	vmov v1;
	v1 =	vld [tilespmem:$0x1FA20]  }
0x529: {  	s28 =	rddreg [dreg:$0x7];
	v24 =	vld.idx.msk [tilespmem:v24+s30+$0x0], $0xffff;
	[tilespmem:s23+$0xC0] =	vst v31  }
0x52a: {  	[tilespmem:$0x1FC50] =	vst v13;
	v19 =	vadd.f32 v21, v13;
	v21 =	vadd.s32 s28, v45;
	v8 =	vadd.f32 v8, v4;
	v23 =	vld.idx.msk [tilespmem:v23+s30+$0x0], $0xffff  }
0x52b: {  	v37 =	vmov v4;
	v13 =	vadd.s32 s19, v40;
	[tilespmem:$0x1FA80] =	vst v15;
	v4 =	vld [tilespmem:$0x1FB30];
	v7 =	vadd.f32 v11, v15  }
0x52c: {  	v11 =	vmul.f32 v35, v39;
	v15 =	vmovc v14;
	v8 =	vsub.f32 v8, v26;
	v5 =	vadd.f32 v5, v14;
	v14 =	vld [tilespmem:$0x1FC80]  }
0x52d: {  	v10 =	vmul.f32 v10, v60;
	v18 =	vld.idx.msk [tilespmem:v18+s30+$0x0], $0xffff  }
0x52e: {  	[tilespmem:s23+$0x60] =	vst v6;
	v3 =	vld [tilespmem:$0x1FA10];
	v11 =	vadd.f32 v11, v43;
	v8 =	vmul.f32 v8, v50  }
0x52f: {  	v6 =	vadd.f32 v10, v17;
	v10 =	vld.idx.msk [tilespmem:v21+s30+$0x0], $0xffff;
	v21 =	vadd.f32 v23, v29  }
0x530: {  	v35 =	vld [tilespmem:$0x1FC30];
	[tilespmem:s10+$0xFFFFFF30] =	vst v11;
	v8 =	vmul.f32 v8, v59  }
0x531: {  	[tilespmem:s12+$0x80] =	vst v7;
	v7 =	vld.idx.msk [tilespmem:v13+s30+$0x0], $0xffff;
	v13 =	vsub.f32 v21, v14  }
0x532: {  	v19 =	vsub.f32 v19, v26;
	v31 =	vadd.s32 s24, v45;
	v8 =	vadd.f32 v8, v41  }
0x533: {  	[tilespmem:s12+$0xFFFFFF00] =	vst v6;
	v22 =	vmul.f32 v22, v3;
	v6 =	vadd.f32 v18, v25;
	v13 =	vmul.f32 v13, v12  }
0x534: {  	v5 =	vsub.f32 v5, v57;
	[tilespmem:s10+$0x40] =	vst v8;
	v8 =	vadd.f32 v10, v1;
	v1 =	vld [tilespmem:$0x1FA30]  }
0x535: {  	v9 =	vld.idx.msk [tilespmem:v9+s30+$0x0], $0xffff;
	v11 =	vadd.f32 v24, v58;
	v18 =	vadd.f32 v22, v4;
	v13 =	vmul.f32 v13, v61  }
0x536: {  	v19 =	vmul.f32 v19, v50;
	v6 =	vsub.f32 v6, v57;
	v5 =	vmul.f32 v5, v35  }
0x537: {  	v11 =	vsub.f32 v11, v27;
	v22 =	vld.idx.msk [tilespmem:v32+s30+$0x0], $0xffff;
	[tilespmem:s23+$0xFFFFFF60] =	vst v18;
	v13 =	vadd.f32 v13, v20  }
0x538: {  	s20 =	smov.u32 s5;
	v6 =	vmul.f32 v6, v35;
	v21 =	vadd.s32 s8, v44;
	v31 =	vld.idx.msk [tilespmem:v31+s30+$0x0], $0xffff;
	v5 =	vmul.f32 v5, v42  }
0x539: {  	s5 =	smov.u32 s17;
	v32 =	vadd.s32 s20, v33;
	[tilespmem:s23+$0xD0] =	vst v13;
	v13 =	vmul.f32 v19, v30;
	v19 =	vmul.f32 v1, v28;
	v1 =	vmovc v2;
	v2 =	vld [tilespmem:$0x1FA40]  }
0x53a: {  	v11 =	vmul.f32 v11, v49;
	v9 =	vadd.f32 v9, v34;
	v18 =	vadd.s32 s5, v52  }
0x53b: {  	v7 =	vadd.f32 v7, v53;
	v6 =	vmul.f32 v6, v63;
	v5 =	vadd.f32 v5, v0  }
0x53c: {  	v23 =	vadd.s32 s14, v52;
	v52 =	vmovc v41;
	v41 =	vmovc v53;
	v9 =	vsub.f32 v9, v57;
	v53 =	vld [tilespmem:$0x1FC40];
	v49 =	vadd.f32 v22, v47  }
0x53d: {  	v24 =	vadd.s32 s3, v33;
	v6 =	vadd.f32 v6, v51;
	[tilespmem:s12+$0x10] =	vst v5;
	v22 =	vadd.f32 v31, v54;
	v21 =	vld.idx.msk [tilespmem:v21+s30+$0x0], $0xffff  }
0x53e: {  	v11 =	vmul.f32 v11, v38;
	v8 =	vsub.f32 v8, v16;
	v10 =	vsub.f32 v49, v57;
	v5 =	vld.idx.msk [tilespmem:v32+s30+$0x0], $0xffff  }
0x53f: {  	[tilespmem:s12+$0xFFFFFF90] =	vst v6;
	v6 =	vld.idx.msk [tilespmem:v18+s30+$0x0], $0xffff;
	v22 =	vsub.f32 v22, v16;
	v13 =	vadd.f32 v13, v36  }
0x540: {  	s31 =	rddreg [dreg:$0x4];
	[tilespmem:$0x1FB90] =	vst v36;
	v7 =	vsub.f32 v7, v26;
	v11 =	vadd.f32 v11, v62;
	v16 =	vld [tilespmem:$0x1FC20]  }
0x541: {  	s6 =	smov.u32 s2;
	s29 =	rddreg [dreg:$0x6];
	s2 =	smov.u32 s31;
	v49 =	vmov v28;
	v10 =	vmul.f32 v10, v35;
	v28 =	vmul.f32 v22, v56;
	v2 =	vld.idx.msk [tilespmem:v2+s30+$0x0], $0xffff;
	[tilespmem:s10+$0xFFFFFFC0] =	vst v13  }
0x542: {  	[tilespmem:$0x1FB60] =	vst v30;
	v31 =	vadd.s32 s29, v44;
	v54 =	vmovc v39;
	v39 =	vadd.s32 s2, v40;
	v13 =	vld.idx.msk [tilespmem:v24+s30+$0x0], $0xffff;
	v24 =	vadd.f32 v21, v29  }
0x543: {  	v10 =	vmul.f32 v10, v60;
	v27 =	vmovc v1;
	v19 =	vadd.f32 v19, v1;
	v1 =	vmul.f32 v28, v3  }
0x544: {  	v8 =	vmul.f32 v8, v56;
	v7 =	vmul.f32 v7, v50;
	v36 =	vmovc v15;
	v15 =	vld [tilespmem:$0x1FC60];
	v56 =	vsub.f32 v24, v46  }
0x545: {  	v9 =	vmul.f32 v9, v35;
	[tilespmem:s10+$0xB0] =	vst v11;
	v3 =	vadd.f32 v10, v17;
	v1 =	vadd.f32 v1, v4;
	v4 =	vld [tilespmem:$0x1FC50]  }
0x546: {  	v26 =	vmovc v61;
	v50 =	vmov v47;
	v7 =	vmul.f32 v7, v54;
	[tilespmem:s23+$0xFFFFFFD0] =	vst v19;
	v10 =	vmul.f32 v56, v16;
	v16 =	vld [tilespmem:$0x1FC70]  }
0x547: {  	s11 =	smov.u32 s3;
	s3 =	smov.u32 s16;
	v57 =	vmovc v62;
	v9 =	vmul.f32 v9, v53;
	v44 =	vmov v29;
	v40 =	vmov v43;
	[tilespmem:s12+$0xFFFFFF10] =	vst v3;
	v19 =	vld.idx.msk [tilespmem:v31+s30+$0x0], $0xffff  }
0x548: {  	v32 =	vadd.s32 s8, v45;
	v18 =	vadd.s32 s3, v48;
	v35 =	vmovc v59;
	v7 =	vadd.f32 v7, v43;
	v11 =	vld.idx.msk [tilespmem:v39+s30+$0x0], $0xffff;
	[tilespmem:s23+$0xFFFFFF70] =	vst v1  }
0x549: {  	s24 =	smov.u32 s19;
	v43 =	vmovc v17;
	v22 =	vmovc v37;
	v37 =	vmov v53;
	v53 =	vmov v63;
	v23 =	vld.idx.msk [tilespmem:v23+s30+$0x0], $0xffff;
	v2 =	vadd.f32 v2, v25  }
0x54a: {  	v5 =	vadd.f32 v5, v22;
	v3 =	vadd.s32 s24, v33;
	v28 =	vmovc v38;
	v1 =	vadd.f32 v6, v36;
	v33 =	vmovc v15  }
0x54b: {  	s13 =	sadd.s32 $0x4, s13;
	v39 =	vld [tilespmem:$0x1FA80];
	[tilespmem:s10+$0xFFFFFF40] =	vst v7;
	v13 =	vadd.f32 v13, v4;
	v10 =	vmul.f32 v10, v26;
	v2 =	vsub.f32 v2, v16  }
0x54c: {  	p0 =	slt.u32 s13, $0x3C;
	v21 =	vadd.s32 s5, v48;
	v48 =	vmovc v54;
	v29 =	vmovc v52;
	v6 =	vadd.f32 v19, v15;
	v19 =	vsub.f32 v1, v16;
	v1 =	vld [tilespmem:$0x1FA70]  }
.Ltmp8:
0x54d: {  	v31 =	vmovc v22;
	v7 =	vsub.f32 v13, v14;
	v62 =	vadd.f32 v10, v20;
	v2 =	vmul.f32 v2, v55;
	(pc) =	sbr.rel @p0 .LBB2_17-.Ltmp8, $4  }
0x54e: {  	v61 =	vld [tilespmem:$0x1FA50];
	v23 =	vadd.f32 v23, v50;
	v4 =	vmovc v42;
	v15 =	vsub.f32 v5, v14;
	v5 =	vmul.f32 v19, v55  }
0x54f: {  	v22 =	vld.idx.msk [tilespmem:v3+s30+$0x0], $0xffff;
	v59 =	vmov v4;
	v16 =	vmul.f32 v7, v12;
	[tilespmem:s23+$0xE0] =	vst v62;
	v2 =	vmul.f32 v2, v63  }
0x550: {  	s1 =	smov.u32 s15;
	v12 =	vadd.f32 v11, v58;
	v19 =	vadd.f32 v9, v39;
	v3 =	vld.idx.msk [tilespmem:v32+s30+$0x0], $0xffff;
	v5 =	vmul.f32 v5, v4  }
0x551: {  	s9 =	smov.u32 s12;
	s19 =	smov.u32 s14;
	s14 =	sadd.s32 $0x204, s14;
	v30 =	vld [tilespmem:$0x1FA60];
	v62 =	vmovc v51;
	v1 =	vmul.f32 v8, v1;
	v24 =	vadd.f32 v2, v51;
	v2 =	vsub.f32 v6, v46  }
0x552: {  	_ =	sdelay $0x6  }
0x553: {  	[tilespmem:s12+$0x90] =	vst v19  }
0x554: {  	v6 =	vld.idx.msk [tilespmem:v30+s30+$0x0], $0xffff;
	_ =	sdelay $0x1  }
0x555: {  	v8 =	vld [tilespmem:$0x1FC70];
	_ =	sdelay $0x2  }
0x556: {  	v6 =	vadd.f32 v6, v34;
	_ =	sdelay $0x1  }
0x557: {  	v7 =	vsub.f32 v23, v8;
	v6 =	vsub.f32 v6, v8;
	v8 =	vld [tilespmem:$0x1FC90];
	_ =	sdelay $0x4  }
0x558: {  	v7 =	vmul.f32 v7, v8  }
0x559: {  	v5 =	vadd.f32 v5, v0;
	v6 =	vmul.f32 v6, v8  }
0x55a: {  	v7 =	vmul.f32 v7, v60  }
0x55b: {  	v8 =	vld [tilespmem:$0x1FF50];
	[tilespmem:s12+$0x20] =	vst v5;
	v6 =	vmul.f32 v6, v37  }
0x55c: {  	[tilespmem:s12+$0xFFFFFFA0] =	vst v24;
	v5 =	vadd.f32 v7, v43  }
0x55d: {  	v9 =	vld.idx.msk [tilespmem:v18+s30+$0x0], $0xffff;
	v6 =	vadd.f32 v6, v39  }
0x55e: {  	v7 =	vld.idx.msk [tilespmem:v21+s30+$0x0], $0xffff;
	[tilespmem:s12+$0xFFFFFF20] =	vst v5  }
0x55f: {  	[tilespmem:s9+$0xA0] =	vst v6  }
0x560: {  	v30 =	vld [tilespmem:$0x1FCA0];
	_ =	sdelay $0x1  }
0x561: {  	v8 =	vadd.s32 s19, v8  }
0x562: {  	v6 =	vadd.f32 v7, v36;
	v7 =	vadd.f32 v9, v25;
	v9 =	vld [tilespmem:$0x1FB40];
	_ =	sdelay $0x1  }
0x563: {  	v11 =	vld [tilespmem:$0x1FBB0];
	_ =	sdelay $0x1  }
0x564: {  	v5 =	vld.idx.msk [tilespmem:v8+s30+$0x0], $0xffff  }
0x565: {  	v32 =	vmov v0;
	v6 =	vsub.f32 v6, v9;
	v0 =	vld.idx.msk [tilespmem:v30+s30+$0x0], $0xffff  }
0x566: {  	v7 =	vsub.f32 v7, v9  }
0x567: {  	v6 =	vmul.f32 v6, v11  }
0x568: {  	v7 =	vmul.f32 v7, v11  }
0x569: {  	v4 =	vld [tilespmem:$0x1FF60];
	v5 =	vadd.f32 v5, v50;
	v6 =	vmul.f32 v6, v59  }
0x56a: {  	v7 =	vmul.f32 v7, v53;
	v0 =	vadd.f32 v0, v34  }
0x56b: {  	v5 =	vsub.f32 v5, v9;
	v6 =	vadd.f32 v6, v32  }
0x56c: {  	v7 =	vadd.f32 v7, v62;
	v0 =	vsub.f32 v0, v9  }
0x56d: {  	v5 =	vmul.f32 v5, v11;
	[tilespmem:s9+$0x30] =	vst v6  }
0x56e: {  	v9 =	vadd.s32 s5, v4;
	[tilespmem:s12+$0xFFFFFFB0] =	vst v7;
	v0 =	vmul.f32 v0, v11  }
0x56f: {  	v10 =	vadd.s32 s3, v4;
	v5 =	vmul.f32 v5, v60;
	v38 =	vld [tilespmem:$0x1FC80]  }
0x570: {  	v19 =	vld [tilespmem:$0x1FAE0];
	v0 =	vmul.f32 v0, v37  }
0x571: {  	v5 =	vadd.f32 v5, v43;
	v11 =	vadd.s32 s19, v4  }
0x572: {  	v8 =	vadd.f32 v22, v41;
	v0 =	vadd.f32 v0, v39  }
0x573: {  	[tilespmem:s9+$0xFFFFFF30] =	vst v5;
	v7 =	vld.idx.msk [tilespmem:v9+s30+$0x0], $0xffff  }
0x574: {  	v13 =	vadd.s32 s1, v4;
	v9 =	vld.idx.msk [tilespmem:v10+s30+$0x0], $0xffff;
	v6 =	vsub.f32 v8, v38;
	[tilespmem:s9+$0xB0] =	vst v0  }
0x575: {  	v8 =	vmul.f32 v15, v19;
	v46 =	vld [tilespmem:$0x1FBC0]  }
0x576: {  	v5 =	vmul.f32 v6, v19;
	v6 =	vld.idx.msk [tilespmem:v11+s30+$0x0], $0xffff  }
0x577: {  	v45 =	vmul.f32 v8, v35;
	v47 =	vld [tilespmem:$0x1FBF0]  }
0x578: {  	v21 =	vld [tilespmem:$0x1FFC0]  }
0x579: {  	v8 =	vld.idx.msk [tilespmem:v13+s30+$0x0], $0xffff;
	v5 =	vmul.f32 v5, v48;
	v0 =	vadd.f32 v45, v29;
	v7 =	vadd.f32 v7, v36  }
0x57a: {  	v17 =	vld [tilespmem:$0x1FF70];
	v9 =	vadd.f32 v9, v25;
	v4 =	vsub.f32 v12, v46  }
0x57b: {  	v5 =	vadd.f32 v5, v40;
	v7 =	vsub.f32 v7, v46  }
0x57c: {  	v6 =	vadd.f32 v6, v50;
	v9 =	vsub.f32 v9, v46;
	v4 =	vmul.f32 v4, v47  }
0x57d: {  	v10 =	vadd.s32 s20, v21;
	v11 =	vadd.s32 s24, v21;
	v7 =	vmul.f32 v7, v47  }
0x57e: {  	v8 =	vadd.f32 v8, v34;
	v9 =	vmul.f32 v9, v47;
	v4 =	vmul.f32 v4, v28  }
0x57f: {  	v51 =	vadd.s32 s2, v17;
	v6 =	vsub.f32 v6, v46;
	v7 =	vmul.f32 v7, v59  }
0x580: {  	[tilespmem:s10+$0x50] =	vst v0;
	v8 =	vsub.f32 v8, v46;
	v9 =	vmul.f32 v9, v53;
	v4 =	vadd.f32 v4, v57  }
0x581: {  	v52 =	vadd.s32 s5, v17;
	[tilespmem:s10+$0xFFFFFF50] =	vst v5;
	v6 =	vmul.f32 v6, v47;
	v5 =	vadd.f32 v7, v32  }
0x582: {  	v54 =	vmul.f32 v8, v47;
	v8 =	vadd.s32 s3, v17;
	v10 =	vld.idx.msk [tilespmem:v10+s30+$0x0], $0xffff;
	[tilespmem:s10+$0xC0] =	vst v4;
	v4 =	vadd.f32 v9, v62  }
0x583: {  	v6 =	vmul.f32 v6, v60;
	v11 =	vld.idx.msk [tilespmem:v11+s30+$0x0], $0xffff;
	v7 =	vadd.s32 s19, v17;
	[tilespmem:s9+$0x40] =	vst v5  }
0x584: {  	v0 =	vmul.f32 v54, v37;
	v5 =	vld.idx.msk [tilespmem:v51+s30+$0x0], $0xffff;
	[tilespmem:s9+$0xFFFFFFC0] =	vst v4  }
0x585: {  	v30 =	vmov v25;
	v6 =	vadd.f32 v6, v43;
	v9 =	vadd.s32 s1, v17;
	v25 =	vld [tilespmem:$0x1FC20]  }
0x586: {  	v0 =	vadd.f32 v0, v39;
	v4 =	vld.idx.msk [tilespmem:v52+s30+$0x0], $0xffff  }
0x587: {  	v8 =	vld.idx.msk [tilespmem:v8+s30+$0x0], $0xffff;
	[tilespmem:s9+$0xFFFFFF40] =	vst v6  }
0x588: {  	[tilespmem:s9+$0xC0] =	vst v0;
	v6 =	vld.idx.msk [tilespmem:v7+s30+$0x0], $0xffff  }
0x589: {  	v24 =	vld [tilespmem:$0x1FC10];
	v5 =	vadd.f32 v5, v58  }
0x58a: {  	v3 =	vadd.f32 v3, v44;
	v7 =	vld.idx.msk [tilespmem:v9+s30+$0x0], $0xffff;
	v2 =	vmul.f32 v2, v25  }
0x58b: {  	v55 =	vadd.f32 v11, v41;
	v5 =	vsub.f32 v5, v38  }
0x58c: {  	v10 =	vadd.f32 v10, v31;
	v4 =	vadd.f32 v4, v36;
	v2 =	vmul.f32 v2, v49  }
0x58d: {  	v8 =	vadd.f32 v8, v30;
	v6 =	vadd.f32 v6, v50;
	v5 =	vmul.f32 v5, v19  }
0x58e: {  	v0 =	vsub.f32 v55, v24;
	v2 =	vadd.f32 v2, v27  }
0x58f: {  	v42 =	vmovc v31;
	v22 =	vld [tilespmem:$0x1FFD0];
	v7 =	vadd.f32 v7, v34;
	v6 =	vsub.f32 v6, v38;
	v5 =	vmul.f32 v5, v28  }
0x590: {  	v31 =	vld [tilespmem:$0x1FB60];
	v4 =	vsub.f32 v4, v38;
	v8 =	vsub.f32 v8, v38;
	v0 =	vmul.f32 v0, v25;
	[tilespmem:s23+$0xFFFFFFE0] =	vst v2  }
0x591: {  	v7 =	vsub.f32 v7, v38;
	v38 =	vadd.f32 v5, v57;
	v5 =	vmul.f32 v6, v19;
	v6 =	vld [tilespmem:$0x1FA90]  }
0x592: {  	v63 =	vadd.s32 s2, v21;
	v4 =	vmul.f32 v4, v19;
	v0 =	vmul.f32 v0, v48;
	v51 =	vld [tilespmem:$0x1FB90]  }
0x593: {  	v44 =	vmul.f32 v8, v19;
	v8 =	vadd.s32 s19, v21;
	v5 =	vmul.f32 v5, v60  }
0x594: {  	v4 =	vmul.f32 v4, v59;
	v7 =	vmul.f32 v7, v19;
	v0 =	vadd.f32 v0, v40  }
0x595: {  	v23 =	vmul.f32 v16, v31;
	[tilespmem:s10+$0xD0] =	vst v38;
	v5 =	vadd.f32 v5, v43  }
0x596: {  	v56 =	vadd.s32 s11, v21;
	v4 =	vadd.f32 v4, v32;
	v7 =	vmul.f32 v7, v37;
	[tilespmem:s10+$0xFFFFFF60] =	vst v0  }
0x597: {  	v15 =	vld.idx.msk [tilespmem:v63+s30+$0x0], $0xffff;
	v0 =	vmul.f32 v44, v53;
	v17 =	vadd.f32 v23, v51;
	[tilespmem:s9+$0xFFFFFF50] =	vst v5  }
0x598: {  	[tilespmem:s9+$0x50] =	vst v4;
	v4 =	vadd.f32 v7, v39;
	v8 =	vld.idx.msk [tilespmem:v8+s30+$0x0], $0xffff  }
0x599: {  	v0 =	vadd.f32 v0, v62;
	[tilespmem:s10+$0xFFFFFFD0] =	vst v17;
	v6 =	vld.idx.msk [tilespmem:v6+s30+$0x0], $0xffff  }
0x59a: {  	v63 =	vld [tilespmem:$0x1FB00];
	[tilespmem:s9+$0xD0] =	vst v4  }
0x59b: {  	v11 =	vadd.s32 s24, v22;
	v13 =	vld.idx.msk [tilespmem:v56+s30+$0x0], $0xffff;
	[tilespmem:s9+$0xFFFFFFD0] =	vst v0  }
0x59c: {  	v10 =	vsub.f32 v10, v24;
	v54 =	vld [tilespmem:$0x1FC50]  }
0x59d: {  	v45 =	vadd.s32 s5, v21  }
0x59e: {  	v10 =	vmul.f32 v10, v25;
	v6 =	vadd.f32 v6, v33  }
0x59f: {  	v46 =	vadd.s32 s1, v21;
	v8 =	vadd.f32 v8, v50  }
0x5a0: {  	v11 =	vld.idx.msk [tilespmem:v11+s30+$0x0], $0xffff;
	v38 =	vsub.f32 v6, v63;
	v6 =	vmul.f32 v10, v35;
	v10 =	vadd.f32 v15, v58  }
0x5a1: {  	v8 =	vsub.f32 v8, v24;
	v13 =	vadd.f32 v13, v54  }
0x5a2: {  	v47 =	vadd.s32 s3, v21;
	v2 =	vld.idx.msk [tilespmem:v45+s30+$0x0], $0xffff;
	v10 =	vsub.f32 v10, v24  }
0x5a3: {  	v44 =	vld [tilespmem:$0x1FBD0];
	v8 =	vmul.f32 v8, v25;
	v13 =	vsub.f32 v13, v24;
	v6 =	vadd.f32 v6, v29  }
0x5a4: {  	v45 =	vld.idx.msk [tilespmem:v46+s30+$0x0], $0xffff;
	v10 =	vmul.f32 v10, v25  }
0x5a5: {  	v46 =	vld [tilespmem:$0x1FAA0];
	v8 =	vmul.f32 v8, v60;
	[tilespmem:s10+$0x60] =	vst v6;
	v6 =	vadd.f32 v11, v41;
	v11 =	vmul.f32 v13, v25  }
0x5a6: {  	v9 =	vadd.s32 s20, v22;
	v10 =	vmul.f32 v10, v28  }
0x5a7: {  	v47 =	vld.idx.msk [tilespmem:v47+s30+$0x0], $0xffff;
	v8 =	vadd.f32 v8, v43;
	v11 =	vmul.f32 v11, v31  }
0x5a8: {  	v2 =	vadd.f32 v2, v36;
	v10 =	vadd.f32 v10, v57  }
0x5a9: {  	v0 =	vmul.f32 v38, v44;
	[tilespmem:s9+$0xFFFFFF60] =	vst v8;
	v11 =	vadd.f32 v11, v51  }
0x5aa: {  	v2 =	vsub.f32 v2, v24;
	[tilespmem:s10+$0xE0] =	vst v10  }
0x5ab: {  	v0 =	vmul.f32 v0, v49;
	v49 =	vadd.f32 v45, v34;
	v9 =	vld.idx.msk [tilespmem:v9+s30+$0x0], $0xffff;
	[tilespmem:s10+$0xFFFFFFE0] =	vst v11  }
0x5ac: {  	v4 =	vadd.s32 s19, v22;
	v2 =	vmul.f32 v2, v25;
	v14 =	vadd.f32 v47, v30;
	v8 =	vld [tilespmem:$0x1FB50]  }
0x5ad: {  	v7 =	vadd.s32 s2, v22;
	v13 =	vsub.f32 v49, v24  }
0x5ae: {  	v5 =	vadd.s32 s5, v22;
	v2 =	vmul.f32 v2, v59;
	v14 =	vsub.f32 v14, v24  }
0x5af: {  	v3 =	vsub.f32 v3, v63;
	v33 =	vadd.s32 s1, v22;
	v13 =	vmul.f32 v13, v25  }
0x5b0: {  	v2 =	vadd.f32 v2, v32;
	v9 =	vadd.f32 v9, v42;
	v10 =	vmul.f32 v14, v25  }
0x5b1: {  	v3 =	vmul.f32 v3, v44;
	v6 =	vsub.f32 v6, v63;
	v4 =	vld.idx.msk [tilespmem:v4+s30+$0x0], $0xffff;
	v11 =	vmul.f32 v13, v37  }
0x5b2: {  	v7 =	vld.idx.msk [tilespmem:v7+s30+$0x0], $0xffff;
	[tilespmem:s9+$0x60] =	vst v2;
	v9 =	vsub.f32 v9, v63;
	v10 =	vmul.f32 v10, v53  }
0x5b3: {  	v3 =	vmul.f32 v3, v26;
	v6 =	vmul.f32 v6, v44;
	v11 =	vadd.f32 v11, v39;
	v5 =	vld.idx.msk [tilespmem:v5+s30+$0x0], $0xffff  }
0x5b4: {  	v52 =	vmul.f32 v9, v44;
	v9 =	vadd.f32 v10, v62;
	v8 =	vld.idx.msk [tilespmem:v8+s30+$0x0], $0xffff  }
0x5b5: {  	v1 =	vadd.f32 v1, v46;
	v3 =	vadd.f32 v3, v20;
	v6 =	vmul.f32 v6, v48;
	[tilespmem:s9+$0xE0] =	vst v11  }
0x5b6: {  	v0 =	vadd.f32 v0, v27;
	v4 =	vadd.f32 v4, v50;
	[tilespmem:s9+$0xFFFFFFE0] =	vst v9;
	v9 =	vld.idx.msk [tilespmem:v33+s30+$0x0], $0xffff  }
0x5b7: {  	v6 =	vadd.f32 v6, v40;
	v7 =	vadd.f32 v7, v58;
	v10 =	vld.idx.msk [tilespmem:v61+s30+$0x0], $0xffff  }
0x5b8: {  	v4 =	vsub.f32 v4, v63;
	v5 =	vadd.f32 v5, v36  }
0x5b9: {  	v7 =	vsub.f32 v7, v63;
	v8 =	vadd.f32 v8, v54  }
0x5ba: {  	v2 =	vmul.f32 v52, v35;
	v4 =	vmul.f32 v4, v44;
	v5 =	vsub.f32 v5, v63  }
0x5bb: {  	v7 =	vmul.f32 v7, v44;
	v9 =	vadd.f32 v9, v34;
	v8 =	vsub.f32 v8, v63  }
0x5bc: {  	[tilespmem:s23+$0x70] =	vst v1;
	v4 =	vmul.f32 v4, v60;
	v5 =	vmul.f32 v5, v44;
	v54 =	vadd.f32 v10, v30  }
0x5bd: {  	[tilespmem:s23+$0xF0] =	vst v3;
	v55 =	vmul.f32 v7, v28;
	v7 =	vsub.f32 v9, v63;
	v8 =	vmul.f32 v8, v44  }
0x5be: {  	[tilespmem:s23+$0xFFFFFFF0] =	vst v0;
	v2 =	vadd.f32 v2, v29;
	v58 =	vmul.f32 v5, v59;
	v1 =	vsub.f32 v54, v63  }
0x5bf: {  	[tilespmem:s10+$0xFFFFFF70] =	vst v6;
	v59 =	vadd.f32 v4, v43;
	v6 =	vmul.f32 v7, v44;
	v56 =	vmul.f32 v8, v31  }
0x5c0: {  	[tilespmem:s10+$0x70] =	vst v2;
	v3 =	vadd.f32 v55, v57;
	v1 =	vmul.f32 v1, v44  }
0x5c1: {  	[tilespmem:s9+$0xFFFFFF70] =	vst v59;
	v4 =	vmul.f32 v6, v37;
	v0 =	vadd.f32 v56, v51  }
0x5c2: {  	v60 =	vadd.f32 v58, v32;
	[tilespmem:s10+$0xF0] =	vst v3;
	v1 =	vmul.f32 v1, v53  }
0x5c3: {  	v61 =	vadd.f32 v4, v39;
	[tilespmem:s10+$0xFFFFFFF0] =	vst v0  }
0x5c4: {  	v63 =	vadd.f32 v1, v62;
	s0 =	rddreg [dreg:$0x1e];
	[tilespmem:s9+$0x70] =	vst v60  }
0x5c5: {  	s13 =	simm.s32 $0x0;
	s0 =	sshll.u32 s0, $0x7;
	s11 =	rddreg [dreg:$0x1d];
	[tilespmem:s9+$0xF0] =	vst v61  }
0x5c6: {  	s12 =	rddreg [dreg:$0x1];
	[tilespmem:s9+$0xFFFFFFF0] =	vst v63;
	s1 =	sshll.u32 s11, $0xD;
	s0 =	sand.u32 $0x380, s0  }
0x5c7: {  	s14 =	simm.s32 $0x14980;
	s15 =	rddreg [dreg:$0x12];
	s0 =	sor.u32 s0, s1  }
0x5c8: {  	s16 =	simm.s32 $0x14D80;
	s17 =	rddreg [dreg:$0x13];
	s1 =	sadd.s32 s12, s0  }
0x5c9: {  	[hbm4b:s1+s13] =	stream.linear.scatter [tilespmem:s14], [sflag:$0x4], $0x400, $0x38;
	[tilespmem:$0x16980] =	vst v63  }
0x5ca: {  	s18 =	simm.s32 $0x15180;
	s19 =	rddreg [dreg:$0x14];
	s1 =	sadd.s32 s0, s15  }
0x5cb: {  	[hbm4b:s1+s13] =	stream.linear.scatter [tilespmem:s16], [sflag:$0x4], $0x400, $0x38;
	[tilespmem:$0x16980] =	vst v63  }
0x5cc: {  	s22 =	simm.s32 $0x15980;
	s21 =	rddreg [dreg:$0x15];
	s1 =	sadd.s32 s0, s17  }
0x5cd: {  	[hbm4b:s1+s13] =	stream.linear.scatter [tilespmem:s18], [sflag:$0x4], $0x400, $0x38;
	[tilespmem:$0x16980] =	vst v63  }
0x5ce: {  	s20 =	simm.s32 $0x15580;
	s31 =	rddreg [dreg:$0x1c];
	s1 =	sadd.s32 s0, s19  }
0x5cf: {  	[hbm4b:s1+s13] =	stream.linear.scatter [tilespmem:s20], [sflag:$0x4], $0x400, $0x38;
	[tilespmem:$0x16980] =	vst v63  }
0x5d0: {  	s23 =	rddreg [dreg:$0x16];
	s5 =	sadd.s32 $0x1, s31;
	s1 =	sadd.s32 s0, s21  }
0x5d1: {  	[hbm4b:s1+s13] =	stream.linear.scatter [tilespmem:s22], [sflag:$0x4], $0x400, $0x38;
	[tilespmem:$0x16980] =	vst v63  }
0x5d2: {  	s24 =	simm.s32 $0x15D80;
	p0 =	sne.s32 s5, $0x19;
	s1 =	sadd.s32 s0, s23  }
0x5d3: {  	v7 =	vld [tilespmem:$0x1FF80];
	[hbm4b:s1+s13] =	stream.linear.scatter [tilespmem:s24], [sflag:$0x4], $0x400, $0x38  }
.Ltmp9:
0x5d4: {  	s25 =	rddreg [dreg:$0x17];
	v8 =	vld [tilespmem:$0x1FF90];
	(pc) =	sbr.rel @p0 .LBB2_2-.Ltmp9, $4  }
0x5d5: {  	s26 =	simm.s32 $0x16180;
	s28 =	rddreg [dreg:$0x18];
	v11 =	vld [tilespmem:$0x1FFF0];
	s1 =	sadd.s32 s0, s25  }
0x5d6: {  	v10 =	vld [tilespmem:$0x1FFB0];
	[hbm4b:s1+s13] =	stream.linear.scatter [tilespmem:s26], [sflag:$0x4], $0x400, $0x38  }
0x5d7: {  	s29 =	simm.s32 $0x16580;
	s4 =	rddreg [dreg:$0xb];
	v9 =	vld [tilespmem:$0x1FFA0];
	s0 =	sadd.s32 s0, s28  }
0x5d8: {  	v6 =	vlaneseq.u32;
	v62 =	vmov v22;
	v61 =	vmov v21;
	v57 =	vld [tilespmem:$0x1FFE0];
	[hbm4b:s0+s13] =	stream.linear.scatter [tilespmem:s29], [sflag:$0x4], $0x400, $0x38  }
0x5d9: {  	s0 =	simm.s32 $0x3  }
0x5da: {  	_ =	swait.ge [sflag:s0], $0x400  }
0x5db: {  	[sflag:s0] =	ssyncset.done $0x0  }
0x5dc: {  	[sflag:s0] =	ssyncadd.s32 $0xFFFFFC00  }
0x5dd: {  	_ =	swait.ge [sflag:s0], $0x400  }
0x5de: {  	[sflag:s0] =	ssyncset.done $0x0  }
0x5df: {  	[sflag:s0] =	ssyncadd.s32 $0xFFFFFC00  }
0x5e0: {  	_ =	swait.ge [sflag:s0], $0x400  }
0x5e1: {  	[sflag:s0] =	ssyncset.done $0x0  }
0x5e2: {  	[sflag:s0] =	ssyncadd.s32 $0xFFFFFC00  }
0x5e3: {  	_ =	swait.ge [sflag:s0], $0x400  }
0x5e4: {  	[sflag:s0] =	ssyncset.done $0x0  }
0x5e5: {  	[sflag:s0] =	ssyncadd.s32 $0xFFFFFC00  }
0x5e6: {  	_ =	swait.ge [sflag:s0], $0x400  }
0x5e7: {  	[sflag:s0] =	ssyncset.done $0x0  }
0x5e8: {  	[sflag:s0] =	ssyncadd.s32 $0xFFFFFC00  }
0x5e9: {  	_ =	swait.ge [sflag:s0], $0x400  }
0x5ea: {  	[sflag:s0] =	ssyncset.done $0x0  }
0x5eb: {  	[sflag:s0] =	ssyncadd.s32 $0xFFFFFC00  }
0x5ec: {  	_ =	swait.ge [sflag:s0], $0x400  }
0x5ed: {  	[sflag:s0] =	ssyncset.done $0x0  }
0x5ee: {  	[sflag:s0] =	ssyncadd.s32 $0xFFFFFC00  }
0x5ef: {  	_ =	swait.ge [sflag:s0], $0x400  }
0x5f0: {  	[sflag:s0] =	ssyncset.done $0x0  }
0x5f1: {  	s1 =	simm.s32 $0x4;
	[sflag:s0] =	ssyncadd.s32 $0xFFFFFC00  }
0x5f2: {  	_ =	swait.ge [sflag:s1], $0x400  }
0x5f3: {  	[sflag:s1] =	ssyncset.done $0x0  }
0x5f4: {  	[sflag:s1] =	ssyncadd.s32 $0xFFFFFC00  }
0x5f5: {  	_ =	swait.ge [sflag:s1], $0x400  }
0x5f6: {  	[sflag:s1] =	ssyncset.done $0x0  }
0x5f7: {  	[sflag:s1] =	ssyncadd.s32 $0xFFFFFC00  }
0x5f8: {  	_ =	swait.ge [sflag:s1], $0x400  }
0x5f9: {  	[sflag:s1] =	ssyncset.done $0x0  }
0x5fa: {  	[sflag:s1] =	ssyncadd.s32 $0xFFFFFC00  }
0x5fb: {  	_ =	swait.ge [sflag:s1], $0x400  }
0x5fc: {  	[sflag:s1] =	ssyncset.done $0x0  }
0x5fd: {  	[sflag:s1] =	ssyncadd.s32 $0xFFFFFC00  }
0x5fe: {  	_ =	swait.ge [sflag:s1], $0x400  }
0x5ff: {  	[sflag:s1] =	ssyncset.done $0x0  }
0x600: {  	[sflag:s1] =	ssyncadd.s32 $0xFFFFFC00  }
0x601: {  	_ =	swait.ge [sflag:s1], $0x400  }
0x602: {  	[sflag:s1] =	ssyncset.done $0x0  }
0x603: {  	[sflag:s1] =	ssyncadd.s32 $0xFFFFFC00  }
0x604: {  	_ =	swait.ge [sflag:s1], $0x400  }
0x605: {  	[sflag:s1] =	ssyncset.done $0x0  }
0x606: {  	[sflag:s1] =	ssyncadd.s32 $0xFFFFFC00  }
0x607: {  	_ =	swait.ge [sflag:s1], $0x400  }
0x608: {  	s2 =	rddreg [dreg:$0x1b]  }
0x609: {  	s31 =	rddreg [dreg:$0x1a];
	s2 =	sadd.s32 $0x1, s2  }
0x60a: {  	p0 =	sne.s32 s2, s31  }
.Ltmp10:
0x60b: {  	_ = 	snop;
	(pc) =	sbr.rel @p0 .LBB2_1-.Ltmp10, $3  }
0x60c: {  	_ =	sdelay $0x1  }
0x60d: {  	[sflag:s1] =	ssyncset.done $0x0  }
0x60e: {  	[sflag:s1] =	ssyncadd.s32 $0xFFFFFC00  }
0x60f: {  	_ =	sfence.sel $0x180000  }
0x610: {  	[bflag:$0x0] =	sbarrier.arrive $0xFFFF  }
0x611: {  	_ =	strace $0x90000047  }
0x612: {  	s0 =	stileid.u32;
	[bflag:$0x2] =	sbarrier.arrive $0xFFFF  }
0x613: {  	p0 =	sne.s32 s0, $0x0;
	s0 =	rddreg [dreg:$0x2]  }
0x614: {  	s0 =	sadd.s32 @!p0 $0x100000, s0  }
0x615: {  	[sflag:s0] =	ssyncadd.tile.s32 @!p0 $0x1;
	_ =	shalt  }
.Lfunc_end2:
_tile_overlayer_lowered:
.L_overlay_start_2:
0x616: {  	(tag) =	ssettag $0x2  }
0x617: {  	s0 =	rddreg [dreg:$0x0];
	s2 =	stileid.u32  }
0x618: {  	s1 =	rddreg [dreg:$0x1];
	p0 =	sne.s32 s2, $0x0  }
0x619: {  	s3 =	rddreg [dreg:$0x2];
	[bflag:$0x3] =	sbarrier.arrive $0xFFFF;
	s2 =	simm.s32 @!p0 $0x1C05  }
0x61a: {  	[timem:s3], [sflag:s2] =	dma.local @!p0 [hbm:s0], s1  }
0x61b: {  	s0 =	simm.s32 @!p0 $0x5  }
0x61c: {  	_ =	swait.ge @!p0 [sflag:s0], s1  }
0x61d: {  	s1 =	ssub.s32 @!p0 $0x0, s1;
	[sflag:s0] =	ssyncset.done @!p0 $0x0  }
0x61e: {  	[sflag:s0] =	ssyncadd.s32 @!p0 s1  }
0x61f: {  	[bflag:$0x3] =	sbarrier.arrive $0xFFFF  }
0x620: {  	_ =	shalt  }

</sc_bundles>
